<compile_context>
chip_gen: v7x
topology: tpu7x:2x2x1
jax: 0.10.2.dev20260603
libtpu: 0.0.44.dev20260713+nightly
codegen_flags: <defaults>
</compile_context>

<pallas_src>
import functools

import jax
import jax.numpy as jnp
from jax import lax
from jax.experimental import pallas as pl
from jax.experimental.pallas import tpu as pltpu
from jax.experimental.pallas import tpu_sc as plsc

N = 10000
E = 320000
D = 128

NC = 2
NS = 16
L = 16
NW = NC * NS
EPW = E // NW
KB = 80
NBLK = EPW // KB
KBA = 40
NBLKA = EPW // KBA
RING = 3
SLOTS = 4
ROWS_PT = N // NS

_SC_MESH = plsc.VectorSubcoreMesh(core_axis_name="c", subcore_axis_name="s")
_SC_PARAMS = pltpu.CompilerParams(needs_layout_passes=False)


def _worker_id():
    return lax.axis_index("c") * NS + lax.axis_index("s")


def _sc_deg_body(dst_hbm, out_hbm, dstbuf, ones_v, zbuf, deg_sh, sem):
    c = lax.axis_index("c")
    s = lax.axis_index("s")
    wid = _worker_id()

    def _zero_row(i, _):
        zbuf[i, :] = jnp.zeros((L,), jnp.float32)
        return 0

    lax.fori_loop(0, 25, _zero_row, 0)

    def _zero_deg(t, _):
        pltpu.sync_copy(zbuf, deg_sh.at[pl.ds(s * ROWS_PT + t * 25, 25)])
        return 0

    lax.fori_loop(0, ROWS_PT // 25, _zero_deg, 0)

    def _one_row(i, _):
        ones_v[i, :] = jnp.ones((L,), jnp.float32)
        return 0

    lax.fori_loop(0, KBA, _one_row, 0)

    pltpu.sync_copy(dst_hbm.at[wid], dstbuf)
    plsc.subcore_barrier()

    def _start(j):
        idx = dstbuf.at[pl.ds(j * KBA, KBA)]
        pltpu.async_copy(ones_v, deg_sh.at[idx], sem.at[lax.rem(j, RING)],
                         add=True)

    def _wait(j):
        idx = dstbuf.at[pl.ds(j * KBA, KBA)]
        pltpu.make_async_copy(ones_v, deg_sh.at[idx],
                              sem.at[lax.rem(j, RING)]).wait()

    for j in range(RING):
        _start(j)

    def _loop(j, _):
        _wait(j)

        @pl.when(j + RING < NBLKA)
        def _next():
            _start(j + RING)

        return 0

    lax.fori_loop(0, NBLKA, _loop, 0)

    plsc.subcore_barrier()
    @pl.when(s < 10)
    def _copy_out():
        pltpu.sync_copy(deg_sh.at[pl.ds(s * 1000, 1000)],
                        out_hbm.at[c, pl.ds(s * 1000, 1000)])


_sc_deg = pl.kernel(
    _sc_deg_body,
    out_type=jax.ShapeDtypeStruct((NC, N, L), jnp.float32),
    mesh=_SC_MESH,
    compiler_params=_SC_PARAMS,
    scratch_types=dict(
        dstbuf=pltpu.VMEM((EPW,), jnp.int32),
        ones_v=pltpu.VMEM((KBA, L), jnp.float32),
        zbuf=pltpu.VMEM((25, L), jnp.float32),
        deg_sh=pltpu.VMEM_SHARED((N, L), jnp.float32),
        sem=pltpu.SemaphoreType.DMA((RING,)),
    ),
)


def _sc_agg_body(hp_hbm, src_hbm, dst_hbm, out_hbm,
                 srcbuf, dstbuf, rowbuf, zbuf, acc_sh, gsem):
    c = lax.axis_index("c")
    s = lax.axis_index("s")
    wid = _worker_id()

    def _zero_row(i, _):
        for k in range(D // L):
            zbuf[i, pl.ds(k * L, L)] = jnp.zeros((L,), jnp.float32)
        return 0

    lax.fori_loop(0, 25, _zero_row, 0)

    def _zero_acc(t, _):
        pltpu.sync_copy(zbuf, acc_sh.at[pl.ds(s * ROWS_PT + t * 25, 25)])
        return 0

    lax.fori_loop(0, ROWS_PT // 25, _zero_acc, 0)

    pltpu.sync_copy(src_hbm.at[wid], srcbuf)
    pltpu.sync_copy(dst_hbm.at[wid], dstbuf)
    plsc.subcore_barrier()

    def _start(j):
        slot = lax.rem(j, SLOTS)
        pltpu.async_copy(hp_hbm.at[srcbuf.at[pl.ds(j * KBA, KBA)]],
                         rowbuf.at[slot], gsem.at[slot])

    def _wait(j):
        slot = lax.rem(j, SLOTS)
        pltpu.make_async_copy(hp_hbm.at[srcbuf.at[pl.ds(j * KBA, KBA)]],
                              rowbuf.at[slot], gsem.at[slot]).wait()

    def _scatter(j):
        slot = lax.rem(j, SLOTS)
        pltpu.sync_copy(rowbuf.at[slot],
                        acc_sh.at[dstbuf.at[pl.ds(j * KBA, KBA)]], add=True)

    for j in range(RING):
        _start(j)

    def _loop(j, _):
        _wait(j)

        @pl.when(j + RING < NBLKA)
        def _next():
            _start(j + RING)

        _scatter(j)
        return 0

    lax.fori_loop(0, NBLKA, _loop, 0)

    plsc.subcore_barrier()
    @pl.when(s < 10)
    def _copy_out():
        pltpu.sync_copy(acc_sh.at[pl.ds(s * 1000, 1000)],
                        out_hbm.at[c, pl.ds(s * 1000, 1000)])


_sc_agg = pl.kernel(
    _sc_agg_body,
    out_type=jax.ShapeDtypeStruct((NC, N, D), jnp.float32),
    mesh=_SC_MESH,
    compiler_params=_SC_PARAMS,
    scratch_types=dict(
        srcbuf=pltpu.VMEM((EPW,), jnp.int32),
        dstbuf=pltpu.VMEM((EPW,), jnp.int32),
        rowbuf=pltpu.VMEM((SLOTS, KBA, D), jnp.float32),
        zbuf=pltpu.VMEM((25, D), jnp.float32),
        acc_sh=pltpu.VMEM_SHARED((N, D), jnp.float32),
        gsem=pltpu.SemaphoreType.DMA((SLOTS,)),
    ),
)


def _sc_dec_body(z_hbm, e0_hbm, e1_hbm, out_hbm,
                 e0buf, e1buf, srows, drows, stage, sem0, sem1):
    wid = _worker_id()
    lanes = lax.iota(jnp.int32, L)

    pltpu.sync_copy(e0_hbm.at[wid], e0buf)
    pltpu.sync_copy(e1_hbm.at[wid], e1buf)

    def _start(j):
        slot = lax.rem(j, SLOTS)
        pltpu.async_copy(z_hbm.at[e0buf.at[pl.ds(j * KB, KB)]],
                         srows.at[slot], sem0.at[slot])
        pltpu.async_copy(z_hbm.at[e1buf.at[pl.ds(j * KB, KB)]],
                         drows.at[slot], sem1.at[slot])

    def _wait(j):
        slot = lax.rem(j, SLOTS)
        pltpu.make_async_copy(z_hbm.at[e0buf.at[pl.ds(j * KB, KB)]],
                              srows.at[slot], sem0.at[slot]).wait()
        pltpu.make_async_copy(z_hbm.at[e1buf.at[pl.ds(j * KB, KB)]],
                              drows.at[slot], sem1.at[slot]).wait()

    def _dot(j):
        slot = lax.rem(j, SLOTS)
        for g in range(KB // L):
            def _edge2(e2, res):
                for u in range(2):
                    e = e2 * 2 + u
                    r = g * L + e
                    acc = (srows[slot, r, pl.ds(0, L)]
                           * drows[slot, r, pl.ds(0, L)])
                    for k in range(1, D // L):
                        acc = acc + (srows[slot, r, pl.ds(k * L, L)]
                                     * drows[slot, r, pl.ds(k * L, L)])
                    tot = jnp.sum(acc)
                    res = jnp.where(lanes == e, tot, res)
                return res

            res = lax.fori_loop(0, L // 2, _edge2,
                                jnp.zeros((L,), jnp.float32))
            stage[pl.ds(g * L, L)] = res
        pltpu.sync_copy(stage, out_hbm.at[wid * NBLK + j])

    for j in range(RING):
        _start(j)

    def _body(j, _):
        _wait(j)

        @pl.when(j + RING < NBLK)
        def _next():
            _start(j + RING)

        _dot(j)
        return 0

    lax.fori_loop(0, NBLK, _body, 0)


_sc_dec = pl.kernel(
    _sc_dec_body,
    out_type=jax.ShapeDtypeStruct((NW * NBLK, KB), jnp.float32),
    mesh=_SC_MESH,
    compiler_params=_SC_PARAMS,
    scratch_types=dict(
        e0buf=pltpu.VMEM((EPW,), jnp.int32),
        e1buf=pltpu.VMEM((EPW,), jnp.int32),
        srows=pltpu.VMEM((SLOTS, KB, D), jnp.float32),
        drows=pltpu.VMEM((SLOTS, KB, D), jnp.float32),
        stage=pltpu.VMEM((KB,), jnp.float32),
        sem0=pltpu.SemaphoreType.DMA((SLOTS,)),
        sem1=pltpu.SemaphoreType.DMA((SLOTS,)),
    ),
)


_BT = 1000


def _tc_mm_body(x_ref, w_ref, o_ref):
    o_ref[...] = jnp.dot(x_ref[...], w_ref[...],
                         preferred_element_type=jnp.float32)


def _tc_mm(x, w):
    return pl.pallas_call(
        _tc_mm_body,
        grid=(N // _BT,),
        in_specs=[
            pl.BlockSpec((_BT, D), lambda i: (i, 0)),
            pl.BlockSpec((D, D), lambda i: (0, 0)),
        ],
        out_specs=pl.BlockSpec((_BT, D), lambda i: (i, 0)),
        out_shape=jax.ShapeDtypeStruct((N, D), jnp.float32),
    )(x, w)


def _tc_prep_body(dp_ref, mm_ref, dinv_ref, hp_ref):
    deg = dp_ref[0, :, 0:1] + dp_ref[1, :, 0:1] + 1.0
    dinv = lax.rsqrt(deg)
    dinv_ref[...] = dinv
    hp_ref[...] = mm_ref[...] * dinv


def _tc_prep(deg_part, mm1):
    return pl.pallas_call(
        _tc_prep_body,
        grid=(N // _BT,),
        in_specs=[
            pl.BlockSpec((NC, _BT, L), lambda i: (0, i, 0)),
            pl.BlockSpec((_BT, D), lambda i: (i, 0)),
        ],
        out_specs=[
            pl.BlockSpec((_BT, 1), lambda i: (i, 0)),
            pl.BlockSpec((_BT, D), lambda i: (i, 0)),
        ],
        out_shape=[
            jax.ShapeDtypeStruct((N, 1), jnp.float32),
            jax.ShapeDtypeStruct((N, D), jnp.float32),
        ],
    )(deg_part, mm1)


def _tc_layer_body(p_ref, hp_ref, dinv_ref, b_ref, w_ref, o_ref):
    dinv = dinv_ref[...]
    z = (p_ref[0] + p_ref[1] + hp_ref[...]) * dinv + b_ref[...]
    z = jnp.maximum(z, 0.0)
    o_ref[...] = jnp.dot(z, w_ref[...],
                         preferred_element_type=jnp.float32) * dinv


def _tc_layer(part, hp, dinv, b, w):
    return pl.pallas_call(
        _tc_layer_body,
        grid=(N // _BT,),
        in_specs=[
            pl.BlockSpec((NC, _BT, D), lambda i: (0, i, 0)),
            pl.BlockSpec((_BT, D), lambda i: (i, 0)),
            pl.BlockSpec((_BT, 1), lambda i: (i, 0)),
            pl.BlockSpec((1, D), lambda i: (0, 0)),
            pl.BlockSpec((D, D), lambda i: (0, 0)),
        ],
        out_specs=pl.BlockSpec((_BT, D), lambda i: (i, 0)),
        out_shape=jax.ShapeDtypeStruct((N, D), jnp.float32),
    )(part, hp, dinv, b, w)


def _tc_final_body(p_ref, hp_ref, dinv_ref, b_ref, o_ref):
    o_ref[...] = ((p_ref[0] + p_ref[1] + hp_ref[...]) * dinv_ref[...]
                  + b_ref[...])


def _tc_final(part, hp, dinv, b):
    return pl.pallas_call(
        _tc_final_body,
        grid=(N // _BT,),
        in_specs=[
            pl.BlockSpec((NC, _BT, D), lambda i: (0, i, 0)),
            pl.BlockSpec((_BT, D), lambda i: (i, 0)),
            pl.BlockSpec((_BT, 1), lambda i: (i, 0)),
            pl.BlockSpec((1, D), lambda i: (0, 0)),
        ],
        out_specs=pl.BlockSpec((_BT, D), lambda i: (i, 0)),
        out_shape=jax.ShapeDtypeStruct((N, D), jnp.float32),
    )(part, hp, dinv, b)


@jax.jit
def kernel(x, edge_index, edge_label_index, W1, b1, W2, b2, W3, b3):
    src_w = edge_index[0].reshape(NW, EPW)
    dst_w = edge_index[1].reshape(NW, EPW)
    e0_w = edge_label_index[0].reshape(NW, EPW)
    e1_w = edge_label_index[1].reshape(NW, EPW)

    mm1 = _tc_mm(x, W1)
    deg_part = _sc_deg(dst_w)
    dinv, hp1 = _tc_prep(deg_part, mm1)
    part1 = _sc_agg(hp1, src_w, dst_w)
    hp2 = _tc_layer(part1, hp1, dinv, b1.reshape(1, D), W2)
    part2 = _sc_agg(hp2, src_w, dst_w)
    hp3 = _tc_layer(part2, hp2, dinv, b2.reshape(1, D), W3)
    part3 = _sc_agg(hp3, src_w, dst_w)
    z3 = _tc_final(part3, hp3, dinv, b3.reshape(1, D))

    return _sc_dec(z3, e0_w, e1_w).reshape(E)

# --- scband reference (transcript-rebuilt; emitter-appended) ---
"""Pipeline reference for scband-gcn-21260088115434 (READ-ONLY COPY).

The authoritative reference and input builder live on the scoring server;
editing this copy changes nothing except your own understanding.
"""

import jax, jax.numpy as jnp
import numpy as np

N_NODES = 10000
N_EDGES = 320000
D_IN = 128
D_HID = 128
D_OUT = 128


def setup_inputs(seed: int = 0) -> dict:
    key = jax.random.key(seed)
    ks = jax.random.split(key, 10)
    x = jax.random.normal(ks[0], (N_NODES, D_IN), dtype=jnp.float32)
    edge_index = jax.random.randint(ks[1], (2, N_EDGES), 0, N_NODES, dtype=jnp.int32)
    edge_label_index = jax.random.randint(ks[2], (2, N_EDGES), 0, N_NODES, dtype=jnp.int32)
    # GCNConv weights (glorot-ish init) and biases
    W1 = jax.random.normal(ks[3], (D_IN, D_HID), dtype=jnp.float32) * (1.0 / np.sqrt(D_IN))
    b1 = jnp.zeros((D_HID,), dtype=jnp.float32)
    W2 = jax.random.normal(ks[4], (D_HID, D_HID), dtype=jnp.float32) * (1.0 / np.sqrt(D_HID))
    b2 = jnp.zeros((D_HID,), dtype=jnp.float32)
    W3 = jax.random.normal(ks[5], (D_HID, D_OUT), dtype=jnp.float32) * (1.0 / np.sqrt(D_HID))
    b3 = jnp.zeros((D_OUT,), dtype=jnp.float32)
    return {"x": x, "edge_index": edge_index, "edge_label_index": edge_label_index,
            "W1": W1, "b1": b1, "W2": W2, "b2": b2, "W3": W3, "b3": b3}


def gcn_conv(x, edge_index, W, b):
    # PyG GCNConv: add self-loops, symmetric normalization D^-1/2 (A+I) D^-1/2 X W + b
    N = x.shape[0]
    self_idx = jnp.arange(N, dtype=edge_index.dtype)
    src = jnp.concatenate([edge_index[0], self_idx])
    dst = jnp.concatenate([edge_index[1], self_idx])
    ones = jnp.ones(src.shape[0], dtype=x.dtype)
    deg = jax.ops.segment_sum(ones, dst, num_segments=N)
    dinv = jnp.where(deg > 0, jax.lax.rsqrt(jnp.maximum(deg, 1e-12)), 0.0)
    norm = dinv[src] * dinv[dst]
    h = x @ W
    msg = h[src] * norm[:, None]
    out = jax.ops.segment_sum(msg, dst, num_segments=N) + b
    return out


def reference(x, edge_index, edge_label_index, W1, b1, W2, b2, W3, b3):
    # encode (dropout is identity in eval mode)
    z = jax.nn.relu(gcn_conv(x, edge_index, W1, b1))
    z = jax.nn.relu(gcn_conv(z, edge_index, W2, b2))
    z = gcn_conv(z, edge_index, W3, b3)
    # decode: dot product of endpoint embeddings
    s = z[edge_label_index[0]]
    d = z[edge_label_index[1]]
    return (s * d).sum(axis=-1)

if __name__ == "__main__":
    import jax
    _d = setup_inputs()
    print(jax.jit(kernel)(*tuple(_d.values())))

</pallas_src>

<mosaic_0001>
#map = affine_map<(d0, d1) -> (0, 0)>
#map1 = affine_map<(d0, d1) -> (0, 0, 0)>
module attributes {stable_mosaic.version = 14 : i64} {
  func.func @_sc_agg_body(%arg0: i32, %arg1: i32, %arg2: memref<10000x128xf32, #tpu.memory_space<hbm>>, %arg3: memref<32x10000xi32, #tpu.memory_space<hbm>>, %arg4: memref<32x10000xi32, #tpu.memory_space<hbm>>, %arg5: memref<2x10000x128xf32, #tpu.memory_space<hbm>>, %arg6: memref<10000x128xf32, #tpu.memory_space<vmem_shared>>, %arg7: memref<10000xi32, #tpu.memory_space<vmem>>, %arg8: memref<4x!tpu.dma_semaphore, #tpu.memory_space<semaphore_mem>>, %arg9: memref<4x40x128xf32, #tpu.memory_space<vmem>>, %arg10: memref<10000xi32, #tpu.memory_space<vmem>>, %arg11: memref<25x128xf32, #tpu.memory_space<vmem>>) attributes {dimension_semantics = [#tpu.dimension_semantics<core_parallel>, #tpu.dimension_semantics<subcore_parallel>], iteration_bounds = array<i64: 2, 16>, scalar_prefetch = 0 : i64, scratch_operands = 6 : i64, tpu.core_type = #tpu.core_type<sc_vector_subcore>, window_params = [{transform_indices = #map}, {transform_indices = #map}, {transform_indices = #map}, {transform_indices = #map1}]} {
    %mul3A = arith.constant 16 : i32
    %mul3A_0 = arith.muli %arg0, %mul3A : i32
    %add3A = arith.addi %mul3A_0, %arg1 : i32
    %scan3A = arith.constant 0 : i32
    %scan3A_1 = arith.constant 0 : i32
    %scan3A_2 = arith.constant 25 : i32
    %scan3A_3 = arith.addi %scan3A_1, %scan3A_2 : i32
    %scan3A_4 = arith.constant 1 : i32
    %scan3A_5 = scf.for %scan3A_64 = %scan3A_1 to %scan3A_3 step %scan3A_4 iter_args(%scan3A_65 = %scan3A) -> (i32)  : i32 {
      %broadcast_in_dim3A = arith.constant 0.000000e+00 : f32
      %broadcast_in_dim3A_66 = vector.broadcast %broadcast_in_dim3A : f32 to vector<16xf32>
      %swap3A = arith.index_cast %scan3A_64 : i32 to index
      %swap3A_67 = arith.constant 0 : index
      %swap3A_68 = tpu.vector_load %arg11[%swap3A, %swap3A_67] {strides = array<i32>} : memref<25x128xf32, #tpu.memory_space<vmem>>, vector<16xf32>,
      tpu.vector_store %arg11[%swap3A, %swap3A_67], %broadcast_in_dim3A_66 {strides = array<i32>} : memref<25x128xf32, #tpu.memory_space<vmem>>, vector<16xf32>,
      %broadcast_in_dim3A_69 = arith.constant 0.000000e+00 : f32
      %broadcast_in_dim3A_70 = vector.broadcast %broadcast_in_dim3A_69 : f32 to vector<16xf32>
      %swap3A_71 = arith.index_cast %scan3A_64 : i32 to index
      %swap3A_72 = arith.constant 16 : index
      %swap3A_73 = tpu.vector_load %arg11[%swap3A_71, %swap3A_72] {strides = array<i32>} : memref<25x128xf32, #tpu.memory_space<vmem>>, vector<16xf32>,
      tpu.vector_store %arg11[%swap3A_71, %swap3A_72], %broadcast_in_dim3A_70 {strides = array<i32>} : memref<25x128xf32, #tpu.memory_space<vmem>>, vector<16xf32>,
      %broadcast_in_dim3A_74 = arith.constant 0.000000e+00 : f32
      %broadcast_in_dim3A_75 = vector.broadcast %broadcast_in_dim3A_74 : f32 to vector<16xf32>
      %swap3A_76 = arith.index_cast %scan3A_64 : i32 to index
      %swap3A_77 = arith.constant 32 : index
      %swap3A_78 = tpu.vector_load %arg11[%swap3A_76, %swap3A_77] {strides = array<i32>} : memref<25x128xf32, #tpu.memory_space<vmem>>, vector<16xf32>,
      tpu.vector_store %arg11[%swap3A_76, %swap3A_77], %broadcast_in_dim3A_75 {strides = array<i32>} : memref<25x128xf32, #tpu.memory_space<vmem>>, vector<16xf32>,
      %broadcast_in_dim3A_79 = arith.constant 0.000000e+00 : f32
      %broadcast_in_dim3A_80 = vector.broadcast %broadcast_in_dim3A_79 : f32 to vector<16xf32>
      %swap3A_81 = arith.index_cast %scan3A_64 : i32 to index
      %swap3A_82 = arith.constant 48 : index
      %swap3A_83 = tpu.vector_load %arg11[%swap3A_81, %swap3A_82] {strides = array<i32>} : memref<25x128xf32, #tpu.memory_space<vmem>>, vector<16xf32>,
      tpu.vector_store %arg11[%swap3A_81, %swap3A_82], %broadcast_in_dim3A_80 {strides = array<i32>} : memref<25x128xf32, #tpu.memory_space<vmem>>, vector<16xf32>,
      %broadcast_in_dim3A_84 = arith.constant 0.000000e+00 : f32
      %broadcast_in_dim3A_85 = vector.broadcast %broadcast_in_dim3A_84 : f32 to vector<16xf32>
      %swap3A_86 = arith.index_cast %scan3A_64 : i32 to index
      %swap3A_87 = arith.constant 64 : index
      %swap3A_88 = tpu.vector_load %arg11[%swap3A_86, %swap3A_87] {strides = array<i32>} : memref<25x128xf32, #tpu.memory_space<vmem>>, vector<16xf32>,
      tpu.vector_store %arg11[%swap3A_86, %swap3A_87], %broadcast_in_dim3A_85 {strides = array<i32>} : memref<25x128xf32, #tpu.memory_space<vmem>>, vector<16xf32>,
      %broadcast_in_dim3A_89 = arith.constant 0.000000e+00 : f32
      %broadcast_in_dim3A_90 = vector.broadcast %broadcast_in_dim3A_89 : f32 to vector<16xf32>
      %swap3A_91 = arith.index_cast %scan3A_64 : i32 to index
      %swap3A_92 = arith.constant 80 : index
      %swap3A_93 = tpu.vector_load %arg11[%swap3A_91, %swap3A_92] {strides = array<i32>} : memref<25x128xf32, #tpu.memory_space<vmem>>, vector<16xf32>,
      tpu.vector_store %arg11[%swap3A_91, %swap3A_92], %broadcast_in_dim3A_90 {strides = array<i32>} : memref<25x128xf32, #tpu.memory_space<vmem>>, vector<16xf32>,
      %broadcast_in_dim3A_94 = arith.constant 0.000000e+00 : f32
      %broadcast_in_dim3A_95 = vector.broadcast %broadcast_in_dim3A_94 : f32 to vector<16xf32>
      %swap3A_96 = arith.index_cast %scan3A_64 : i32 to index
      %swap3A_97 = arith.constant 96 : index
      %swap3A_98 = tpu.vector_load %arg11[%swap3A_96, %swap3A_97] {strides = array<i32>} : memref<25x128xf32, #tpu.memory_space<vmem>>, vector<16xf32>,
      tpu.vector_store %arg11[%swap3A_96, %swap3A_97], %broadcast_in_dim3A_95 {strides = array<i32>} : memref<25x128xf32, #tpu.memory_space<vmem>>, vector<16xf32>,
      %broadcast_in_dim3A_99 = arith.constant 0.000000e+00 : f32
      %broadcast_in_dim3A_100 = vector.broadcast %broadcast_in_dim3A_99 : f32 to vector<16xf32>
      %swap3A_101 = arith.index_cast %scan3A_64 : i32 to index
      %swap3A_102 = arith.constant 112 : index
      %swap3A_103 = tpu.vector_load %arg11[%swap3A_101, %swap3A_102] {strides = array<i32>} : memref<25x128xf32, #tpu.memory_space<vmem>>, vector<16xf32>,
      tpu.vector_store %arg11[%swap3A_101, %swap3A_102], %broadcast_in_dim3A_100 {strides = array<i32>} : memref<25x128xf32, #tpu.memory_space<vmem>>, vector<16xf32>,
      %scan3A_104 = arith.constant 0 : i32
      scf.yield %scan3A_104 : i32
    }
    %scan3A_6 = arith.constant 25 : i32
    %scan3A_7 = arith.constant 0 : i32
    %scan3A_8 = arith.constant 0 : i32
    %scan3A_9 = arith.constant 25 : i32
    %scan3A_10 = arith.addi %scan3A_8, %scan3A_9 : i32
    %scan3A_11 = arith.constant 1 : i32
    %scan3A_12 = scf.for %scan3A_64 = %scan3A_8 to %scan3A_10 step %scan3A_11 iter_args(%scan3A_65 = %scan3A_7) -> (i32)  : i32 {
      %mul3A_66 = arith.constant 625 : i32
      %mul3A_67 = arith.muli %arg1, %mul3A_66 : i32
      %mul3A_68 = arith.constant 25 : i32
      %mul3A_69 = arith.muli %scan3A_64, %mul3A_68 : i32
      %add3A_70 = arith.addi %mul3A_67, %mul3A_69 : i32
      "tpu.region"() ({
        %run_scoped3A = tpu.sem_alloc : memref<!tpu.dma_semaphore, #tpu.memory_space<semaphore_mem>>
        %dma_start3A_72 = arith.constant 0 : i32
        %dma_start3A_73 = tpu.memref_slice %arg6[%add3A_70, %dma_start3A_72] : memref<10000x128xf32, #tpu.memory_space<vmem_shared>> -> memref<25x128xf32, #tpu.memory_space<vmem_shared>>
        %dma_start3A_74 = arith.constant 0 : i32
        %dma_start3A_75 = tpu.memref_slice %arg6[%add3A_70, %dma_start3A_74] : memref<10000x128xf32, #tpu.memory_space<vmem_shared>> -> memref<25x128xf32, #tpu.memory_space<vmem_shared>>
        tpu.enqueue_dma source(%arg11 : memref<25x128xf32, #tpu.memory_space<vmem>>) target(%dma_start3A_75 : memref<25x128xf32, #tpu.memory_space<vmem_shared>>) target_semaphore(%run_scoped3A : memref<!tpu.dma_semaphore, #tpu.memory_space<semaphore_mem>>)
        %dma_wait3A = arith.constant 0 : i32
        %dma_wait3A_76 = tpu.memref_slice %arg6[%add3A_70, %dma_wait3A] : memref<10000x128xf32, #tpu.memory_space<vmem_shared>> -> memref<25x128xf32, #tpu.memory_space<vmem_shared>>
        %dma_wait3A_77 = arith.constant 0 : i32
        %dma_wait3A_78 = tpu.memref_slice %arg6[%add3A_70, %dma_wait3A_77] : memref<10000x128xf32, #tpu.memory_space<vmem_shared>> -> memref<25x128xf32, #tpu.memory_space<vmem_shared>>
        tpu.wait_dma2 semaphore(%run_scoped3A : memref<!tpu.dma_semaphore, #tpu.memory_space<semaphore_mem>>) src(%arg11 : memref<25x128xf32, #tpu.memory_space<vmem>>) dst(%dma_wait3A_78 : memref<25x128xf32, #tpu.memory_space<vmem_shared>>)
        tpu.yield
      }) : () -> ()
      %scan3A_71 = arith.constant 0 : i32
      scf.yield %scan3A_71 : i32
    }
    %scan3A_13 = arith.constant 25 : i32
    "tpu.region"() ({
      %run_scoped3A = tpu.sem_alloc : memref<!tpu.dma_semaphore, #tpu.memory_space<semaphore_mem>>
      %dma_start3A_64 = arith.constant 0 : i32
      %dma_start3A_65 = tpu.memref_slice %arg3[%add3A, %dma_start3A_64] : memref<32x10000xi32, #tpu.memory_space<hbm>> -> memref<1x10000xi32, #tpu.memory_space<hbm>>
      %dma_start3A_66 = tpu.memref_squeeze %dma_start3A_65 : memref<1x10000xi32, #tpu.memory_space<hbm>> -> memref<10000xi32, #tpu.memory_space<hbm>>
      %dma_start3A_67 = arith.constant 0 : i32
      %dma_start3A_68 = tpu.memref_slice %arg3[%add3A, %dma_start3A_67] : memref<32x10000xi32, #tpu.memory_space<hbm>> -> memref<1x10000xi32, #tpu.memory_space<hbm>>
      %dma_start3A_69 = tpu.memref_squeeze %dma_start3A_68 : memref<1x10000xi32, #tpu.memory_space<hbm>> -> memref<10000xi32, #tpu.memory_space<hbm>>
      tpu.enqueue_dma source(%dma_start3A_69 : memref<10000xi32, #tpu.memory_space<hbm>>) target(%arg10 : memref<10000xi32, #tpu.memory_space<vmem>>) target_semaphore(%run_scoped3A : memref<!tpu.dma_semaphore, #tpu.memory_space<semaphore_mem>>)
      %dma_wait3A = arith.constant 0 : i32
      %dma_wait3A_70 = tpu.memref_slice %arg3[%add3A, %dma_wait3A] : memref<32x10000xi32, #tpu.memory_space<hbm>> -> memref<1x10000xi32, #tpu.memory_space<hbm>>
      %dma_wait3A_71 = tpu.memref_squeeze %dma_wait3A_70 : memref<1x10000xi32, #tpu.memory_space<hbm>> -> memref<10000xi32, #tpu.memory_space<hbm>>
      %dma_wait3A_72 = arith.constant 0 : i32
      %dma_wait3A_73 = tpu.memref_slice %arg3[%add3A, %dma_wait3A_72] : memref<32x10000xi32, #tpu.memory_space<hbm>> -> memref<1x10000xi32, #tpu.memory_space<hbm>>
      %dma_wait3A_74 = tpu.memref_squeeze %dma_wait3A_73 : memref<1x10000xi32, #tpu.memory_space<hbm>> -> memref<10000xi32, #tpu.memory_space<hbm>>
      tpu.wait_dma2 semaphore(%run_scoped3A : memref<!tpu.dma_semaphore, #tpu.memory_space<semaphore_mem>>) src(%dma_wait3A_74 : memref<10000xi32, #tpu.memory_space<hbm>>) dst(%arg10 : memref<10000xi32, #tpu.memory_space<vmem>>)
      tpu.yield
    }) : () -> ()
    "tpu.region"() ({
      %run_scoped3A = tpu.sem_alloc : memref<!tpu.dma_semaphore, #tpu.memory_space<semaphore_mem>>
      %dma_start3A_64 = arith.constant 0 : i32
      %dma_start3A_65 = tpu.memref_slice %arg4[%add3A, %dma_start3A_64] : memref<32x10000xi32, #tpu.memory_space<hbm>> -> memref<1x10000xi32, #tpu.memory_space<hbm>>
      %dma_start3A_66 = tpu.memref_squeeze %dma_start3A_65 : memref<1x10000xi32, #tpu.memory_space<hbm>> -> memref<10000xi32, #tpu.memory_space<hbm>>
      %dma_start3A_67 = arith.constant 0 : i32
      %dma_start3A_68 = tpu.memref_slice %arg4[%add3A, %dma_start3A_67] : memref<32x10000xi32, #tpu.memory_space<hbm>> -> memref<1x10000xi32, #tpu.memory_space<hbm>>
      %dma_start3A_69 = tpu.memref_squeeze %dma_start3A_68 : memref<1x10000xi32, #tpu.memory_space<hbm>> -> memref<10000xi32, #tpu.memory_space<hbm>>
      tpu.enqueue_dma source(%dma_start3A_69 : memref<10000xi32, #tpu.memory_space<hbm>>) target(%arg7 : memref<10000xi32, #tpu.memory_space<vmem>>) target_semaphore(%run_scoped3A : memref<!tpu.dma_semaphore, #tpu.memory_space<semaphore_mem>>)
      %dma_wait3A = arith.constant 0 : i32
      %dma_wait3A_70 = tpu.memref_slice %arg4[%add3A, %dma_wait3A] : memref<32x10000xi32, #tpu.memory_space<hbm>> -> memref<1x10000xi32, #tpu.memory_space<hbm>>
      %dma_wait3A_71 = tpu.memref_squeeze %dma_wait3A_70 : memref<1x10000xi32, #tpu.memory_space<hbm>> -> memref<10000xi32, #tpu.memory_space<hbm>>
      %dma_wait3A_72 = arith.constant 0 : i32
      %dma_wait3A_73 = tpu.memref_slice %arg4[%add3A, %dma_wait3A_72] : memref<32x10000xi32, #tpu.memory_space<hbm>> -> memref<1x10000xi32, #tpu.memory_space<hbm>>
      %dma_wait3A_74 = tpu.memref_squeeze %dma_wait3A_73 : memref<1x10000xi32, #tpu.memory_space<hbm>> -> memref<10000xi32, #tpu.memory_space<hbm>>
      tpu.wait_dma2 semaphore(%run_scoped3A : memref<!tpu.dma_semaphore, #tpu.memory_space<semaphore_mem>>) src(%dma_wait3A_74 : memref<10000xi32, #tpu.memory_space<hbm>>) dst(%arg7 : memref<10000xi32, #tpu.memory_space<vmem>>)
      tpu.yield
    }) : () -> ()
    %barrier3A = arith.constant 0 : index
    tpu.barrier barrier_id(%barrier3A)
    %rem3A = arith.constant 0 : i32
    %rem3A_14 = arith.constant 4 : i32
    %rem3A_15 = arith.remsi %rem3A, %rem3A_14 : i32
    %dma_start3A = arith.constant 0 : i32
    %dma_start3A_16 = arith.constant 0 : i32
    %dma_start3A_17 = tpu.memref_slice %arg9[%rem3A_15, %dma_start3A, %dma_start3A_16] : memref<4x40x128xf32, #tpu.memory_space<vmem>> -> memref<1x40x128xf32, #tpu.memory_space<vmem>>
    %dma_start3A_18 = tpu.memref_squeeze %dma_start3A_17 : memref<1x40x128xf32, #tpu.memory_space<vmem>> -> memref<40x128xf32, #tpu.memory_space<vmem>>
    %dma_start3A_19 = arith.constant 0 : i32
    %dma_start3A_20 = tpu.memref_slice %arg10[%dma_start3A_19] : memref<10000xi32, #tpu.memory_space<vmem>> -> memref<40xi32, #tpu.memory_space<vmem>>
    %dma_start3A_21 = arith.constant 0 : i32
    %dma_start3A_22 = arith.constant 0 : i32
    %dma_start3A_23 = tpu.memref_slice %arg2[%dma_start3A_21, %dma_start3A_22] : memref<10000x128xf32, #tpu.memory_space<hbm>> -> memref<10000x128xf32, #tpu.memory_space<hbm>>
    %dma_start3A_24 = tpu.memref_slice %arg8[%rem3A_15] : memref<4x!tpu.dma_semaphore, #tpu.memory_space<semaphore_mem>> -> memref<1x!tpu.dma_semaphore, #tpu.memory_space<semaphore_mem>>
    %dma_start3A_25 = tpu.memref_squeeze %dma_start3A_24 : memref<1x!tpu.dma_semaphore, #tpu.memory_space<semaphore_mem>> -> memref<!tpu.dma_semaphore, #tpu.memory_space<semaphore_mem>>
    tpu.enqueue_indirect_dma source(%dma_start3A_23 : memref<10000x128xf32, #tpu.memory_space<hbm>>) target(%dma_start3A_18 : memref<40x128xf32, #tpu.memory_space<vmem>>) offsets(%dma_start3A_20 : memref<40xi32, #tpu.memory_space<vmem>>) semaphore(%dma_start3A_25 : memref<!tpu.dma_semaphore, #tpu.memory_space<semaphore_mem>>)
    %rem3A_26 = arith.constant 1 : i32
    %rem3A_27 = arith.constant 4 : i32
    %rem3A_28 = arith.remsi %rem3A_26, %rem3A_27 : i32
    %dma_start3A_29 = arith.constant 0 : i32
    %dma_start3A_30 = arith.constant 0 : i32
    %dma_start3A_31 = tpu.memref_slice %arg9[%rem3A_28, %dma_start3A_29, %dma_start3A_30] : memref<4x40x128xf32, #tpu.memory_space<vmem>> -> memref<1x40x128xf32, #tpu.memory_space<vmem>>
    %dma_start3A_32 = tpu.memref_squeeze %dma_start3A_31 : memref<1x40x128xf32, #tpu.memory_space<vmem>> -> memref<40x128xf32, #tpu.memory_space<vmem>>
    %dma_start3A_33 = arith.constant 40 : i32
    %dma_start3A_34 = tpu.memref_slice %arg10[%dma_start3A_33] : memref<10000xi32, #tpu.memory_space<vmem>> -> memref<40xi32, #tpu.memory_space<vmem>>
    %dma_start3A_35 = arith.constant 0 : i32
    %dma_start3A_36 = arith.constant 0 : i32
    %dma_start3A_37 = tpu.memref_slice %arg2[%dma_start3A_35, %dma_start3A_36] : memref<10000x128xf32, #tpu.memory_space<hbm>> -> memref<10000x128xf32, #tpu.memory_space<hbm>>
    %dma_start3A_38 = tpu.memref_slice %arg8[%rem3A_28] : memref<4x!tpu.dma_semaphore, #tpu.memory_space<semaphore_mem>> -> memref<1x!tpu.dma_semaphore, #tpu.memory_space<semaphore_mem>>
    %dma_start3A_39 = tpu.memref_squeeze %dma_start3A_38 : memref<1x!tpu.dma_semaphore, #tpu.memory_space<semaphore_mem>> -> memref<!tpu.dma_semaphore, #tpu.memory_space<semaphore_mem>>
    tpu.enqueue_indirect_dma source(%dma_start3A_37 : memref<10000x128xf32, #tpu.memory_space<hbm>>) target(%dma_start3A_32 : memref<40x128xf32, #tpu.memory_space<vmem>>) offsets(%dma_start3A_34 : memref<40xi32, #tpu.memory_space<vmem>>) semaphore(%dma_start3A_39 : memref<!tpu.dma_semaphore, #tpu.memory_space<semaphore_mem>>)
    %rem3A_40 = arith.constant 2 : i32
    %rem3A_41 = arith.constant 4 : i32
    %rem3A_42 = arith.remsi %rem3A_40, %rem3A_41 : i32
    %dma_start3A_43 = arith.constant 0 : i32
    %dma_start3A_44 = arith.constant 0 : i32
    %dma_start3A_45 = tpu.memref_slice %arg9[%rem3A_42, %dma_start3A_43, %dma_start3A_44] : memref<4x40x128xf32, #tpu.memory_space<vmem>> -> memref<1x40x128xf32, #tpu.memory_space<vmem>>
    %dma_start3A_46 = tpu.memref_squeeze %dma_start3A_45 : memref<1x40x128xf32, #tpu.memory_space<vmem>> -> memref<40x128xf32, #tpu.memory_space<vmem>>
    %dma_start3A_47 = arith.constant 80 : i32
    %dma_start3A_48 = tpu.memref_slice %arg10[%dma_start3A_47] : memref<10000xi32, #tpu.memory_space<vmem>> -> memref<40xi32, #tpu.memory_space<vmem>>
    %dma_start3A_49 = arith.constant 0 : i32
    %dma_start3A_50 = arith.constant 0 : i32
    %dma_start3A_51 = tpu.memref_slice %arg2[%dma_start3A_49, %dma_start3A_50] : memref<10000x128xf32, #tpu.memory_space<hbm>> -> memref<10000x128xf32, #tpu.memory_space<hbm>>
    %dma_start3A_52 = tpu.memref_slice %arg8[%rem3A_42] : memref<4x!tpu.dma_semaphore, #tpu.memory_space<semaphore_mem>> -> memref<1x!tpu.dma_semaphore, #tpu.memory_space<semaphore_mem>>
    %dma_start3A_53 = tpu.memref_squeeze %dma_start3A_52 : memref<1x!tpu.dma_semaphore, #tpu.memory_space<semaphore_mem>> -> memref<!tpu.dma_semaphore, #tpu.memory_space<semaphore_mem>>
    tpu.enqueue_indirect_dma source(%dma_start3A_51 : memref<10000x128xf32, #tpu.memory_space<hbm>>) target(%dma_start3A_46 : memref<40x128xf32, #tpu.memory_space<vmem>>) offsets(%dma_start3A_48 : memref<40xi32, #tpu.memory_space<vmem>>) semaphore(%dma_start3A_53 : memref<!tpu.dma_semaphore, #tpu.memory_space<semaphore_mem>>)
    %scan3A_54 = arith.constant 0 : i32
    %scan3A_55 = arith.constant 0 : i32
    %scan3A_56 = arith.constant 250 : i32
    %scan3A_57 = arith.addi %scan3A_55, %scan3A_56 : i32
    %scan3A_58 = arith.constant 1 : i32
    %scan3A_59 = scf.for %scan3A_64 = %scan3A_55 to %scan3A_57 step %scan3A_58 iter_args(%scan3A_65 = %scan3A_54) -> (i32)  : i32 {
      %rem3A_66 = arith.constant 4 : i32
      %rem3A_67 = arith.remsi %scan3A_64, %rem3A_66 : i32
      %mul3A_68 = arith.constant 40 : i32
      %mul3A_69 = arith.muli %scan3A_64, %mul3A_68 : i32
      %dma_wait3A = arith.constant 0 : i32
      %dma_wait3A_70 = arith.constant 0 : i32
      %dma_wait3A_71 = tpu.memref_slice %arg9[%rem3A_67, %dma_wait3A, %dma_wait3A_70] : memref<4x40x128xf32, #tpu.memory_space<vmem>> -> memref<1x40x128xf32, #tpu.memory_space<vmem>>
      %dma_wait3A_72 = tpu.memref_squeeze %dma_wait3A_71 : memref<1x40x128xf32, #tpu.memory_space<vmem>> -> memref<40x128xf32, #tpu.memory_space<vmem>>
      %dma_wait3A_73 = tpu.memref_slice %arg10[%mul3A_69] : memref<10000xi32, #tpu.memory_space<vmem>> -> memref<40xi32, #tpu.memory_space<vmem>>
      %dma_wait3A_74 = arith.constant 0 : i32
      %dma_wait3A_75 = arith.constant 0 : i32
      %dma_wait3A_76 = tpu.memref_slice %arg2[%dma_wait3A_74, %dma_wait3A_75] : memref<10000x128xf32, #tpu.memory_space<hbm>> -> memref<10000x128xf32, #tpu.memory_space<hbm>>
      %dma_wait3A_77 = tpu.memref_slice %arg8[%rem3A_67] : memref<4x!tpu.dma_semaphore, #tpu.memory_space<semaphore_mem>> -> memref<1x!tpu.dma_semaphore, #tpu.memory_space<semaphore_mem>>
      %dma_wait3A_78 = tpu.memref_squeeze %dma_wait3A_77 : memref<1x!tpu.dma_semaphore, #tpu.memory_space<semaphore_mem>> -> memref<!tpu.dma_semaphore, #tpu.memory_space<semaphore_mem>>
      tpu.wait_indirect_dma semaphore(%dma_wait3A_78 : memref<!tpu.dma_semaphore, #tpu.memory_space<semaphore_mem>>) src(%dma_wait3A_76 : memref<10000x128xf32, #tpu.memory_space<hbm>>) dst(%dma_wait3A_72 : memref<40x128xf32, #tpu.memory_space<vmem>>)
      %add3A_79 = arith.constant 3 : i32
      %add3A_80 = arith.addi %scan3A_64, %add3A_79 : i32
      %lt3A_81 = arith.constant 250 : i32
      %lt3A_82 = arith.cmpi slt, %add3A_80, %lt3A_81 : i32
      %convert_element_type3A_83 = arith.extui %lt3A_82 : i1 to i32
      %cond3A_84 = arith.constant 0 : i32
      %cond3A_85 = arith.cmpi ne, %convert_element_type3A_83, %cond3A_84 : i32
      scf.if %cond3A_85 {
        %add3A_91 = arith.constant 3 : i32
        %add3A_92 = arith.addi %scan3A_64, %add3A_91 : i32
        %rem3A_93 = arith.constant 4 : i32
        %rem3A_94 = arith.remsi %add3A_92, %rem3A_93 : i32
        %mul3A_95 = arith.constant 40 : i32
        %mul3A_96 = arith.muli %add3A_92, %mul3A_95 : i32
        %dma_start3A_97 = arith.constant 0 : i32
        %dma_start3A_98 = arith.constant 0 : i32
        %dma_start3A_99 = tpu.memref_slice %arg9[%rem3A_94, %dma_start3A_97, %dma_start3A_98] : memref<4x40x128xf32, #tpu.memory_space<vmem>> -> memref<1x40x128xf32, #tpu.memory_space<vmem>>
        %dma_start3A_100 = tpu.memref_squeeze %dma_start3A_99 : memref<1x40x128xf32, #tpu.memory_space<vmem>> -> memref<40x128xf32, #tpu.memory_space<vmem>>
        %dma_start3A_101 = tpu.memref_slice %arg10[%mul3A_96] : memref<10000xi32, #tpu.memory_space<vmem>> -> memref<40xi32, #tpu.memory_space<vmem>>
        %dma_start3A_102 = arith.constant 0 : i32
        %dma_start3A_103 = arith.constant 0 : i32
        %dma_start3A_104 = tpu.memref_slice %arg2[%dma_start3A_102, %dma_start3A_103] : memref<10000x128xf32, #tpu.memory_space<hbm>> -> memref<10000x128xf32, #tpu.memory_space<hbm>>
        %dma_start3A_105 = tpu.memref_slice %arg8[%rem3A_94] : memref<4x!tpu.dma_semaphore, #tpu.memory_space<semaphore_mem>> -> memref<1x!tpu.dma_semaphore, #tpu.memory_space<semaphore_mem>>
        %dma_start3A_106 = tpu.memref_squeeze %dma_start3A_105 : memref<1x!tpu.dma_semaphore, #tpu.memory_space<semaphore_mem>> -> memref<!tpu.dma_semaphore, #tpu.memory_space<semaphore_mem>>
        tpu.enqueue_indirect_dma source(%dma_start3A_104 : memref<10000x128xf32, #tpu.memory_space<hbm>>) target(%dma_start3A_100 : memref<40x128xf32, #tpu.memory_space<vmem>>) offsets(%dma_start3A_101 : memref<40xi32, #tpu.memory_space<vmem>>) semaphore(%dma_start3A_106 : memref<!tpu.dma_semaphore, #tpu.memory_space<semaphore_mem>>)
      } else {
      }
      %rem3A_86 = arith.constant 4 : i32
      %rem3A_87 = arith.remsi %scan3A_64, %rem3A_86 : i32
      %mul3A_88 = arith.constant 40 : i32
      %mul3A_89 = arith.muli %scan3A_64, %mul3A_88 : i32
      "tpu.region"() ({
        %run_scoped3A = tpu.sem_alloc : memref<!tpu.dma_semaphore, #tpu.memory_space<semaphore_mem>>
        %dma_start3A_91 = arith.constant 0 : i32
        %dma_start3A_92 = arith.constant 0 : i32
        %dma_start3A_93 = tpu.memref_slice %arg9[%rem3A_87, %dma_start3A_91, %dma_start3A_92] : memref<4x40x128xf32, #tpu.memory_space<vmem>> -> memref<1x40x128xf32, #tpu.memory_space<vmem>>
        %dma_start3A_94 = tpu.memref_squeeze %dma_start3A_93 : memref<1x40x128xf32, #tpu.memory_space<vmem>> -> memref<40x128xf32, #tpu.memory_space<vmem>>
        %dma_start3A_95 = tpu.memref_slice %arg7[%mul3A_89] : memref<10000xi32, #tpu.memory_space<vmem>> -> memref<40xi32, #tpu.memory_space<vmem>>
        %dma_start3A_96 = arith.constant 0 : i32
        %dma_start3A_97 = arith.constant 0 : i32
        %dma_start3A_98 = tpu.memref_slice %arg6[%dma_start3A_96, %dma_start3A_97] : memref<10000x128xf32, #tpu.memory_space<vmem_shared>> -> memref<10000x128xf32, #tpu.memory_space<vmem_shared>>
        tpu.enqueue_indirect_dma source(%dma_start3A_94 : memref<40x128xf32, #tpu.memory_space<vmem>>) target(%dma_start3A_98 : memref<10000x128xf32, #tpu.memory_space<vmem_shared>>) offsets(%dma_start3A_95 : memref<40xi32, #tpu.memory_space<vmem>>) semaphore(%run_scoped3A : memref<!tpu.dma_semaphore, #tpu.memory_space<semaphore_mem>>) {add = true}
        %dma_wait3A_99 = arith.constant 0 : i32
        %dma_wait3A_100 = arith.constant 0 : i32
        %dma_wait3A_101 = tpu.memref_slice %arg9[%rem3A_87, %dma_wait3A_99, %dma_wait3A_100] : memref<4x40x128xf32, #tpu.memory_space<vmem>> -> memref<1x40x128xf32, #tpu.memory_space<vmem>>
        %dma_wait3A_102 = tpu.memref_squeeze %dma_wait3A_101 : memref<1x40x128xf32, #tpu.memory_space<vmem>> -> memref<40x128xf32, #tpu.memory_space<vmem>>
        %dma_wait3A_103 = tpu.memref_slice %arg7[%mul3A_89] : memref<10000xi32, #tpu.memory_space<vmem>> -> memref<40xi32, #tpu.memory_space<vmem>>
        %dma_wait3A_104 = arith.constant 0 : i32
        %dma_wait3A_105 = arith.constant 0 : i32
        %dma_wait3A_106 = tpu.memref_slice %arg6[%dma_wait3A_104, %dma_wait3A_105] : memref<10000x128xf32, #tpu.memory_space<vmem_shared>> -> memref<10000x128xf32, #tpu.memory_space<vmem_shared>>
        tpu.wait_indirect_dma semaphore(%run_scoped3A : memref<!tpu.dma_semaphore, #tpu.memory_space<semaphore_mem>>) src(%dma_wait3A_102 : memref<40x128xf32, #tpu.memory_space<vmem>>) dst(%dma_wait3A_106 : memref<10000x128xf32, #tpu.memory_space<vmem_shared>>)
        tpu.yield
      }) : () -> ()
      %scan3A_90 = arith.constant 0 : i32
      scf.yield %scan3A_90 : i32
    }
    %scan3A_60 = arith.constant 250 : i32
    %barrier3A_61 = arith.constant 0 : index
    tpu.barrier barrier_id(%barrier3A_61)
    %lt3A = arith.constant 10 : i32
    %lt3A_62 = arith.cmpi slt, %arg1, %lt3A : i32
    %convert_element_type3A = arith.extui %lt3A_62 : i1 to i32
    %cond3A = arith.constant 0 : i32
    %cond3A_63 = arith.cmpi ne, %convert_element_type3A, %cond3A : i32
    scf.if %cond3A_63 {
      %mul3A_64 = arith.constant 1000 : i32
      %mul3A_65 = arith.muli %arg1, %mul3A_64 : i32
      %mul3A_66 = arith.constant 1000 : i32
      %mul3A_67 = arith.muli %arg1, %mul3A_66 : i32
      "tpu.region"() ({
        %run_scoped3A = tpu.sem_alloc : memref<!tpu.dma_semaphore, #tpu.memory_space<semaphore_mem>>
        %dma_start3A_68 = arith.constant 0 : i32
        %dma_start3A_69 = tpu.memref_slice %arg5[%arg0, %mul3A_67, %dma_start3A_68] : memref<2x10000x128xf32, #tpu.memory_space<hbm>> -> memref<1x1000x128xf32, #tpu.memory_space<hbm>>
        %dma_start3A_70 = tpu.memref_squeeze %dma_start3A_69 : memref<1x1000x128xf32, #tpu.memory_space<hbm>> -> memref<1000x128xf32, #tpu.memory_space<hbm>>
        %dma_start3A_71 = arith.constant 0 : i32
        %dma_start3A_72 = tpu.memref_slice %arg6[%mul3A_65, %dma_start3A_71] : memref<10000x128xf32, #tpu.memory_space<vmem_shared>> -> memref<1000x128xf32, #tpu.memory_space<vmem_shared>>
        tpu.enqueue_dma source(%dma_start3A_72 : memref<1000x128xf32, #tpu.memory_space<vmem_shared>>) target(%dma_start3A_70 : memref<1000x128xf32, #tpu.memory_space<hbm>>) target_semaphore(%run_scoped3A : memref<!tpu.dma_semaphore, #tpu.memory_space<semaphore_mem>>)
        %dma_wait3A = arith.constant 0 : i32
        %dma_wait3A_73 = tpu.memref_slice %arg5[%arg0, %mul3A_67, %dma_wait3A] : memref<2x10000x128xf32, #tpu.memory_space<hbm>> -> memref<1x1000x128xf32, #tpu.memory_space<hbm>>
        %dma_wait3A_74 = tpu.memref_squeeze %dma_wait3A_73 : memref<1x1000x128xf32, #tpu.memory_space<hbm>> -> memref<1000x128xf32, #tpu.memory_space<hbm>>
        %dma_wait3A_75 = arith.constant 0 : i32
        %dma_wait3A_76 = tpu.memref_slice %arg6[%mul3A_65, %dma_wait3A_75] : memref<10000x128xf32, #tpu.memory_space<vmem_shared>> -> memref<1000x128xf32, #tpu.memory_space<vmem_shared>>
        tpu.wait_dma2 semaphore(%run_scoped3A : memref<!tpu.dma_semaphore, #tpu.memory_space<semaphore_mem>>) src(%dma_wait3A_76 : memref<1000x128xf32, #tpu.memory_space<vmem_shared>>) dst(%dma_wait3A_74 : memref<1000x128xf32, #tpu.memory_space<hbm>>)
        tpu.yield
      }) : () -> ()
    } else {
    }
    return
  }
}

#map = affine_map<(d0, d1) -> (0, 0)>
#map1 = affine_map<(d0, d1) -> (0, 0, 0)>
module attributes {stable_mosaic.version = 14 : i64} {
  func.func @_sc_agg_body(%arg0: i32, %arg1: i32, %arg2: memref<10000x128xf32, #tpu.memory_space<hbm>>, %arg3: memref<32x10000xi32, #tpu.memory_space<hbm>>, %arg4: memref<32x10000xi32, #tpu.memory_space<hbm>>, %arg5: memref<2x10000x128xf32, #tpu.memory_space<hbm>>, %arg6: memref<10000x128xf32, #tpu.memory_space<vmem_shared>>, %arg7: memref<10000xi32, #tpu.memory_space<vmem>>, %arg8: memref<4x!tpu.dma_semaphore, #tpu.memory_space<semaphore_mem>>, %arg9: memref<4x40x128xf32, #tpu.memory_space<vmem>>, %arg10: memref<10000xi32, #tpu.memory_space<vmem>>, %arg11: memref<25x128xf32, #tpu.memory_space<vmem>>) attributes {dimension_semantics = [#tpu.dimension_semantics<core_parallel>, #tpu.dimension_semantics<subcore_parallel>], iteration_bounds = array<i64: 2, 16>, scalar_prefetch = 0 : i64, scratch_operands = 6 : i64, tpu.core_type = #tpu.core_type<sc_vector_subcore>, window_params = [{transform_indices = #map}, {transform_indices = #map}, {transform_indices = #map}, {transform_indices = #map1}]} {
    %mul3A = arith.constant 16 : i32
    %mul3A_0 = arith.muli %arg0, %mul3A : i32
    %add3A = arith.addi %mul3A_0, %arg1 : i32
    %scan3A = arith.constant 0 : i32
    %scan3A_1 = arith.constant 0 : i32
    %scan3A_2 = arith.constant 25 : i32
    %scan3A_3 = arith.addi %scan3A_1, %scan3A_2 : i32
    %scan3A_4 = arith.constant 1 : i32
    %scan3A_5 = scf.for %scan3A_64 = %scan3A_1 to %scan3A_3 step %scan3A_4 iter_args(%scan3A_65 = %scan3A) -> (i32)  : i32 {
      %broadcast_in_dim3A = arith.constant 0.000000e+00 : f32
      %broadcast_in_dim3A_66 = vector.broadcast %broadcast_in_dim3A : f32 to vector<16xf32>
      %swap3A = arith.index_cast %scan3A_64 : i32 to index
      %swap3A_67 = arith.constant 0 : index
      %swap3A_68 = tpu.vector_load %arg11[%swap3A, %swap3A_67] {strides = array<i32>} : memref<25x128xf32, #tpu.memory_space<vmem>>, vector<16xf32>,
      tpu.vector_store %arg11[%swap3A, %swap3A_67], %broadcast_in_dim3A_66 {strides = array<i32>} : memref<25x128xf32, #tpu.memory_space<vmem>>, vector<16xf32>,
      %broadcast_in_dim3A_69 = arith.constant 0.000000e+00 : f32
      %broadcast_in_dim3A_70 = vector.broadcast %broadcast_in_dim3A_69 : f32 to vector<16xf32>
      %swap3A_71 = arith.index_cast %scan3A_64 : i32 to index
      %swap3A_72 = arith.constant 16 : index
      %swap3A_73 = tpu.vector_load %arg11[%swap3A_71, %swap3A_72] {strides = array<i32>} : memref<25x128xf32, #tpu.memory_space<vmem>>, vector<16xf32>,
      tpu.vector_store %arg11[%swap3A_71, %swap3A_72], %broadcast_in_dim3A_70 {strides = array<i32>} : memref<25x128xf32, #tpu.memory_space<vmem>>, vector<16xf32>,
      %broadcast_in_dim3A_74 = arith.constant 0.000000e+00 : f32
      %broadcast_in_dim3A_75 = vector.broadcast %broadcast_in_dim3A_74 : f32 to vector<16xf32>
      %swap3A_76 = arith.index_cast %scan3A_64 : i32 to index
      %swap3A_77 = arith.constant 32 : index
      %swap3A_78 = tpu.vector_load %arg11[%swap3A_76, %swap3A_77] {strides = array<i32>} : memref<25x128xf32, #tpu.memory_space<vmem>>, vector<16xf32>,
      tpu.vector_store %arg11[%swap3A_76, %swap3A_77], %broadcast_in_dim3A_75 {strides = array<i32>} : memref<25x128xf32, #tpu.memory_space<vmem>>, vector<16xf32>,
      %broadcast_in_dim3A_79 = arith.constant 0.000000e+00 : f32
      %broadcast_in_dim3A_80 = vector.broadcast %broadcast_in_dim3A_79 : f32 to vector<16xf32>
      %swap3A_81 = arith.index_cast %scan3A_64 : i32 to index
      %swap3A_82 = arith.constant 48 : index
      %swap3A_83 = tpu.vector_load %arg11[%swap3A_81, %swap3A_82] {strides = array<i32>} : memref<25x128xf32, #tpu.memory_space<vmem>>, vector<16xf32>,
      tpu.vector_store %arg11[%swap3A_81, %swap3A_82], %broadcast_in_dim3A_80 {strides = array<i32>} : memref<25x128xf32, #tpu.memory_space<vmem>>, vector<16xf32>,
      %broadcast_in_dim3A_84 = arith.constant 0.000000e+00 : f32
      %broadcast_in_dim3A_85 = vector.broadcast %broadcast_in_dim3A_84 : f32 to vector<16xf32>
      %swap3A_86 = arith.index_cast %scan3A_64 : i32 to index
      %swap3A_87 = arith.constant 64 : index
      %swap3A_88 = tpu.vector_load %arg11[%swap3A_86, %swap3A_87] {strides = array<i32>} : memref<25x128xf32, #tpu.memory_space<vmem>>, vector<16xf32>,
      tpu.vector_store %arg11[%swap3A_86, %swap3A_87], %broadcast_in_dim3A_85 {strides = array<i32>} : memref<25x128xf32, #tpu.memory_space<vmem>>, vector<16xf32>,
      %broadcast_in_dim3A_89 = arith.constant 0.000000e+00 : f32
      %broadcast_in_dim3A_90 = vector.broadcast %broadcast_in_dim3A_89 : f32 to vector<16xf32>
      %swap3A_91 = arith.index_cast %scan3A_64 : i32 to index
      %swap3A_92 = arith.constant 80 : index
      %swap3A_93 = tpu.vector_load %arg11[%swap3A_91, %swap3A_92] {strides = array<i32>} : memref<25x128xf32, #tpu.memory_space<vmem>>, vector<16xf32>,
      tpu.vector_store %arg11[%swap3A_91, %swap3A_92], %broadcast_in_dim3A_90 {strides = array<i32>} : memref<25x128xf32, #tpu.memory_space<vmem>>, vector<16xf32>,
      %broadcast_in_dim3A_94 = arith.constant 0.000000e+00 : f32
      %broadcast_in_dim3A_95 = vector.broadcast %broadcast_in_dim3A_94 : f32 to vector<16xf32>
      %swap3A_96 = arith.index_cast %scan3A_64 : i32 to index
      %swap3A_97 = arith.constant 96 : index
      %swap3A_98 = tpu.vector_load %arg11[%swap3A_96, %swap3A_97] {strides = array<i32>} : memref<25x128xf32, #tpu.memory_space<vmem>>, vector<16xf32>,
      tpu.vector_store %arg11[%swap3A_96, %swap3A_97], %broadcast_in_dim3A_95 {strides = array<i32>} : memref<25x128xf32, #tpu.memory_space<vmem>>, vector<16xf32>,
      %broadcast_in_dim3A_99 = arith.constant 0.000000e+00 : f32
      %broadcast_in_dim3A_100 = vector.broadcast %broadcast_in_dim3A_99 : f32 to vector<16xf32>
      %swap3A_101 = arith.index_cast %scan3A_64 : i32 to index
      %swap3A_102 = arith.constant 112 : index
      %swap3A_103 = tpu.vector_load %arg11[%swap3A_101, %swap3A_102] {strides = array<i32>} : memref<25x128xf32, #tpu.memory_space<vmem>>, vector<16xf32>,
      tpu.vector_store %arg11[%swap3A_101, %swap3A_102], %broadcast_in_dim3A_100 {strides = array<i32>} : memref<25x128xf32, #tpu.memory_space<vmem>>, vector<16xf32>,
      %scan3A_104 = arith.constant 0 : i32
      scf.yield %scan3A_104 : i32
    }
    %scan3A_6 = arith.constant 25 : i32
    %scan3A_7 = arith.constant 0 : i32
    %scan3A_8 = arith.constant 0 : i32
    %scan3A_9 = arith.constant 25 : i32
    %scan3A_10 = arith.addi %scan3A_8, %scan3A_9 : i32
    %scan3A_11 = arith.constant 1 : i32
    %scan3A_12 = scf.for %scan3A_64 = %scan3A_8 to %scan3A_10 step %scan3A_11 iter_args(%scan3A_65 = %scan3A_7) -> (i32)  : i32 {
      %mul3A_66 = arith.constant 625 : i32
      %mul3A_67 = arith.muli %arg1, %mul3A_66 : i32
      %mul3A_68 = arith.constant 25 : i32
      %mul3A_69 = arith.muli %scan3A_64, %mul3A_68 : i32
      %add3A_70 = arith.addi %mul3A_67, %mul3A_69 : i32
      "tpu.region"() ({
        %run_scoped3A = tpu.sem_alloc : memref<!tpu.dma_semaphore, #tpu.memory_space<semaphore_mem>>
        %dma_start3A_72 = arith.constant 0 : i32
        %dma_start3A_73 = tpu.memref_slice %arg6[%add3A_70, %dma_start3A_72] : memref<10000x128xf32, #tpu.memory_space<vmem_shared>> -> memref<25x128xf32, #tpu.memory_space<vmem_shared>>
        %dma_start3A_74 = arith.constant 0 : i32
        %dma_start3A_75 = tpu.memref_slice %arg6[%add3A_70, %dma_start3A_74] : memref<10000x128xf32, #tpu.memory_space<vmem_shared>> -> memref<25x128xf32, #tpu.memory_space<vmem_shared>>
        tpu.enqueue_dma source(%arg11 : memref<25x128xf32, #tpu.memory_space<vmem>>) target(%dma_start3A_75 : memref<25x128xf32, #tpu.memory_space<vmem_shared>>) target_semaphore(%run_scoped3A : memref<!tpu.dma_semaphore, #tpu.memory_space<semaphore_mem>>)
        %dma_wait3A = arith.constant 0 : i32
        %dma_wait3A_76 = tpu.memref_slice %arg6[%add3A_70, %dma_wait3A] : memref<10000x128xf32, #tpu.memory_space<vmem_shared>> -> memref<25x128xf32, #tpu.memory_space<vmem_shared>>
        %dma_wait3A_77 = arith.constant 0 : i32
        %dma_wait3A_78 = tpu.memref_slice %arg6[%add3A_70, %dma_wait3A_77] : memref<10000x128xf32, #tpu.memory_space<vmem_shared>> -> memref<25x128xf32, #tpu.memory_space<vmem_shared>>
        tpu.wait_dma2 semaphore(%run_scoped3A : memref<!tpu.dma_semaphore, #tpu.memory_space<semaphore_mem>>) src(%arg11 : memref<25x128xf32, #tpu.memory_space<vmem>>) dst(%dma_wait3A_78 : memref<25x128xf32, #tpu.memory_space<vmem_shared>>)
        tpu.yield
      }) : () -> ()
      %scan3A_71 = arith.constant 0 : i32
      scf.yield %scan3A_71 : i32
    }
    %scan3A_13 = arith.constant 25 : i32
    "tpu.region"() ({
      %run_scoped3A = tpu.sem_alloc : memref<!tpu.dma_semaphore, #tpu.memory_space<semaphore_mem>>
      %dma_start3A_64 = arith.constant 0 : i32
      %dma_start3A_65 = tpu.memref_slice %arg3[%add3A, %dma_start3A_64] : memref<32x10000xi32, #tpu.memory_space<hbm>> -> memref<1x10000xi32, #tpu.memory_space<hbm>>
      %dma_start3A_66 = tpu.memref_squeeze %dma_start3A_65 : memref<1x10000xi32, #tpu.memory_space<hbm>> -> memref<10000xi32, #tpu.memory_space<hbm>>
      %dma_start3A_67 = arith.constant 0 : i32
      %dma_start3A_68 = tpu.memref_slice %arg3[%add3A, %dma_start3A_67] : memref<32x10000xi32, #tpu.memory_space<hbm>> -> memref<1x10000xi32, #tpu.memory_space<hbm>>
      %dma_start3A_69 = tpu.memref_squeeze %dma_start3A_68 : memref<1x10000xi32, #tpu.memory_space<hbm>> -> memref<10000xi32, #tpu.memory_space<hbm>>
      tpu.enqueue_dma source(%dma_start3A_69 : memref<10000xi32, #tpu.memory_space<hbm>>) target(%arg10 : memref<10000xi32, #tpu.memory_space<vmem>>) target_semaphore(%run_scoped3A : memref<!tpu.dma_semaphore, #tpu.memory_space<semaphore_mem>>)
      %dma_wait3A = arith.constant 0 : i32
      %dma_wait3A_70 = tpu.memref_slice %arg3[%add3A, %dma_wait3A] : memref<32x10000xi32, #tpu.memory_space<hbm>> -> memref<1x10000xi32, #tpu.memory_space<hbm>>
      %dma_wait3A_71 = tpu.memref_squeeze %dma_wait3A_70 : memref<1x10000xi32, #tpu.memory_space<hbm>> -> memref<10000xi32, #tpu.memory_space<hbm>>
      %dma_wait3A_72 = arith.constant 0 : i32
      %dma_wait3A_73 = tpu.memref_slice %arg3[%add3A, %dma_wait3A_72] : memref<32x10000xi32, #tpu.memory_space<hbm>> -> memref<1x10000xi32, #tpu.memory_space<hbm>>
      %dma_wait3A_74 = tpu.memref_squeeze %dma_wait3A_73 : memref<1x10000xi32, #tpu.memory_space<hbm>> -> memref<10000xi32, #tpu.memory_space<hbm>>
      tpu.wait_dma2 semaphore(%run_scoped3A : memref<!tpu.dma_semaphore, #tpu.memory_space<semaphore_mem>>) src(%dma_wait3A_74 : memref<10000xi32, #tpu.memory_space<hbm>>) dst(%arg10 : memref<10000xi32, #tpu.memory_space<vmem>>)
      tpu.yield
    }) : () -> ()
    "tpu.region"() ({
      %run_scoped3A = tpu.sem_alloc : memref<!tpu.dma_semaphore, #tpu.memory_space<semaphore_mem>>
      %dma_start3A_64 = arith.constant 0 : i32
      %dma_start3A_65 = tpu.memref_slice %arg4[%add3A, %dma_start3A_64] : memref<32x10000xi32, #tpu.memory_space<hbm>> -> memref<1x10000xi32, #tpu.memory_space<hbm>>
      %dma_start3A_66 = tpu.memref_squeeze %dma_start3A_65 : memref<1x10000xi32, #tpu.memory_space<hbm>> -> memref<10000xi32, #tpu.memory_space<hbm>>
      %dma_start3A_67 = arith.constant 0 : i32
      %dma_start3A_68 = tpu.memref_slice %arg4[%add3A, %dma_start3A_67] : memref<32x10000xi32, #tpu.memory_space<hbm>> -> memref<1x10000xi32, #tpu.memory_space<hbm>>
      %dma_start3A_69 = tpu.memref_squeeze %dma_start3A_68 : memref<1x10000xi32, #tpu.memory_space<hbm>> -> memref<10000xi32, #tpu.memory_space<hbm>>
      tpu.enqueue_dma source(%dma_start3A_69 : memref<10000xi32, #tpu.memory_space<hbm>>) target(%arg7 : memref<10000xi32, #tpu.memory_space<vmem>>) target_semaphore(%run_scoped3A : memref<!tpu.dma_semaphore, #tpu.memory_space<semaphore_mem>>)
      %dma_wait3A = arith.constant 0 : i32
      %dma_wait3A_70 = tpu.memref_slice %arg4[%add3A, %dma_wait3A] : memref<32x10000xi32, #tpu.memory_space<hbm>> -> memref<1x10000xi32, #tpu.memory_space<hbm>>
      %dma_wait3A_71 = tpu.memref_squeeze %dma_wait3A_70 : memref<1x10000xi32, #tpu.memory_space<hbm>> -> memref<10000xi32, #tpu.memory_space<hbm>>
      %dma_wait3A_72 = arith.constant 0 : i32
      %dma_wait3A_73 = tpu.memref_slice %arg4[%add3A, %dma_wait3A_72] : memref<32x10000xi32, #tpu.memory_space<hbm>> -> memref<1x10000xi32, #tpu.memory_space<hbm>>
      %dma_wait3A_74 = tpu.memref_squeeze %dma_wait3A_73 : memref<1x10000xi32, #tpu.memory_space<hbm>> -> memref<10000xi32, #tpu.memory_space<hbm>>
      tpu.wait_dma2 semaphore(%run_scoped3A : memref<!tpu.dma_semaphore, #tpu.memory_space<semaphore_mem>>) src(%dma_wait3A_74 : memref<10000xi32, #tpu.memory_space<hbm>>) dst(%arg7 : memref<10000xi32, #tpu.memory_space<vmem>>)
      tpu.yield
    }) : () -> ()
    %barrier3A = arith.constant 0 : index
    tpu.barrier barrier_id(%barrier3A)
    %rem3A = arith.constant 0 : i32
    %rem3A_14 = arith.constant 4 : i32
    %rem3A_15 = arith.remsi %rem3A, %rem3A_14 : i32
    %dma_start3A = arith.constant 0 : i32
    %dma_start3A_16 = arith.constant 0 : i32
    %dma_start3A_17 = tpu.memref_slice %arg9[%rem3A_15, %dma_start3A, %dma_start3A_16] : memref<4x40x128xf32, #tpu.memory_space<vmem>> -> memref<1x40x128xf32, #tpu.memory_space<vmem>>
    %dma_start3A_18 = tpu.memref_squeeze %dma_start3A_17 : memref<1x40x128xf32, #tpu.memory_space<vmem>> -> memref<40x128xf32, #tpu.memory_space<vmem>>
    %dma_start3A_19 = arith.constant 0 : i32
    %dma_start3A_20 = tpu.memref_slice %arg10[%dma_start3A_19] : memref<10000xi32, #tpu.memory_space<vmem>> -> memref<40xi32, #tpu.memory_space<vmem>>
    %dma_start3A_21 = arith.constant 0 : i32
    %dma_start3A_22 = arith.constant 0 : i32
    %dma_start3A_23 = tpu.memref_slice %arg2[%dma_start3A_21, %dma_start3A_22] : memref<10000x128xf32, #tpu.memory_space<hbm>> -> memref<10000x128xf32, #tpu.memory_space<hbm>>
    %dma_start3A_24 = tpu.memref_slice %arg8[%rem3A_15] : memref<4x!tpu.dma_semaphore, #tpu.memory_space<semaphore_mem>> -> memref<1x!tpu.dma_semaphore, #tpu.memory_space<semaphore_mem>>
    %dma_start3A_25 = tpu.memref_squeeze %dma_start3A_24 : memref<1x!tpu.dma_semaphore, #tpu.memory_space<semaphore_mem>> -> memref<!tpu.dma_semaphore, #tpu.memory_space<semaphore_mem>>
    tpu.enqueue_indirect_dma source(%dma_start3A_23 : memref<10000x128xf32, #tpu.memory_space<hbm>>) target(%dma_start3A_18 : memref<40x128xf32, #tpu.memory_space<vmem>>) offsets(%dma_start3A_20 : memref<40xi32, #tpu.memory_space<vmem>>) semaphore(%dma_start3A_25 : memref<!tpu.dma_semaphore, #tpu.memory_space<semaphore_mem>>)
    %rem3A_26 = arith.constant 1 : i32
    %rem3A_27 = arith.constant 4 : i32
    %rem3A_28 = arith.remsi %rem3A_26, %rem3A_27 : i32
    %dma_start3A_29 = arith.constant 0 : i32
    %dma_start3A_30 = arith.constant 0 : i32
    %dma_start3A_31 = tpu.memref_slice %arg9[%rem3A_28, %dma_start3A_29, %dma_start3A_30] : memref<4x40x128xf32, #tpu.memory_space<vmem>> -> memref<1x40x128xf32, #tpu.memory_space<vmem>>
    %dma_start3A_32 = tpu.memref_squeeze %dma_start3A_31 : memref<1x40x128xf32, #tpu.memory_space<vmem>> -> memref<40x128xf32, #tpu.memory_space<vmem>>
    %dma_start3A_33 = arith.constant 40 : i32
    %dma_start3A_34 = tpu.memref_slice %arg10[%dma_start3A_33] : memref<10000xi32, #tpu.memory_space<vmem>> -> memref<40xi32, #tpu.memory_space<vmem>>
    %dma_start3A_35 = arith.constant 0 : i32
    %dma_start3A_36 = arith.constant 0 : i32
    %dma_start3A_37 = tpu.memref_slice %arg2[%dma_start3A_35, %dma_start3A_36] : memref<10000x128xf32, #tpu.memory_space<hbm>> -> memref<10000x128xf32, #tpu.memory_space<hbm>>
    %dma_start3A_38 = tpu.memref_slice %arg8[%rem3A_28] : memref<4x!tpu.dma_semaphore, #tpu.memory_space<semaphore_mem>> -> memref<1x!tpu.dma_semaphore, #tpu.memory_space<semaphore_mem>>
    %dma_start3A_39 = tpu.memref_squeeze %dma_start3A_38 : memref<1x!tpu.dma_semaphore, #tpu.memory_space<semaphore_mem>> -> memref<!tpu.dma_semaphore, #tpu.memory_space<semaphore_mem>>
    tpu.enqueue_indirect_dma source(%dma_start3A_37 : memref<10000x128xf32, #tpu.memory_space<hbm>>) target(%dma_start3A_32 : memref<40x128xf32, #tpu.memory_space<vmem>>) offsets(%dma_start3A_34 : memref<40xi32, #tpu.memory_space<vmem>>) semaphore(%dma_start3A_39 : memref<!tpu.dma_semaphore, #tpu.memory_space<semaphore_mem>>)
    %rem3A_40 = arith.constant 2 : i32
    %rem3A_41 = arith.constant 4 : i32
    %rem3A_42 = arith.remsi %rem3A_40, %rem3A_41 : i32
    %dma_start3A_43 = arith.constant 0 : i32
    %dma_start3A_44 = arith.constant 0 : i32
    %dma_start3A_45 = tpu.memref_slice %arg9[%rem3A_42, %dma_start3A_43, %dma_start3A_44] : memref<4x40x128xf32, #tpu.memory_space<vmem>> -> memref<1x40x128xf32, #tpu.memory_space<vmem>>
    %dma_start3A_46 = tpu.memref_squeeze %dma_start3A_45 : memref<1x40x128xf32, #tpu.memory_space<vmem>> -> memref<40x128xf32, #tpu.memory_space<vmem>>
    %dma_start3A_47 = arith.constant 80 : i32
    %dma_start3A_48 = tpu.memref_slice %arg10[%dma_start3A_47] : memref<10000xi32, #tpu.memory_space<vmem>> -> memref<40xi32, #tpu.memory_space<vmem>>
    %dma_start3A_49 = arith.constant 0 : i32
    %dma_start3A_50 = arith.constant 0 : i32
    %dma_start3A_51 = tpu.memref_slice %arg2[%dma_start3A_49, %dma_start3A_50] : memref<10000x128xf32, #tpu.memory_space<hbm>> -> memref<10000x128xf32, #tpu.memory_space<hbm>>
    %dma_start3A_52 = tpu.memref_slice %arg8[%rem3A_42] : memref<4x!tpu.dma_semaphore, #tpu.memory_space<semaphore_mem>> -> memref<1x!tpu.dma_semaphore, #tpu.memory_space<semaphore_mem>>
    %dma_start3A_53 = tpu.memref_squeeze %dma_start3A_52 : memref<1x!tpu.dma_semaphore, #tpu.memory_space<semaphore_mem>> -> memref<!tpu.dma_semaphore, #tpu.memory_space<semaphore_mem>>
    tpu.enqueue_indirect_dma source(%dma_start3A_51 : memref<10000x128xf32, #tpu.memory_space<hbm>>) target(%dma_start3A_46 : memref<40x128xf32, #tpu.memory_space<vmem>>) offsets(%dma_start3A_48 : memref<40xi32, #tpu.memory_space<vmem>>) semaphore(%dma_start3A_53 : memref<!tpu.dma_semaphore, #tpu.memory_space<semaphore_mem>>)
    %scan3A_54 = arith.constant 0 : i32
    %scan3A_55 = arith.constant 0 : i32
    %scan3A_56 = arith.constant 250 : i32
    %scan3A_57 = arith.addi %scan3A_55, %scan3A_56 : i32
    %scan3A_58 = arith.constant 1 : i32
    %scan3A_59 = scf.for %scan3A_64 = %scan3A_55 to %scan3A_57 step %scan3A_58 iter_args(%scan3A_65 = %scan3A_54) -> (i32)  : i32 {
      %rem3A_66 = arith.constant 4 : i32
      %rem3A_67 = arith.remsi %scan3A_64, %rem3A_66 : i32
      %mul3A_68 = arith.constant 40 : i32
      %mul3A_69 = arith.muli %scan3A_64, %mul3A_68 : i32
      %dma_wait3A = arith.constant 0 : i32
      %dma_wait3A_70 = arith.constant 0 : i32
      %dma_wait3A_71 = tpu.memref_slice %arg9[%rem3A_67, %dma_wait3A, %dma_wait3A_70] : memref<4x40x128xf32, #tpu.memory_space<vmem>> -> memref<1x40x128xf32, #tpu.memory_space<vmem>>
      %dma_wait3A_72 = tpu.memref_squeeze %dma_wait3A_71 : memref<1x40x128xf32, #tpu.memory_space<vmem>> -> memref<40x128xf32, #tpu.memory_space<vmem>>
      %dma_wait3A_73 = tpu.memref_slice %arg10[%mul3A_69] : memref<10000xi32, #tpu.memory_space<vmem>> -> memref<40xi32, #tpu.memory_space<vmem>>
      %dma_wait3A_74 = arith.constant 0 : i32
      %dma_wait3A_75 = arith.constant 0 : i32
      %dma_wait3A_76 = tpu.memref_slice %arg2[%dma_wait3A_74, %dma_wait3A_75] : memref<10000x128xf32, #tpu.memory_space<hbm>> -> memref<10000x128xf32, #tpu.memory_space<hbm>>
      %dma_wait3A_77 = tpu.memref_slice %arg8[%rem3A_67] : memref<4x!tpu.dma_semaphore, #tpu.memory_space<semaphore_mem>> -> memref<1x!tpu.dma_semaphore, #tpu.memory_space<semaphore_mem>>
      %dma_wait3A_78 = tpu.memref_squeeze %dma_wait3A_77 : memref<1x!tpu.dma_semaphore, #tpu.memory_space<semaphore_mem>> -> memref<!tpu.dma_semaphore, #tpu.memory_space<semaphore_mem>>
      tpu.wait_indirect_dma semaphore(%dma_wait3A_78 : memref<!tpu.dma_semaphore, #tpu.memory_space<semaphore_mem>>) src(%dma_wait3A_76 : memref<10000x128xf32, #tpu.memory_space<hbm>>) dst(%dma_wait3A_72 : memref<40x128xf32, #tpu.memory_space<vmem>>)
      %add3A_79 = arith.constant 3 : i32
      %add3A_80 = arith.addi %scan3A_64, %add3A_79 : i32
      %lt3A_81 = arith.constant 250 : i32
      %lt3A_82 = arith.cmpi slt, %add3A_80, %lt3A_81 : i32
      %convert_element_type3A_83 = arith.extui %lt3A_82 : i1 to i32
      %cond3A_84 = arith.constant 0 : i32
      %cond3A_85 = arith.cmpi ne, %convert_element_type3A_83, %cond3A_84 : i32
      scf.if %cond3A_85 {
        %add3A_91 = arith.constant 3 : i32
        %add3A_92 = arith.addi %scan3A_64, %add3A_91 : i32
        %rem3A_93 = arith.constant 4 : i32
        %rem3A_94 = arith.remsi %add3A_92, %rem3A_93 : i32
        %mul3A_95 = arith.constant 40 : i32
        %mul3A_96 = arith.muli %add3A_92, %mul3A_95 : i32
        %dma_start3A_97 = arith.constant 0 : i32
        %dma_start3A_98 = arith.constant 0 : i32
        %dma_start3A_99 = tpu.memref_slice %arg9[%rem3A_94, %dma_start3A_97, %dma_start3A_98] : memref<4x40x128xf32, #tpu.memory_space<vmem>> -> memref<1x40x128xf32, #tpu.memory_space<vmem>>
        %dma_start3A_100 = tpu.memref_squeeze %dma_start3A_99 : memref<1x40x128xf32, #tpu.memory_space<vmem>> -> memref<40x128xf32, #tpu.memory_space<vmem>>
        %dma_start3A_101 = tpu.memref_slice %arg10[%mul3A_96] : memref<10000xi32, #tpu.memory_space<vmem>> -> memref<40xi32, #tpu.memory_space<vmem>>
        %dma_start3A_102 = arith.constant 0 : i32
        %dma_start3A_103 = arith.constant 0 : i32
        %dma_start3A_104 = tpu.memref_slice %arg2[%dma_start3A_102, %dma_start3A_103] : memref<10000x128xf32, #tpu.memory_space<hbm>> -> memref<10000x128xf32, #tpu.memory_space<hbm>>
        %dma_start3A_105 = tpu.memref_slice %arg8[%rem3A_94] : memref<4x!tpu.dma_semaphore, #tpu.memory_space<semaphore_mem>> -> memref<1x!tpu.dma_semaphore, #tpu.memory_space<semaphore_mem>>
        %dma_start3A_106 = tpu.memref_squeeze %dma_start3A_105 : memref<1x!tpu.dma_semaphore, #tpu.memory_space<semaphore_mem>> -> memref<!tpu.dma_semaphore, #tpu.memory_space<semaphore_mem>>
        tpu.enqueue_indirect_dma source(%dma_start3A_104 : memref<10000x128xf32, #tpu.memory_space<hbm>>) target(%dma_start3A_100 : memref<40x128xf32, #tpu.memory_space<vmem>>) offsets(%dma_start3A_101 : memref<40xi32, #tpu.memory_space<vmem>>) semaphore(%dma_start3A_106 : memref<!tpu.dma_semaphore, #tpu.memory_space<semaphore_mem>>)
      } else {
      }
      %rem3A_86 = arith.constant 4 : i32
      %rem3A_87 = arith.remsi %scan3A_64, %rem3A_86 : i32
      %mul3A_88 = arith.constant 40 : i32
      %mul3A_89 = arith.muli %scan3A_64, %mul3A_88 : i32
      "tpu.region"() ({
        %run_scoped3A = tpu.sem_alloc : memref<!tpu.dma_semaphore, #tpu.memory_space<semaphore_mem>>
        %dma_start3A_91 = arith.constant 0 : i32
        %dma_start3A_92 = arith.constant 0 : i32
        %dma_start3A_93 = tpu.memref_slice %arg9[%rem3A_87, %dma_start3A_91, %dma_start3A_92] : memref<4x40x128xf32, #tpu.memory_space<vmem>> -> memref<1x40x128xf32, #tpu.memory_space<vmem>>
        %dma_start3A_94 = tpu.memref_squeeze %dma_start3A_93 : memref<1x40x128xf32, #tpu.memory_space<vmem>> -> memref<40x128xf32, #tpu.memory_space<vmem>>
        %dma_start3A_95 = tpu.memref_slice %arg7[%mul3A_89] : memref<10000xi32, #tpu.memory_space<vmem>> -> memref<40xi32, #tpu.memory_space<vmem>>
        %dma_start3A_96 = arith.constant 0 : i32
        %dma_start3A_97 = arith.constant 0 : i32
        %dma_start3A_98 = tpu.memref_slice %arg6[%dma_start3A_96, %dma_start3A_97] : memref<10000x128xf32, #tpu.memory_space<vmem_shared>> -> memref<10000x128xf32, #tpu.memory_space<vmem_shared>>
        tpu.enqueue_indirect_dma source(%dma_start3A_94 : memref<40x128xf32, #tpu.memory_space<vmem>>) target(%dma_start3A_98 : memref<10000x128xf32, #tpu.memory_space<vmem_shared>>) offsets(%dma_start3A_95 : memref<40xi32, #tpu.memory_space<vmem>>) semaphore(%run_scoped3A : memref<!tpu.dma_semaphore, #tpu.memory_space<semaphore_mem>>) {add = true}
        %dma_wait3A_99 = arith.constant 0 : i32
        %dma_wait3A_100 = arith.constant 0 : i32
        %dma_wait3A_101 = tpu.memref_slice %arg9[%rem3A_87, %dma_wait3A_99, %dma_wait3A_100] : memref<4x40x128xf32, #tpu.memory_space<vmem>> -> memref<1x40x128xf32, #tpu.memory_space<vmem>>
        %dma_wait3A_102 = tpu.memref_squeeze %dma_wait3A_101 : memref<1x40x128xf32, #tpu.memory_space<vmem>> -> memref<40x128xf32, #tpu.memory_space<vmem>>
        %dma_wait3A_103 = tpu.memref_slice %arg7[%mul3A_89] : memref<10000xi32, #tpu.memory_space<vmem>> -> memref<40xi32, #tpu.memory_space<vmem>>
        %dma_wait3A_104 = arith.constant 0 : i32
        %dma_wait3A_105 = arith.constant 0 : i32
        %dma_wait3A_106 = tpu.memref_slice %arg6[%dma_wait3A_104, %dma_wait3A_105] : memref<10000x128xf32, #tpu.memory_space<vmem_shared>> -> memref<10000x128xf32, #tpu.memory_space<vmem_shared>>
        tpu.wait_indirect_dma semaphore(%run_scoped3A : memref<!tpu.dma_semaphore, #tpu.memory_space<semaphore_mem>>) src(%dma_wait3A_102 : memref<40x128xf32, #tpu.memory_space<vmem>>) dst(%dma_wait3A_106 : memref<10000x128xf32, #tpu.memory_space<vmem_shared>>)
        tpu.yield
      }) : () -> ()
      %scan3A_90 = arith.constant 0 : i32
      scf.yield %scan3A_90 : i32
    }
    %scan3A_60 = arith.constant 250 : i32
    %barrier3A_61 = arith.constant 0 : index
    tpu.barrier barrier_id(%barrier3A_61)
    %lt3A = arith.constant 10 : i32
    %lt3A_62 = arith.cmpi slt, %arg1, %lt3A : i32
    %convert_element_type3A = arith.extui %lt3A_62 : i1 to i32
    %cond3A = arith.constant 0 : i32
    %cond3A_63 = arith.cmpi ne, %convert_element_type3A, %cond3A : i32
    scf.if %cond3A_63 {
      %mul3A_64 = arith.constant 1000 : i32
      %mul3A_65 = arith.muli %arg1, %mul3A_64 : i32
      %mul3A_66 = arith.constant 1000 : i32
      %mul3A_67 = arith.muli %arg1, %mul3A_66 : i32
      "tpu.region"() ({
        %run_scoped3A = tpu.sem_alloc : memref<!tpu.dma_semaphore, #tpu.memory_space<semaphore_mem>>
        %dma_start3A_68 = arith.constant 0 : i32
        %dma_start3A_69 = tpu.memref_slice %arg5[%arg0, %mul3A_67, %dma_start3A_68] : memref<2x10000x128xf32, #tpu.memory_space<hbm>> -> memref<1x1000x128xf32, #tpu.memory_space<hbm>>
        %dma_start3A_70 = tpu.memref_squeeze %dma_start3A_69 : memref<1x1000x128xf32, #tpu.memory_space<hbm>> -> memref<1000x128xf32, #tpu.memory_space<hbm>>
        %dma_start3A_71 = arith.constant 0 : i32
        %dma_start3A_72 = tpu.memref_slice %arg6[%mul3A_65, %dma_start3A_71] : memref<10000x128xf32, #tpu.memory_space<vmem_shared>> -> memref<1000x128xf32, #tpu.memory_space<vmem_shared>>
        tpu.enqueue_dma source(%dma_start3A_72 : memref<1000x128xf32, #tpu.memory_space<vmem_shared>>) target(%dma_start3A_70 : memref<1000x128xf32, #tpu.memory_space<hbm>>) target_semaphore(%run_scoped3A : memref<!tpu.dma_semaphore, #tpu.memory_space<semaphore_mem>>)
        %dma_wait3A = arith.constant 0 : i32
        %dma_wait3A_73 = tpu.memref_slice %arg5[%arg0, %mul3A_67, %dma_wait3A] : memref<2x10000x128xf32, #tpu.memory_space<hbm>> -> memref<1x1000x128xf32, #tpu.memory_space<hbm>>
        %dma_wait3A_74 = tpu.memref_squeeze %dma_wait3A_73 : memref<1x1000x128xf32, #tpu.memory_space<hbm>> -> memref<1000x128xf32, #tpu.memory_space<hbm>>
        %dma_wait3A_75 = arith.constant 0 : i32
        %dma_wait3A_76 = tpu.memref_slice %arg6[%mul3A_65, %dma_wait3A_75] : memref<10000x128xf32, #tpu.memory_space<vmem_shared>> -> memref<1000x128xf32, #tpu.memory_space<vmem_shared>>
        tpu.wait_dma2 semaphore(%run_scoped3A : memref<!tpu.dma_semaphore, #tpu.memory_space<semaphore_mem>>) src(%dma_wait3A_76 : memref<1000x128xf32, #tpu.memory_space<vmem_shared>>) dst(%dma_wait3A_74 : memref<1000x128xf32, #tpu.memory_space<hbm>>)
        tpu.yield
      }) : () -> ()
    } else {
    }
    return
  }
}

#map = affine_map<(d0, d1) -> (0, 0)>
#map1 = affine_map<(d0, d1) -> (0, 0, 0)>
module attributes {stable_mosaic.version = 14 : i64} {
  func.func @_sc_deg_body(%arg0: i32, %arg1: i32, %arg2: memref<32x10000xi32, #tpu.memory_space<hbm>>, %arg3: memref<2x10000x16xf32, #tpu.memory_space<hbm>>, %arg4: memref<10000x16xf32, #tpu.memory_space<vmem_shared>>, %arg5: memref<10000xi32, #tpu.memory_space<vmem>>, %arg6: memref<40x16xf32, #tpu.memory_space<vmem>>, %arg7: memref<3x!tpu.dma_semaphore, #tpu.memory_space<semaphore_mem>>, %arg8: memref<25x16xf32, #tpu.memory_space<vmem>>) attributes {dimension_semantics = [#tpu.dimension_semantics<core_parallel>, #tpu.dimension_semantics<subcore_parallel>], iteration_bounds = array<i64: 2, 16>, scalar_prefetch = 0 : i64, scratch_operands = 5 : i64, tpu.core_type = #tpu.core_type<sc_vector_subcore>, window_params = [{transform_indices = #map}, {transform_indices = #map1}]} {
    %mul3A = arith.constant 16 : i32
    %mul3A_0 = arith.muli %arg0, %mul3A : i32
    %add3A = arith.addi %mul3A_0, %arg1 : i32
    %scan3A = arith.constant 0 : i32
    %scan3A_1 = arith.constant 0 : i32
    %scan3A_2 = arith.constant 25 : i32
    %scan3A_3 = arith.addi %scan3A_1, %scan3A_2 : i32
    %scan3A_4 = arith.constant 1 : i32
    %scan3A_5 = scf.for %scan3A_59 = %scan3A_1 to %scan3A_3 step %scan3A_4 iter_args(%scan3A_60 = %scan3A) -> (i32)  : i32 {
      %broadcast_in_dim3A = arith.constant 0.000000e+00 : f32
      %broadcast_in_dim3A_61 = vector.broadcast %broadcast_in_dim3A : f32 to vector<16xf32>
      %swap3A = arith.index_cast %scan3A_59 : i32 to index
      %swap3A_62 = arith.constant 0 : index
      %swap3A_63 = tpu.vector_load %arg8[%swap3A, %swap3A_62] {strides = array<i32>} : memref<25x16xf32, #tpu.memory_space<vmem>>, vector<16xf32>,
      tpu.vector_store %arg8[%swap3A, %swap3A_62], %broadcast_in_dim3A_61 {strides = array<i32>} : memref<25x16xf32, #tpu.memory_space<vmem>>, vector<16xf32>,
      %scan3A_64 = arith.constant 0 : i32
      scf.yield %scan3A_64 : i32
    }
    %scan3A_6 = arith.constant 25 : i32
    %scan3A_7 = arith.constant 0 : i32
    %scan3A_8 = arith.constant 0 : i32
    %scan3A_9 = arith.constant 25 : i32
    %scan3A_10 = arith.addi %scan3A_8, %scan3A_9 : i32
    %scan3A_11 = arith.constant 1 : i32
    %scan3A_12 = scf.for %scan3A_59 = %scan3A_8 to %scan3A_10 step %scan3A_11 iter_args(%scan3A_60 = %scan3A_7) -> (i32)  : i32 {
      %mul3A_61 = arith.constant 625 : i32
      %mul3A_62 = arith.muli %arg1, %mul3A_61 : i32
      %mul3A_63 = arith.constant 25 : i32
      %mul3A_64 = arith.muli %scan3A_59, %mul3A_63 : i32
      %add3A_65 = arith.addi %mul3A_62, %mul3A_64 : i32
      "tpu.region"() ({
        %run_scoped3A = tpu.sem_alloc : memref<!tpu.dma_semaphore, #tpu.memory_space<semaphore_mem>>
        %dma_start3A_67 = arith.constant 0 : i32
        %dma_start3A_68 = tpu.memref_slice %arg4[%add3A_65, %dma_start3A_67] : memref<10000x16xf32, #tpu.memory_space<vmem_shared>> -> memref<25x16xf32, #tpu.memory_space<vmem_shared>>
        %dma_start3A_69 = arith.constant 0 : i32
        %dma_start3A_70 = tpu.memref_slice %arg4[%add3A_65, %dma_start3A_69] : memref<10000x16xf32, #tpu.memory_space<vmem_shared>> -> memref<25x16xf32, #tpu.memory_space<vmem_shared>>
        tpu.enqueue_dma source(%arg8 : memref<25x16xf32, #tpu.memory_space<vmem>>) target(%dma_start3A_70 : memref<25x16xf32, #tpu.memory_space<vmem_shared>>) target_semaphore(%run_scoped3A : memref<!tpu.dma_semaphore, #tpu.memory_space<semaphore_mem>>)
        %dma_wait3A = arith.constant 0 : i32
        %dma_wait3A_71 = tpu.memref_slice %arg4[%add3A_65, %dma_wait3A] : memref<10000x16xf32, #tpu.memory_space<vmem_shared>> -> memref<25x16xf32, #tpu.memory_space<vmem_shared>>
        %dma_wait3A_72 = arith.constant 0 : i32
        %dma_wait3A_73 = tpu.memref_slice %arg4[%add3A_65, %dma_wait3A_72] : memref<10000x16xf32, #tpu.memory_space<vmem_shared>> -> memref<25x16xf32, #tpu.memory_space<vmem_shared>>
        tpu.wait_dma2 semaphore(%run_scoped3A : memref<!tpu.dma_semaphore, #tpu.memory_space<semaphore_mem>>) src(%arg8 : memref<25x16xf32, #tpu.memory_space<vmem>>) dst(%dma_wait3A_73 : memref<25x16xf32, #tpu.memory_space<vmem_shared>>)
        tpu.yield
      }) : () -> ()
      %scan3A_66 = arith.constant 0 : i32
      scf.yield %scan3A_66 : i32
    }
    %scan3A_13 = arith.constant 25 : i32
    %scan3A_14 = arith.constant 0 : i32
    %scan3A_15 = arith.constant 0 : i32
    %scan3A_16 = arith.constant 40 : i32
    %scan3A_17 = arith.addi %scan3A_15, %scan3A_16 : i32
    %scan3A_18 = arith.constant 1 : i32
    %scan3A_19 = scf.for %scan3A_59 = %scan3A_15 to %scan3A_17 step %scan3A_18 iter_args(%scan3A_60 = %scan3A_14) -> (i32)  : i32 {
      %broadcast_in_dim3A = arith.constant 1.000000e+00 : f32
      %broadcast_in_dim3A_61 = vector.broadcast %broadcast_in_dim3A : f32 to vector<16xf32>
      %swap3A = arith.index_cast %scan3A_59 : i32 to index
      %swap3A_62 = arith.constant 0 : index
      %swap3A_63 = tpu.vector_load %arg6[%swap3A, %swap3A_62] {strides = array<i32>} : memref<40x16xf32, #tpu.memory_space<vmem>>, vector<16xf32>,
      tpu.vector_store %arg6[%swap3A, %swap3A_62], %broadcast_in_dim3A_61 {strides = array<i32>} : memref<40x16xf32, #tpu.memory_space<vmem>>, vector<16xf32>,
      %scan3A_64 = arith.constant 0 : i32
      scf.yield %scan3A_64 : i32
    }
    %scan3A_20 = arith.constant 40 : i32
    "tpu.region"() ({
      %run_scoped3A = tpu.sem_alloc : memref<!tpu.dma_semaphore, #tpu.memory_space<semaphore_mem>>
      %dma_start3A_59 = arith.constant 0 : i32
      %dma_start3A_60 = tpu.memref_slice %arg2[%add3A, %dma_start3A_59] : memref<32x10000xi32, #tpu.memory_space<hbm>> -> memref<1x10000xi32, #tpu.memory_space<hbm>>
      %dma_start3A_61 = tpu.memref_squeeze %dma_start3A_60 : memref<1x10000xi32, #tpu.memory_space<hbm>> -> memref<10000xi32, #tpu.memory_space<hbm>>
      %dma_start3A_62 = arith.constant 0 : i32
      %dma_start3A_63 = tpu.memref_slice %arg2[%add3A, %dma_start3A_62] : memref<32x10000xi32, #tpu.memory_space<hbm>> -> memref<1x10000xi32, #tpu.memory_space<hbm>>
      %dma_start3A_64 = tpu.memref_squeeze %dma_start3A_63 : memref<1x10000xi32, #tpu.memory_space<hbm>> -> memref<10000xi32, #tpu.memory_space<hbm>>
      tpu.enqueue_dma source(%dma_start3A_64 : memref<10000xi32, #tpu.memory_space<hbm>>) target(%arg5 : memref<10000xi32, #tpu.memory_space<vmem>>) target_semaphore(%run_scoped3A : memref<!tpu.dma_semaphore, #tpu.memory_space<semaphore_mem>>)
      %dma_wait3A = arith.constant 0 : i32
      %dma_wait3A_65 = tpu.memref_slice %arg2[%add3A, %dma_wait3A] : memref<32x10000xi32, #tpu.memory_space<hbm>> -> memref<1x10000xi32, #tpu.memory_space<hbm>>
      %dma_wait3A_66 = tpu.memref_squeeze %dma_wait3A_65 : memref<1x10000xi32, #tpu.memory_space<hbm>> -> memref<10000xi32, #tpu.memory_space<hbm>>
      %dma_wait3A_67 = arith.constant 0 : i32
      %dma_wait3A_68 = tpu.memref_slice %arg2[%add3A, %dma_wait3A_67] : memref<32x10000xi32, #tpu.memory_space<hbm>> -> memref<1x10000xi32, #tpu.memory_space<hbm>>
      %dma_wait3A_69 = tpu.memref_squeeze %dma_wait3A_68 : memref<1x10000xi32, #tpu.memory_space<hbm>> -> memref<10000xi32, #tpu.memory_space<hbm>>
      tpu.wait_dma2 semaphore(%run_scoped3A : memref<!tpu.dma_semaphore, #tpu.memory_space<semaphore_mem>>) src(%dma_wait3A_69 : memref<10000xi32, #tpu.memory_space<hbm>>) dst(%arg5 : memref<10000xi32, #tpu.memory_space<vmem>>)
      tpu.yield
    }) : () -> ()
    %barrier3A = arith.constant 0 : index
    tpu.barrier barrier_id(%barrier3A)
    %rem3A = arith.constant 0 : i32
    %rem3A_21 = arith.constant 3 : i32
    %rem3A_22 = arith.remsi %rem3A, %rem3A_21 : i32
    %dma_start3A = arith.constant 0 : i32
    %dma_start3A_23 = tpu.memref_slice %arg5[%dma_start3A] : memref<10000xi32, #tpu.memory_space<vmem>> -> memref<40xi32, #tpu.memory_space<vmem>>
    %dma_start3A_24 = arith.constant 0 : i32
    %dma_start3A_25 = arith.constant 0 : i32
    %dma_start3A_26 = tpu.memref_slice %arg4[%dma_start3A_24, %dma_start3A_25] : memref<10000x16xf32, #tpu.memory_space<vmem_shared>> -> memref<10000x16xf32, #tpu.memory_space<vmem_shared>>
    %dma_start3A_27 = tpu.memref_slice %arg7[%rem3A_22] : memref<3x!tpu.dma_semaphore, #tpu.memory_space<semaphore_mem>> -> memref<1x!tpu.dma_semaphore, #tpu.memory_space<semaphore_mem>>
    %dma_start3A_28 = tpu.memref_squeeze %dma_start3A_27 : memref<1x!tpu.dma_semaphore, #tpu.memory_space<semaphore_mem>> -> memref<!tpu.dma_semaphore, #tpu.memory_space<semaphore_mem>>
    tpu.enqueue_indirect_dma source(%arg6 : memref<40x16xf32, #tpu.memory_space<vmem>>) target(%dma_start3A_26 : memref<10000x16xf32, #tpu.memory_space<vmem_shared>>) offsets(%dma_start3A_23 : memref<40xi32, #tpu.memory_space<vmem>>) semaphore(%dma_start3A_28 : memref<!tpu.dma_semaphore, #tpu.memory_space<semaphore_mem>>) {add = true}
    %rem3A_29 = arith.constant 1 : i32
    %rem3A_30 = arith.constant 3 : i32
    %rem3A_31 = arith.remsi %rem3A_29, %rem3A_30 : i32
    %dma_start3A_32 = arith.constant 40 : i32
    %dma_start3A_33 = tpu.memref_slice %arg5[%dma_start3A_32] : memref<10000xi32, #tpu.memory_space<vmem>> -> memref<40xi32, #tpu.memory_space<vmem>>
    %dma_start3A_34 = arith.constant 0 : i32
    %dma_start3A_35 = arith.constant 0 : i32
    %dma_start3A_36 = tpu.memref_slice %arg4[%dma_start3A_34, %dma_start3A_35] : memref<10000x16xf32, #tpu.memory_space<vmem_shared>> -> memref<10000x16xf32, #tpu.memory_space<vmem_shared>>
    %dma_start3A_37 = tpu.memref_slice %arg7[%rem3A_31] : memref<3x!tpu.dma_semaphore, #tpu.memory_space<semaphore_mem>> -> memref<1x!tpu.dma_semaphore, #tpu.memory_space<semaphore_mem>>
    %dma_start3A_38 = tpu.memref_squeeze %dma_start3A_37 : memref<1x!tpu.dma_semaphore, #tpu.memory_space<semaphore_mem>> -> memref<!tpu.dma_semaphore, #tpu.memory_space<semaphore_mem>>
    tpu.enqueue_indirect_dma source(%arg6 : memref<40x16xf32, #tpu.memory_space<vmem>>) target(%dma_start3A_36 : memref<10000x16xf32, #tpu.memory_space<vmem_shared>>) offsets(%dma_start3A_33 : memref<40xi32, #tpu.memory_space<vmem>>) semaphore(%dma_start3A_38 : memref<!tpu.dma_semaphore, #tpu.memory_space<semaphore_mem>>) {add = true}
    %rem3A_39 = arith.constant 2 : i32
    %rem3A_40 = arith.constant 3 : i32
    %rem3A_41 = arith.remsi %rem3A_39, %rem3A_40 : i32
    %dma_start3A_42 = arith.constant 80 : i32
    %dma_start3A_43 = tpu.memref_slice %arg5[%dma_start3A_42] : memref<10000xi32, #tpu.memory_space<vmem>> -> memref<40xi32, #tpu.memory_space<vmem>>
    %dma_start3A_44 = arith.constant 0 : i32
    %dma_start3A_45 = arith.constant 0 : i32
    %dma_start3A_46 = tpu.memref_slice %arg4[%dma_start3A_44, %dma_start3A_45] : memref<10000x16xf32, #tpu.memory_space<vmem_shared>> -> memref<10000x16xf32, #tpu.memory_space<vmem_shared>>
    %dma_start3A_47 = tpu.memref_slice %arg7[%rem3A_41] : memref<3x!tpu.dma_semaphore, #tpu.memory_space<semaphore_mem>> -> memref<1x!tpu.dma_semaphore, #tpu.memory_space<semaphore_mem>>
    %dma_start3A_48 = tpu.memref_squeeze %dma_start3A_47 : memref<1x!tpu.dma_semaphore, #tpu.memory_space<semaphore_mem>> -> memref<!tpu.dma_semaphore, #tpu.memory_space<semaphore_mem>>
    tpu.enqueue_indirect_dma source(%arg6 : memref<40x16xf32, #tpu.memory_space<vmem>>) target(%dma_start3A_46 : memref<10000x16xf32, #tpu.memory_space<vmem_shared>>) offsets(%dma_start3A_43 : memref<40xi32, #tpu.memory_space<vmem>>) semaphore(%dma_start3A_48 : memref<!tpu.dma_semaphore, #tpu.memory_space<semaphore_mem>>) {add = true}
    %scan3A_49 = arith.constant 0 : i32
    %scan3A_50 = arith.constant 0 : i32
    %scan3A_51 = arith.constant 250 : i32
    %scan3A_52 = arith.addi %scan3A_50, %scan3A_51 : i32
    %scan3A_53 = arith.constant 1 : i32
    %scan3A_54 = scf.for %scan3A_59 = %scan3A_50 to %scan3A_52 step %scan3A_53 iter_args(%scan3A_60 = %scan3A_49) -> (i32)  : i32 {
      %mul3A_61 = arith.constant 40 : i32
      %mul3A_62 = arith.muli %scan3A_59, %mul3A_61 : i32
      %rem3A_63 = arith.constant 3 : i32
      %rem3A_64 = arith.remsi %scan3A_59, %rem3A_63 : i32
      %dma_wait3A = tpu.memref_slice %arg5[%mul3A_62] : memref<10000xi32, #tpu.memory_space<vmem>> -> memref<40xi32, #tpu.memory_space<vmem>>
      %dma_wait3A_65 = arith.constant 0 : i32
      %dma_wait3A_66 = arith.constant 0 : i32
      %dma_wait3A_67 = tpu.memref_slice %arg4[%dma_wait3A_65, %dma_wait3A_66] : memref<10000x16xf32, #tpu.memory_space<vmem_shared>> -> memref<10000x16xf32, #tpu.memory_space<vmem_shared>>
      %dma_wait3A_68 = tpu.memref_slice %arg7[%rem3A_64] : memref<3x!tpu.dma_semaphore, #tpu.memory_space<semaphore_mem>> -> memref<1x!tpu.dma_semaphore, #tpu.memory_space<semaphore_mem>>
      %dma_wait3A_69 = tpu.memref_squeeze %dma_wait3A_68 : memref<1x!tpu.dma_semaphore, #tpu.memory_space<semaphore_mem>> -> memref<!tpu.dma_semaphore, #tpu.memory_space<semaphore_mem>>
      tpu.wait_indirect_dma semaphore(%dma_wait3A_69 : memref<!tpu.dma_semaphore, #tpu.memory_space<semaphore_mem>>) src(%arg6 : memref<40x16xf32, #tpu.memory_space<vmem>>) dst(%dma_wait3A_67 : memref<10000x16xf32, #tpu.memory_space<vmem_shared>>)
      %add3A_70 = arith.constant 3 : i32
      %add3A_71 = arith.addi %scan3A_59, %add3A_70 : i32
      %lt3A_72 = arith.constant 250 : i32
      %lt3A_73 = arith.cmpi slt, %add3A_71, %lt3A_72 : i32
      %convert_element_type3A_74 = arith.extui %lt3A_73 : i1 to i32
      %cond3A_75 = arith.constant 0 : i32
      %cond3A_76 = arith.cmpi ne, %convert_element_type3A_74, %cond3A_75 : i32
      scf.if %cond3A_76 {
        %add3A_78 = arith.constant 3 : i32
        %add3A_79 = arith.addi %scan3A_59, %add3A_78 : i32
        %mul3A_80 = arith.constant 40 : i32
        %mul3A_81 = arith.muli %add3A_79, %mul3A_80 : i32
        %rem3A_82 = arith.constant 3 : i32
        %rem3A_83 = arith.remsi %add3A_79, %rem3A_82 : i32
        %dma_start3A_84 = tpu.memref_slice %arg5[%mul3A_81] : memref<10000xi32, #tpu.memory_space<vmem>> -> memref<40xi32, #tpu.memory_space<vmem>>
        %dma_start3A_85 = arith.constant 0 : i32
        %dma_start3A_86 = arith.constant 0 : i32
        %dma_start3A_87 = tpu.memref_slice %arg4[%dma_start3A_85, %dma_start3A_86] : memref<10000x16xf32, #tpu.memory_space<vmem_shared>> -> memref<10000x16xf32, #tpu.memory_space<vmem_shared>>
        %dma_start3A_88 = tpu.memref_slice %arg7[%rem3A_83] : memref<3x!tpu.dma_semaphore, #tpu.memory_space<semaphore_mem>> -> memref<1x!tpu.dma_semaphore, #tpu.memory_space<semaphore_mem>>
        %dma_start3A_89 = tpu.memref_squeeze %dma_start3A_88 : memref<1x!tpu.dma_semaphore, #tpu.memory_space<semaphore_mem>> -> memref<!tpu.dma_semaphore, #tpu.memory_space<semaphore_mem>>
        tpu.enqueue_indirect_dma source(%arg6 : memref<40x16xf32, #tpu.memory_space<vmem>>) target(%dma_start3A_87 : memref<10000x16xf32, #tpu.memory_space<vmem_shared>>) offsets(%dma_start3A_84 : memref<40xi32, #tpu.memory_space<vmem>>) semaphore(%dma_start3A_89 : memref<!tpu.dma_semaphore, #tpu.memory_space<semaphore_mem>>) {add = true}
      } else {
      }
      %scan3A_77 = arith.constant 0 : i32
      scf.yield %scan3A_77 : i32
    }
    %scan3A_55 = arith.constant 250 : i32
    %barrier3A_56 = arith.constant 0 : index
    tpu.barrier barrier_id(%barrier3A_56)
    %lt3A = arith.constant 10 : i32
    %lt3A_57 = arith.cmpi slt, %arg1, %lt3A : i32
    %convert_element_type3A = arith.extui %lt3A_57 : i1 to i32
    %cond3A = arith.constant 0 : i32
    %cond3A_58 = arith.cmpi ne, %convert_element_type3A, %cond3A : i32
    scf.if %cond3A_58 {
      %mul3A_59 = arith.constant 1000 : i32
      %mul3A_60 = arith.muli %arg1, %mul3A_59 : i32
      %mul3A_61 = arith.constant 1000 : i32
      %mul3A_62 = arith.muli %arg1, %mul3A_61 : i32
      "tpu.region"() ({
        %run_scoped3A = tpu.sem_alloc : memref<!tpu.dma_semaphore, #tpu.memory_space<semaphore_mem>>
        %dma_start3A_63 = arith.constant 0 : i32
        %dma_start3A_64 = tpu.memref_slice %arg3[%arg0, %mul3A_62, %dma_start3A_63] : memref<2x10000x16xf32, #tpu.memory_space<hbm>> -> memref<1x1000x16xf32, #tpu.memory_space<hbm>>
        %dma_start3A_65 = tpu.memref_squeeze %dma_start3A_64 : memref<1x1000x16xf32, #tpu.memory_space<hbm>> -> memref<1000x16xf32, #tpu.memory_space<hbm>>
        %dma_start3A_66 = arith.constant 0 : i32
        %dma_start3A_67 = tpu.memref_slice %arg4[%mul3A_60, %dma_start3A_66] : memref<10000x16xf32, #tpu.memory_space<vmem_shared>> -> memref<1000x16xf32, #tpu.memory_space<vmem_shared>>
        tpu.enqueue_dma source(%dma_start3A_67 : memref<1000x16xf32, #tpu.memory_space<vmem_shared>>) target(%dma_start3A_65 : memref<1000x16xf32, #tpu.memory_space<hbm>>) target_semaphore(%run_scoped3A : memref<!tpu.dma_semaphore, #tpu.memory_space<semaphore_mem>>)
        %dma_wait3A = arith.constant 0 : i32
        %dma_wait3A_68 = tpu.memref_slice %arg3[%arg0, %mul3A_62, %dma_wait3A] : memref<2x10000x16xf32, #tpu.memory_space<hbm>> -> memref<1x1000x16xf32, #tpu.memory_space<hbm>>
        %dma_wait3A_69 = tpu.memref_squeeze %dma_wait3A_68 : memref<1x1000x16xf32, #tpu.memory_space<hbm>> -> memref<1000x16xf32, #tpu.memory_space<hbm>>
        %dma_wait3A_70 = arith.constant 0 : i32
        %dma_wait3A_71 = tpu.memref_slice %arg4[%mul3A_60, %dma_wait3A_70] : memref<10000x16xf32, #tpu.memory_space<vmem_shared>> -> memref<1000x16xf32, #tpu.memory_space<vmem_shared>>
        tpu.wait_dma2 semaphore(%run_scoped3A : memref<!tpu.dma_semaphore, #tpu.memory_space<semaphore_mem>>) src(%dma_wait3A_71 : memref<1000x16xf32, #tpu.memory_space<vmem_shared>>) dst(%dma_wait3A_69 : memref<1000x16xf32, #tpu.memory_space<hbm>>)
        tpu.yield
      }) : () -> ()
    } else {
    }
    return
  }
}

#map = affine_map<(d0, d1) -> (0, 0)>
#map1 = affine_map<(d0, d1) -> (0, 0, 0)>
module attributes {stable_mosaic.version = 14 : i64} {
  func.func @_sc_agg_body(%arg0: i32, %arg1: i32, %arg2: memref<10000x128xf32, #tpu.memory_space<hbm>>, %arg3: memref<32x10000xi32, #tpu.memory_space<hbm>>, %arg4: memref<32x10000xi32, #tpu.memory_space<hbm>>, %arg5: memref<2x10000x128xf32, #tpu.memory_space<hbm>>, %arg6: memref<10000x128xf32, #tpu.memory_space<vmem_shared>>, %arg7: memref<10000xi32, #tpu.memory_space<vmem>>, %arg8: memref<4x!tpu.dma_semaphore, #tpu.memory_space<semaphore_mem>>, %arg9: memref<4x40x128xf32, #tpu.memory_space<vmem>>, %arg10: memref<10000xi32, #tpu.memory_space<vmem>>, %arg11: memref<25x128xf32, #tpu.memory_space<vmem>>) attributes {dimension_semantics = [#tpu.dimension_semantics<core_parallel>, #tpu.dimension_semantics<subcore_parallel>], iteration_bounds = array<i64: 2, 16>, scalar_prefetch = 0 : i64, scratch_operands = 6 : i64, tpu.core_type = #tpu.core_type<sc_vector_subcore>, window_params = [{transform_indices = #map}, {transform_indices = #map}, {transform_indices = #map}, {transform_indices = #map1}]} {
    %mul3A = arith.constant 16 : i32
    %mul3A_0 = arith.muli %arg0, %mul3A : i32
    %add3A = arith.addi %mul3A_0, %arg1 : i32
    %scan3A = arith.constant 0 : i32
    %scan3A_1 = arith.constant 0 : i32
    %scan3A_2 = arith.constant 25 : i32
    %scan3A_3 = arith.addi %scan3A_1, %scan3A_2 : i32
    %scan3A_4 = arith.constant 1 : i32
    %scan3A_5 = scf.for %scan3A_64 = %scan3A_1 to %scan3A_3 step %scan3A_4 iter_args(%scan3A_65 = %scan3A) -> (i32)  : i32 {
      %broadcast_in_dim3A = arith.constant 0.000000e+00 : f32
      %broadcast_in_dim3A_66 = vector.broadcast %broadcast_in_dim3A : f32 to vector<16xf32>
      %swap3A = arith.index_cast %scan3A_64 : i32 to index
      %swap3A_67 = arith.constant 0 : index
      %swap3A_68 = tpu.vector_load %arg11[%swap3A, %swap3A_67] {strides = array<i32>} : memref<25x128xf32, #tpu.memory_space<vmem>>, vector<16xf32>,
      tpu.vector_store %arg11[%swap3A, %swap3A_67], %broadcast_in_dim3A_66 {strides = array<i32>} : memref<25x128xf32, #tpu.memory_space<vmem>>, vector<16xf32>,
      %broadcast_in_dim3A_69 = arith.constant 0.000000e+00 : f32
      %broadcast_in_dim3A_70 = vector.broadcast %broadcast_in_dim3A_69 : f32 to vector<16xf32>
      %swap3A_71 = arith.index_cast %scan3A_64 : i32 to index
      %swap3A_72 = arith.constant 16 : index
      %swap3A_73 = tpu.vector_load %arg11[%swap3A_71, %swap3A_72] {strides = array<i32>} : memref<25x128xf32, #tpu.memory_space<vmem>>, vector<16xf32>,
      tpu.vector_store %arg11[%swap3A_71, %swap3A_72], %broadcast_in_dim3A_70 {strides = array<i32>} : memref<25x128xf32, #tpu.memory_space<vmem>>, vector<16xf32>,
      %broadcast_in_dim3A_74 = arith.constant 0.000000e+00 : f32
      %broadcast_in_dim3A_75 = vector.broadcast %broadcast_in_dim3A_74 : f32 to vector<16xf32>
      %swap3A_76 = arith.index_cast %scan3A_64 : i32 to index
      %swap3A_77 = arith.constant 32 : index
      %swap3A_78 = tpu.vector_load %arg11[%swap3A_76, %swap3A_77] {strides = array<i32>} : memref<25x128xf32, #tpu.memory_space<vmem>>, vector<16xf32>,
      tpu.vector_store %arg11[%swap3A_76, %swap3A_77], %broadcast_in_dim3A_75 {strides = array<i32>} : memref<25x128xf32, #tpu.memory_space<vmem>>, vector<16xf32>,
      %broadcast_in_dim3A_79 = arith.constant 0.000000e+00 : f32
      %broadcast_in_dim3A_80 = vector.broadcast %broadcast_in_dim3A_79 : f32 to vector<16xf32>
      %swap3A_81 = arith.index_cast %scan3A_64 : i32 to index
      %swap3A_82 = arith.constant 48 : index
      %swap3A_83 = tpu.vector_load %arg11[%swap3A_81, %swap3A_82] {strides = array<i32>} : memref<25x128xf32, #tpu.memory_space<vmem>>, vector<16xf32>,
      tpu.vector_store %arg11[%swap3A_81, %swap3A_82], %broadcast_in_dim3A_80 {strides = array<i32>} : memref<25x128xf32, #tpu.memory_space<vmem>>, vector<16xf32>,
      %broadcast_in_dim3A_84 = arith.constant 0.000000e+00 : f32
      %broadcast_in_dim3A_85 = vector.broadcast %broadcast_in_dim3A_84 : f32 to vector<16xf32>
      %swap3A_86 = arith.index_cast %scan3A_64 : i32 to index
      %swap3A_87 = arith.constant 64 : index
      %swap3A_88 = tpu.vector_load %arg11[%swap3A_86, %swap3A_87] {strides = array<i32>} : memref<25x128xf32, #tpu.memory_space<vmem>>, vector<16xf32>,
      tpu.vector_store %arg11[%swap3A_86, %swap3A_87], %broadcast_in_dim3A_85 {strides = array<i32>} : memref<25x128xf32, #tpu.memory_space<vmem>>, vector<16xf32>,
      %broadcast_in_dim3A_89 = arith.constant 0.000000e+00 : f32
      %broadcast_in_dim3A_90 = vector.broadcast %broadcast_in_dim3A_89 : f32 to vector<16xf32>
      %swap3A_91 = arith.index_cast %scan3A_64 : i32 to index
      %swap3A_92 = arith.constant 80 : index
      %swap3A_93 = tpu.vector_load %arg11[%swap3A_91, %swap3A_92] {strides = array<i32>} : memref<25x128xf32, #tpu.memory_space<vmem>>, vector<16xf32>,
      tpu.vector_store %arg11[%swap3A_91, %swap3A_92], %broadcast_in_dim3A_90 {strides = array<i32>} : memref<25x128xf32, #tpu.memory_space<vmem>>, vector<16xf32>,
      %broadcast_in_dim3A_94 = arith.constant 0.000000e+00 : f32
      %broadcast_in_dim3A_95 = vector.broadcast %broadcast_in_dim3A_94 : f32 to vector<16xf32>
      %swap3A_96 = arith.index_cast %scan3A_64 : i32 to index
      %swap3A_97 = arith.constant 96 : index
      %swap3A_98 = tpu.vector_load %arg11[%swap3A_96, %swap3A_97] {strides = array<i32>} : memref<25x128xf32, #tpu.memory_space<vmem>>, vector<16xf32>,
      tpu.vector_store %arg11[%swap3A_96, %swap3A_97], %broadcast_in_dim3A_95 {strides = array<i32>} : memref<25x128xf32, #tpu.memory_space<vmem>>, vector<16xf32>,
      %broadcast_in_dim3A_99 = arith.constant 0.000000e+00 : f32
      %broadcast_in_dim3A_100 = vector.broadcast %broadcast_in_dim3A_99 : f32 to vector<16xf32>
      %swap3A_101 = arith.index_cast %scan3A_64 : i32 to index
      %swap3A_102 = arith.constant 112 : index
      %swap3A_103 = tpu.vector_load %arg11[%swap3A_101, %swap3A_102] {strides = array<i32>} : memref<25x128xf32, #tpu.memory_space<vmem>>, vector<16xf32>,
      tpu.vector_store %arg11[%swap3A_101, %swap3A_102], %broadcast_in_dim3A_100 {strides = array<i32>} : memref<25x128xf32, #tpu.memory_space<vmem>>, vector<16xf32>,
      %scan3A_104 = arith.constant 0 : i32
      scf.yield %scan3A_104 : i32
    }
    %scan3A_6 = arith.constant 25 : i32
    %scan3A_7 = arith.constant 0 : i32
    %scan3A_8 = arith.constant 0 : i32
    %scan3A_9 = arith.constant 25 : i32
    %scan3A_10 = arith.addi %scan3A_8, %scan3A_9 : i32
    %scan3A_11 = arith.constant 1 : i32
    %scan3A_12 = scf.for %scan3A_64 = %scan3A_8 to %scan3A_10 step %scan3A_11 iter_args(%scan3A_65 = %scan3A_7) -> (i32)  : i32 {
      %mul3A_66 = arith.constant 625 : i32
      %mul3A_67 = arith.muli %arg1, %mul3A_66 : i32
      %mul3A_68 = arith.constant 25 : i32
      %mul3A_69 = arith.muli %scan3A_64, %mul3A_68 : i32
      %add3A_70 = arith.addi %mul3A_67, %mul3A_69 : i32
      "tpu.region"() ({
        %run_scoped3A = tpu.sem_alloc : memref<!tpu.dma_semaphore, #tpu.memory_space<semaphore_mem>>
        %dma_start3A_72 = arith.constant 0 : i32
        %dma_start3A_73 = tpu.memref_slice %arg6[%add3A_70, %dma_start3A_72] : memref<10000x128xf32, #tpu.memory_space<vmem_shared>> -> memref<25x128xf32, #tpu.memory_space<vmem_shared>>
        %dma_start3A_74 = arith.constant 0 : i32
        %dma_start3A_75 = tpu.memref_slice %arg6[%add3A_70, %dma_start3A_74] : memref<10000x128xf32, #tpu.memory_space<vmem_shared>> -> memref<25x128xf32, #tpu.memory_space<vmem_shared>>
        tpu.enqueue_dma source(%arg11 : memref<25x128xf32, #tpu.memory_space<vmem>>) target(%dma_start3A_75 : memref<25x128xf32, #tpu.memory_space<vmem_shared>>) target_semaphore(%run_scoped3A : memref<!tpu.dma_semaphore, #tpu.memory_space<semaphore_mem>>)
        %dma_wait3A = arith.constant 0 : i32
        %dma_wait3A_76 = tpu.memref_slice %arg6[%add3A_70, %dma_wait3A] : memref<10000x128xf32, #tpu.memory_space<vmem_shared>> -> memref<25x128xf32, #tpu.memory_space<vmem_shared>>
        %dma_wait3A_77 = arith.constant 0 : i32
        %dma_wait3A_78 = tpu.memref_slice %arg6[%add3A_70, %dma_wait3A_77] : memref<10000x128xf32, #tpu.memory_space<vmem_shared>> -> memref<25x128xf32, #tpu.memory_space<vmem_shared>>
        tpu.wait_dma2 semaphore(%run_scoped3A : memref<!tpu.dma_semaphore, #tpu.memory_space<semaphore_mem>>) src(%arg11 : memref<25x128xf32, #tpu.memory_space<vmem>>) dst(%dma_wait3A_78 : memref<25x128xf32, #tpu.memory_space<vmem_shared>>)
        tpu.yield
      }) : () -> ()
      %scan3A_71 = arith.constant 0 : i32
      scf.yield %scan3A_71 : i32
    }
    %scan3A_13 = arith.constant 25 : i32
    "tpu.region"() ({
      %run_scoped3A = tpu.sem_alloc : memref<!tpu.dma_semaphore, #tpu.memory_space<semaphore_mem>>
      %dma_start3A_64 = arith.constant 0 : i32
      %dma_start3A_65 = tpu.memref_slice %arg3[%add3A, %dma_start3A_64] : memref<32x10000xi32, #tpu.memory_space<hbm>> -> memref<1x10000xi32, #tpu.memory_space<hbm>>
      %dma_start3A_66 = tpu.memref_squeeze %dma_start3A_65 : memref<1x10000xi32, #tpu.memory_space<hbm>> -> memref<10000xi32, #tpu.memory_space<hbm>>
      %dma_start3A_67 = arith.constant 0 : i32
      %dma_start3A_68 = tpu.memref_slice %arg3[%add3A, %dma_start3A_67] : memref<32x10000xi32, #tpu.memory_space<hbm>> -> memref<1x10000xi32, #tpu.memory_space<hbm>>
      %dma_start3A_69 = tpu.memref_squeeze %dma_start3A_68 : memref<1x10000xi32, #tpu.memory_space<hbm>> -> memref<10000xi32, #tpu.memory_space<hbm>>
      tpu.enqueue_dma source(%dma_start3A_69 : memref<10000xi32, #tpu.memory_space<hbm>>) target(%arg10 : memref<10000xi32, #tpu.memory_space<vmem>>) target_semaphore(%run_scoped3A : memref<!tpu.dma_semaphore, #tpu.memory_space<semaphore_mem>>)
      %dma_wait3A = arith.constant 0 : i32
      %dma_wait3A_70 = tpu.memref_slice %arg3[%add3A, %dma_wait3A] : memref<32x10000xi32, #tpu.memory_space<hbm>> -> memref<1x10000xi32, #tpu.memory_space<hbm>>
      %dma_wait3A_71 = tpu.memref_squeeze %dma_wait3A_70 : memref<1x10000xi32, #tpu.memory_space<hbm>> -> memref<10000xi32, #tpu.memory_space<hbm>>
      %dma_wait3A_72 = arith.constant 0 : i32
      %dma_wait3A_73 = tpu.memref_slice %arg3[%add3A, %dma_wait3A_72] : memref<32x10000xi32, #tpu.memory_space<hbm>> -> memref<1x10000xi32, #tpu.memory_space<hbm>>
      %dma_wait3A_74 = tpu.memref_squeeze %dma_wait3A_73 : memref<1x10000xi32, #tpu.memory_space<hbm>> -> memref<10000xi32, #tpu.memory_space<hbm>>
      tpu.wait_dma2 semaphore(%run_scoped3A : memref<!tpu.dma_semaphore, #tpu.memory_space<semaphore_mem>>) src(%dma_wait3A_74 : memref<10000xi32, #tpu.memory_space<hbm>>) dst(%arg10 : memref<10000xi32, #tpu.memory_space<vmem>>)
      tpu.yield
    }) : () -> ()
    "tpu.region"() ({
      %run_scoped3A = tpu.sem_alloc : memref<!tpu.dma_semaphore, #tpu.memory_space<semaphore_mem>>
      %dma_start3A_64 = arith.constant 0 : i32
      %dma_start3A_65 = tpu.memref_slice %arg4[%add3A, %dma_start3A_64] : memref<32x10000xi32, #tpu.memory_space<hbm>> -> memref<1x10000xi32, #tpu.memory_space<hbm>>
      %dma_start3A_66 = tpu.memref_squeeze %dma_start3A_65 : memref<1x10000xi32, #tpu.memory_space<hbm>> -> memref<10000xi32, #tpu.memory_space<hbm>>
      %dma_start3A_67 = arith.constant 0 : i32
      %dma_start3A_68 = tpu.memref_slice %arg4[%add3A, %dma_start3A_67] : memref<32x10000xi32, #tpu.memory_space<hbm>> -> memref<1x10000xi32, #tpu.memory_space<hbm>>
      %dma_start3A_69 = tpu.memref_squeeze %dma_start3A_68 : memref<1x10000xi32, #tpu.memory_space<hbm>> -> memref<10000xi32, #tpu.memory_space<hbm>>
      tpu.enqueue_dma source(%dma_start3A_69 : memref<10000xi32, #tpu.memory_space<hbm>>) target(%arg7 : memref<10000xi32, #tpu.memory_space<vmem>>) target_semaphore(%run_scoped3A : memref<!tpu.dma_semaphore, #tpu.memory_space<semaphore_mem>>)
      %dma_wait3A = arith.constant 0 : i32
      %dma_wait3A_70 = tpu.memref_slice %arg4[%add3A, %dma_wait3A] : memref<32x10000xi32, #tpu.memory_space<hbm>> -> memref<1x10000xi32, #tpu.memory_space<hbm>>
      %dma_wait3A_71 = tpu.memref_squeeze %dma_wait3A_70 : memref<1x10000xi32, #tpu.memory_space<hbm>> -> memref<10000xi32, #tpu.memory_space<hbm>>
      %dma_wait3A_72 = arith.constant 0 : i32
      %dma_wait3A_73 = tpu.memref_slice %arg4[%add3A, %dma_wait3A_72] : memref<32x10000xi32, #tpu.memory_space<hbm>> -> memref<1x10000xi32, #tpu.memory_space<hbm>>
      %dma_wait3A_74 = tpu.memref_squeeze %dma_wait3A_73 : memref<1x10000xi32, #tpu.memory_space<hbm>> -> memref<10000xi32, #tpu.memory_space<hbm>>
      tpu.wait_dma2 semaphore(%run_scoped3A : memref<!tpu.dma_semaphore, #tpu.memory_space<semaphore_mem>>) src(%dma_wait3A_74 : memref<10000xi32, #tpu.memory_space<hbm>>) dst(%arg7 : memref<10000xi32, #tpu.memory_space<vmem>>)
      tpu.yield
    }) : () -> ()
    %barrier3A = arith.constant 0 : index
    tpu.barrier barrier_id(%barrier3A)
    %rem3A = arith.constant 0 : i32
    %rem3A_14 = arith.constant 4 : i32
    %rem3A_15 = arith.remsi %rem3A, %rem3A_14 : i32
    %dma_start3A = arith.constant 0 : i32
    %dma_start3A_16 = arith.constant 0 : i32
    %dma_start3A_17 = tpu.memref_slice %arg9[%rem3A_15, %dma_start3A, %dma_start3A_16] : memref<4x40x128xf32, #tpu.memory_space<vmem>> -> memref<1x40x128xf32, #tpu.memory_space<vmem>>
    %dma_start3A_18 = tpu.memref_squeeze %dma_start3A_17 : memref<1x40x128xf32, #tpu.memory_space<vmem>> -> memref<40x128xf32, #tpu.memory_space<vmem>>
    %dma_start3A_19 = arith.constant 0 : i32
    %dma_start3A_20 = tpu.memref_slice %arg10[%dma_start3A_19] : memref<10000xi32, #tpu.memory_space<vmem>> -> memref<40xi32, #tpu.memory_space<vmem>>
    %dma_start3A_21 = arith.constant 0 : i32
    %dma_start3A_22 = arith.constant 0 : i32
    %dma_start3A_23 = tpu.memref_slice %arg2[%dma_start3A_21, %dma_start3A_22] : memref<10000x128xf32, #tpu.memory_space<hbm>> -> memref<10000x128xf32, #tpu.memory_space<hbm>>
    %dma_start3A_24 = tpu.memref_slice %arg8[%rem3A_15] : memref<4x!tpu.dma_semaphore, #tpu.memory_space<semaphore_mem>> -> memref<1x!tpu.dma_semaphore, #tpu.memory_space<semaphore_mem>>
    %dma_start3A_25 = tpu.memref_squeeze %dma_start3A_24 : memref<1x!tpu.dma_semaphore, #tpu.memory_space<semaphore_mem>> -> memref<!tpu.dma_semaphore, #tpu.memory_space<semaphore_mem>>
    tpu.enqueue_indirect_dma source(%dma_start3A_23 : memref<10000x128xf32, #tpu.memory_space<hbm>>) target(%dma_start3A_18 : memref<40x128xf32, #tpu.memory_space<vmem>>) offsets(%dma_start3A_20 : memref<40xi32, #tpu.memory_space<vmem>>) semaphore(%dma_start3A_25 : memref<!tpu.dma_semaphore, #tpu.memory_space<semaphore_mem>>)
    %rem3A_26 = arith.constant 1 : i32
    %rem3A_27 = arith.constant 4 : i32
    %rem3A_28 = arith.remsi %rem3A_26, %rem3A_27 : i32
    %dma_start3A_29 = arith.constant 0 : i32
    %dma_start3A_30 = arith.constant 0 : i32
    %dma_start3A_31 = tpu.memref_slice %arg9[%rem3A_28, %dma_start3A_29, %dma_start3A_30] : memref<4x40x128xf32, #tpu.memory_space<vmem>> -> memref<1x40x128xf32, #tpu.memory_space<vmem>>
    %dma_start3A_32 = tpu.memref_squeeze %dma_start3A_31 : memref<1x40x128xf32, #tpu.memory_space<vmem>> -> memref<40x128xf32, #tpu.memory_space<vmem>>
    %dma_start3A_33 = arith.constant 40 : i32
    %dma_start3A_34 = tpu.memref_slice %arg10[%dma_start3A_33] : memref<10000xi32, #tpu.memory_space<vmem>> -> memref<40xi32, #tpu.memory_space<vmem>>
    %dma_start3A_35 = arith.constant 0 : i32
    %dma_start3A_36 = arith.constant 0 : i32
    %dma_start3A_37 = tpu.memref_slice %arg2[%dma_start3A_35, %dma_start3A_36] : memref<10000x128xf32, #tpu.memory_space<hbm>> -> memref<10000x128xf32, #tpu.memory_space<hbm>>
    %dma_start3A_38 = tpu.memref_slice %arg8[%rem3A_28] : memref<4x!tpu.dma_semaphore, #tpu.memory_space<semaphore_mem>> -> memref<1x!tpu.dma_semaphore, #tpu.memory_space<semaphore_mem>>
    %dma_start3A_39 = tpu.memref_squeeze %dma_start3A_38 : memref<1x!tpu.dma_semaphore, #tpu.memory_space<semaphore_mem>> -> memref<!tpu.dma_semaphore, #tpu.memory_space<semaphore_mem>>
    tpu.enqueue_indirect_dma source(%dma_start3A_37 : memref<10000x128xf32, #tpu.memory_space<hbm>>) target(%dma_start3A_32 : memref<40x128xf32, #tpu.memory_space<vmem>>) offsets(%dma_start3A_34 : memref<40xi32, #tpu.memory_space<vmem>>) semaphore(%dma_start3A_39 : memref<!tpu.dma_semaphore, #tpu.memory_space<semaphore_mem>>)
    %rem3A_40 = arith.constant 2 : i32
    %rem3A_41 = arith.constant 4 : i32
    %rem3A_42 = arith.remsi %rem3A_40, %rem3A_41 : i32
    %dma_start3A_43 = arith.constant 0 : i32
    %dma_start3A_44 = arith.constant 0 : i32
    %dma_start3A_45 = tpu.memref_slice %arg9[%rem3A_42, %dma_start3A_43, %dma_start3A_44] : memref<4x40x128xf32, #tpu.memory_space<vmem>> -> memref<1x40x128xf32, #tpu.memory_space<vmem>>
    %dma_start3A_46 = tpu.memref_squeeze %dma_start3A_45 : memref<1x40x128xf32, #tpu.memory_space<vmem>> -> memref<40x128xf32, #tpu.memory_space<vmem>>
    %dma_start3A_47 = arith.constant 80 : i32
    %dma_start3A_48 = tpu.memref_slice %arg10[%dma_start3A_47] : memref<10000xi32, #tpu.memory_space<vmem>> -> memref<40xi32, #tpu.memory_space<vmem>>
    %dma_start3A_49 = arith.constant 0 : i32
    %dma_start3A_50 = arith.constant 0 : i32
    %dma_start3A_51 = tpu.memref_slice %arg2[%dma_start3A_49, %dma_start3A_50] : memref<10000x128xf32, #tpu.memory_space<hbm>> -> memref<10000x128xf32, #tpu.memory_space<hbm>>
    %dma_start3A_52 = tpu.memref_slice %arg8[%rem3A_42] : memref<4x!tpu.dma_semaphore, #tpu.memory_space<semaphore_mem>> -> memref<1x!tpu.dma_semaphore, #tpu.memory_space<semaphore_mem>>
    %dma_start3A_53 = tpu.memref_squeeze %dma_start3A_52 : memref<1x!tpu.dma_semaphore, #tpu.memory_space<semaphore_mem>> -> memref<!tpu.dma_semaphore, #tpu.memory_space<semaphore_mem>>
    tpu.enqueue_indirect_dma source(%dma_start3A_51 : memref<10000x128xf32, #tpu.memory_space<hbm>>) target(%dma_start3A_46 : memref<40x128xf32, #tpu.memory_space<vmem>>) offsets(%dma_start3A_48 : memref<40xi32, #tpu.memory_space<vmem>>) semaphore(%dma_start3A_53 : memref<!tpu.dma_semaphore, #tpu.memory_space<semaphore_mem>>)
    %scan3A_54 = arith.constant 0 : i32
    %scan3A_55 = arith.constant 0 : i32
    %scan3A_56 = arith.constant 250 : i32
    %scan3A_57 = arith.addi %scan3A_55, %scan3A_56 : i32
    %scan3A_58 = arith.constant 1 : i32
    %scan3A_59 = scf.for %scan3A_64 = %scan3A_55 to %scan3A_57 step %scan3A_58 iter_args(%scan3A_65 = %scan3A_54) -> (i32)  : i32 {
      %rem3A_66 = arith.constant 4 : i32
      %rem3A_67 = arith.remsi %scan3A_64, %rem3A_66 : i32
      %mul3A_68 = arith.constant 40 : i32
      %mul3A_69 = arith.muli %scan3A_64, %mul3A_68 : i32
      %dma_wait3A = arith.constant 0 : i32
      %dma_wait3A_70 = arith.constant 0 : i32
      %dma_wait3A_71 = tpu.memref_slice %arg9[%rem3A_67, %dma_wait3A, %dma_wait3A_70] : memref<4x40x128xf32, #tpu.memory_space<vmem>> -> memref<1x40x128xf32, #tpu.memory_space<vmem>>
      %dma_wait3A_72 = tpu.memref_squeeze %dma_wait3A_71 : memref<1x40x128xf32, #tpu.memory_space<vmem>> -> memref<40x128xf32, #tpu.memory_space<vmem>>
      %dma_wait3A_73 = tpu.memref_slice %arg10[%mul3A_69] : memref<10000xi32, #tpu.memory_space<vmem>> -> memref<40xi32, #tpu.memory_space<vmem>>
      %dma_wait3A_74 = arith.constant 0 : i32
      %dma_wait3A_75 = arith.constant 0 : i32
      %dma_wait3A_76 = tpu.memref_slice %arg2[%dma_wait3A_74, %dma_wait3A_75] : memref<10000x128xf32, #tpu.memory_space<hbm>> -> memref<10000x128xf32, #tpu.memory_space<hbm>>
      %dma_wait3A_77 = tpu.memref_slice %arg8[%rem3A_67] : memref<4x!tpu.dma_semaphore, #tpu.memory_space<semaphore_mem>> -> memref<1x!tpu.dma_semaphore, #tpu.memory_space<semaphore_mem>>
      %dma_wait3A_78 = tpu.memref_squeeze %dma_wait3A_77 : memref<1x!tpu.dma_semaphore, #tpu.memory_space<semaphore_mem>> -> memref<!tpu.dma_semaphore, #tpu.memory_space<semaphore_mem>>
      tpu.wait_indirect_dma semaphore(%dma_wait3A_78 : memref<!tpu.dma_semaphore, #tpu.memory_space<semaphore_mem>>) src(%dma_wait3A_76 : memref<10000x128xf32, #tpu.memory_space<hbm>>) dst(%dma_wait3A_72 : memref<40x128xf32, #tpu.memory_space<vmem>>)
      %add3A_79 = arith.constant 3 : i32
      %add3A_80 = arith.addi %scan3A_64, %add3A_79 : i32
      %lt3A_81 = arith.constant 250 : i32
      %lt3A_82 = arith.cmpi slt, %add3A_80, %lt3A_81 : i32
      %convert_element_type3A_83 = arith.extui %lt3A_82 : i1 to i32
      %cond3A_84 = arith.constant 0 : i32
      %cond3A_85 = arith.cmpi ne, %convert_element_type3A_83, %cond3A_84 : i32
      scf.if %cond3A_85 {
        %add3A_91 = arith.constant 3 : i32
        %add3A_92 = arith.addi %scan3A_64, %add3A_91 : i32
        %rem3A_93 = arith.constant 4 : i32
        %rem3A_94 = arith.remsi %add3A_92, %rem3A_93 : i32
        %mul3A_95 = arith.constant 40 : i32
        %mul3A_96 = arith.muli %add3A_92, %mul3A_95 : i32
        %dma_start3A_97 = arith.constant 0 : i32
        %dma_start3A_98 = arith.constant 0 : i32
        %dma_start3A_99 = tpu.memref_slice %arg9[%rem3A_94, %dma_start3A_97, %dma_start3A_98] : memref<4x40x128xf32, #tpu.memory_space<vmem>> -> memref<1x40x128xf32, #tpu.memory_space<vmem>>
        %dma_start3A_100 = tpu.memref_squeeze %dma_start3A_99 : memref<1x40x128xf32, #tpu.memory_space<vmem>> -> memref<40x128xf32, #tpu.memory_space<vmem>>
        %dma_start3A_101 = tpu.memref_slice %arg10[%mul3A_96] : memref<10000xi32, #tpu.memory_space<vmem>> -> memref<40xi32, #tpu.memory_space<vmem>>
        %dma_start3A_102 = arith.constant 0 : i32
        %dma_start3A_103 = arith.constant 0 : i32
        %dma_start3A_104 = tpu.memref_slice %arg2[%dma_start3A_102, %dma_start3A_103] : memref<10000x128xf32, #tpu.memory_space<hbm>> -> memref<10000x128xf32, #tpu.memory_space<hbm>>
        %dma_start3A_105 = tpu.memref_slice %arg8[%rem3A_94] : memref<4x!tpu.dma_semaphore, #tpu.memory_space<semaphore_mem>> -> memref<1x!tpu.dma_semaphore, #tpu.memory_space<semaphore_mem>>
        %dma_start3A_106 = tpu.memref_squeeze %dma_start3A_105 : memref<1x!tpu.dma_semaphore, #tpu.memory_space<semaphore_mem>> -> memref<!tpu.dma_semaphore, #tpu.memory_space<semaphore_mem>>
        tpu.enqueue_indirect_dma source(%dma_start3A_104 : memref<10000x128xf32, #tpu.memory_space<hbm>>) target(%dma_start3A_100 : memref<40x128xf32, #tpu.memory_space<vmem>>) offsets(%dma_start3A_101 : memref<40xi32, #tpu.memory_space<vmem>>) semaphore(%dma_start3A_106 : memref<!tpu.dma_semaphore, #tpu.memory_space<semaphore_mem>>)
      } else {
      }
      %rem3A_86 = arith.constant 4 : i32
      %rem3A_87 = arith.remsi %scan3A_64, %rem3A_86 : i32
      %mul3A_88 = arith.constant 40 : i32
      %mul3A_89 = arith.muli %scan3A_64, %mul3A_88 : i32
      "tpu.region"() ({
        %run_scoped3A = tpu.sem_alloc : memref<!tpu.dma_semaphore, #tpu.memory_space<semaphore_mem>>
        %dma_start3A_91 = arith.constant 0 : i32
        %dma_start3A_92 = arith.constant 0 : i32
        %dma_start3A_93 = tpu.memref_slice %arg9[%rem3A_87, %dma_start3A_91, %dma_start3A_92] : memref<4x40x128xf32, #tpu.memory_space<vmem>> -> memref<1x40x128xf32, #tpu.memory_space<vmem>>
        %dma_start3A_94 = tpu.memref_squeeze %dma_start3A_93 : memref<1x40x128xf32, #tpu.memory_space<vmem>> -> memref<40x128xf32, #tpu.memory_space<vmem>>
        %dma_start3A_95 = tpu.memref_slice %arg7[%mul3A_89] : memref<10000xi32, #tpu.memory_space<vmem>> -> memref<40xi32, #tpu.memory_space<vmem>>
        %dma_start3A_96 = arith.constant 0 : i32
        %dma_start3A_97 = arith.constant 0 : i32
        %dma_start3A_98 = tpu.memref_slice %arg6[%dma_start3A_96, %dma_start3A_97] : memref<10000x128xf32, #tpu.memory_space<vmem_shared>> -> memref<10000x128xf32, #tpu.memory_space<vmem_shared>>
        tpu.enqueue_indirect_dma source(%dma_start3A_94 : memref<40x128xf32, #tpu.memory_space<vmem>>) target(%dma_start3A_98 : memref<10000x128xf32, #tpu.memory_space<vmem_shared>>) offsets(%dma_start3A_95 : memref<40xi32, #tpu.memory_space<vmem>>) semaphore(%run_scoped3A : memref<!tpu.dma_semaphore, #tpu.memory_space<semaphore_mem>>) {add = true}
        %dma_wait3A_99 = arith.constant 0 : i32
        %dma_wait3A_100 = arith.constant 0 : i32
        %dma_wait3A_101 = tpu.memref_slice %arg9[%rem3A_87, %dma_wait3A_99, %dma_wait3A_100] : memref<4x40x128xf32, #tpu.memory_space<vmem>> -> memref<1x40x128xf32, #tpu.memory_space<vmem>>
        %dma_wait3A_102 = tpu.memref_squeeze %dma_wait3A_101 : memref<1x40x128xf32, #tpu.memory_space<vmem>> -> memref<40x128xf32, #tpu.memory_space<vmem>>
        %dma_wait3A_103 = tpu.memref_slice %arg7[%mul3A_89] : memref<10000xi32, #tpu.memory_space<vmem>> -> memref<40xi32, #tpu.memory_space<vmem>>
        %dma_wait3A_104 = arith.constant 0 : i32
        %dma_wait3A_105 = arith.constant 0 : i32
        %dma_wait3A_106 = tpu.memref_slice %arg6[%dma_wait3A_104, %dma_wait3A_105] : memref<10000x128xf32, #tpu.memory_space<vmem_shared>> -> memref<10000x128xf32, #tpu.memory_space<vmem_shared>>
        tpu.wait_indirect_dma semaphore(%run_scoped3A : memref<!tpu.dma_semaphore, #tpu.memory_space<semaphore_mem>>) src(%dma_wait3A_102 : memref<40x128xf32, #tpu.memory_space<vmem>>) dst(%dma_wait3A_106 : memref<10000x128xf32, #tpu.memory_space<vmem_shared>>)
        tpu.yield
      }) : () -> ()
      %scan3A_90 = arith.constant 0 : i32
      scf.yield %scan3A_90 : i32
    }
    %scan3A_60 = arith.constant 250 : i32
    %barrier3A_61 = arith.constant 0 : index
    tpu.barrier barrier_id(%barrier3A_61)
    %lt3A = arith.constant 10 : i32
    %lt3A_62 = arith.cmpi slt, %arg1, %lt3A : i32
    %convert_element_type3A = arith.extui %lt3A_62 : i1 to i32
    %cond3A = arith.constant 0 : i32
    %cond3A_63 = arith.cmpi ne, %convert_element_type3A, %cond3A : i32
    scf.if %cond3A_63 {
      %mul3A_64 = arith.constant 1000 : i32
      %mul3A_65 = arith.muli %arg1, %mul3A_64 : i32
      %mul3A_66 = arith.constant 1000 : i32
      %mul3A_67 = arith.muli %arg1, %mul3A_66 : i32
      "tpu.region"() ({
        %run_scoped3A = tpu.sem_alloc : memref<!tpu.dma_semaphore, #tpu.memory_space<semaphore_mem>>
        %dma_start3A_68 = arith.constant 0 : i32
        %dma_start3A_69 = tpu.memref_slice %arg5[%arg0, %mul3A_67, %dma_start3A_68] : memref<2x10000x128xf32, #tpu.memory_space<hbm>> -> memref<1x1000x128xf32, #tpu.memory_space<hbm>>
        %dma_start3A_70 = tpu.memref_squeeze %dma_start3A_69 : memref<1x1000x128xf32, #tpu.memory_space<hbm>> -> memref<1000x128xf32, #tpu.memory_space<hbm>>
        %dma_start3A_71 = arith.constant 0 : i32
        %dma_start3A_72 = tpu.memref_slice %arg6[%mul3A_65, %dma_start3A_71] : memref<10000x128xf32, #tpu.memory_space<vmem_shared>> -> memref<1000x128xf32, #tpu.memory_space<vmem_shared>>
        tpu.enqueue_dma source(%dma_start3A_72 : memref<1000x128xf32, #tpu.memory_space<vmem_shared>>) target(%dma_start3A_70 : memref<1000x128xf32, #tpu.memory_space<hbm>>) target_semaphore(%run_scoped3A : memref<!tpu.dma_semaphore, #tpu.memory_space<semaphore_mem>>)
        %dma_wait3A = arith.constant 0 : i32
        %dma_wait3A_73 = tpu.memref_slice %arg5[%arg0, %mul3A_67, %dma_wait3A] : memref<2x10000x128xf32, #tpu.memory_space<hbm>> -> memref<1x1000x128xf32, #tpu.memory_space<hbm>>
        %dma_wait3A_74 = tpu.memref_squeeze %dma_wait3A_73 : memref<1x1000x128xf32, #tpu.memory_space<hbm>> -> memref<1000x128xf32, #tpu.memory_space<hbm>>
        %dma_wait3A_75 = arith.constant 0 : i32
        %dma_wait3A_76 = tpu.memref_slice %arg6[%mul3A_65, %dma_wait3A_75] : memref<10000x128xf32, #tpu.memory_space<vmem_shared>> -> memref<1000x128xf32, #tpu.memory_space<vmem_shared>>
        tpu.wait_dma2 semaphore(%run_scoped3A : memref<!tpu.dma_semaphore, #tpu.memory_space<semaphore_mem>>) src(%dma_wait3A_76 : memref<1000x128xf32, #tpu.memory_space<vmem_shared>>) dst(%dma_wait3A_74 : memref<1000x128xf32, #tpu.memory_space<hbm>>)
        tpu.yield
      }) : () -> ()
    } else {
    }
    return
  }
}

#map = affine_map<(d0, d1) -> (0, 0)>
module attributes {stable_mosaic.version = 14 : i64} {
  func.func @_sc_dec_body(%arg0: i32, %arg1: i32, %arg2: memref<10000x128xf32, #tpu.memory_space<hbm>>, %arg3: memref<32x10000xi32, #tpu.memory_space<hbm>>, %arg4: memref<32x10000xi32, #tpu.memory_space<hbm>>, %arg5: memref<4000x80xf32, #tpu.memory_space<hbm>>, %arg6: memref<4x80x128xf32, #tpu.memory_space<vmem>>, %arg7: memref<10000xi32, #tpu.memory_space<vmem>>, %arg8: memref<10000xi32, #tpu.memory_space<vmem>>, %arg9: memref<4x!tpu.dma_semaphore, #tpu.memory_space<semaphore_mem>>, %arg10: memref<4x!tpu.dma_semaphore, #tpu.memory_space<semaphore_mem>>, %arg11: memref<4x80x128xf32, #tpu.memory_space<vmem>>, %arg12: memref<80xf32, #tpu.memory_space<vmem>>) attributes {dimension_semantics = [#tpu.dimension_semantics<core_parallel>, #tpu.dimension_semantics<subcore_parallel>], iteration_bounds = array<i64: 2, 16>, scalar_prefetch = 0 : i64, scratch_operands = 7 : i64, tpu.core_type = #tpu.core_type<sc_vector_subcore>, window_params = [{transform_indices = #map}, {transform_indices = #map}, {transform_indices = #map}, {transform_indices = #map}]} {
    %mul3A = arith.constant 16 : i32
    %mul3A_0 = arith.muli %arg0, %mul3A : i32
    %add3A = arith.addi %mul3A_0, %arg1 : i32
    %iota3A = tpu.iota {dimensions = array<i32: 0>} : vector<16xi32>
    "tpu.region"() ({
      %run_scoped3A = tpu.sem_alloc : memref<!tpu.dma_semaphore, #tpu.memory_space<semaphore_mem>>
      %dma_start3A_80 = arith.constant 0 : i32
      %dma_start3A_81 = tpu.memref_slice %arg3[%add3A, %dma_start3A_80] : memref<32x10000xi32, #tpu.memory_space<hbm>> -> memref<1x10000xi32, #tpu.memory_space<hbm>>
      %dma_start3A_82 = tpu.memref_squeeze %dma_start3A_81 : memref<1x10000xi32, #tpu.memory_space<hbm>> -> memref<10000xi32, #tpu.memory_space<hbm>>
      %dma_start3A_83 = arith.constant 0 : i32
      %dma_start3A_84 = tpu.memref_slice %arg3[%add3A, %dma_start3A_83] : memref<32x10000xi32, #tpu.memory_space<hbm>> -> memref<1x10000xi32, #tpu.memory_space<hbm>>
      %dma_start3A_85 = tpu.memref_squeeze %dma_start3A_84 : memref<1x10000xi32, #tpu.memory_space<hbm>> -> memref<10000xi32, #tpu.memory_space<hbm>>
      tpu.enqueue_dma source(%dma_start3A_85 : memref<10000xi32, #tpu.memory_space<hbm>>) target(%arg7 : memref<10000xi32, #tpu.memory_space<vmem>>) target_semaphore(%run_scoped3A : memref<!tpu.dma_semaphore, #tpu.memory_space<semaphore_mem>>)
      %dma_wait3A = arith.constant 0 : i32
      %dma_wait3A_86 = tpu.memref_slice %arg3[%add3A, %dma_wait3A] : memref<32x10000xi32, #tpu.memory_space<hbm>> -> memref<1x10000xi32, #tpu.memory_space<hbm>>
      %dma_wait3A_87 = tpu.memref_squeeze %dma_wait3A_86 : memref<1x10000xi32, #tpu.memory_space<hbm>> -> memref<10000xi32, #tpu.memory_space<hbm>>
      %dma_wait3A_88 = arith.constant 0 : i32
      %dma_wait3A_89 = tpu.memref_slice %arg3[%add3A, %dma_wait3A_88] : memref<32x10000xi32, #tpu.memory_space<hbm>> -> memref<1x10000xi32, #tpu.memory_space<hbm>>
      %dma_wait3A_90 = tpu.memref_squeeze %dma_wait3A_89 : memref<1x10000xi32, #tpu.memory_space<hbm>> -> memref<10000xi32, #tpu.memory_space<hbm>>
      tpu.wait_dma2 semaphore(%run_scoped3A : memref<!tpu.dma_semaphore, #tpu.memory_space<semaphore_mem>>) src(%dma_wait3A_90 : memref<10000xi32, #tpu.memory_space<hbm>>) dst(%arg7 : memref<10000xi32, #tpu.memory_space<vmem>>)
      tpu.yield
    }) : () -> ()
    "tpu.region"() ({
      %run_scoped3A = tpu.sem_alloc : memref<!tpu.dma_semaphore, #tpu.memory_space<semaphore_mem>>
      %dma_start3A_80 = arith.constant 0 : i32
      %dma_start3A_81 = tpu.memref_slice %arg4[%add3A, %dma_start3A_80] : memref<32x10000xi32, #tpu.memory_space<hbm>> -> memref<1x10000xi32, #tpu.memory_space<hbm>>
      %dma_start3A_82 = tpu.memref_squeeze %dma_start3A_81 : memref<1x10000xi32, #tpu.memory_space<hbm>> -> memref<10000xi32, #tpu.memory_space<hbm>>
      %dma_start3A_83 = arith.constant 0 : i32
      %dma_start3A_84 = tpu.memref_slice %arg4[%add3A, %dma_start3A_83] : memref<32x10000xi32, #tpu.memory_space<hbm>> -> memref<1x10000xi32, #tpu.memory_space<hbm>>
      %dma_start3A_85 = tpu.memref_squeeze %dma_start3A_84 : memref<1x10000xi32, #tpu.memory_space<hbm>> -> memref<10000xi32, #tpu.memory_space<hbm>>
      tpu.enqueue_dma source(%dma_start3A_85 : memref<10000xi32, #tpu.memory_space<hbm>>) target(%arg8 : memref<10000xi32, #tpu.memory_space<vmem>>) target_semaphore(%run_scoped3A : memref<!tpu.dma_semaphore, #tpu.memory_space<semaphore_mem>>)
      %dma_wait3A = arith.constant 0 : i32
      %dma_wait3A_86 = tpu.memref_slice %arg4[%add3A, %dma_wait3A] : memref<32x10000xi32, #tpu.memory_space<hbm>> -> memref<1x10000xi32, #tpu.memory_space<hbm>>
      %dma_wait3A_87 = tpu.memref_squeeze %dma_wait3A_86 : memref<1x10000xi32, #tpu.memory_space<hbm>> -> memref<10000xi32, #tpu.memory_space<hbm>>
      %dma_wait3A_88 = arith.constant 0 : i32
      %dma_wait3A_89 = tpu.memref_slice %arg4[%add3A, %dma_wait3A_88] : memref<32x10000xi32, #tpu.memory_space<hbm>> -> memref<1x10000xi32, #tpu.memory_space<hbm>>
      %dma_wait3A_90 = tpu.memref_squeeze %dma_wait3A_89 : memref<1x10000xi32, #tpu.memory_space<hbm>> -> memref<10000xi32, #tpu.memory_space<hbm>>
      tpu.wait_dma2 semaphore(%run_scoped3A : memref<!tpu.dma_semaphore, #tpu.memory_space<semaphore_mem>>) src(%dma_wait3A_90 : memref<10000xi32, #tpu.memory_space<hbm>>) dst(%arg8 : memref<10000xi32, #tpu.memory_space<vmem>>)
      tpu.yield
    }) : () -> ()
    %rem3A = arith.constant 0 : i32
    %rem3A_1 = arith.constant 4 : i32
    %rem3A_2 = arith.remsi %rem3A, %rem3A_1 : i32
    %dma_start3A = arith.constant 0 : i32
    %dma_start3A_3 = arith.constant 0 : i32
    %dma_start3A_4 = tpu.memref_slice %arg11[%rem3A_2, %dma_start3A, %dma_start3A_3] : memref<4x80x128xf32, #tpu.memory_space<vmem>> -> memref<1x80x128xf32, #tpu.memory_space<vmem>>
    %dma_start3A_5 = tpu.memref_squeeze %dma_start3A_4 : memref<1x80x128xf32, #tpu.memory_space<vmem>> -> memref<80x128xf32, #tpu.memory_space<vmem>>
    %dma_start3A_6 = arith.constant 0 : i32
    %dma_start3A_7 = tpu.memref_slice %arg7[%dma_start3A_6] : memref<10000xi32, #tpu.memory_space<vmem>> -> memref<80xi32, #tpu.memory_space<vmem>>
    %dma_start3A_8 = arith.constant 0 : i32
    %dma_start3A_9 = arith.constant 0 : i32
    %dma_start3A_10 = tpu.memref_slice %arg2[%dma_start3A_8, %dma_start3A_9] : memref<10000x128xf32, #tpu.memory_space<hbm>> -> memref<10000x128xf32, #tpu.memory_space<hbm>>
    %dma_start3A_11 = tpu.memref_slice %arg9[%rem3A_2] : memref<4x!tpu.dma_semaphore, #tpu.memory_space<semaphore_mem>> -> memref<1x!tpu.dma_semaphore, #tpu.memory_space<semaphore_mem>>
    %dma_start3A_12 = tpu.memref_squeeze %dma_start3A_11 : memref<1x!tpu.dma_semaphore, #tpu.memory_space<semaphore_mem>> -> memref<!tpu.dma_semaphore, #tpu.memory_space<semaphore_mem>>
    tpu.enqueue_indirect_dma source(%dma_start3A_10 : memref<10000x128xf32, #tpu.memory_space<hbm>>) target(%dma_start3A_5 : memref<80x128xf32, #tpu.memory_space<vmem>>) offsets(%dma_start3A_7 : memref<80xi32, #tpu.memory_space<vmem>>) semaphore(%dma_start3A_12 : memref<!tpu.dma_semaphore, #tpu.memory_space<semaphore_mem>>)
    %dma_start3A_13 = arith.constant 0 : i32
    %dma_start3A_14 = arith.constant 0 : i32
    %dma_start3A_15 = tpu.memref_slice %arg6[%rem3A_2, %dma_start3A_13, %dma_start3A_14] : memref<4x80x128xf32, #tpu.memory_space<vmem>> -> memref<1x80x128xf32, #tpu.memory_space<vmem>>
    %dma_start3A_16 = tpu.memref_squeeze %dma_start3A_15 : memref<1x80x128xf32, #tpu.memory_space<vmem>> -> memref<80x128xf32, #tpu.memory_space<vmem>>
    %dma_start3A_17 = arith.constant 0 : i32
    %dma_start3A_18 = tpu.memref_slice %arg8[%dma_start3A_17] : memref<10000xi32, #tpu.memory_space<vmem>> -> memref<80xi32, #tpu.memory_space<vmem>>
    %dma_start3A_19 = arith.constant 0 : i32
    %dma_start3A_20 = arith.constant 0 : i32
    %dma_start3A_21 = tpu.memref_slice %arg2[%dma_start3A_19, %dma_start3A_20] : memref<10000x128xf32, #tpu.memory_space<hbm>> -> memref<10000x128xf32, #tpu.memory_space<hbm>>
    %dma_start3A_22 = tpu.memref_slice %arg10[%rem3A_2] : memref<4x!tpu.dma_semaphore, #tpu.memory_space<semaphore_mem>> -> memref<1x!tpu.dma_semaphore, #tpu.memory_space<semaphore_mem>>
    %dma_start3A_23 = tpu.memref_squeeze %dma_start3A_22 : memref<1x!tpu.dma_semaphore, #tpu.memory_space<semaphore_mem>> -> memref<!tpu.dma_semaphore, #tpu.memory_space<semaphore_mem>>
    tpu.enqueue_indirect_dma source(%dma_start3A_21 : memref<10000x128xf32, #tpu.memory_space<hbm>>) target(%dma_start3A_16 : memref<80x128xf32, #tpu.memory_space<vmem>>) offsets(%dma_start3A_18 : memref<80xi32, #tpu.memory_space<vmem>>) semaphore(%dma_start3A_23 : memref<!tpu.dma_semaphore, #tpu.memory_space<semaphore_mem>>)
    %rem3A_24 = arith.constant 1 : i32
    %rem3A_25 = arith.constant 4 : i32
    %rem3A_26 = arith.remsi %rem3A_24, %rem3A_25 : i32
    %dma_start3A_27 = arith.constant 0 : i32
    %dma_start3A_28 = arith.constant 0 : i32
    %dma_start3A_29 = tpu.memref_slice %arg11[%rem3A_26, %dma_start3A_27, %dma_start3A_28] : memref<4x80x128xf32, #tpu.memory_space<vmem>> -> memref<1x80x128xf32, #tpu.memory_space<vmem>>
    %dma_start3A_30 = tpu.memref_squeeze %dma_start3A_29 : memref<1x80x128xf32, #tpu.memory_space<vmem>> -> memref<80x128xf32, #tpu.memory_space<vmem>>
    %dma_start3A_31 = arith.constant 80 : i32
    %dma_start3A_32 = tpu.memref_slice %arg7[%dma_start3A_31] : memref<10000xi32, #tpu.memory_space<vmem>> -> memref<80xi32, #tpu.memory_space<vmem>>
    %dma_start3A_33 = arith.constant 0 : i32
    %dma_start3A_34 = arith.constant 0 : i32
    %dma_start3A_35 = tpu.memref_slice %arg2[%dma_start3A_33, %dma_start3A_34] : memref<10000x128xf32, #tpu.memory_space<hbm>> -> memref<10000x128xf32, #tpu.memory_space<hbm>>
    %dma_start3A_36 = tpu.memref_slice %arg9[%rem3A_26] : memref<4x!tpu.dma_semaphore, #tpu.memory_space<semaphore_mem>> -> memref<1x!tpu.dma_semaphore, #tpu.memory_space<semaphore_mem>>
    %dma_start3A_37 = tpu.memref_squeeze %dma_start3A_36 : memref<1x!tpu.dma_semaphore, #tpu.memory_space<semaphore_mem>> -> memref<!tpu.dma_semaphore, #tpu.memory_space<semaphore_mem>>
    tpu.enqueue_indirect_dma source(%dma_start3A_35 : memref<10000x128xf32, #tpu.memory_space<hbm>>) target(%dma_start3A_30 : memref<80x128xf32, #tpu.memory_space<vmem>>) offsets(%dma_start3A_32 : memref<80xi32, #tpu.memory_space<vmem>>) semaphore(%dma_start3A_37 : memref<!tpu.dma_semaphore, #tpu.memory_space<semaphore_mem>>)
    %dma_start3A_38 = arith.constant 0 : i32
    %dma_start3A_39 = arith.constant 0 : i32
    %dma_start3A_40 = tpu.memref_slice %arg6[%rem3A_26, %dma_start3A_38, %dma_start3A_39] : memref<4x80x128xf32, #tpu.memory_space<vmem>> -> memref<1x80x128xf32, #tpu.memory_space<vmem>>
    %dma_start3A_41 = tpu.memref_squeeze %dma_start3A_40 : memref<1x80x128xf32, #tpu.memory_space<vmem>> -> memref<80x128xf32, #tpu.memory_space<vmem>>
    %dma_start3A_42 = arith.constant 80 : i32
    %dma_start3A_43 = tpu.memref_slice %arg8[%dma_start3A_42] : memref<10000xi32, #tpu.memory_space<vmem>> -> memref<80xi32, #tpu.memory_space<vmem>>
    %dma_start3A_44 = arith.constant 0 : i32
    %dma_start3A_45 = arith.constant 0 : i32
    %dma_start3A_46 = tpu.memref_slice %arg2[%dma_start3A_44, %dma_start3A_45] : memref<10000x128xf32, #tpu.memory_space<hbm>> -> memref<10000x128xf32, #tpu.memory_space<hbm>>
    %dma_start3A_47 = tpu.memref_slice %arg10[%rem3A_26] : memref<4x!tpu.dma_semaphore, #tpu.memory_space<semaphore_mem>> -> memref<1x!tpu.dma_semaphore, #tpu.memory_space<semaphore_mem>>
    %dma_start3A_48 = tpu.memref_squeeze %dma_start3A_47 : memref<1x!tpu.dma_semaphore, #tpu.memory_space<semaphore_mem>> -> memref<!tpu.dma_semaphore, #tpu.memory_space<semaphore_mem>>
    tpu.enqueue_indirect_dma source(%dma_start3A_46 : memref<10000x128xf32, #tpu.memory_space<hbm>>) target(%dma_start3A_41 : memref<80x128xf32, #tpu.memory_space<vmem>>) offsets(%dma_start3A_43 : memref<80xi32, #tpu.memory_space<vmem>>) semaphore(%dma_start3A_48 : memref<!tpu.dma_semaphore, #tpu.memory_space<semaphore_mem>>)
    %rem3A_49 = arith.constant 2 : i32
    %rem3A_50 = arith.constant 4 : i32
    %rem3A_51 = arith.remsi %rem3A_49, %rem3A_50 : i32
    %dma_start3A_52 = arith.constant 0 : i32
    %dma_start3A_53 = arith.constant 0 : i32
    %dma_start3A_54 = tpu.memref_slice %arg11[%rem3A_51, %dma_start3A_52, %dma_start3A_53] : memref<4x80x128xf32, #tpu.memory_space<vmem>> -> memref<1x80x128xf32, #tpu.memory_space<vmem>>
    %dma_start3A_55 = tpu.memref_squeeze %dma_start3A_54 : memref<1x80x128xf32, #tpu.memory_space<vmem>> -> memref<80x128xf32, #tpu.memory_space<vmem>>
    %dma_start3A_56 = arith.constant 160 : i32
    %dma_start3A_57 = tpu.memref_slice %arg7[%dma_start3A_56] : memref<10000xi32, #tpu.memory_space<vmem>> -> memref<80xi32, #tpu.memory_space<vmem>>
    %dma_start3A_58 = arith.constant 0 : i32
    %dma_start3A_59 = arith.constant 0 : i32
    %dma_start3A_60 = tpu.memref_slice %arg2[%dma_start3A_58, %dma_start3A_59] : memref<10000x128xf32, #tpu.memory_space<hbm>> -> memref<10000x128xf32, #tpu.memory_space<hbm>>
    %dma_start3A_61 = tpu.memref_slice %arg9[%rem3A_51] : memref<4x!tpu.dma_semaphore, #tpu.memory_space<semaphore_mem>> -> memref<1x!tpu.dma_semaphore, #tpu.memory_space<semaphore_mem>>
    %dma_start3A_62 = tpu.memref_squeeze %dma_start3A_61 : memref<1x!tpu.dma_semaphore, #tpu.memory_space<semaphore_mem>> -> memref<!tpu.dma_semaphore, #tpu.memory_space<semaphore_mem>>
    tpu.enqueue_indirect_dma source(%dma_start3A_60 : memref<10000x128xf32, #tpu.memory_space<hbm>>) target(%dma_start3A_55 : memref<80x128xf32, #tpu.memory_space<vmem>>) offsets(%dma_start3A_57 : memref<80xi32, #tpu.memory_space<vmem>>) semaphore(%dma_start3A_62 : memref<!tpu.dma_semaphore, #tpu.memory_space<semaphore_mem>>)
    %dma_start3A_63 = arith.constant 0 : i32
    %dma_start3A_64 = arith.constant 0 : i32
    %dma_start3A_65 = tpu.memref_slice %arg6[%rem3A_51, %dma_start3A_63, %dma_start3A_64] : memref<4x80x128xf32, #tpu.memory_space<vmem>> -> memref<1x80x128xf32, #tpu.memory_space<vmem>>
    %dma_start3A_66 = tpu.memref_squeeze %dma_start3A_65 : memref<1x80x128xf32, #tpu.memory_space<vmem>> -> memref<80x128xf32, #tpu.memory_space<vmem>>
    %dma_start3A_67 = arith.constant 160 : i32
    %dma_start3A_68 = tpu.memref_slice %arg8[%dma_start3A_67] : memref<10000xi32, #tpu.memory_space<vmem>> -> memref<80xi32, #tpu.memory_space<vmem>>
    %dma_start3A_69 = arith.constant 0 : i32
    %dma_start3A_70 = arith.constant 0 : i32
    %dma_start3A_71 = tpu.memref_slice %arg2[%dma_start3A_69, %dma_start3A_70] : memref<10000x128xf32, #tpu.memory_space<hbm>> -> memref<10000x128xf32, #tpu.memory_space<hbm>>
    %dma_start3A_72 = tpu.memref_slice %arg10[%rem3A_51] : memref<4x!tpu.dma_semaphore, #tpu.memory_space<semaphore_mem>> -> memref<1x!tpu.dma_semaphore, #tpu.memory_space<semaphore_mem>>
    %dma_start3A_73 = tpu.memref_squeeze %dma_start3A_72 : memref<1x!tpu.dma_semaphore, #tpu.memory_space<semaphore_mem>> -> memref<!tpu.dma_semaphore, #tpu.memory_space<semaphore_mem>>
    tpu.enqueue_indirect_dma source(%dma_start3A_71 : memref<10000x128xf32, #tpu.memory_space<hbm>>) target(%dma_start3A_66 : memref<80x128xf32, #tpu.memory_space<vmem>>) offsets(%dma_start3A_68 : memref<80xi32, #tpu.memory_space<vmem>>) semaphore(%dma_start3A_73 : memref<!tpu.dma_semaphore, #tpu.memory_space<semaphore_mem>>)
    %scan3A = arith.constant 0 : i32
    %scan3A_74 = arith.constant 0 : i32
    %scan3A_75 = arith.constant 125 : i32
    %scan3A_76 = arith.addi %scan3A_74, %scan3A_75 : i32
    %scan3A_77 = arith.constant 1 : i32
    %scan3A_78 = scf.for %scan3A_80 = %scan3A_74 to %scan3A_76 step %scan3A_77 iter_args(%scan3A_81 = %scan3A) -> (i32)  : i32 {
      %rem3A_82 = arith.constant 4 : i32
      %rem3A_83 = arith.remsi %scan3A_80, %rem3A_82 : i32
      %mul3A_84 = arith.constant 80 : i32
      %mul3A_85 = arith.muli %scan3A_80, %mul3A_84 : i32
      %dma_wait3A = arith.constant 0 : i32
      %dma_wait3A_86 = arith.constant 0 : i32
      %dma_wait3A_87 = tpu.memref_slice %arg11[%rem3A_83, %dma_wait3A, %dma_wait3A_86] : memref<4x80x128xf32, #tpu.memory_space<vmem>> -> memref<1x80x128xf32, #tpu.memory_space<vmem>>
      %dma_wait3A_88 = tpu.memref_squeeze %dma_wait3A_87 : memref<1x80x128xf32, #tpu.memory_space<vmem>> -> memref<80x128xf32, #tpu.memory_space<vmem>>
      %dma_wait3A_89 = tpu.memref_slice %arg7[%mul3A_85] : memref<10000xi32, #tpu.memory_space<vmem>> -> memref<80xi32, #tpu.memory_space<vmem>>
      %dma_wait3A_90 = arith.constant 0 : i32
      %dma_wait3A_91 = arith.constant 0 : i32
      %dma_wait3A_92 = tpu.memref_slice %arg2[%dma_wait3A_90, %dma_wait3A_91] : memref<10000x128xf32, #tpu.memory_space<hbm>> -> memref<10000x128xf32, #tpu.memory_space<hbm>>
      %dma_wait3A_93 = tpu.memref_slice %arg9[%rem3A_83] : memref<4x!tpu.dma_semaphore, #tpu.memory_space<semaphore_mem>> -> memref<1x!tpu.dma_semaphore, #tpu.memory_space<semaphore_mem>>
      %dma_wait3A_94 = tpu.memref_squeeze %dma_wait3A_93 : memref<1x!tpu.dma_semaphore, #tpu.memory_space<semaphore_mem>> -> memref<!tpu.dma_semaphore, #tpu.memory_space<semaphore_mem>>
      tpu.wait_indirect_dma semaphore(%dma_wait3A_94 : memref<!tpu.dma_semaphore, #tpu.memory_space<semaphore_mem>>) src(%dma_wait3A_92 : memref<10000x128xf32, #tpu.memory_space<hbm>>) dst(%dma_wait3A_88 : memref<80x128xf32, #tpu.memory_space<vmem>>)
      %mul3A_95 = arith.constant 80 : i32
      %mul3A_96 = arith.muli %scan3A_80, %mul3A_95 : i32
      %dma_wait3A_97 = arith.constant 0 : i32
      %dma_wait3A_98 = arith.constant 0 : i32
      %dma_wait3A_99 = tpu.memref_slice %arg6[%rem3A_83, %dma_wait3A_97, %dma_wait3A_98] : memref<4x80x128xf32, #tpu.memory_space<vmem>> -> memref<1x80x128xf32, #tpu.memory_space<vmem>>
      %dma_wait3A_100 = tpu.memref_squeeze %dma_wait3A_99 : memref<1x80x128xf32, #tpu.memory_space<vmem>> -> memref<80x128xf32, #tpu.memory_space<vmem>>
      %dma_wait3A_101 = tpu.memref_slice %arg8[%mul3A_96] : memref<10000xi32, #tpu.memory_space<vmem>> -> memref<80xi32, #tpu.memory_space<vmem>>
      %dma_wait3A_102 = arith.constant 0 : i32
      %dma_wait3A_103 = arith.constant 0 : i32
      %dma_wait3A_104 = tpu.memref_slice %arg2[%dma_wait3A_102, %dma_wait3A_103] : memref<10000x128xf32, #tpu.memory_space<hbm>> -> memref<10000x128xf32, #tpu.memory_space<hbm>>
      %dma_wait3A_105 = tpu.memref_slice %arg10[%rem3A_83] : memref<4x!tpu.dma_semaphore, #tpu.memory_space<semaphore_mem>> -> memref<1x!tpu.dma_semaphore, #tpu.memory_space<semaphore_mem>>
      %dma_wait3A_106 = tpu.memref_squeeze %dma_wait3A_105 : memref<1x!tpu.dma_semaphore, #tpu.memory_space<semaphore_mem>> -> memref<!tpu.dma_semaphore, #tpu.memory_space<semaphore_mem>>
      tpu.wait_indirect_dma semaphore(%dma_wait3A_106 : memref<!tpu.dma_semaphore, #tpu.memory_space<semaphore_mem>>) src(%dma_wait3A_104 : memref<10000x128xf32, #tpu.memory_space<hbm>>) dst(%dma_wait3A_100 : memref<80x128xf32, #tpu.memory_space<vmem>>)
      %add3A_107 = arith.constant 3 : i32
      %add3A_108 = arith.addi %scan3A_80, %add3A_107 : i32
      %lt3A = arith.constant 125 : i32
      %lt3A_109 = arith.cmpi slt, %add3A_108, %lt3A : i32
      %convert_element_type3A = arith.extui %lt3A_109 : i1 to i32
      %cond3A = arith.constant 0 : i32
      %cond3A_110 = arith.cmpi ne, %convert_element_type3A, %cond3A : i32
      scf.if %cond3A_110 {
        %add3A_165 = arith.constant 3 : i32
        %add3A_166 = arith.addi %scan3A_80, %add3A_165 : i32
        %rem3A_167 = arith.constant 4 : i32
        %rem3A_168 = arith.remsi %add3A_166, %rem3A_167 : i32
        %mul3A_169 = arith.constant 80 : i32
        %mul3A_170 = arith.muli %add3A_166, %mul3A_169 : i32
        %dma_start3A_171 = arith.constant 0 : i32
        %dma_start3A_172 = arith.constant 0 : i32
        %dma_start3A_173 = tpu.memref_slice %arg11[%rem3A_168, %dma_start3A_171, %dma_start3A_172] : memref<4x80x128xf32, #tpu.memory_space<vmem>> -> memref<1x80x128xf32, #tpu.memory_space<vmem>>
        %dma_start3A_174 = tpu.memref_squeeze %dma_start3A_173 : memref<1x80x128xf32, #tpu.memory_space<vmem>> -> memref<80x128xf32, #tpu.memory_space<vmem>>
        %dma_start3A_175 = tpu.memref_slice %arg7[%mul3A_170] : memref<10000xi32, #tpu.memory_space<vmem>> -> memref<80xi32, #tpu.memory_space<vmem>>
        %dma_start3A_176 = arith.constant 0 : i32
        %dma_start3A_177 = arith.constant 0 : i32
        %dma_start3A_178 = tpu.memref_slice %arg2[%dma_start3A_176, %dma_start3A_177] : memref<10000x128xf32, #tpu.memory_space<hbm>> -> memref<10000x128xf32, #tpu.memory_space<hbm>>
        %dma_start3A_179 = tpu.memref_slice %arg9[%rem3A_168] : memref<4x!tpu.dma_semaphore, #tpu.memory_space<semaphore_mem>> -> memref<1x!tpu.dma_semaphore, #tpu.memory_space<semaphore_mem>>
        %dma_start3A_180 = tpu.memref_squeeze %dma_start3A_179 : memref<1x!tpu.dma_semaphore, #tpu.memory_space<semaphore_mem>> -> memref<!tpu.dma_semaphore, #tpu.memory_space<semaphore_mem>>
        tpu.enqueue_indirect_dma source(%dma_start3A_178 : memref<10000x128xf32, #tpu.memory_space<hbm>>) target(%dma_start3A_174 : memref<80x128xf32, #tpu.memory_space<vmem>>) offsets(%dma_start3A_175 : memref<80xi32, #tpu.memory_space<vmem>>) semaphore(%dma_start3A_180 : memref<!tpu.dma_semaphore, #tpu.memory_space<semaphore_mem>>)
        %mul3A_181 = arith.constant 80 : i32
        %mul3A_182 = arith.muli %add3A_166, %mul3A_181 : i32
        %dma_start3A_183 = arith.constant 0 : i32
        %dma_start3A_184 = arith.constant 0 : i32
        %dma_start3A_185 = tpu.memref_slice %arg6[%rem3A_168, %dma_start3A_183, %dma_start3A_184] : memref<4x80x128xf32, #tpu.memory_space<vmem>> -> memref<1x80x128xf32, #tpu.memory_space<vmem>>
        %dma_start3A_186 = tpu.memref_squeeze %dma_start3A_185 : memref<1x80x128xf32, #tpu.memory_space<vmem>> -> memref<80x128xf32, #tpu.memory_space<vmem>>
        %dma_start3A_187 = tpu.memref_slice %arg8[%mul3A_182] : memref<10000xi32, #tpu.memory_space<vmem>> -> memref<80xi32, #tpu.memory_space<vmem>>
        %dma_start3A_188 = arith.constant 0 : i32
        %dma_start3A_189 = arith.constant 0 : i32
        %dma_start3A_190 = tpu.memref_slice %arg2[%dma_start3A_188, %dma_start3A_189] : memref<10000x128xf32, #tpu.memory_space<hbm>> -> memref<10000x128xf32, #tpu.memory_space<hbm>>
        %dma_start3A_191 = tpu.memref_slice %arg10[%rem3A_168] : memref<4x!tpu.dma_semaphore, #tpu.memory_space<semaphore_mem>> -> memref<1x!tpu.dma_semaphore, #tpu.memory_space<semaphore_mem>>
        %dma_start3A_192 = tpu.memref_squeeze %dma_start3A_191 : memref<1x!tpu.dma_semaphore, #tpu.memory_space<semaphore_mem>> -> memref<!tpu.dma_semaphore, #tpu.memory_space<semaphore_mem>>
        tpu.enqueue_indirect_dma source(%dma_start3A_190 : memref<10000x128xf32, #tpu.memory_space<hbm>>) target(%dma_start3A_186 : memref<80x128xf32, #tpu.memory_space<vmem>>) offsets(%dma_start3A_187 : memref<80xi32, #tpu.memory_space<vmem>>) semaphore(%dma_start3A_192 : memref<!tpu.dma_semaphore, #tpu.memory_space<semaphore_mem>>)
      } else {
      }
      %rem3A_111 = arith.constant 4 : i32
      %rem3A_112 = arith.remsi %scan3A_80, %rem3A_111 : i32
      %broadcast_in_dim3A = arith.constant 0.000000e+00 : f32
      %broadcast_in_dim3A_113 = vector.broadcast %broadcast_in_dim3A : f32 to vector<16xf32>
      %scan3A_114 = arith.constant 0 : i32
      %scan3A_115 = arith.constant 8 : i32
      %scan3A_116 = arith.addi %scan3A_114, %scan3A_115 : i32
      %scan3A_117 = arith.constant 1 : i32
      %scan3A_118 = scf.for %scan3A_165 = %scan3A_114 to %scan3A_116 step %scan3A_117 iter_args(%scan3A_166 = %broadcast_in_dim3A_113) -> (vector<16xf32>)  : i32 {
        %mul3A_167 = arith.constant 2 : i32
        %mul3A_168 = arith.muli %scan3A_165, %mul3A_167 : i32
        %add3A_169 = arith.constant 0 : i32
        %add3A_170 = arith.addi %mul3A_168, %add3A_169 : i32
        %add3A_171 = arith.constant 0 : i32
        %add3A_172 = arith.addi %add3A_171, %add3A_170 : i32
        %get3A = arith.index_cast %rem3A_112 : i32 to index
        %get3A_173 = arith.index_cast %add3A_172 : i32 to index
        %get3A_174 = arith.constant 0 : index
        %get3A_175 = tpu.vector_load %arg11[%get3A, %get3A_173, %get3A_174] {strides = array<i32>} : memref<4x80x128xf32, #tpu.memory_space<vmem>>, vector<16xf32>,
        %get3A_176 = arith.index_cast %rem3A_112 : i32 to index
        %get3A_177 = arith.index_cast %add3A_172 : i32 to index
        %get3A_178 = arith.constant 0 : index
        %get3A_179 = tpu.vector_load %arg6[%get3A_176, %get3A_177, %get3A_178] {strides = array<i32>} : memref<4x80x128xf32, #tpu.memory_space<vmem>>, vector<16xf32>,
        %mul3A_180 = arith.mulf %get3A_175, %get3A_179 : vector<16xf32>
        %get3A_181 = arith.index_cast %rem3A_112 : i32 to index
        %get3A_182 = arith.index_cast %add3A_172 : i32 to index
        %get3A_183 = arith.constant 16 : index
        %get3A_184 = tpu.vector_load %arg11[%get3A_181, %get3A_182, %get3A_183] {strides = array<i32>} : memref<4x80x128xf32, #tpu.memory_space<vmem>>, vector<16xf32>,
        %get3A_185 = arith.index_cast %rem3A_112 : i32 to index
        %get3A_186 = arith.index_cast %add3A_172 : i32 to index
        %get3A_187 = arith.constant 16 : index
        %get3A_188 = tpu.vector_load %arg6[%get3A_185, %get3A_186, %get3A_187] {strides = array<i32>} : memref<4x80x128xf32, #tpu.memory_space<vmem>>, vector<16xf32>,
        %mul3A_189 = arith.mulf %get3A_184, %get3A_188 : vector<16xf32>
        %add3A_190 = arith.addf %mul3A_180, %mul3A_189 : vector<16xf32>
        %get3A_191 = arith.index_cast %rem3A_112 : i32 to index
        %get3A_192 = arith.index_cast %add3A_172 : i32 to index
        %get3A_193 = arith.constant 32 : index
        %get3A_194 = tpu.vector_load %arg11[%get3A_191, %get3A_192, %get3A_193] {strides = array<i32>} : memref<4x80x128xf32, #tpu.memory_space<vmem>>, vector<16xf32>,
        %get3A_195 = arith.index_cast %rem3A_112 : i32 to index
        %get3A_196 = arith.index_cast %add3A_172 : i32 to index
        %get3A_197 = arith.constant 32 : index
        %get3A_198 = tpu.vector_load %arg6[%get3A_195, %get3A_196, %get3A_197] {strides = array<i32>} : memref<4x80x128xf32, #tpu.memory_space<vmem>>, vector<16xf32>,
        %mul3A_199 = arith.mulf %get3A_194, %get3A_198 : vector<16xf32>
        %add3A_200 = arith.addf %add3A_190, %mul3A_199 : vector<16xf32>
        %get3A_201 = arith.index_cast %rem3A_112 : i32 to index
        %get3A_202 = arith.index_cast %add3A_172 : i32 to index
        %get3A_203 = arith.constant 48 : index
        %get3A_204 = tpu.vector_load %arg11[%get3A_201, %get3A_202, %get3A_203] {strides = array<i32>} : memref<4x80x128xf32, #tpu.memory_space<vmem>>, vector<16xf32>,
        %get3A_205 = arith.index_cast %rem3A_112 : i32 to index
        %get3A_206 = arith.index_cast %add3A_172 : i32 to index
        %get3A_207 = arith.constant 48 : index
        %get3A_208 = tpu.vector_load %arg6[%get3A_205, %get3A_206, %get3A_207] {strides = array<i32>} : memref<4x80x128xf32, #tpu.memory_space<vmem>>, vector<16xf32>,
        %mul3A_209 = arith.mulf %get3A_204, %get3A_208 : vector<16xf32>
        %add3A_210 = arith.addf %add3A_200, %mul3A_209 : vector<16xf32>
        %get3A_211 = arith.index_cast %rem3A_112 : i32 to index
        %get3A_212 = arith.index_cast %add3A_172 : i32 to index
        %get3A_213 = arith.constant 64 : index
        %get3A_214 = tpu.vector_load %arg11[%get3A_211, %get3A_212, %get3A_213] {strides = array<i32>} : memref<4x80x128xf32, #tpu.memory_space<vmem>>, vector<16xf32>,
        %get3A_215 = arith.index_cast %rem3A_112 : i32 to index
        %get3A_216 = arith.index_cast %add3A_172 : i32 to index
        %get3A_217 = arith.constant 64 : index
        %get3A_218 = tpu.vector_load %arg6[%get3A_215, %get3A_216, %get3A_217] {strides = array<i32>} : memref<4x80x128xf32, #tpu.memory_space<vmem>>, vector<16xf32>,
        %mul3A_219 = arith.mulf %get3A_214, %get3A_218 : vector<16xf32>
        %add3A_220 = arith.addf %add3A_210, %mul3A_219 : vector<16xf32>
        %get3A_221 = arith.index_cast %rem3A_112 : i32 to index
        %get3A_222 = arith.index_cast %add3A_172 : i32 to index
        %get3A_223 = arith.constant 80 : index
        %get3A_224 = tpu.vector_load %arg11[%get3A_221, %get3A_222, %get3A_223] {strides = array<i32>} : memref<4x80x128xf32, #tpu.memory_space<vmem>>, vector<16xf32>,
        %get3A_225 = arith.index_cast %rem3A_112 : i32 to index
        %get3A_226 = arith.index_cast %add3A_172 : i32 to index
        %get3A_227 = arith.constant 80 : index
        %get3A_228 = tpu.vector_load %arg6[%get3A_225, %get3A_226, %get3A_227] {strides = array<i32>} : memref<4x80x128xf32, #tpu.memory_space<vmem>>, vector<16xf32>,
        %mul3A_229 = arith.mulf %get3A_224, %get3A_228 : vector<16xf32>
        %add3A_230 = arith.addf %add3A_220, %mul3A_229 : vector<16xf32>
        %get3A_231 = arith.index_cast %rem3A_112 : i32 to index
        %get3A_232 = arith.index_cast %add3A_172 : i32 to index
        %get3A_233 = arith.constant 96 : index
        %get3A_234 = tpu.vector_load %arg11[%get3A_231, %get3A_232, %get3A_233] {strides = array<i32>} : memref<4x80x128xf32, #tpu.memory_space<vmem>>, vector<16xf32>,
        %get3A_235 = arith.index_cast %rem3A_112 : i32 to index
        %get3A_236 = arith.index_cast %add3A_172 : i32 to index
        %get3A_237 = arith.constant 96 : index
        %get3A_238 = tpu.vector_load %arg6[%get3A_235, %get3A_236, %get3A_237] {strides = array<i32>} : memref<4x80x128xf32, #tpu.memory_space<vmem>>, vector<16xf32>,
        %mul3A_239 = arith.mulf %get3A_234, %get3A_238 : vector<16xf32>
        %add3A_240 = arith.addf %add3A_230, %mul3A_239 : vector<16xf32>
        %get3A_241 = arith.index_cast %rem3A_112 : i32 to index
        %get3A_242 = arith.index_cast %add3A_172 : i32 to index
        %get3A_243 = arith.constant 112 : index
        %get3A_244 = tpu.vector_load %arg11[%get3A_241, %get3A_242, %get3A_243] {strides = array<i32>} : memref<4x80x128xf32, #tpu.memory_space<vmem>>, vector<16xf32>,
        %get3A_245 = arith.index_cast %rem3A_112 : i32 to index
        %get3A_246 = arith.index_cast %add3A_172 : i32 to index
        %get3A_247 = arith.constant 112 : index
        %get3A_248 = tpu.vector_load %arg6[%get3A_245, %get3A_246, %get3A_247] {strides = array<i32>} : memref<4x80x128xf32, #tpu.memory_space<vmem>>, vector<16xf32>,
        %mul3A_249 = arith.mulf %get3A_244, %get3A_248 : vector<16xf32>
        %add3A_250 = arith.addf %add3A_240, %mul3A_249 : vector<16xf32>
        %reduce_sum3A = arith.constant true
        %reduce_sum3A_251 = vector.broadcast %reduce_sum3A : i1 to vector<16xi1>
        %reduce_sum3A_252 = tpu.scan <sum>, %add3A_250 masked %reduce_sum3A_251 : vector<16xf32>, vector<16xi1> -> vector<16xf32>
        %reduce_sum3A_253 = vector.extract %reduce_sum3A_252[15] : f32 from vector<16xf32>
        %eq3A = vector.broadcast %add3A_170 : i32 to vector<16xi32>
        %eq3A_254 = arith.cmpi eq, %iota3A, %eq3A : vector<16xi32>
        %broadcast_in_dim3A_255 = vector.broadcast %reduce_sum3A_253 : f32 to vector<16xf32>
        %select_n3A = arith.select %eq3A_254, %broadcast_in_dim3A_255, %scan3A_166 : vector<16xi1>, vector<16xf32>
        %mul3A_256 = arith.constant 2 : i32
        %mul3A_257 = arith.muli %scan3A_165, %mul3A_256 : i32
        %add3A_258 = arith.constant 1 : i32
        %add3A_259 = arith.addi %mul3A_257, %add3A_258 : i32
        %add3A_260 = arith.constant 0 : i32
        %add3A_261 = arith.addi %add3A_260, %add3A_259 : i32
        %get3A_262 = arith.index_cast %rem3A_112 : i32 to index
        %get3A_263 = arith.index_cast %add3A_261 : i32 to index
        %get3A_264 = arith.constant 0 : index
        %get3A_265 = tpu.vector_load %arg11[%get3A_262, %get3A_263, %get3A_264] {strides = array<i32>} : memref<4x80x128xf32, #tpu.memory_space<vmem>>, vector<16xf32>,
        %get3A_266 = arith.index_cast %rem3A_112 : i32 to index
        %get3A_267 = arith.index_cast %add3A_261 : i32 to index
        %get3A_268 = arith.constant 0 : index
        %get3A_269 = tpu.vector_load %arg6[%get3A_266, %get3A_267, %get3A_268] {strides = array<i32>} : memref<4x80x128xf32, #tpu.memory_space<vmem>>, vector<16xf32>,
        %mul3A_270 = arith.mulf %get3A_265, %get3A_269 : vector<16xf32>
        %get3A_271 = arith.index_cast %rem3A_112 : i32 to index
        %get3A_272 = arith.index_cast %add3A_261 : i32 to index
        %get3A_273 = arith.constant 16 : index
        %get3A_274 = tpu.vector_load %arg11[%get3A_271, %get3A_272, %get3A_273] {strides = array<i32>} : memref<4x80x128xf32, #tpu.memory_space<vmem>>, vector<16xf32>,
        %get3A_275 = arith.index_cast %rem3A_112 : i32 to index
        %get3A_276 = arith.index_cast %add3A_261 : i32 to index
        %get3A_277 = arith.constant 16 : index
        %get3A_278 = tpu.vector_load %arg6[%get3A_275, %get3A_276, %get3A_277] {strides = array<i32>} : memref<4x80x128xf32, #tpu.memory_space<vmem>>, vector<16xf32>,
        %mul3A_279 = arith.mulf %get3A_274, %get3A_278 : vector<16xf32>
        %add3A_280 = arith.addf %mul3A_270, %mul3A_279 : vector<16xf32>
        %get3A_281 = arith.index_cast %rem3A_112 : i32 to index
        %get3A_282 = arith.index_cast %add3A_261 : i32 to index
        %get3A_283 = arith.constant 32 : index
        %get3A_284 = tpu.vector_load %arg11[%get3A_281, %get3A_282, %get3A_283] {strides = array<i32>} : memref<4x80x128xf32, #tpu.memory_space<vmem>>, vector<16xf32>,
        %get3A_285 = arith.index_cast %rem3A_112 : i32 to index
        %get3A_286 = arith.index_cast %add3A_261 : i32 to index
        %get3A_287 = arith.constant 32 : index
        %get3A_288 = tpu.vector_load %arg6[%get3A_285, %get3A_286, %get3A_287] {strides = array<i32>} : memref<4x80x128xf32, #tpu.memory_space<vmem>>, vector<16xf32>,
        %mul3A_289 = arith.mulf %get3A_284, %get3A_288 : vector<16xf32>
        %add3A_290 = arith.addf %add3A_280, %mul3A_289 : vector<16xf32>
        %get3A_291 = arith.index_cast %rem3A_112 : i32 to index
        %get3A_292 = arith.index_cast %add3A_261 : i32 to index
        %get3A_293 = arith.constant 48 : index
        %get3A_294 = tpu.vector_load %arg11[%get3A_291, %get3A_292, %get3A_293] {strides = array<i32>} : memref<4x80x128xf32, #tpu.memory_space<vmem>>, vector<16xf32>,
        %get3A_295 = arith.index_cast %rem3A_112 : i32 to index
        %get3A_296 = arith.index_cast %add3A_261 : i32 to index
        %get3A_297 = arith.constant 48 : index
        %get3A_298 = tpu.vector_load %arg6[%get3A_295, %get3A_296, %get3A_297] {strides = array<i32>} : memref<4x80x128xf32, #tpu.memory_space<vmem>>, vector<16xf32>,
        %mul3A_299 = arith.mulf %get3A_294, %get3A_298 : vector<16xf32>
        %add3A_300 = arith.addf %add3A_290, %mul3A_299 : vector<16xf32>
        %get3A_301 = arith.index_cast %rem3A_112 : i32 to index
        %get3A_302 = arith.index_cast %add3A_261 : i32 to index
        %get3A_303 = arith.constant 64 : index
        %get3A_304 = tpu.vector_load %arg11[%get3A_301, %get3A_302, %get3A_303] {strides = array<i32>} : memref<4x80x128xf32, #tpu.memory_space<vmem>>, vector<16xf32>,
        %get3A_305 = arith.index_cast %rem3A_112 : i32 to index
        %get3A_306 = arith.index_cast %add3A_261 : i32 to index
        %get3A_307 = arith.constant 64 : index
        %get3A_308 = tpu.vector_load %arg6[%get3A_305, %get3A_306, %get3A_307] {strides = array<i32>} : memref<4x80x128xf32, #tpu.memory_space<vmem>>, vector<16xf32>,
        %mul3A_309 = arith.mulf %get3A_304, %get3A_308 : vector<16xf32>
        %add3A_310 = arith.addf %add3A_300, %mul3A_309 : vector<16xf32>
        %get3A_311 = arith.index_cast %rem3A_112 : i32 to index
        %get3A_312 = arith.index_cast %add3A_261 : i32 to index
        %get3A_313 = arith.constant 80 : index
        %get3A_314 = tpu.vector_load %arg11[%get3A_311, %get3A_312, %get3A_313] {strides = array<i32>} : memref<4x80x128xf32, #tpu.memory_space<vmem>>, vector<16xf32>,
        %get3A_315 = arith.index_cast %rem3A_112 : i32 to index
        %get3A_316 = arith.index_cast %add3A_261 : i32 to index
        %get3A_317 = arith.constant 80 : index
        %get3A_318 = tpu.vector_load %arg6[%get3A_315, %get3A_316, %get3A_317] {strides = array<i32>} : memref<4x80x128xf32, #tpu.memory_space<vmem>>, vector<16xf32>,
        %mul3A_319 = arith.mulf %get3A_314, %get3A_318 : vector<16xf32>
        %add3A_320 = arith.addf %add3A_310, %mul3A_319 : vector<16xf32>
        %get3A_321 = arith.index_cast %rem3A_112 : i32 to index
        %get3A_322 = arith.index_cast %add3A_261 : i32 to index
        %get3A_323 = arith.constant 96 : index
        %get3A_324 = tpu.vector_load %arg11[%get3A_321, %get3A_322, %get3A_323] {strides = array<i32>} : memref<4x80x128xf32, #tpu.memory_space<vmem>>, vector<16xf32>,
        %get3A_325 = arith.index_cast %rem3A_112 : i32 to index
        %get3A_326 = arith.index_cast %add3A_261 : i32 to index
        %get3A_327 = arith.constant 96 : index
        %get3A_328 = tpu.vector_load %arg6[%get3A_325, %get3A_326, %get3A_327] {strides = array<i32>} : memref<4x80x128xf32, #tpu.memory_space<vmem>>, vector<16xf32>,
        %mul3A_329 = arith.mulf %get3A_324, %get3A_328 : vector<16xf32>
        %add3A_330 = arith.addf %add3A_320, %mul3A_329 : vector<16xf32>
        %get3A_331 = arith.index_cast %rem3A_112 : i32 to index
        %get3A_332 = arith.index_cast %add3A_261 : i32 to index
        %get3A_333 = arith.constant 112 : index
        %get3A_334 = tpu.vector_load %arg11[%get3A_331, %get3A_332, %get3A_333] {strides = array<i32>} : memref<4x80x128xf32, #tpu.memory_space<vmem>>, vector<16xf32>,
        %get3A_335 = arith.index_cast %rem3A_112 : i32 to index
        %get3A_336 = arith.index_cast %add3A_261 : i32 to index
        %get3A_337 = arith.constant 112 : index
        %get3A_338 = tpu.vector_load %arg6[%get3A_335, %get3A_336, %get3A_337] {strides = array<i32>} : memref<4x80x128xf32, #tpu.memory_space<vmem>>, vector<16xf32>,
        %mul3A_339 = arith.mulf %get3A_334, %get3A_338 : vector<16xf32>
        %add3A_340 = arith.addf %add3A_330, %mul3A_339 : vector<16xf32>
        %reduce_sum3A_341 = arith.constant true
        %reduce_sum3A_342 = vector.broadcast %reduce_sum3A_341 : i1 to vector<16xi1>
        %reduce_sum3A_343 = tpu.scan <sum>, %add3A_340 masked %reduce_sum3A_342 : vector<16xf32>, vector<16xi1> -> vector<16xf32>
        %reduce_sum3A_344 = vector.extract %reduce_sum3A_343[15] : f32 from vector<16xf32>
        %eq3A_345 = vector.broadcast %add3A_259 : i32 to vector<16xi32>
        %eq3A_346 = arith.cmpi eq, %iota3A, %eq3A_345 : vector<16xi32>
        %broadcast_in_dim3A_347 = vector.broadcast %reduce_sum3A_344 : f32 to vector<16xf32>
        %select_n3A_348 = arith.select %eq3A_346, %broadcast_in_dim3A_347, %select_n3A : vector<16xi1>, vector<16xf32>
        scf.yield %select_n3A_348 : vector<16xf32>
      }
      %scan3A_119 = arith.constant 8 : i32
      %swap3A = arith.constant 0 : index
      %swap3A_120 = tpu.vector_load %arg12[%swap3A] {strides = array<i32>} : memref<80xf32, #tpu.memory_space<vmem>>, vector<16xf32>,
      tpu.vector_store %arg12[%swap3A], %scan3A_118 {strides = array<i32>} : memref<80xf32, #tpu.memory_space<vmem>>, vector<16xf32>,
      %broadcast_in_dim3A_121 = arith.constant 0.000000e+00 : f32
      %broadcast_in_dim3A_122 = vector.broadcast %broadcast_in_dim3A_121 : f32 to vector<16xf32>
      %scan3A_123 = arith.constant 0 : i32
      %scan3A_124 = arith.constant 8 : i32
      %scan3A_125 = arith.addi %scan3A_123, %scan3A_124 : i32
      %scan3A_126 = arith.constant 1 : i32
      %scan3A_127 = scf.for %scan3A_165 = %scan3A_123 to %scan3A_125 step %scan3A_126 iter_args(%scan3A_166 = %broadcast_in_dim3A_122) -> (vector<16xf32>)  : i32 {
        %mul3A_167 = arith.constant 2 : i32
        %mul3A_168 = arith.muli %scan3A_165, %mul3A_167 : i32
        %add3A_169 = arith.constant 0 : i32
        %add3A_170 = arith.addi %mul3A_168, %add3A_169 : i32
        %add3A_171 = arith.constant 16 : i32
        %add3A_172 = arith.addi %add3A_171, %add3A_170 : i32
        %get3A = arith.index_cast %rem3A_112 : i32 to index
        %get3A_173 = arith.index_cast %add3A_172 : i32 to index
        %get3A_174 = arith.constant 0 : index
        %get3A_175 = tpu.vector_load %arg11[%get3A, %get3A_173, %get3A_174] {strides = array<i32>} : memref<4x80x128xf32, #tpu.memory_space<vmem>>, vector<16xf32>,
        %get3A_176 = arith.index_cast %rem3A_112 : i32 to index
        %get3A_177 = arith.index_cast %add3A_172 : i32 to index
        %get3A_178 = arith.constant 0 : index
        %get3A_179 = tpu.vector_load %arg6[%get3A_176, %get3A_177, %get3A_178] {strides = array<i32>} : memref<4x80x128xf32, #tpu.memory_space<vmem>>, vector<16xf32>,
        %mul3A_180 = arith.mulf %get3A_175, %get3A_179 : vector<16xf32>
        %get3A_181 = arith.index_cast %rem3A_112 : i32 to index
        %get3A_182 = arith.index_cast %add3A_172 : i32 to index
        %get3A_183 = arith.constant 16 : index
        %get3A_184 = tpu.vector_load %arg11[%get3A_181, %get3A_182, %get3A_183] {strides = array<i32>} : memref<4x80x128xf32, #tpu.memory_space<vmem>>, vector<16xf32>,
        %get3A_185 = arith.index_cast %rem3A_112 : i32 to index
        %get3A_186 = arith.index_cast %add3A_172 : i32 to index
        %get3A_187 = arith.constant 16 : index
        %get3A_188 = tpu.vector_load %arg6[%get3A_185, %get3A_186, %get3A_187] {strides = array<i32>} : memref<4x80x128xf32, #tpu.memory_space<vmem>>, vector<16xf32>,
        %mul3A_189 = arith.mulf %get3A_184, %get3A_188 : vector<16xf32>
        %add3A_190 = arith.addf %mul3A_180, %mul3A_189 : vector<16xf32>
        %get3A_191 = arith.index_cast %rem3A_112 : i32 to index
        %get3A_192 = arith.index_cast %add3A_172 : i32 to index
        %get3A_193 = arith.constant 32 : index
        %get3A_194 = tpu.vector_load %arg11[%get3A_191, %get3A_192, %get3A_193] {strides = array<i32>} : memref<4x80x128xf32, #tpu.memory_space<vmem>>, vector<16xf32>,
        %get3A_195 = arith.index_cast %rem3A_112 : i32 to index
        %get3A_196 = arith.index_cast %add3A_172 : i32 to index
        %get3A_197 = arith.constant 32 : index
        %get3A_198 = tpu.vector_load %arg6[%get3A_195, %get3A_196, %get3A_197] {strides = array<i32>} : memref<4x80x128xf32, #tpu.memory_space<vmem>>, vector<16xf32>,
        %mul3A_199 = arith.mulf %get3A_194, %get3A_198 : vector<16xf32>
        %add3A_200 = arith.addf %add3A_190, %mul3A_199 : vector<16xf32>
        %get3A_201 = arith.index_cast %rem3A_112 : i32 to index
        %get3A_202 = arith.index_cast %add3A_172 : i32 to index
        %get3A_203 = arith.constant 48 : index
        %get3A_204 = tpu.vector_load %arg11[%get3A_201, %get3A_202, %get3A_203] {strides = array<i32>} : memref<4x80x128xf32, #tpu.memory_space<vmem>>, vector<16xf32>,
        %get3A_205 = arith.index_cast %rem3A_112 : i32 to index
        %get3A_206 = arith.index_cast %add3A_172 : i32 to index
        %get3A_207 = arith.constant 48 : index
        %get3A_208 = tpu.vector_load %arg6[%get3A_205, %get3A_206, %get3A_207] {strides = array<i32>} : memref<4x80x128xf32, #tpu.memory_space<vmem>>, vector<16xf32>,
        %mul3A_209 = arith.mulf %get3A_204, %get3A_208 : vector<16xf32>
        %add3A_210 = arith.addf %add3A_200, %mul3A_209 : vector<16xf32>
        %get3A_211 = arith.index_cast %rem3A_112 : i32 to index
        %get3A_212 = arith.index_cast %add3A_172 : i32 to index
        %get3A_213 = arith.constant 64 : index
        %get3A_214 = tpu.vector_load %arg11[%get3A_211, %get3A_212, %get3A_213] {strides = array<i32>} : memref<4x80x128xf32, #tpu.memory_space<vmem>>, vector<16xf32>,
        %get3A_215 = arith.index_cast %rem3A_112 : i32 to index
        %get3A_216 = arith.index_cast %add3A_172 : i32 to index
        %get3A_217 = arith.constant 64 : index
        %get3A_218 = tpu.vector_load %arg6[%get3A_215, %get3A_216, %get3A_217] {strides = array<i32>} : memref<4x80x128xf32, #tpu.memory_space<vmem>>, vector<16xf32>,
        %mul3A_219 = arith.mulf %get3A_214, %get3A_218 : vector<16xf32>
        %add3A_220 = arith.addf %add3A_210, %mul3A_219 : vector<16xf32>
        %get3A_221 = arith.index_cast %rem3A_112 : i32 to index
        %get3A_222 = arith.index_cast %add3A_172 : i32 to index
        %get3A_223 = arith.constant 80 : index
        %get3A_224 = tpu.vector_load %arg11[%get3A_221, %get3A_222, %get3A_223] {strides = array<i32>} : memref<4x80x128xf32, #tpu.memory_space<vmem>>, vector<16xf32>,
        %get3A_225 = arith.index_cast %rem3A_112 : i32 to index
        %get3A_226 = arith.index_cast %add3A_172 : i32 to index
        %get3A_227 = arith.constant 80 : index
        %get3A_228 = tpu.vector_load %arg6[%get3A_225, %get3A_226, %get3A_227] {strides = array<i32>} : memref<4x80x128xf32, #tpu.memory_space<vmem>>, vector<16xf32>,
        %mul3A_229 = arith.mulf %get3A_224, %get3A_228 : vector<16xf32>
        %add3A_230 = arith.addf %add3A_220, %mul3A_229 : vector<16xf32>
        %get3A_231 = arith.index_cast %rem3A_112 : i32 to index
        %get3A_232 = arith.index_cast %add3A_172 : i32 to index
        %get3A_233 = arith.constant 96 : index
        %get3A_234 = tpu.vector_load %arg11[%get3A_231, %get3A_232, %get3A_233] {strides = array<i32>} : memref<4x80x128xf32, #tpu.memory_space<vmem>>, vector<16xf32>,
        %get3A_235 = arith.index_cast %rem3A_112 : i32 to index
        %get3A_236 = arith.index_cast %add3A_172 : i32 to index
        %get3A_237 = arith.constant 96 : index
        %get3A_238 = tpu.vector_load %arg6[%get3A_235, %get3A_236, %get3A_237] {strides = array<i32>} : memref<4x80x128xf32, #tpu.memory_space<vmem>>, vector<16xf32>,
        %mul3A_239 = arith.mulf %get3A_234, %get3A_238 : vector<16xf32>
        %add3A_240 = arith.addf %add3A_230, %mul3A_239 : vector<16xf32>
        %get3A_241 = arith.index_cast %rem3A_112 : i32 to index
        %get3A_242 = arith.index_cast %add3A_172 : i32 to index
        %get3A_243 = arith.constant 112 : index
        %get3A_244 = tpu.vector_load %arg11[%get3A_241, %get3A_242, %get3A_243] {strides = array<i32>} : memref<4x80x128xf32, #tpu.memory_space<vmem>>, vector<16xf32>,
        %get3A_245 = arith.index_cast %rem3A_112 : i32 to index
        %get3A_246 = arith.index_cast %add3A_172 : i32 to index
        %get3A_247 = arith.constant 112 : index
        %get3A_248 = tpu.vector_load %arg6[%get3A_245, %get3A_246, %get3A_247] {strides = array<i32>} : memref<4x80x128xf32, #tpu.memory_space<vmem>>, vector<16xf32>,
        %mul3A_249 = arith.mulf %get3A_244, %get3A_248 : vector<16xf32>
        %add3A_250 = arith.addf %add3A_240, %mul3A_249 : vector<16xf32>
        %reduce_sum3A = arith.constant true
        %reduce_sum3A_251 = vector.broadcast %reduce_sum3A : i1 to vector<16xi1>
        %reduce_sum3A_252 = tpu.scan <sum>, %add3A_250 masked %reduce_sum3A_251 : vector<16xf32>, vector<16xi1> -> vector<16xf32>
        %reduce_sum3A_253 = vector.extract %reduce_sum3A_252[15] : f32 from vector<16xf32>
        %eq3A = vector.broadcast %add3A_170 : i32 to vector<16xi32>
        %eq3A_254 = arith.cmpi eq, %iota3A, %eq3A : vector<16xi32>
        %broadcast_in_dim3A_255 = vector.broadcast %reduce_sum3A_253 : f32 to vector<16xf32>
        %select_n3A = arith.select %eq3A_254, %broadcast_in_dim3A_255, %scan3A_166 : vector<16xi1>, vector<16xf32>
        %mul3A_256 = arith.constant 2 : i32
        %mul3A_257 = arith.muli %scan3A_165, %mul3A_256 : i32
        %add3A_258 = arith.constant 1 : i32
        %add3A_259 = arith.addi %mul3A_257, %add3A_258 : i32
        %add3A_260 = arith.constant 16 : i32
        %add3A_261 = arith.addi %add3A_260, %add3A_259 : i32
        %get3A_262 = arith.index_cast %rem3A_112 : i32 to index
        %get3A_263 = arith.index_cast %add3A_261 : i32 to index
        %get3A_264 = arith.constant 0 : index
        %get3A_265 = tpu.vector_load %arg11[%get3A_262, %get3A_263, %get3A_264] {strides = array<i32>} : memref<4x80x128xf32, #tpu.memory_space<vmem>>, vector<16xf32>,
        %get3A_266 = arith.index_cast %rem3A_112 : i32 to index
        %get3A_267 = arith.index_cast %add3A_261 : i32 to index
        %get3A_268 = arith.constant 0 : index
        %get3A_269 = tpu.vector_load %arg6[%get3A_266, %get3A_267, %get3A_268] {strides = array<i32>} : memref<4x80x128xf32, #tpu.memory_space<vmem>>, vector<16xf32>,
        %mul3A_270 = arith.mulf %get3A_265, %get3A_269 : vector<16xf32>
        %get3A_271 = arith.index_cast %rem3A_112 : i32 to index
        %get3A_272 = arith.index_cast %add3A_261 : i32 to index
        %get3A_273 = arith.constant 16 : index
        %get3A_274 = tpu.vector_load %arg11[%get3A_271, %get3A_272, %get3A_273] {strides = array<i32>} : memref<4x80x128xf32, #tpu.memory_space<vmem>>, vector<16xf32>,
        %get3A_275 = arith.index_cast %rem3A_112 : i32 to index
        %get3A_276 = arith.index_cast %add3A_261 : i32 to index
        %get3A_277 = arith.constant 16 : index
        %get3A_278 = tpu.vector_load %arg6[%get3A_275, %get3A_276, %get3A_277] {strides = array<i32>} : memref<4x80x128xf32, #tpu.memory_space<vmem>>, vector<16xf32>,
        %mul3A_279 = arith.mulf %get3A_274, %get3A_278 : vector<16xf32>
        %add3A_280 = arith.addf %mul3A_270, %mul3A_279 : vector<16xf32>
        %get3A_281 = arith.index_cast %rem3A_112 : i32 to index
        %get3A_282 = arith.index_cast %add3A_261 : i32 to index
        %get3A_283 = arith.constant 32 : index
        %get3A_284 = tpu.vector_load %arg11[%get3A_281, %get3A_282, %get3A_283] {strides = array<i32>} : memref<4x80x128xf32, #tpu.memory_space<vmem>>, vector<16xf32>,
        %get3A_285 = arith.index_cast %rem3A_112 : i32 to index
        %get3A_286 = arith.index_cast %add3A_261 : i32 to index
        %get3A_287 = arith.constant 32 : index
        %get3A_288 = tpu.vector_load %arg6[%get3A_285, %get3A_286, %get3A_287] {strides = array<i32>} : memref<4x80x128xf32, #tpu.memory_space<vmem>>, vector<16xf32>,
        %mul3A_289 = arith.mulf %get3A_284, %get3A_288 : vector<16xf32>
        %add3A_290 = arith.addf %add3A_280, %mul3A_289 : vector<16xf32>
        %get3A_291 = arith.index_cast %rem3A_112 : i32 to index
        %get3A_292 = arith.index_cast %add3A_261 : i32 to index
        %get3A_293 = arith.constant 48 : index
        %get3A_294 = tpu.vector_load %arg11[%get3A_291, %get3A_292, %get3A_293] {strides = array<i32>} : memref<4x80x128xf32, #tpu.memory_space<vmem>>, vector<16xf32>,
        %get3A_295 = arith.index_cast %rem3A_112 : i32 to index
        %get3A_296 = arith.index_cast %add3A_261 : i32 to index
        %get3A_297 = arith.constant 48 : index
        %get3A_298 = tpu.vector_load %arg6[%get3A_295, %get3A_296, %get3A_297] {strides = array<i32>} : memref<4x80x128xf32, #tpu.memory_space<vmem>>, vector<16xf32>,
        %mul3A_299 = arith.mulf %get3A_294, %get3A_298 : vector<16xf32>
        %add3A_300 = arith.addf %add3A_290, %mul3A_299 : vector<16xf32>
        %get3A_301 = arith.index_cast %rem3A_112 : i32 to index
        %get3A_302 = arith.index_cast %add3A_261 : i32 to index
        %get3A_303 = arith.constant 64 : index
        %get3A_304 = tpu.vector_load %arg11[%get3A_301, %get3A_302, %get3A_303] {strides = array<i32>} : memref<4x80x128xf32, #tpu.memory_space<vmem>>, vector<16xf32>,
        %get3A_305 = arith.index_cast %rem3A_112 : i32 to index
        %get3A_306 = arith.index_cast %add3A_261 : i32 to index
        %get3A_307 = arith.constant 64 : index
        %get3A_308 = tpu.vector_load %arg6[%get3A_305, %get3A_306, %get3A_307] {strides = array<i32>} : memref<4x80x128xf32, #tpu.memory_space<vmem>>, vector<16xf32>,
        %mul3A_309 = arith.mulf %get3A_304, %get3A_308 : vector<16xf32>
        %add3A_310 = arith.addf %add3A_300, %mul3A_309 : vector<16xf32>
        %get3A_311 = arith.index_cast %rem3A_112 : i32 to index
        %get3A_312 = arith.index_cast %add3A_261 : i32 to index
        %get3A_313 = arith.constant 80 : index
        %get3A_314 = tpu.vector_load %arg11[%get3A_311, %get3A_312, %get3A_313] {strides = array<i32>} : memref<4x80x128xf32, #tpu.memory_space<vmem>>, vector<16xf32>,
        %get3A_315 = arith.index_cast %rem3A_112 : i32 to index
        %get3A_316 = arith.index_cast %add3A_261 : i32 to index
        %get3A_317 = arith.constant 80 : index
        %get3A_318 = tpu.vector_load %arg6[%get3A_315, %get3A_316, %get3A_317] {strides = array<i32>} : memref<4x80x128xf32, #tpu.memory_space<vmem>>, vector<16xf32>,
        %mul3A_319 = arith.mulf %get3A_314, %get3A_318 : vector<16xf32>
        %add3A_320 = arith.addf %add3A_310, %mul3A_319 : vector<16xf32>
        %get3A_321 = arith.index_cast %rem3A_112 : i32 to index
        %get3A_322 = arith.index_cast %add3A_261 : i32 to index
        %get3A_323 = arith.constant 96 : index
        %get3A_324 = tpu.vector_load %arg11[%get3A_321, %get3A_322, %get3A_323] {strides = array<i32>} : memref<4x80x128xf32, #tpu.memory_space<vmem>>, vector<16xf32>,
        %get3A_325 = arith.index_cast %rem3A_112 : i32 to index
        %get3A_326 = arith.index_cast %add3A_261 : i32 to index
        %get3A_327 = arith.constant 96 : index
        %get3A_328 = tpu.vector_load %arg6[%get3A_325, %get3A_326, %get3A_327] {strides = array<i32>} : memref<4x80x128xf32, #tpu.memory_space<vmem>>, vector<16xf32>,
        %mul3A_329 = arith.mulf %get3A_324, %get3A_328 : vector<16xf32>
        %add3A_330 = arith.addf %add3A_320, %mul3A_329 : vector<16xf32>
        %get3A_331 = arith.index_cast %rem3A_112 : i32 to index
        %get3A_332 = arith.index_cast %add3A_261 : i32 to index
        %get3A_333 = arith.constant 112 : index
        %get3A_334 = tpu.vector_load %arg11[%get3A_331, %get3A_332, %get3A_333] {strides = array<i32>} : memref<4x80x128xf32, #tpu.memory_space<vmem>>, vector<16xf32>,
        %get3A_335 = arith.index_cast %rem3A_112 : i32 to index
        %get3A_336 = arith.index_cast %add3A_261 : i32 to index
        %get3A_337 = arith.constant 112 : index
        %get3A_338 = tpu.vector_load %arg6[%get3A_335, %get3A_336, %get3A_337] {strides = array<i32>} : memref<4x80x128xf32, #tpu.memory_space<vmem>>, vector<16xf32>,
        %mul3A_339 = arith.mulf %get3A_334, %get3A_338 : vector<16xf32>
        %add3A_340 = arith.addf %add3A_330, %mul3A_339 : vector<16xf32>
        %reduce_sum3A_341 = arith.constant true
        %reduce_sum3A_342 = vector.broadcast %reduce_sum3A_341 : i1 to vector<16xi1>
        %reduce_sum3A_343 = tpu.scan <sum>, %add3A_340 masked %reduce_sum3A_342 : vector<16xf32>, vector<16xi1> -> vector<16xf32>
        %reduce_sum3A_344 = vector.extract %reduce_sum3A_343[15] : f32 from vector<16xf32>
        %eq3A_345 = vector.broadcast %add3A_259 : i32 to vector<16xi32>
        %eq3A_346 = arith.cmpi eq, %iota3A, %eq3A_345 : vector<16xi32>
        %broadcast_in_dim3A_347 = vector.broadcast %reduce_sum3A_344 : f32 to vector<16xf32>
        %select_n3A_348 = arith.select %eq3A_346, %broadcast_in_dim3A_347, %select_n3A : vector<16xi1>, vector<16xf32>
        scf.yield %select_n3A_348 : vector<16xf32>
      }
      %scan3A_128 = arith.constant 8 : i32
      %swap3A_129 = arith.constant 16 : index
      %swap3A_130 = tpu.vector_load %arg12[%swap3A_129] {strides = array<i32>} : memref<80xf32, #tpu.memory_space<vmem>>, vector<16xf32>,
      tpu.vector_store %arg12[%swap3A_129], %scan3A_127 {strides = array<i32>} : memref<80xf32, #tpu.memory_space<vmem>>, vector<16xf32>,
      %broadcast_in_dim3A_131 = arith.constant 0.000000e+00 : f32
      %broadcast_in_dim3A_132 = vector.broadcast %broadcast_in_dim3A_131 : f32 to vector<16xf32>
      %scan3A_133 = arith.constant 0 : i32
      %scan3A_134 = arith.constant 8 : i32
      %scan3A_135 = arith.addi %scan3A_133, %scan3A_134 : i32
      %scan3A_136 = arith.constant 1 : i32
      %scan3A_137 = scf.for %scan3A_165 = %scan3A_133 to %scan3A_135 step %scan3A_136 iter_args(%scan3A_166 = %broadcast_in_dim3A_132) -> (vector<16xf32>)  : i32 {
        %mul3A_167 = arith.constant 2 : i32
        %mul3A_168 = arith.muli %scan3A_165, %mul3A_167 : i32
        %add3A_169 = arith.constant 0 : i32
        %add3A_170 = arith.addi %mul3A_168, %add3A_169 : i32
        %add3A_171 = arith.constant 32 : i32
        %add3A_172 = arith.addi %add3A_171, %add3A_170 : i32
        %get3A = arith.index_cast %rem3A_112 : i32 to index
        %get3A_173 = arith.index_cast %add3A_172 : i32 to index
        %get3A_174 = arith.constant 0 : index
        %get3A_175 = tpu.vector_load %arg11[%get3A, %get3A_173, %get3A_174] {strides = array<i32>} : memref<4x80x128xf32, #tpu.memory_space<vmem>>, vector<16xf32>,
        %get3A_176 = arith.index_cast %rem3A_112 : i32 to index
        %get3A_177 = arith.index_cast %add3A_172 : i32 to index
        %get3A_178 = arith.constant 0 : index
        %get3A_179 = tpu.vector_load %arg6[%get3A_176, %get3A_177, %get3A_178] {strides = array<i32>} : memref<4x80x128xf32, #tpu.memory_space<vmem>>, vector<16xf32>,
        %mul3A_180 = arith.mulf %get3A_175, %get3A_179 : vector<16xf32>
        %get3A_181 = arith.index_cast %rem3A_112 : i32 to index
        %get3A_182 = arith.index_cast %add3A_172 : i32 to index
        %get3A_183 = arith.constant 16 : index
        %get3A_184 = tpu.vector_load %arg11[%get3A_181, %get3A_182, %get3A_183] {strides = array<i32>} : memref<4x80x128xf32, #tpu.memory_space<vmem>>, vector<16xf32>,
        %get3A_185 = arith.index_cast %rem3A_112 : i32 to index
        %get3A_186 = arith.index_cast %add3A_172 : i32 to index
        %get3A_187 = arith.constant 16 : index
        %get3A_188 = tpu.vector_load %arg6[%get3A_185, %get3A_186, %get3A_187] {strides = array<i32>} : memref<4x80x128xf32, #tpu.memory_space<vmem>>, vector<16xf32>,
        %mul3A_189 = arith.mulf %get3A_184, %get3A_188 : vector<16xf32>
        %add3A_190 = arith.addf %mul3A_180, %mul3A_189 : vector<16xf32>
        %get3A_191 = arith.index_cast %rem3A_112 : i32 to index
        %get3A_192 = arith.index_cast %add3A_172 : i32 to index
        %get3A_193 = arith.constant 32 : index
        %get3A_194 = tpu.vector_load %arg11[%get3A_191, %get3A_192, %get3A_193] {strides = array<i32>} : memref<4x80x128xf32, #tpu.memory_space<vmem>>, vector<16xf32>,
        %get3A_195 = arith.index_cast %rem3A_112 : i32 to index
        %get3A_196 = arith.index_cast %add3A_172 : i32 to index
        %get3A_197 = arith.constant 32 : index
        %get3A_198 = tpu.vector_load %arg6[%get3A_195, %get3A_196, %get3A_197] {strides = array<i32>} : memref<4x80x128xf32, #tpu.memory_space<vmem>>, vector<16xf32>,
        %mul3A_199 = arith.mulf %get3A_194, %get3A_198 : vector<16xf32>
        %add3A_200 = arith.addf %add3A_190, %mul3A_199 : vector<16xf32>
        %get3A_201 = arith.index_cast %rem3A_112 : i32 to index
        %get3A_202 = arith.index_cast %add3A_172 : i32 to index
        %get3A_203 = arith.constant 48 : index
        %get3A_204 = tpu.vector_load %arg11[%get3A_201, %get3A_202, %get3A_203] {strides = array<i32>} : memref<4x80x128xf32, #tpu.memory_space<vmem>>, vector<16xf32>,
        %get3A_205 = arith.index_cast %rem3A_112 : i32 to index
        %get3A_206 = arith.index_cast %add3A_172 : i32 to index
        %get3A_207 = arith.constant 48 : index
        %get3A_208 = tpu.vector_load %arg6[%get3A_205, %get3A_206, %get3A_207] {strides = array<i32>} : memref<4x80x128xf32, #tpu.memory_space<vmem>>, vector<16xf32>,
        %mul3A_209 = arith.mulf %get3A_204, %get3A_208 : vector<16xf32>
        %add3A_210 = arith.addf %add3A_200, %mul3A_209 : vector<16xf32>
        %get3A_211 = arith.index_cast %rem3A_112 : i32 to index
        %get3A_212 = arith.index_cast %add3A_172 : i32 to index
        %get3A_213 = arith.constant 64 : index
        %get3A_214 = tpu.vector_load %arg11[%get3A_211, %get3A_212, %get3A_213] {strides = array<i32>} : memref<4x80x128xf32, #tpu.memory_space<vmem>>, vector<16xf32>,
        %get3A_215 = arith.index_cast %rem3A_112 : i32 to index
        %get3A_216 = arith.index_cast %add3A_172 : i32 to index
        %get3A_217 = arith.constant 64 : index
        %get3A_218 = tpu.vector_load %arg6[%get3A_215, %get3A_216, %get3A_217] {strides = array<i32>} : memref<4x80x128xf32, #tpu.memory_space<vmem>>, vector<16xf32>,
        %mul3A_219 = arith.mulf %get3A_214, %get3A_218 : vector<16xf32>
        %add3A_220 = arith.addf %add3A_210, %mul3A_219 : vector<16xf32>
        %get3A_221 = arith.index_cast %rem3A_112 : i32 to index
        %get3A_222 = arith.index_cast %add3A_172 : i32 to index
        %get3A_223 = arith.constant 80 : index
        %get3A_224 = tpu.vector_load %arg11[%get3A_221, %get3A_222, %get3A_223] {strides = array<i32>} : memref<4x80x128xf32, #tpu.memory_space<vmem>>, vector<16xf32>,
        %get3A_225 = arith.index_cast %rem3A_112 : i32 to index
        %get3A_226 = arith.index_cast %add3A_172 : i32 to index
        %get3A_227 = arith.constant 80 : index
        %get3A_228 = tpu.vector_load %arg6[%get3A_225, %get3A_226, %get3A_227] {strides = array<i32>} : memref<4x80x128xf32, #tpu.memory_space<vmem>>, vector<16xf32>,
        %mul3A_229 = arith.mulf %get3A_224, %get3A_228 : vector<16xf32>
        %add3A_230 = arith.addf %add3A_220, %mul3A_229 : vector<16xf32>
        %get3A_231 = arith.index_cast %rem3A_112 : i32 to index
        %get3A_232 = arith.index_cast %add3A_172 : i32 to index
        %get3A_233 = arith.constant 96 : index
        %get3A_234 = tpu.vector_load %arg11[%get3A_231, %get3A_232, %get3A_233] {strides = array<i32>} : memref<4x80x128xf32, #tpu.memory_space<vmem>>, vector<16xf32>,
        %get3A_235 = arith.index_cast %rem3A_112 : i32 to index
        %get3A_236 = arith.index_cast %add3A_172 : i32 to index
        %get3A_237 = arith.constant 96 : index
        %get3A_238 = tpu.vector_load %arg6[%get3A_235, %get3A_236, %get3A_237] {strides = array<i32>} : memref<4x80x128xf32, #tpu.memory_space<vmem>>, vector<16xf32>,
        %mul3A_239 = arith.mulf %get3A_234, %get3A_238 : vector<16xf32>
        %add3A_240 = arith.addf %add3A_230, %mul3A_239 : vector<16xf32>
        %get3A_241 = arith.index_cast %rem3A_112 : i32 to index
        %get3A_242 = arith.index_cast %add3A_172 : i32 to index
        %get3A_243 = arith.constant 112 : index
        %get3A_244 = tpu.vector_load %arg11[%get3A_241, %get3A_242, %get3A_243] {strides = array<i32>} : memref<4x80x128xf32, #tpu.memory_space<vmem>>, vector<16xf32>,
        %get3A_245 = arith.index_cast %rem3A_112 : i32 to index
        %get3A_246 = arith.index_cast %add3A_172 : i32 to index
        %get3A_247 = arith.constant 112 : index
        %get3A_248 = tpu.vector_load %arg6[%get3A_245, %get3A_246, %get3A_247] {strides = array<i32>} : memref<4x80x128xf32, #tpu.memory_space<vmem>>, vector<16xf32>,
        %mul3A_249 = arith.mulf %get3A_244, %get3A_248 : vector<16xf32>
        %add3A_250 = arith.addf %add3A_240, %mul3A_249 : vector<16xf32>
        %reduce_sum3A = arith.constant true
        %reduce_sum3A_251 = vector.broadcast %reduce_sum3A : i1 to vector<16xi1>
        %reduce_sum3A_252 = tpu.scan <sum>, %add3A_250 masked %reduce_sum3A_251 : vector<16xf32>, vector<16xi1> -> vector<16xf32>
        %reduce_sum3A_253 = vector.extract %reduce_sum3A_252[15] : f32 from vector<16xf32>
        %eq3A = vector.broadcast %add3A_170 : i32 to vector<16xi32>
        %eq3A_254 = arith.cmpi eq, %iota3A, %eq3A : vector<16xi32>
        %broadcast_in_dim3A_255 = vector.broadcast %reduce_sum3A_253 : f32 to vector<16xf32>
        %select_n3A = arith.select %eq3A_254, %broadcast_in_dim3A_255, %scan3A_166 : vector<16xi1>, vector<16xf32>
        %mul3A_256 = arith.constant 2 : i32
        %mul3A_257 = arith.muli %scan3A_165, %mul3A_256 : i32
        %add3A_258 = arith.constant 1 : i32
        %add3A_259 = arith.addi %mul3A_257, %add3A_258 : i32
        %add3A_260 = arith.constant 32 : i32
        %add3A_261 = arith.addi %add3A_260, %add3A_259 : i32
        %get3A_262 = arith.index_cast %rem3A_112 : i32 to index
        %get3A_263 = arith.index_cast %add3A_261 : i32 to index
        %get3A_264 = arith.constant 0 : index
        %get3A_265 = tpu.vector_load %arg11[%get3A_262, %get3A_263, %get3A_264] {strides = array<i32>} : memref<4x80x128xf32, #tpu.memory_space<vmem>>, vector<16xf32>,
        %get3A_266 = arith.index_cast %rem3A_112 : i32 to index
        %get3A_267 = arith.index_cast %add3A_261 : i32 to index
        %get3A_268 = arith.constant 0 : index
        %get3A_269 = tpu.vector_load %arg6[%get3A_266, %get3A_267, %get3A_268] {strides = array<i32>} : memref<4x80x128xf32, #tpu.memory_space<vmem>>, vector<16xf32>,
        %mul3A_270 = arith.mulf %get3A_265, %get3A_269 : vector<16xf32>
        %get3A_271 = arith.index_cast %rem3A_112 : i32 to index
        %get3A_272 = arith.index_cast %add3A_261 : i32 to index
        %get3A_273 = arith.constant 16 : index
        %get3A_274 = tpu.vector_load %arg11[%get3A_271, %get3A_272, %get3A_273] {strides = array<i32>} : memref<4x80x128xf32, #tpu.memory_space<vmem>>, vector<16xf32>,
        %get3A_275 = arith.index_cast %rem3A_112 : i32 to index
        %get3A_276 = arith.index_cast %add3A_261 : i32 to index
        %get3A_277 = arith.constant 16 : index
        %get3A_278 = tpu.vector_load %arg6[%get3A_275, %get3A_276, %get3A_277] {strides = array<i32>} : memref<4x80x128xf32, #tpu.memory_space<vmem>>, vector<16xf32>,
        %mul3A_279 = arith.mulf %get3A_274, %get3A_278 : vector<16xf32>
        %add3A_280 = arith.addf %mul3A_270, %mul3A_279 : vector<16xf32>
        %get3A_281 = arith.index_cast %rem3A_112 : i32 to index
        %get3A_282 = arith.index_cast %add3A_261 : i32 to index
        %get3A_283 = arith.constant 32 : index
        %get3A_284 = tpu.vector_load %arg11[%get3A_281, %get3A_282, %get3A_283] {strides = array<i32>} : memref<4x80x128xf32, #tpu.memory_space<vmem>>, vector<16xf32>,
        %get3A_285 = arith.index_cast %rem3A_112 : i32 to index
        %get3A_286 = arith.index_cast %add3A_261 : i32 to index
        %get3A_287 = arith.constant 32 : index
        %get3A_288 = tpu.vector_load %arg6[%get3A_285, %get3A_286, %get3A_287] {strides = array<i32>} : memref<4x80x128xf32, #tpu.memory_space<vmem>>, vector<16xf32>,
        %mul3A_289 = arith.mulf %get3A_284, %get3A_288 : vector<16xf32>
        %add3A_290 = arith.addf %add3A_280, %mul3A_289 : vector<16xf32>
        %get3A_291 = arith.index_cast %rem3A_112 : i32 to index
        %get3A_292 = arith.index_cast %add3A_261 : i32 to index
        %get3A_293 = arith.constant 48 : index
        %get3A_294 = tpu.vector_load %arg11[%get3A_291, %get3A_292, %get3A_293] {strides = array<i32>} : memref<4x80x128xf32, #tpu.memory_space<vmem>>, vector<16xf32>,
        %get3A_295 = arith.index_cast %rem3A_112 : i32 to index
        %get3A_296 = arith.index_cast %add3A_261 : i32 to index
        %get3A_297 = arith.constant 48 : index
        %get3A_298 = tpu.vector_load %arg6[%get3A_295, %get3A_296, %get3A_297] {strides = array<i32>} : memref<4x80x128xf32, #tpu.memory_space<vmem>>, vector<16xf32>,
        %mul3A_299 = arith.mulf %get3A_294, %get3A_298 : vector<16xf32>
        %add3A_300 = arith.addf %add3A_290, %mul3A_299 : vector<16xf32>
        %get3A_301 = arith.index_cast %rem3A_112 : i32 to index
        %get3A_302 = arith.index_cast %add3A_261 : i32 to index
        %get3A_303 = arith.constant 64 : index
        %get3A_304 = tpu.vector_load %arg11[%get3A_301, %get3A_302, %get3A_303] {strides = array<i32>} : memref<4x80x128xf32, #tpu.memory_space<vmem>>, vector<16xf32>,
        %get3A_305 = arith.index_cast %rem3A_112 : i32 to index
        %get3A_306 = arith.index_cast %add3A_261 : i32 to index
        %get3A_307 = arith.constant 64 : index
        %get3A_308 = tpu.vector_load %arg6[%get3A_305, %get3A_306, %get3A_307] {strides = array<i32>} : memref<4x80x128xf32, #tpu.memory_space<vmem>>, vector<16xf32>,
        %mul3A_309 = arith.mulf %get3A_304, %get3A_308 : vector<16xf32>
        %add3A_310 = arith.addf %add3A_300, %mul3A_309 : vector<16xf32>
        %get3A_311 = arith.index_cast %rem3A_112 : i32 to index
        %get3A_312 = arith.index_cast %add3A_261 : i32 to index
        %get3A_313 = arith.constant 80 : index
        %get3A_314 = tpu.vector_load %arg11[%get3A_311, %get3A_312, %get3A_313] {strides = array<i32>} : memref<4x80x128xf32, #tpu.memory_space<vmem>>, vector<16xf32>,
        %get3A_315 = arith.index_cast %rem3A_112 : i32 to index
        %get3A_316 = arith.index_cast %add3A_261 : i32 to index
        %get3A_317 = arith.constant 80 : index
        %get3A_318 = tpu.vector_load %arg6[%get3A_315, %get3A_316, %get3A_317] {strides = array<i32>} : memref<4x80x128xf32, #tpu.memory_space<vmem>>, vector<16xf32>,
        %mul3A_319 = arith.mulf %get3A_314, %get3A_318 : vector<16xf32>
        %add3A_320 = arith.addf %add3A_310, %mul3A_319 : vector<16xf32>
        %get3A_321 = arith.index_cast %rem3A_112 : i32 to index
        %get3A_322 = arith.index_cast %add3A_261 : i32 to index
        %get3A_323 = arith.constant 96 : index
        %get3A_324 = tpu.vector_load %arg11[%get3A_321, %get3A_322, %get3A_323] {strides = array<i32>} : memref<4x80x128xf32, #tpu.memory_space<vmem>>, vector<16xf32>,
        %get3A_325 = arith.index_cast %rem3A_112 : i32 to index
        %get3A_326 = arith.index_cast %add3A_261 : i32 to index
        %get3A_327 = arith.constant 96 : index
        %get3A_328 = tpu.vector_load %arg6[%get3A_325, %get3A_326, %get3A_327] {strides = array<i32>} : memref<4x80x128xf32, #tpu.memory_space<vmem>>, vector<16xf32>,
        %mul3A_329 = arith.mulf %get3A_324, %get3A_328 : vector<16xf32>
        %add3A_330 = arith.addf %add3A_320, %mul3A_329 : vector<16xf32>
        %get3A_331 = arith.index_cast %rem3A_112 : i32 to index
        %get3A_332 = arith.index_cast %add3A_261 : i32 to index
        %get3A_333 = arith.constant 112 : index
        %get3A_334 = tpu.vector_load %arg11[%get3A_331, %get3A_332, %get3A_333] {strides = array<i32>} : memref<4x80x128xf32, #tpu.memory_space<vmem>>, vector<16xf32>,
        %get3A_335 = arith.index_cast %rem3A_112 : i32 to index
        %get3A_336 = arith.index_cast %add3A_261 : i32 to index
        %get3A_337 = arith.constant 112 : index
        %get3A_338 = tpu.vector_load %arg6[%get3A_335, %get3A_336, %get3A_337] {strides = array<i32>} : memref<4x80x128xf32, #tpu.memory_space<vmem>>, vector<16xf32>,
        %mul3A_339 = arith.mulf %get3A_334, %get3A_338 : vector<16xf32>
        %add3A_340 = arith.addf %add3A_330, %mul3A_339 : vector<16xf32>
        %reduce_sum3A_341 = arith.constant true
        %reduce_sum3A_342 = vector.broadcast %reduce_sum3A_341 : i1 to vector<16xi1>
        %reduce_sum3A_343 = tpu.scan <sum>, %add3A_340 masked %reduce_sum3A_342 : vector<16xf32>, vector<16xi1> -> vector<16xf32>
        %reduce_sum3A_344 = vector.extract %reduce_sum3A_343[15] : f32 from vector<16xf32>
        %eq3A_345 = vector.broadcast %add3A_259 : i32 to vector<16xi32>
        %eq3A_346 = arith.cmpi eq, %iota3A, %eq3A_345 : vector<16xi32>
        %broadcast_in_dim3A_347 = vector.broadcast %reduce_sum3A_344 : f32 to vector<16xf32>
        %select_n3A_348 = arith.select %eq3A_346, %broadcast_in_dim3A_347, %select_n3A : vector<16xi1>, vector<16xf32>
        scf.yield %select_n3A_348 : vector<16xf32>
      }
      %scan3A_138 = arith.constant 8 : i32
      %swap3A_139 = arith.constant 32 : index
      %swap3A_140 = tpu.vector_load %arg12[%swap3A_139] {strides = array<i32>} : memref<80xf32, #tpu.memory_space<vmem>>, vector<16xf32>,
      tpu.vector_store %arg12[%swap3A_139], %scan3A_137 {strides = array<i32>} : memref<80xf32, #tpu.memory_space<vmem>>, vector<16xf32>,
      %broadcast_in_dim3A_141 = arith.constant 0.000000e+00 : f32
      %broadcast_in_dim3A_142 = vector.broadcast %broadcast_in_dim3A_141 : f32 to vector<16xf32>
      %scan3A_143 = arith.constant 0 : i32
      %scan3A_144 = arith.constant 8 : i32
      %scan3A_145 = arith.addi %scan3A_143, %scan3A_144 : i32
      %scan3A_146 = arith.constant 1 : i32
      %scan3A_147 = scf.for %scan3A_165 = %scan3A_143 to %scan3A_145 step %scan3A_146 iter_args(%scan3A_166 = %broadcast_in_dim3A_142) -> (vector<16xf32>)  : i32 {
        %mul3A_167 = arith.constant 2 : i32
        %mul3A_168 = arith.muli %scan3A_165, %mul3A_167 : i32
        %add3A_169 = arith.constant 0 : i32
        %add3A_170 = arith.addi %mul3A_168, %add3A_169 : i32
        %add3A_171 = arith.constant 48 : i32
        %add3A_172 = arith.addi %add3A_171, %add3A_170 : i32
        %get3A = arith.index_cast %rem3A_112 : i32 to index
        %get3A_173 = arith.index_cast %add3A_172 : i32 to index
        %get3A_174 = arith.constant 0 : index
        %get3A_175 = tpu.vector_load %arg11[%get3A, %get3A_173, %get3A_174] {strides = array<i32>} : memref<4x80x128xf32, #tpu.memory_space<vmem>>, vector<16xf32>,
        %get3A_176 = arith.index_cast %rem3A_112 : i32 to index
        %get3A_177 = arith.index_cast %add3A_172 : i32 to index
        %get3A_178 = arith.constant 0 : index
        %get3A_179 = tpu.vector_load %arg6[%get3A_176, %get3A_177, %get3A_178] {strides = array<i32>} : memref<4x80x128xf32, #tpu.memory_space<vmem>>, vector<16xf32>,
        %mul3A_180 = arith.mulf %get3A_175, %get3A_179 : vector<16xf32>
        %get3A_181 = arith.index_cast %rem3A_112 : i32 to index
        %get3A_182 = arith.index_cast %add3A_172 : i32 to index
        %get3A_183 = arith.constant 16 : index
        %get3A_184 = tpu.vector_load %arg11[%get3A_181, %get3A_182, %get3A_183] {strides = array<i32>} : memref<4x80x128xf32, #tpu.memory_space<vmem>>, vector<16xf32>,
        %get3A_185 = arith.index_cast %rem3A_112 : i32 to index
        %get3A_186 = arith.index_cast %add3A_172 : i32 to index
        %get3A_187 = arith.constant 16 : index
        %get3A_188 = tpu.vector_load %arg6[%get3A_185, %get3A_186, %get3A_187] {strides = array<i32>} : memref<4x80x128xf32, #tpu.memory_space<vmem>>, vector<16xf32>,
        %mul3A_189 = arith.mulf %get3A_184, %get3A_188 : vector<16xf32>
        %add3A_190 = arith.addf %mul3A_180, %mul3A_189 : vector<16xf32>
        %get3A_191 = arith.index_cast %rem3A_112 : i32 to index
        %get3A_192 = arith.index_cast %add3A_172 : i32 to index
        %get3A_193 = arith.constant 32 : index
        %get3A_194 = tpu.vector_load %arg11[%get3A_191, %get3A_192, %get3A_193] {strides = array<i32>} : memref<4x80x128xf32, #tpu.memory_space<vmem>>, vector<16xf32>,
        %get3A_195 = arith.index_cast %rem3A_112 : i32 to index
        %get3A_196 = arith.index_cast %add3A_172 : i32 to index
        %get3A_197 = arith.constant 32 : index
        %get3A_198 = tpu.vector_load %arg6[%get3A_195, %get3A_196, %get3A_197] {strides = array<i32>} : memref<4x80x128xf32, #tpu.memory_space<vmem>>, vector<16xf32>,
        %mul3A_199 = arith.mulf %get3A_194, %get3A_198 : vector<16xf32>
        %add3A_200 = arith.addf %add3A_190, %mul3A_199 : vector<16xf32>
        %get3A_201 = arith.index_cast %rem3A_112 : i32 to index
        %get3A_202 = arith.index_cast %add3A_172 : i32 to index
        %get3A_203 = arith.constant 48 : index
        %get3A_204 = tpu.vector_load %arg11[%get3A_201, %get3A_202, %get3A_203] {strides = array<i32>} : memref<4x80x128xf32, #tpu.memory_space<vmem>>, vector<16xf32>,
        %get3A_205 = arith.index_cast %rem3A_112 : i32 to index
        %get3A_206 = arith.index_cast %add3A_172 : i32 to index
        %get3A_207 = arith.constant 48 : index
        %get3A_208 = tpu.vector_load %arg6[%get3A_205, %get3A_206, %get3A_207] {strides = array<i32>} : memref<4x80x128xf32, #tpu.memory_space<vmem>>, vector<16xf32>,
        %mul3A_209 = arith.mulf %get3A_204, %get3A_208 : vector<16xf32>
        %add3A_210 = arith.addf %add3A_200, %mul3A_209 : vector<16xf32>
        %get3A_211 = arith.index_cast %rem3A_112 : i32 to index
        %get3A_212 = arith.index_cast %add3A_172 : i32 to index
        %get3A_213 = arith.constant 64 : index
        %get3A_214 = tpu.vector_load %arg11[%get3A_211, %get3A_212, %get3A_213] {strides = array<i32>} : memref<4x80x128xf32, #tpu.memory_space<vmem>>, vector<16xf32>,
        %get3A_215 = arith.index_cast %rem3A_112 : i32 to index
        %get3A_216 = arith.index_cast %add3A_172 : i32 to index
        %get3A_217 = arith.constant 64 : index
        %get3A_218 = tpu.vector_load %arg6[%get3A_215, %get3A_216, %get3A_217] {strides = array<i32>} : memref<4x80x128xf32, #tpu.memory_space<vmem>>, vector<16xf32>,
        %mul3A_219 = arith.mulf %get3A_214, %get3A_218 : vector<16xf32>
        %add3A_220 = arith.addf %add3A_210, %mul3A_219 : vector<16xf32>
        %get3A_221 = arith.index_cast %rem3A_112 : i32 to index
        %get3A_222 = arith.index_cast %add3A_172 : i32 to index
        %get3A_223 = arith.constant 80 : index
        %get3A_224 = tpu.vector_load %arg11[%get3A_221, %get3A_222, %get3A_223] {strides = array<i32>} : memref<4x80x128xf32, #tpu.memory_space<vmem>>, vector<16xf32>,
        %get3A_225 = arith.index_cast %rem3A_112 : i32 to index
        %get3A_226 = arith.index_cast %add3A_172 : i32 to index
        %get3A_227 = arith.constant 80 : index
        %get3A_228 = tpu.vector_load %arg6[%get3A_225, %get3A_226, %get3A_227] {strides = array<i32>} : memref<4x80x128xf32, #tpu.memory_space<vmem>>, vector<16xf32>,
        %mul3A_229 = arith.mulf %get3A_224, %get3A_228 : vector<16xf32>
        %add3A_230 = arith.addf %add3A_220, %mul3A_229 : vector<16xf32>
        %get3A_231 = arith.index_cast %rem3A_112 : i32 to index
        %get3A_232 = arith.index_cast %add3A_172 : i32 to index
        %get3A_233 = arith.constant 96 : index
        %get3A_234 = tpu.vector_load %arg11[%get3A_231, %get3A_232, %get3A_233] {strides = array<i32>} : memref<4x80x128xf32, #tpu.memory_space<vmem>>, vector<16xf32>,
        %get3A_235 = arith.index_cast %rem3A_112 : i32 to index
        %get3A_236 = arith.index_cast %add3A_172 : i32 to index
        %get3A_237 = arith.constant 96 : index
        %get3A_238 = tpu.vector_load %arg6[%get3A_235, %get3A_236, %get3A_237] {strides = array<i32>} : memref<4x80x128xf32, #tpu.memory_space<vmem>>, vector<16xf32>,
        %mul3A_239 = arith.mulf %get3A_234, %get3A_238 : vector<16xf32>
        %add3A_240 = arith.addf %add3A_230, %mul3A_239 : vector<16xf32>
        %get3A_241 = arith.index_cast %rem3A_112 : i32 to index
        %get3A_242 = arith.index_cast %add3A_172 : i32 to index
        %get3A_243 = arith.constant 112 : index
        %get3A_244 = tpu.vector_load %arg11[%get3A_241, %get3A_242, %get3A_243] {strides = array<i32>} : memref<4x80x128xf32, #tpu.memory_space<vmem>>, vector<16xf32>,
        %get3A_245 = arith.index_cast %rem3A_112 : i32 to index
        %get3A_246 = arith.index_cast %add3A_172 : i32 to index
        %get3A_247 = arith.constant 112 : index
        %get3A_248 = tpu.vector_load %arg6[%get3A_245, %get3A_246, %get3A_247] {strides = array<i32>} : memref<4x80x128xf32, #tpu.memory_space<vmem>>, vector<16xf32>,
        %mul3A_249 = arith.mulf %get3A_244, %get3A_248 : vector<16xf32>
        %add3A_250 = arith.addf %add3A_240, %mul3A_249 : vector<16xf32>
        %reduce_sum3A = arith.constant true
        %reduce_sum3A_251 = vector.broadcast %reduce_sum3A : i1 to vector<16xi1>
        %reduce_sum3A_252 = tpu.scan <sum>, %add3A_250 masked %reduce_sum3A_251 : vector<16xf32>, vector<16xi1> -> vector<16xf32>
        %reduce_sum3A_253 = vector.extract %reduce_sum3A_252[15] : f32 from vector<16xf32>
        %eq3A = vector.broadcast %add3A_170 : i32 to vector<16xi32>
        %eq3A_254 = arith.cmpi eq, %iota3A, %eq3A : vector<16xi32>
        %broadcast_in_dim3A_255 = vector.broadcast %reduce_sum3A_253 : f32 to vector<16xf32>
        %select_n3A = arith.select %eq3A_254, %broadcast_in_dim3A_255, %scan3A_166 : vector<16xi1>, vector<16xf32>
        %mul3A_256 = arith.constant 2 : i32
        %mul3A_257 = arith.muli %scan3A_165, %mul3A_256 : i32
        %add3A_258 = arith.constant 1 : i32
        %add3A_259 = arith.addi %mul3A_257, %add3A_258 : i32
        %add3A_260 = arith.constant 48 : i32
        %add3A_261 = arith.addi %add3A_260, %add3A_259 : i32
        %get3A_262 = arith.index_cast %rem3A_112 : i32 to index
        %get3A_263 = arith.index_cast %add3A_261 : i32 to index
        %get3A_264 = arith.constant 0 : index
        %get3A_265 = tpu.vector_load %arg11[%get3A_262, %get3A_263, %get3A_264] {strides = array<i32>} : memref<4x80x128xf32, #tpu.memory_space<vmem>>, vector<16xf32>,
        %get3A_266 = arith.index_cast %rem3A_112 : i32 to index
        %get3A_267 = arith.index_cast %add3A_261 : i32 to index
        %get3A_268 = arith.constant 0 : index
        %get3A_269 = tpu.vector_load %arg6[%get3A_266, %get3A_267, %get3A_268] {strides = array<i32>} : memref<4x80x128xf32, #tpu.memory_space<vmem>>, vector<16xf32>,
        %mul3A_270 = arith.mulf %get3A_265, %get3A_269 : vector<16xf32>
        %get3A_271 = arith.index_cast %rem3A_112 : i32 to index
        %get3A_272 = arith.index_cast %add3A_261 : i32 to index
        %get3A_273 = arith.constant 16 : index
        %get3A_274 = tpu.vector_load %arg11[%get3A_271, %get3A_272, %get3A_273] {strides = array<i32>} : memref<4x80x128xf32, #tpu.memory_space<vmem>>, vector<16xf32>,
        %get3A_275 = arith.index_cast %rem3A_112 : i32 to index
        %get3A_276 = arith.index_cast %add3A_261 : i32 to index
        %get3A_277 = arith.constant 16 : index
        %get3A_278 = tpu.vector_load %arg6[%get3A_275, %get3A_276, %get3A_277] {strides = array<i32>} : memref<4x80x128xf32, #tpu.memory_space<vmem>>, vector<16xf32>,
        %mul3A_279 = arith.mulf %get3A_274, %get3A_278 : vector<16xf32>
        %add3A_280 = arith.addf %mul3A_270, %mul3A_279 : vector<16xf32>
        %get3A_281 = arith.index_cast %rem3A_112 : i32 to index
        %get3A_282 = arith.index_cast %add3A_261 : i32 to index
        %get3A_283 = arith.constant 32 : index
        %get3A_284 = tpu.vector_load %arg11[%get3A_281, %get3A_282, %get3A_283] {strides = array<i32>} : memref<4x80x128xf32, #tpu.memory_space<vmem>>, vector<16xf32>,
        %get3A_285 = arith.index_cast %rem3A_112 : i32 to index
        %get3A_286 = arith.index_cast %add3A_261 : i32 to index
        %get3A_287 = arith.constant 32 : index
        %get3A_288 = tpu.vector_load %arg6[%get3A_285, %get3A_286, %get3A_287] {strides = array<i32>} : memref<4x80x128xf32, #tpu.memory_space<vmem>>, vector<16xf32>,
        %mul3A_289 = arith.mulf %get3A_284, %get3A_288 : vector<16xf32>
        %add3A_290 = arith.addf %add3A_280, %mul3A_289 : vector<16xf32>
        %get3A_291 = arith.index_cast %rem3A_112 : i32 to index
        %get3A_292 = arith.index_cast %add3A_261 : i32 to index
        %get3A_293 = arith.constant 48 : index
        %get3A_294 = tpu.vector_load %arg11[%get3A_291, %get3A_292, %get3A_293] {strides = array<i32>} : memref<4x80x128xf32, #tpu.memory_space<vmem>>, vector<16xf32>,
        %get3A_295 = arith.index_cast %rem3A_112 : i32 to index
        %get3A_296 = arith.index_cast %add3A_261 : i32 to index
        %get3A_297 = arith.constant 48 : index
        %get3A_298 = tpu.vector_load %arg6[%get3A_295, %get3A_296, %get3A_297] {strides = array<i32>} : memref<4x80x128xf32, #tpu.memory_space<vmem>>, vector<16xf32>,
        %mul3A_299 = arith.mulf %get3A_294, %get3A_298 : vector<16xf32>
        %add3A_300 = arith.addf %add3A_290, %mul3A_299 : vector<16xf32>
        %get3A_301 = arith.index_cast %rem3A_112 : i32 to index
        %get3A_302 = arith.index_cast %add3A_261 : i32 to index
        %get3A_303 = arith.constant 64 : index
        %get3A_304 = tpu.vector_load %arg11[%get3A_301, %get3A_302, %get3A_303] {strides = array<i32>} : memref<4x80x128xf32, #tpu.memory_space<vmem>>, vector<16xf32>,
        %get3A_305 = arith.index_cast %rem3A_112 : i32 to index
        %get3A_306 = arith.index_cast %add3A_261 : i32 to index
        %get3A_307 = arith.constant 64 : index
        %get3A_308 = tpu.vector_load %arg6[%get3A_305, %get3A_306, %get3A_307] {strides = array<i32>} : memref<4x80x128xf32, #tpu.memory_space<vmem>>, vector<16xf32>,
        %mul3A_309 = arith.mulf %get3A_304, %get3A_308 : vector<16xf32>
        %add3A_310 = arith.addf %add3A_300, %mul3A_309 : vector<16xf32>
        %get3A_311 = arith.index_cast %rem3A_112 : i32 to index
        %get3A_312 = arith.index_cast %add3A_261 : i32 to index
        %get3A_313 = arith.constant 80 : index
        %get3A_314 = tpu.vector_load %arg11[%get3A_311, %get3A_312, %get3A_313] {strides = array<i32>} : memref<4x80x128xf32, #tpu.memory_space<vmem>>, vector<16xf32>,
        %get3A_315 = arith.index_cast %rem3A_112 : i32 to index
        %get3A_316 = arith.index_cast %add3A_261 : i32 to index
        %get3A_317 = arith.constant 80 : index
        %get3A_318 = tpu.vector_load %arg6[%get3A_315, %get3A_316, %get3A_317] {strides = array<i32>} : memref<4x80x128xf32, #tpu.memory_space<vmem>>, vector<16xf32>,
        %mul3A_319 = arith.mulf %get3A_314, %get3A_318 : vector<16xf32>
        %add3A_320 = arith.addf %add3A_310, %mul3A_319 : vector<16xf32>
        %get3A_321 = arith.index_cast %rem3A_112 : i32 to index
        %get3A_322 = arith.index_cast %add3A_261 : i32 to index
        %get3A_323 = arith.constant 96 : index
        %get3A_324 = tpu.vector_load %arg11[%get3A_321, %get3A_322, %get3A_323] {strides = array<i32>} : memref<4x80x128xf32, #tpu.memory_space<vmem>>, vector<16xf32>,
        %get3A_325 = arith.index_cast %rem3A_112 : i32 to index
        %get3A_326 = arith.index_cast %add3A_261 : i32 to index
        %get3A_327 = arith.constant 96 : index
        %get3A_328 = tpu.vector_load %arg6[%get3A_325, %get3A_326, %get3A_327] {strides = array<i32>} : memref<4x80x128xf32, #tpu.memory_space<vmem>>, vector<16xf32>,
        %mul3A_329 = arith.mulf %get3A_324, %get3A_328 : vector<16xf32>
        %add3A_330 = arith.addf %add3A_320, %mul3A_329 : vector<16xf32>
        %get3A_331 = arith.index_cast %rem3A_112 : i32 to index
        %get3A_332 = arith.index_cast %add3A_261 : i32 to index
        %get3A_333 = arith.constant 112 : index
        %get3A_334 = tpu.vector_load %arg11[%get3A_331, %get3A_332, %get3A_333] {strides = array<i32>} : memref<4x80x128xf32, #tpu.memory_space<vmem>>, vector<16xf32>,
        %get3A_335 = arith.index_cast %rem3A_112 : i32 to index
        %get3A_336 = arith.index_cast %add3A_261 : i32 to index
        %get3A_337 = arith.constant 112 : index
        %get3A_338 = tpu.vector_load %arg6[%get3A_335, %get3A_336, %get3A_337] {strides = array<i32>} : memref<4x80x128xf32, #tpu.memory_space<vmem>>, vector<16xf32>,
        %mul3A_339 = arith.mulf %get3A_334, %get3A_338 : vector<16xf32>
        %add3A_340 = arith.addf %add3A_330, %mul3A_339 : vector<16xf32>
        %reduce_sum3A_341 = arith.constant true
        %reduce_sum3A_342 = vector.broadcast %reduce_sum3A_341 : i1 to vector<16xi1>
        %reduce_sum3A_343 = tpu.scan <sum>, %add3A_340 masked %reduce_sum3A_342 : vector<16xf32>, vector<16xi1> -> vector<16xf32>
        %reduce_sum3A_344 = vector.extract %reduce_sum3A_343[15] : f32 from vector<16xf32>
        %eq3A_345 = vector.broadcast %add3A_259 : i32 to vector<16xi32>
        %eq3A_346 = arith.cmpi eq, %iota3A, %eq3A_345 : vector<16xi32>
        %broadcast_in_dim3A_347 = vector.broadcast %reduce_sum3A_344 : f32 to vector<16xf32>
        %select_n3A_348 = arith.select %eq3A_346, %broadcast_in_dim3A_347, %select_n3A : vector<16xi1>, vector<16xf32>
        scf.yield %select_n3A_348 : vector<16xf32>
      }
      %scan3A_148 = arith.constant 8 : i32
      %swap3A_149 = arith.constant 48 : index
      %swap3A_150 = tpu.vector_load %arg12[%swap3A_149] {strides = array<i32>} : memref<80xf32, #tpu.memory_space<vmem>>, vector<16xf32>,
      tpu.vector_store %arg12[%swap3A_149], %scan3A_147 {strides = array<i32>} : memref<80xf32, #tpu.memory_space<vmem>>, vector<16xf32>,
      %broadcast_in_dim3A_151 = arith.constant 0.000000e+00 : f32
      %broadcast_in_dim3A_152 = vector.broadcast %broadcast_in_dim3A_151 : f32 to vector<16xf32>
      %scan3A_153 = arith.constant 0 : i32
      %scan3A_154 = arith.constant 8 : i32
      %scan3A_155 = arith.addi %scan3A_153, %scan3A_154 : i32
      %scan3A_156 = arith.constant 1 : i32
      %scan3A_157 = scf.for %scan3A_165 = %scan3A_153 to %scan3A_155 step %scan3A_156 iter_args(%scan3A_166 = %broadcast_in_dim3A_152) -> (vector<16xf32>)  : i32 {
        %mul3A_167 = arith.constant 2 : i32
        %mul3A_168 = arith.muli %scan3A_165, %mul3A_167 : i32
        %add3A_169 = arith.constant 0 : i32
        %add3A_170 = arith.addi %mul3A_168, %add3A_169 : i32
        %add3A_171 = arith.constant 64 : i32
        %add3A_172 = arith.addi %add3A_171, %add3A_170 : i32
        %get3A = arith.index_cast %rem3A_112 : i32 to index
        %get3A_173 = arith.index_cast %add3A_172 : i32 to index
        %get3A_174 = arith.constant 0 : index
        %get3A_175 = tpu.vector_load %arg11[%get3A, %get3A_173, %get3A_174] {strides = array<i32>} : memref<4x80x128xf32, #tpu.memory_space<vmem>>, vector<16xf32>,
        %get3A_176 = arith.index_cast %rem3A_112 : i32 to index
        %get3A_177 = arith.index_cast %add3A_172 : i32 to index
        %get3A_178 = arith.constant 0 : index
        %get3A_179 = tpu.vector_load %arg6[%get3A_176, %get3A_177, %get3A_178] {strides = array<i32>} : memref<4x80x128xf32, #tpu.memory_space<vmem>>, vector<16xf32>,
        %mul3A_180 = arith.mulf %get3A_175, %get3A_179 : vector<16xf32>
        %get3A_181 = arith.index_cast %rem3A_112 : i32 to index
        %get3A_182 = arith.index_cast %add3A_172 : i32 to index
        %get3A_183 = arith.constant 16 : index
        %get3A_184 = tpu.vector_load %arg11[%get3A_181, %get3A_182, %get3A_183] {strides = array<i32>} : memref<4x80x128xf32, #tpu.memory_space<vmem>>, vector<16xf32>,
        %get3A_185 = arith.index_cast %rem3A_112 : i32 to index
        %get3A_186 = arith.index_cast %add3A_172 : i32 to index
        %get3A_187 = arith.constant 16 : index
        %get3A_188 = tpu.vector_load %arg6[%get3A_185, %get3A_186, %get3A_187] {strides = array<i32>} : memref<4x80x128xf32, #tpu.memory_space<vmem>>, vector<16xf32>,
        %mul3A_189 = arith.mulf %get3A_184, %get3A_188 : vector<16xf32>
        %add3A_190 = arith.addf %mul3A_180, %mul3A_189 : vector<16xf32>
        %get3A_191 = arith.index_cast %rem3A_112 : i32 to index
        %get3A_192 = arith.index_cast %add3A_172 : i32 to index
        %get3A_193 = arith.constant 32 : index
        %get3A_194 = tpu.vector_load %arg11[%get3A_191, %get3A_192, %get3A_193] {strides = array<i32>} : memref<4x80x128xf32, #tpu.memory_space<vmem>>, vector<16xf32>,
        %get3A_195 = arith.index_cast %rem3A_112 : i32 to index
        %get3A_196 = arith.index_cast %add3A_172 : i32 to index
        %get3A_197 = arith.constant 32 : index
        %get3A_198 = tpu.vector_load %arg6[%get3A_195, %get3A_196, %get3A_197] {strides = array<i32>} : memref<4x80x128xf32, #tpu.memory_space<vmem>>, vector<16xf32>,
        %mul3A_199 = arith.mulf %get3A_194, %get3A_198 : vector<16xf32>
        %add3A_200 = arith.addf %add3A_190, %mul3A_199 : vector<16xf32>
        %get3A_201 = arith.index_cast %rem3A_112 : i32 to index
        %get3A_202 = arith.index_cast %add3A_172 : i32 to index
        %get3A_203 = arith.constant 48 : index
        %get3A_204 = tpu.vector_load %arg11[%get3A_201, %get3A_202, %get3A_203] {strides = array<i32>} : memref<4x80x128xf32, #tpu.memory_space<vmem>>, vector<16xf32>,
        %get3A_205 = arith.index_cast %rem3A_112 : i32 to index
        %get3A_206 = arith.index_cast %add3A_172 : i32 to index
        %get3A_207 = arith.constant 48 : index
        %get3A_208 = tpu.vector_load %arg6[%get3A_205, %get3A_206, %get3A_207] {strides = array<i32>} : memref<4x80x128xf32, #tpu.memory_space<vmem>>, vector<16xf32>,
        %mul3A_209 = arith.mulf %get3A_204, %get3A_208 : vector<16xf32>
        %add3A_210 = arith.addf %add3A_200, %mul3A_209 : vector<16xf32>
        %get3A_211 = arith.index_cast %rem3A_112 : i32 to index
        %get3A_212 = arith.index_cast %add3A_172 : i32 to index
        %get3A_213 = arith.constant 64 : index
        %get3A_214 = tpu.vector_load %arg11[%get3A_211, %get3A_212, %get3A_213] {strides = array<i32>} : memref<4x80x128xf32, #tpu.memory_space<vmem>>, vector<16xf32>,
        %get3A_215 = arith.index_cast %rem3A_112 : i32 to index
        %get3A_216 = arith.index_cast %add3A_172 : i32 to index
        %get3A_217 = arith.constant 64 : index
        %get3A_218 = tpu.vector_load %arg6[%get3A_215, %get3A_216, %get3A_217] {strides = array<i32>} : memref<4x80x128xf32, #tpu.memory_space<vmem>>, vector<16xf32>,
        %mul3A_219 = arith.mulf %get3A_214, %get3A_218 : vector<16xf32>
        %add3A_220 = arith.addf %add3A_210, %mul3A_219 : vector<16xf32>
        %get3A_221 = arith.index_cast %rem3A_112 : i32 to index
        %get3A_222 = arith.index_cast %add3A_172 : i32 to index
        %get3A_223 = arith.constant 80 : index
        %get3A_224 = tpu.vector_load %arg11[%get3A_221, %get3A_222, %get3A_223] {strides = array<i32>} : memref<4x80x128xf32, #tpu.memory_space<vmem>>, vector<16xf32>,
        %get3A_225 = arith.index_cast %rem3A_112 : i32 to index
        %get3A_226 = arith.index_cast %add3A_172 : i32 to index
        %get3A_227 = arith.constant 80 : index
        %get3A_228 = tpu.vector_load %arg6[%get3A_225, %get3A_226, %get3A_227] {strides = array<i32>} : memref<4x80x128xf32, #tpu.memory_space<vmem>>, vector<16xf32>,
        %mul3A_229 = arith.mulf %get3A_224, %get3A_228 : vector<16xf32>
        %add3A_230 = arith.addf %add3A_220, %mul3A_229 : vector<16xf32>
        %get3A_231 = arith.index_cast %rem3A_112 : i32 to index
        %get3A_232 = arith.index_cast %add3A_172 : i32 to index
        %get3A_233 = arith.constant 96 : index
        %get3A_234 = tpu.vector_load %arg11[%get3A_231, %get3A_232, %get3A_233] {strides = array<i32>} : memref<4x80x128xf32, #tpu.memory_space<vmem>>, vector<16xf32>,
        %get3A_235 = arith.index_cast %rem3A_112 : i32 to index
        %get3A_236 = arith.index_cast %add3A_172 : i32 to index
        %get3A_237 = arith.constant 96 : index
        %get3A_238 = tpu.vector_load %arg6[%get3A_235, %get3A_236, %get3A_237] {strides = array<i32>} : memref<4x80x128xf32, #tpu.memory_space<vmem>>, vector<16xf32>,
        %mul3A_239 = arith.mulf %get3A_234, %get3A_238 : vector<16xf32>
        %add3A_240 = arith.addf %add3A_230, %mul3A_239 : vector<16xf32>
        %get3A_241 = arith.index_cast %rem3A_112 : i32 to index
        %get3A_242 = arith.index_cast %add3A_172 : i32 to index
        %get3A_243 = arith.constant 112 : index
        %get3A_244 = tpu.vector_load %arg11[%get3A_241, %get3A_242, %get3A_243] {strides = array<i32>} : memref<4x80x128xf32, #tpu.memory_space<vmem>>, vector<16xf32>,
        %get3A_245 = arith.index_cast %rem3A_112 : i32 to index
        %get3A_246 = arith.index_cast %add3A_172 : i32 to index
        %get3A_247 = arith.constant 112 : index
        %get3A_248 = tpu.vector_load %arg6[%get3A_245, %get3A_246, %get3A_247] {strides = array<i32>} : memref<4x80x128xf32, #tpu.memory_space<vmem>>, vector<16xf32>,
        %mul3A_249 = arith.mulf %get3A_244, %get3A_248 : vector<16xf32>
        %add3A_250 = arith.addf %add3A_240, %mul3A_249 : vector<16xf32>
        %reduce_sum3A = arith.constant true
        %reduce_sum3A_251 = vector.broadcast %reduce_sum3A : i1 to vector<16xi1>
        %reduce_sum3A_252 = tpu.scan <sum>, %add3A_250 masked %reduce_sum3A_251 : vector<16xf32>, vector<16xi1> -> vector<16xf32>
        %reduce_sum3A_253 = vector.extract %reduce_sum3A_252[15] : f32 from vector<16xf32>
        %eq3A = vector.broadcast %add3A_170 : i32 to vector<16xi32>
        %eq3A_254 = arith.cmpi eq, %iota3A, %eq3A : vector<16xi32>
        %broadcast_in_dim3A_255 = vector.broadcast %reduce_sum3A_253 : f32 to vector<16xf32>
        %select_n3A = arith.select %eq3A_254, %broadcast_in_dim3A_255, %scan3A_166 : vector<16xi1>, vector<16xf32>
        %mul3A_256 = arith.constant 2 : i32
        %mul3A_257 = arith.muli %scan3A_165, %mul3A_256 : i32
        %add3A_258 = arith.constant 1 : i32
        %add3A_259 = arith.addi %mul3A_257, %add3A_258 : i32
        %add3A_260 = arith.constant 64 : i32
        %add3A_261 = arith.addi %add3A_260, %add3A_259 : i32
        %get3A_262 = arith.index_cast %rem3A_112 : i32 to index
        %get3A_263 = arith.index_cast %add3A_261 : i32 to index
        %get3A_264 = arith.constant 0 : index
        %get3A_265 = tpu.vector_load %arg11[%get3A_262, %get3A_263, %get3A_264] {strides = array<i32>} : memref<4x80x128xf32, #tpu.memory_space<vmem>>, vector<16xf32>,
        %get3A_266 = arith.index_cast %rem3A_112 : i32 to index
        %get3A_267 = arith.index_cast %add3A_261 : i32 to index
        %get3A_268 = arith.constant 0 : index
        %get3A_269 = tpu.vector_load %arg6[%get3A_266, %get3A_267, %get3A_268] {strides = array<i32>} : memref<4x80x128xf32, #tpu.memory_space<vmem>>, vector<16xf32>,
        %mul3A_270 = arith.mulf %get3A_265, %get3A_269 : vector<16xf32>
        %get3A_271 = arith.index_cast %rem3A_112 : i32 to index
        %get3A_272 = arith.index_cast %add3A_261 : i32 to index
        %get3A_273 = arith.constant 16 : index
        %get3A_274 = tpu.vector_load %arg11[%get3A_271, %get3A_272, %get3A_273] {strides = array<i32>} : memref<4x80x128xf32, #tpu.memory_space<vmem>>, vector<16xf32>,
        %get3A_275 = arith.index_cast %rem3A_112 : i32 to index
        %get3A_276 = arith.index_cast %add3A_261 : i32 to index
        %get3A_277 = arith.constant 16 : index
        %get3A_278 = tpu.vector_load %arg6[%get3A_275, %get3A_276, %get3A_277] {strides = array<i32>} : memref<4x80x128xf32, #tpu.memory_space<vmem>>, vector<16xf32>,
        %mul3A_279 = arith.mulf %get3A_274, %get3A_278 : vector<16xf32>
        %add3A_280 = arith.addf %mul3A_270, %mul3A_279 : vector<16xf32>
        %get3A_281 = arith.index_cast %rem3A_112 : i32 to index
        %get3A_282 = arith.index_cast %add3A_261 : i32 to index
        %get3A_283 = arith.constant 32 : index
        %get3A_284 = tpu.vector_load %arg11[%get3A_281, %get3A_282, %get3A_283] {strides = array<i32>} : memref<4x80x128xf32, #tpu.memory_space<vmem>>, vector<16xf32>,
        %get3A_285 = arith.index_cast %rem3A_112 : i32 to index
        %get3A_286 = arith.index_cast %add3A_261 : i32 to index
        %get3A_287 = arith.constant 32 : index
        %get3A_288 = tpu.vector_load %arg6[%get3A_285, %get3A_286, %get3A_287] {strides = array<i32>} : memref<4x80x128xf32, #tpu.memory_space<vmem>>, vector<16xf32>,
        %mul3A_289 = arith.mulf %get3A_284, %get3A_288 : vector<16xf32>
        %add3A_290 = arith.addf %add3A_280, %mul3A_289 : vector<16xf32>
        %get3A_291 = arith.index_cast %rem3A_112 : i32 to index
        %get3A_292 = arith.index_cast %add3A_261 : i32 to index
        %get3A_293 = arith.constant 48 : index
        %get3A_294 = tpu.vector_load %arg11[%get3A_291, %get3A_292, %get3A_293] {strides = array<i32>} : memref<4x80x128xf32, #tpu.memory_space<vmem>>, vector<16xf32>,
        %get3A_295 = arith.index_cast %rem3A_112 : i32 to index
        %get3A_296 = arith.index_cast %add3A_261 : i32 to index
        %get3A_297 = arith.constant 48 : index
        %get3A_298 = tpu.vector_load %arg6[%get3A_295, %get3A_296, %get3A_297] {strides = array<i32>} : memref<4x80x128xf32, #tpu.memory_space<vmem>>, vector<16xf32>,
        %mul3A_299 = arith.mulf %get3A_294, %get3A_298 : vector<16xf32>
        %add3A_300 = arith.addf %add3A_290, %mul3A_299 : vector<16xf32>
        %get3A_301 = arith.index_cast %rem3A_112 : i32 to index
        %get3A_302 = arith.index_cast %add3A_261 : i32 to index
        %get3A_303 = arith.constant 64 : index
        %get3A_304 = tpu.vector_load %arg11[%get3A_301, %get3A_302, %get3A_303] {strides = array<i32>} : memref<4x80x128xf32, #tpu.memory_space<vmem>>, vector<16xf32>,
        %get3A_305 = arith.index_cast %rem3A_112 : i32 to index
        %get3A_306 = arith.index_cast %add3A_261 : i32 to index
        %get3A_307 = arith.constant 64 : index
        %get3A_308 = tpu.vector_load %arg6[%get3A_305, %get3A_306, %get3A_307] {strides = array<i32>} : memref<4x80x128xf32, #tpu.memory_space<vmem>>, vector<16xf32>,
        %mul3A_309 = arith.mulf %get3A_304, %get3A_308 : vector<16xf32>
        %add3A_310 = arith.addf %add3A_300, %mul3A_309 : vector<16xf32>
        %get3A_311 = arith.index_cast %rem3A_112 : i32 to index
        %get3A_312 = arith.index_cast %add3A_261 : i32 to index
        %get3A_313 = arith.constant 80 : index
        %get3A_314 = tpu.vector_load %arg11[%get3A_311, %get3A_312, %get3A_313] {strides = array<i32>} : memref<4x80x128xf32, #tpu.memory_space<vmem>>, vector<16xf32>,
        %get3A_315 = arith.index_cast %rem3A_112 : i32 to index
        %get3A_316 = arith.index_cast %add3A_261 : i32 to index
        %get3A_317 = arith.constant 80 : index
        %get3A_318 = tpu.vector_load %arg6[%get3A_315, %get3A_316, %get3A_317] {strides = array<i32>} : memref<4x80x128xf32, #tpu.memory_space<vmem>>, vector<16xf32>,
        %mul3A_319 = arith.mulf %get3A_314, %get3A_318 : vector<16xf32>
        %add3A_320 = arith.addf %add3A_310, %mul3A_319 : vector<16xf32>
        %get3A_321 = arith.index_cast %rem3A_112 : i32 to index
        %get3A_322 = arith.index_cast %add3A_261 : i32 to index
        %get3A_323 = arith.constant 96 : index
        %get3A_324 = tpu.vector_load %arg11[%get3A_321, %get3A_322, %get3A_323] {strides = array<i32>} : memref<4x80x128xf32, #tpu.memory_space<vmem>>, vector<16xf32>,
        %get3A_325 = arith.index_cast %rem3A_112 : i32 to index
        %get3A_326 = arith.index_cast %add3A_261 : i32 to index
        %get3A_327 = arith.constant 96 : index
        %get3A_328 = tpu.vector_load %arg6[%get3A_325, %get3A_326, %get3A_327] {strides = array<i32>} : memref<4x80x128xf32, #tpu.memory_space<vmem>>, vector<16xf32>,
        %mul3A_329 = arith.mulf %get3A_324, %get3A_328 : vector<16xf32>
        %add3A_330 = arith.addf %add3A_320, %mul3A_329 : vector<16xf32>
        %get3A_331 = arith.index_cast %rem3A_112 : i32 to index
        %get3A_332 = arith.index_cast %add3A_261 : i32 to index
        %get3A_333 = arith.constant 112 : index
        %get3A_334 = tpu.vector_load %arg11[%get3A_331, %get3A_332, %get3A_333] {strides = array<i32>} : memref<4x80x128xf32, #tpu.memory_space<vmem>>, vector<16xf32>,
        %get3A_335 = arith.index_cast %rem3A_112 : i32 to index
        %get3A_336 = arith.index_cast %add3A_261 : i32 to index
        %get3A_337 = arith.constant 112 : index
        %get3A_338 = tpu.vector_load %arg6[%get3A_335, %get3A_336, %get3A_337] {strides = array<i32>} : memref<4x80x128xf32, #tpu.memory_space<vmem>>, vector<16xf32>,
        %mul3A_339 = arith.mulf %get3A_334, %get3A_338 : vector<16xf32>
        %add3A_340 = arith.addf %add3A_330, %mul3A_339 : vector<16xf32>
        %reduce_sum3A_341 = arith.constant true
        %reduce_sum3A_342 = vector.broadcast %reduce_sum3A_341 : i1 to vector<16xi1>
        %reduce_sum3A_343 = tpu.scan <sum>, %add3A_340 masked %reduce_sum3A_342 : vector<16xf32>, vector<16xi1> -> vector<16xf32>
        %reduce_sum3A_344 = vector.extract %reduce_sum3A_343[15] : f32 from vector<16xf32>
        %eq3A_345 = vector.broadcast %add3A_259 : i32 to vector<16xi32>
        %eq3A_346 = arith.cmpi eq, %iota3A, %eq3A_345 : vector<16xi32>
        %broadcast_in_dim3A_347 = vector.broadcast %reduce_sum3A_344 : f32 to vector<16xf32>
        %select_n3A_348 = arith.select %eq3A_346, %broadcast_in_dim3A_347, %select_n3A : vector<16xi1>, vector<16xf32>
        scf.yield %select_n3A_348 : vector<16xf32>
      }
      %scan3A_158 = arith.constant 8 : i32
      %swap3A_159 = arith.constant 64 : index
      %swap3A_160 = tpu.vector_load %arg12[%swap3A_159] {strides = array<i32>} : memref<80xf32, #tpu.memory_space<vmem>>, vector<16xf32>,
      tpu.vector_store %arg12[%swap3A_159], %scan3A_157 {strides = array<i32>} : memref<80xf32, #tpu.memory_space<vmem>>, vector<16xf32>,
      %mul3A_161 = arith.constant 125 : i32
      %mul3A_162 = arith.muli %add3A, %mul3A_161 : i32
      %add3A_163 = arith.addi %mul3A_162, %scan3A_80 : i32
      "tpu.region"() ({
        %run_scoped3A = tpu.sem_alloc : memref<!tpu.dma_semaphore, #tpu.memory_space<semaphore_mem>>
        %dma_start3A_165 = arith.constant 0 : i32
        %dma_start3A_166 = tpu.memref_slice %arg5[%add3A_163, %dma_start3A_165] : memref<4000x80xf32, #tpu.memory_space<hbm>> -> memref<1x80xf32, #tpu.memory_space<hbm>>
        %dma_start3A_167 = tpu.memref_squeeze %dma_start3A_166 : memref<1x80xf32, #tpu.memory_space<hbm>> -> memref<80xf32, #tpu.memory_space<hbm>>
        %dma_start3A_168 = arith.constant 0 : i32
        %dma_start3A_169 = tpu.memref_slice %arg5[%add3A_163, %dma_start3A_168] : memref<4000x80xf32, #tpu.memory_space<hbm>> -> memref<1x80xf32, #tpu.memory_space<hbm>>
        %dma_start3A_170 = tpu.memref_squeeze %dma_start3A_169 : memref<1x80xf32, #tpu.memory_space<hbm>> -> memref<80xf32, #tpu.memory_space<hbm>>
        tpu.enqueue_dma source(%arg12 : memref<80xf32, #tpu.memory_space<vmem>>) target(%dma_start3A_170 : memref<80xf32, #tpu.memory_space<hbm>>) target_semaphore(%run_scoped3A : memref<!tpu.dma_semaphore, #tpu.memory_space<semaphore_mem>>)
        %dma_wait3A_171 = arith.constant 0 : i32
        %dma_wait3A_172 = tpu.memref_slice %arg5[%add3A_163, %dma_wait3A_171] : memref<4000x80xf32, #tpu.memory_space<hbm>> -> memref<1x80xf32, #tpu.memory_space<hbm>>
        %dma_wait3A_173 = tpu.memref_squeeze %dma_wait3A_172 : memref<1x80xf32, #tpu.memory_space<hbm>> -> memref<80xf32, #tpu.memory_space<hbm>>
        %dma_wait3A_174 = arith.constant 0 : i32
        %dma_wait3A_175 = tpu.memref_slice %arg5[%add3A_163, %dma_wait3A_174] : memref<4000x80xf32, #tpu.memory_space<hbm>> -> memref<1x80xf32, #tpu.memory_space<hbm>>
        %dma_wait3A_176 = tpu.memref_squeeze %dma_wait3A_175 : memref<1x80xf32, #tpu.memory_space<hbm>> -> memref<80xf32, #tpu.memory_space<hbm>>
        tpu.wait_dma2 semaphore(%run_scoped3A : memref<!tpu.dma_semaphore, #tpu.memory_space<semaphore_mem>>) src(%arg12 : memref<80xf32, #tpu.memory_space<vmem>>) dst(%dma_wait3A_176 : memref<80xf32, #tpu.memory_space<hbm>>)
        tpu.yield
      }) : () -> ()
      %scan3A_164 = arith.constant 0 : i32
      scf.yield %scan3A_164 : i32
    }
    %scan3A_79 = arith.constant 125 : i32
    return
  }
}

module attributes {stable_mosaic.version = 14 : i64} {
  func.func @_tc_prep_body(%arg0: i32, %arg1: memref<2x1000x16xf32, #tpu.memory_space<vmem>>, %arg2: memref<1000x128xf32, #tpu.memory_space<vmem>>, %arg3: memref<1000x1xf32, #tpu.memory_space<vmem>>, %arg4: memref<1000x128xf32, #tpu.memory_space<vmem>>) attributes {dimension_semantics = [#tpu.dimension_semantics<arbitrary>], iteration_bounds = array<i64: 10>, scalar_prefetch = 0 : i64, scratch_operands = 0 : i64, tpu.core_type = #tpu.core_type<tc>, window_params = [{transform_indices = @transform_0, window_bounds = array<i64: 2, 1000, 16>}, {transform_indices = @transform_1, window_bounds = array<i64: 1000, 128>}, {transform_indices = @transform_2, window_bounds = array<i64: 1000, 1>}, {transform_indices = @transform_3, window_bounds = array<i64: 1000, 128>}]} {
    %get3A = arith.constant 0 : index
    %get3A_0 = arith.constant 0 : index
    %get3A_1 = arith.constant 0 : index
    %get3A_2 = vector.load %arg1[%get3A, %get3A_0, %get3A_1] : memref<2x1000x16xf32, #tpu.memory_space<vmem>>, vector<1x1000x1xf32>
    %get3A_3 = vector.shape_cast %get3A_2 : vector<1x1000x1xf32> to vector<1000x1xf32>
    %get3A_4 = arith.constant 1 : index
    %get3A_5 = arith.constant 0 : index
    %get3A_6 = arith.constant 0 : index
    %get3A_7 = vector.load %arg1[%get3A_4, %get3A_5, %get3A_6] : memref<2x1000x16xf32, #tpu.memory_space<vmem>>, vector<1x1000x1xf32>
    %get3A_8 = vector.shape_cast %get3A_7 : vector<1x1000x1xf32> to vector<1000x1xf32>
    %add3A = arith.addf %get3A_3, %get3A_8 : vector<1000x1xf32>
    %add3A_9 = arith.constant 1.000000e+00 : f32
    %add3A_10 = vector.broadcast %add3A_9 : f32 to vector<1000x1xf32>
    %add3A_11 = arith.addf %add3A, %add3A_10 : vector<1000x1xf32>
    %rsqrt3A = math.rsqrt %add3A_11 : vector<1000x1xf32>
    %swap3A = arith.constant 0 : index
    %swap3A_12 = arith.constant 0 : index
    %swap3A_13 = vector.load %arg3[%swap3A, %swap3A_12] : memref<1000x1xf32, #tpu.memory_space<vmem>>, vector<1000x1xf32>
    tpu.vector_store %arg3[%swap3A, %swap3A_12], %rsqrt3A {strides = array<i32>} : memref<1000x1xf32, #tpu.memory_space<vmem>>, vector<1000x1xf32>,
    %get3A_14 = arith.constant 0 : index
    %get3A_15 = arith.constant 0 : index
    %get3A_16 = vector.load %arg2[%get3A_14, %get3A_15] : memref<1000x128xf32, #tpu.memory_space<vmem>>, vector<1000x128xf32>
    %mul3A = vector.broadcast %rsqrt3A : vector<1000x1xf32> to vector<1000x128xf32>
    %mul3A_17 = arith.mulf %get3A_16, %mul3A : vector<1000x128xf32>
    %swap3A_18 = arith.constant 0 : index
    %swap3A_19 = arith.constant 0 : index
    %swap3A_20 = vector.load %arg4[%swap3A_18, %swap3A_19] : memref<1000x128xf32, #tpu.memory_space<vmem>>, vector<1000x128xf32>
    tpu.vector_store %arg4[%swap3A_18, %swap3A_19], %mul3A_17 {strides = array<i32>} : memref<1000x128xf32, #tpu.memory_space<vmem>>, vector<1000x128xf32>,
    return
  }
  func.func @transform_0(%arg0: i32) -> (i32, i32, i32) {
    %c0_i32 = arith.constant 0 : i32
    %c0_i32_0 = arith.constant 0 : i32
    %c0_i32_1 = arith.constant 0 : i32
    return %c0_i32, %arg0, %c0_i32_0 : i32, i32, i32
  }
  func.func @transform_1(%arg0: i32) -> (i32, i32) {
    %c0_i32 = arith.constant 0 : i32
    %c0_i32_0 = arith.constant 0 : i32
    return %arg0, %c0_i32 : i32, i32
  }
  func.func @transform_2(%arg0: i32) -> (i32, i32) {
    %c0_i32 = arith.constant 0 : i32
    %c0_i32_0 = arith.constant 0 : i32
    return %arg0, %c0_i32 : i32, i32
  }
  func.func @transform_3(%arg0: i32) -> (i32, i32) {
    %c0_i32 = arith.constant 0 : i32
    %c0_i32_0 = arith.constant 0 : i32
    return %arg0, %c0_i32 : i32, i32
  }
}

module attributes {stable_mosaic.version = 14 : i64} {
  func.func @_tc_mm_body(%arg0: i32, %arg1: memref<1000x128xf32, #tpu.memory_space<vmem>>, %arg2: memref<128x128xf32, #tpu.memory_space<vmem>>, %arg3: memref<1000x128xf32, #tpu.memory_space<vmem>>) attributes {dimension_semantics = [#tpu.dimension_semantics<arbitrary>], iteration_bounds = array<i64: 10>, scalar_prefetch = 0 : i64, scratch_operands = 0 : i64, tpu.core_type = #tpu.core_type<tc>, window_params = [{transform_indices = @transform_0, window_bounds = array<i64: 1000, 128>}, {pipeline_mode = #tpu.pipeline_mode<synchronous>, transform_indices = @transform_1, window_bounds = array<i64: 128, 128>}, {transform_indices = @transform_2, window_bounds = array<i64: 1000, 128>}]} {
    %get3A = arith.constant 0 : index
    %get3A_0 = arith.constant 0 : index
    %get3A_1 = vector.load %arg1[%get3A, %get3A_0] : memref<1000x128xf32, #tpu.memory_space<vmem>>, vector<1000x128xf32>
    %get3A_2 = arith.constant 0 : index
    %get3A_3 = arith.constant 0 : index
    %get3A_4 = vector.load %arg2[%get3A_2, %get3A_3] : memref<128x128xf32, #tpu.memory_space<vmem>>, vector<128x128xf32>
    %dot_general3A = arith.constant dense<0.000000e+00> : vector<1000x128xf32>
    %dot_general3A_5 = tpu.matmul %get3A_1, %get3A_4, %dot_general3A {dimension_numbers = #tpu.dot_dimension_numbers<[1], [0], [0], [1], [0, 0, 1, 1], [], []>, transpose_lhs_hint = false} : vector<1000x128xf32>, vector<128x128xf32>, vector<1000x128xf32> -> vector<1000x128xf32>
    %swap3A = arith.constant 0 : index
    %swap3A_6 = arith.constant 0 : index
    %swap3A_7 = vector.load %arg3[%swap3A, %swap3A_6] : memref<1000x128xf32, #tpu.memory_space<vmem>>, vector<1000x128xf32>
    tpu.vector_store %arg3[%swap3A, %swap3A_6], %dot_general3A_5 {strides = array<i32>} : memref<1000x128xf32, #tpu.memory_space<vmem>>, vector<1000x128xf32>,
    return
  }
  func.func @transform_0(%arg0: i32) -> (i32, i32) {
    %c0_i32 = arith.constant 0 : i32
    %c0_i32_0 = arith.constant 0 : i32
    return %arg0, %c0_i32 : i32, i32
  }
  func.func @transform_1(%arg0: i32) -> (i32, i32) {
    %c0_i32 = arith.constant 0 : i32
    %c0_i32_0 = arith.constant 0 : i32
    %c0_i32_1 = arith.constant 0 : i32
    return %c0_i32, %c0_i32_0 : i32, i32
  }
  func.func @transform_2(%arg0: i32) -> (i32, i32) {
    %c0_i32 = arith.constant 0 : i32
    %c0_i32_0 = arith.constant 0 : i32
    return %arg0, %c0_i32 : i32, i32
  }
}

module attributes {stable_mosaic.version = 14 : i64} {
  func.func @_tc_layer_body(%arg0: i32, %arg1: memref<2x1000x128xf32, #tpu.memory_space<vmem>>, %arg2: memref<1000x128xf32, #tpu.memory_space<vmem>>, %arg3: memref<1000x1xf32, #tpu.memory_space<vmem>>, %arg4: memref<1x128xf32, #tpu.memory_space<vmem>>, %arg5: memref<128x128xf32, #tpu.memory_space<vmem>>, %arg6: memref<1000x128xf32, #tpu.memory_space<vmem>>) attributes {dimension_semantics = [#tpu.dimension_semantics<arbitrary>], iteration_bounds = array<i64: 10>, scalar_prefetch = 0 : i64, scratch_operands = 0 : i64, tpu.core_type = #tpu.core_type<tc>, window_params = [{transform_indices = @transform_0, window_bounds = array<i64: 2, 1000, 128>}, {transform_indices = @transform_1, window_bounds = array<i64: 1000, 128>}, {transform_indices = @transform_2, window_bounds = array<i64: 1000, 1>}, {pipeline_mode = #tpu.pipeline_mode<synchronous>, transform_indices = @transform_3, window_bounds = array<i64: 1, 128>}, {pipeline_mode = #tpu.pipeline_mode<synchronous>, transform_indices = @transform_4, window_bounds = array<i64: 128, 128>}, {transform_indices = @transform_5, window_bounds = array<i64: 1000, 128>}]} {
    %get3A = arith.constant 0 : index
    %get3A_0 = arith.constant 0 : index
    %get3A_1 = vector.load %arg3[%get3A, %get3A_0] : memref<1000x1xf32, #tpu.memory_space<vmem>>, vector<1000x1xf32>
    %get3A_2 = arith.constant 0 : index
    %get3A_3 = arith.constant 0 : index
    %get3A_4 = arith.constant 0 : index
    %get3A_5 = vector.load %arg1[%get3A_2, %get3A_3, %get3A_4] : memref<2x1000x128xf32, #tpu.memory_space<vmem>>, vector<1x1000x128xf32>
    %get3A_6 = vector.shape_cast %get3A_5 : vector<1x1000x128xf32> to vector<1000x128xf32>
    %get3A_7 = arith.constant 1 : index
    %get3A_8 = arith.constant 0 : index
    %get3A_9 = arith.constant 0 : index
    %get3A_10 = vector.load %arg1[%get3A_7, %get3A_8, %get3A_9] : memref<2x1000x128xf32, #tpu.memory_space<vmem>>, vector<1x1000x128xf32>
    %get3A_11 = vector.shape_cast %get3A_10 : vector<1x1000x128xf32> to vector<1000x128xf32>
    %add3A = arith.addf %get3A_6, %get3A_11 : vector<1000x128xf32>
    %get3A_12 = arith.constant 0 : index
    %get3A_13 = arith.constant 0 : index
    %get3A_14 = vector.load %arg2[%get3A_12, %get3A_13] : memref<1000x128xf32, #tpu.memory_space<vmem>>, vector<1000x128xf32>
    %add3A_15 = arith.addf %add3A, %get3A_14 : vector<1000x128xf32>
    %mul3A = vector.broadcast %get3A_1 : vector<1000x1xf32> to vector<1000x128xf32>
    %mul3A_16 = arith.mulf %add3A_15, %mul3A : vector<1000x128xf32>
    %get3A_17 = arith.constant 0 : index
    %get3A_18 = arith.constant 0 : index
    %get3A_19 = vector.load %arg4[%get3A_17, %get3A_18] : memref<1x128xf32, #tpu.memory_space<vmem>>, vector<1x128xf32>
    %add3A_20 = vector.broadcast %get3A_19 : vector<1x128xf32> to vector<1000x128xf32>
    %add3A_21 = arith.addf %mul3A_16, %add3A_20 : vector<1000x128xf32>
    %max3A = arith.constant 0.000000e+00 : f32
    %max3A_22 = vector.broadcast %max3A : f32 to vector<1000x128xf32>
    %max3A_23 = arith.maximumf %add3A_21, %max3A_22 : vector<1000x128xf32>
    %get3A_24 = arith.constant 0 : index
    %get3A_25 = arith.constant 0 : index
    %get3A_26 = vector.load %arg5[%get3A_24, %get3A_25] : memref<128x128xf32, #tpu.memory_space<vmem>>, vector<128x128xf32>
    %dot_general3A = arith.constant dense<0.000000e+00> : vector<1000x128xf32>
    %dot_general3A_27 = tpu.matmul %max3A_23, %get3A_26, %dot_general3A {dimension_numbers = #tpu.dot_dimension_numbers<[1], [0], [0], [1], [0, 0, 1, 1], [], []>, transpose_lhs_hint = false} : vector<1000x128xf32>, vector<128x128xf32>, vector<1000x128xf32> -> vector<1000x128xf32>
    %mul3A_28 = vector.broadcast %get3A_1 : vector<1000x1xf32> to vector<1000x128xf32>
    %mul3A_29 = arith.mulf %dot_general3A_27, %mul3A_28 : vector<1000x128xf32>
    %swap3A = arith.constant 0 : index
    %swap3A_30 = arith.constant 0 : index
    %swap3A_31 = vector.load %arg6[%swap3A, %swap3A_30] : memref<1000x128xf32, #tpu.memory_space<vmem>>, vector<1000x128xf32>
    tpu.vector_store %arg6[%swap3A, %swap3A_30], %mul3A_29 {strides = array<i32>} : memref<1000x128xf32, #tpu.memory_space<vmem>>, vector<1000x128xf32>,
    return
  }
  func.func @transform_0(%arg0: i32) -> (i32, i32, i32) {
    %c0_i32 = arith.constant 0 : i32
    %c0_i32_0 = arith.constant 0 : i32
    %c0_i32_1 = arith.constant 0 : i32
    return %c0_i32, %arg0, %c0_i32_0 : i32, i32, i32
  }
  func.func @transform_1(%arg0: i32) -> (i32, i32) {
    %c0_i32 = arith.constant 0 : i32
    %c0_i32_0 = arith.constant 0 : i32
    return %arg0, %c0_i32 : i32, i32
  }
  func.func @transform_2(%arg0: i32) -> (i32, i32) {
    %c0_i32 = arith.constant 0 : i32
    %c0_i32_0 = arith.constant 0 : i32
    return %arg0, %c0_i32 : i32, i32
  }
  func.func @transform_3(%arg0: i32) -> (i32, i32) {
    %c0_i32 = arith.constant 0 : i32
    %c0_i32_0 = arith.constant 0 : i32
    %c0_i32_1 = arith.constant 0 : i32
    return %c0_i32, %c0_i32_0 : i32, i32
  }
  func.func @transform_4(%arg0: i32) -> (i32, i32) {
    %c0_i32 = arith.constant 0 : i32
    %c0_i32_0 = arith.constant 0 : i32
    %c0_i32_1 = arith.constant 0 : i32
    return %c0_i32, %c0_i32_0 : i32, i32
  }
  func.func @transform_5(%arg0: i32) -> (i32, i32) {
    %c0_i32 = arith.constant 0 : i32
    %c0_i32_0 = arith.constant 0 : i32
    return %arg0, %c0_i32 : i32, i32
  }
}

module attributes {stable_mosaic.version = 14 : i64} {
  func.func @_tc_final_body(%arg0: i32, %arg1: memref<2x1000x128xf32, #tpu.memory_space<vmem>>, %arg2: memref<1000x128xf32, #tpu.memory_space<vmem>>, %arg3: memref<1000x1xf32, #tpu.memory_space<vmem>>, %arg4: memref<1x128xf32, #tpu.memory_space<vmem>>, %arg5: memref<1000x128xf32, #tpu.memory_space<vmem>>) attributes {dimension_semantics = [#tpu.dimension_semantics<arbitrary>], iteration_bounds = array<i64: 10>, scalar_prefetch = 0 : i64, scratch_operands = 0 : i64, tpu.core_type = #tpu.core_type<tc>, window_params = [{transform_indices = @transform_0, window_bounds = array<i64: 2, 1000, 128>}, {transform_indices = @transform_1, window_bounds = array<i64: 1000, 128>}, {transform_indices = @transform_2, window_bounds = array<i64: 1000, 1>}, {pipeline_mode = #tpu.pipeline_mode<synchronous>, transform_indices = @transform_3, window_bounds = array<i64: 1, 128>}, {transform_indices = @transform_4, window_bounds = array<i64: 1000, 128>}]} {
    %get3A = arith.constant 0 : index
    %get3A_0 = arith.constant 0 : index
    %get3A_1 = arith.constant 0 : index
    %get3A_2 = vector.load %arg1[%get3A, %get3A_0, %get3A_1] : memref<2x1000x128xf32, #tpu.memory_space<vmem>>, vector<1x1000x128xf32>
    %get3A_3 = vector.shape_cast %get3A_2 : vector<1x1000x128xf32> to vector<1000x128xf32>
    %get3A_4 = arith.constant 1 : index
    %get3A_5 = arith.constant 0 : index
    %get3A_6 = arith.constant 0 : index
    %get3A_7 = vector.load %arg1[%get3A_4, %get3A_5, %get3A_6] : memref<2x1000x128xf32, #tpu.memory_space<vmem>>, vector<1x1000x128xf32>
    %get3A_8 = vector.shape_cast %get3A_7 : vector<1x1000x128xf32> to vector<1000x128xf32>
    %add3A = arith.addf %get3A_3, %get3A_8 : vector<1000x128xf32>
    %get3A_9 = arith.constant 0 : index
    %get3A_10 = arith.constant 0 : index
    %get3A_11 = vector.load %arg2[%get3A_9, %get3A_10] : memref<1000x128xf32, #tpu.memory_space<vmem>>, vector<1000x128xf32>
    %add3A_12 = arith.addf %add3A, %get3A_11 : vector<1000x128xf32>
    %get3A_13 = arith.constant 0 : index
    %get3A_14 = arith.constant 0 : index
    %get3A_15 = vector.load %arg3[%get3A_13, %get3A_14] : memref<1000x1xf32, #tpu.memory_space<vmem>>, vector<1000x1xf32>
    %mul3A = vector.broadcast %get3A_15 : vector<1000x1xf32> to vector<1000x128xf32>
    %mul3A_16 = arith.mulf %add3A_12, %mul3A : vector<1000x128xf32>
    %get3A_17 = arith.constant 0 : index
    %get3A_18 = arith.constant 0 : index
    %get3A_19 = vector.load %arg4[%get3A_17, %get3A_18] : memref<1x128xf32, #tpu.memory_space<vmem>>, vector<1x128xf32>
    %add3A_20 = vector.broadcast %get3A_19 : vector<1x128xf32> to vector<1000x128xf32>
    %add3A_21 = arith.addf %mul3A_16, %add3A_20 : vector<1000x128xf32>
    %swap3A = arith.constant 0 : index
    %swap3A_22 = arith.constant 0 : index
    %swap3A_23 = vector.load %arg5[%swap3A, %swap3A_22] : memref<1000x128xf32, #tpu.memory_space<vmem>>, vector<1000x128xf32>
    tpu.vector_store %arg5[%swap3A, %swap3A_22], %add3A_21 {strides = array<i32>} : memref<1000x128xf32, #tpu.memory_space<vmem>>, vector<1000x128xf32>,
    return
  }
  func.func @transform_0(%arg0: i32) -> (i32, i32, i32) {
    %c0_i32 = arith.constant 0 : i32
    %c0_i32_0 = arith.constant 0 : i32
    %c0_i32_1 = arith.constant 0 : i32
    return %c0_i32, %arg0, %c0_i32_0 : i32, i32, i32
  }
  func.func @transform_1(%arg0: i32) -> (i32, i32) {
    %c0_i32 = arith.constant 0 : i32
    %c0_i32_0 = arith.constant 0 : i32
    return %arg0, %c0_i32 : i32, i32
  }
  func.func @transform_2(%arg0: i32) -> (i32, i32) {
    %c0_i32 = arith.constant 0 : i32
    %c0_i32_0 = arith.constant 0 : i32
    return %arg0, %c0_i32 : i32, i32
  }
  func.func @transform_3(%arg0: i32) -> (i32, i32) {
    %c0_i32 = arith.constant 0 : i32
    %c0_i32_0 = arith.constant 0 : i32
    %c0_i32_1 = arith.constant 0 : i32
    return %c0_i32, %c0_i32_0 : i32, i32
  }
  func.func @transform_4(%arg0: i32) -> (i32, i32) {
    %c0_i32 = arith.constant 0 : i32
    %c0_i32_0 = arith.constant 0 : i32
    return %arg0, %c0_i32 : i32, i32
  }
}

</mosaic_0001>

<sc_bundles>
// kernel: kernel.12.cloned.1.call-start
scs
__scs_entry_jumppad:
0x0: {  	(pc) =	sbr.rel $0x88, $3  }
0x1: {  	(tag) =	ssettag $0x0;
	lr =	simm.s32 $0x1  }
0x2: {  	[smem:$0x3F98] =	sst lr;
	_ =	strace $0xD0000000  }
0x3: {  	_ = 	snop  }
0x4: {  	_ = 	snop  }
0x5: {  	_ = 	snop  }
0x6: {  	_ = 	snop  }
0x7: {  	_ = 	snop  }
__scs_overlays_trampoline_lowered:
0x8: {  	[smem:$0x3FA7] =	sst s0  }
0x9: {  	[smem:$0x3FA8] =	sst s1  }
0xa: {  	[smem:$0x3FA9] =	sst s2  }
0xb: {  	[smem:$0x3FAA] =	sst s3  }
0xc: {  	[smem:$0x3FAB] =	sst s4  }
0xd: {  	[smem:$0x3FAC] =	sst s5  }
0xe: {  	[smem:$0x3FAD] =	sst s6  }
0xf: {  	[smem:$0x3FAE] =	sst s7  }
0x10: {  	[smem:$0x3FAF] =	sst s8  }
0x11: {  	[smem:$0x3FB0] =	sst s9;
	s0 =	simm.s32 @!p0 $0x0  }
0x12: {  	s1 =	sld [smem:$0x3F96];
	s0 =	simm.s32 @p0 $0x1  }
0x13: {  	[smem:$0x3FB1] =	sst s0;
	s0 =	simm.s32 @!p1 $0x0  }
0x14: {  	s2 =	sld [smem:$0x3F95];
	s0 =	simm.s32 @p1 $0x1  }
0x15: {  	[smem:$0x3FB2] =	sst s0;
	s0 =	simm.s32 @!p2 $0x0  }
0x16: {  	s3 =	sld [smem:$0x3FDB];
	s0 =	simm.s32 @p2 $0x1  }
0x17: {  	s4 =	simm.s32 $0x1BF5;
	[smem:$0x3FB4] =	sst s0  }
0x18: {  	s0 =	sld [smem:$0x3F97];
	_ =	swait.ge [sflag:s4], $0x0  }
0x19: {  	s7 =	sld [smem:$0x3F98]  }
0x1a: {  	s8 =	sadd.s32 $0xFFFFE003, lr  }
0x1b: {  	s9 =	sadd.s32 $0xFFFFFEF7, lr;
	s5 =	simm.s32 $0xFFFFFFFF;
	p2 =	slt.u32 s8, $0xFFFFF086  }
0x1c: {  	p1 =	slt.u32 s9, $0xF7A;
	s5 =	simm.s32 @!p2 $0x0  }
0x1d: {  	s5 =	simm.s32 @p1 $0x1;
	p0 =	seq.s32 s7, s2  }
0x1e: {  	s7 =	smul.u32 @!p0 $0xF7A, s2;
	p2 =	seq.s32 @!p0 s5, $0x0  }
0x1f: {  	s9 =	smul.u32 $0xF7A, s1;
	s8 =	simm.s32 @!p0 $0x1BF5;
	p2 =	por !p2, p0  }
0x20: {  	[sflag:s8] =	ssyncset.s32 @!p0 $0xFFFFF086;
	s6 =	sadd.s32 @!p0 s3, s7;
	s7 =	simm.s32 @!p0 $0x108  }
0x21: {  	s3 =	sadd.s32 s3, s9;
	s6 =	sadd.s32 @!p0 $0x88, s6;
	s7 =	simm.s32 @p2 $0x1082  }
0x22: {  	[simem:s7], [sflag:s8] =	dma.local @!p0 [hbm:s6], $0xF7A  }
0x23: {  	s9 =	sor.u32 $0xD0000000, s2;
	s6 =	simm.s32 $0x108;
	_ =	swait.ge @!p0 [sflag:s8], $0x0  }
0x24: {  	s3 =	sadd.s32 $0x88, s3;
	s6 =	simm.s32 @!p1 $0x1082;
	[sflag:s4] =	ssyncset.s32 $0xFFFFF086  }
0x25: {  	[simem:s6], [sflag:s4] =	dma.local [hbm:s3], $0xF7A  }
0x26: {  	[smem:$0x3F98] =	sst s1;
	(tag) =	ssettag s2;
	_ =	strace s9  }
0x27: {  	s1 =	sld [smem:$0x3FA8]  }
0x28: {  	s2 =	sld [smem:$0x3FA9]  }
0x29: {  	s4 =	sld [smem:$0x3FAB]  }
0x2a: {  	p0 =	seq.s32 s5, $0x0;
	s5 =	sld [smem:$0x3FAC]  }
0x2b: {  	s6 =	sld [smem:$0x3FAD]  }
0x2c: {  	s7 =	sld [smem:$0x3FAE]  }
0x2d: {  	s3 =	simm.s32 $0x108;
	s8 =	sld [smem:$0x3FAF]  }
0x2e: {  	s3 =	simm.s32 @!p0 $0x1082;
	s9 =	sld [smem:$0x3FB0]  }
0x2f: {  	lr =	sadd.s32 s0, s3;
	s0 =	sld [smem:$0x3FA7]  }
0x30: {  	s3 =	sld [smem:$0x3FAA]  }
0x31: {  	[smem:$0x3FB3] =	sst s10  }
0x32: {  	s10 =	sld [smem:$0x3FB1];
	_ =	sdelay $0x3  }
0x33: {  	p0 =	seq.s32 s10, $0x1;
	s10 =	sld [smem:$0x3FB3];
	_ =	sdelay $0x3  }
0x34: {  	[smem:$0x3FB3] =	sst s10  }
0x35: {  	s10 =	sld [smem:$0x3FB2];
	_ =	sdelay $0x3  }
0x36: {  	p1 =	seq.s32 s10, $0x1;
	s10 =	sld [smem:$0x3FB3];
	_ =	sdelay $0x3  }
0x37: {  	[smem:$0x3FB3] =	sst s10  }
0x38: {  	s10 =	sld [smem:$0x3FB4]  }
0x39: {  	_ = 	snop;
	(pc) =	sbr.ind lr, $3  }
0x3a: {  	_ = 	snop  }
0x3b: {  	_ = 	snop  }
0x3c: {  	p2 =	seq.s32 s10, $0x1;
	s10 =	sld [smem:$0x3FB3]  }
0x3d: {  	_ =	shalt  }
0x3e: {  	_ =	shalt  }
0x3f: {  	_ =	shalt  }
0x40: {  	_ =	shalt  }
0x41: {  	_ =	shalt  }
0x42: {  	_ =	shalt  }
0x43: {  	_ =	shalt  }
0x44: {  	_ =	shalt  }
0x45: {  	_ =	shalt  }
0x46: {  	_ =	shalt  }
0x47: {  	_ =	shalt  }
0x48: {  	_ =	shalt  }
0x49: {  	_ =	shalt  }
0x4a: {  	_ =	shalt  }
0x4b: {  	_ =	shalt  }
0x4c: {  	_ =	shalt  }
0x4d: {  	_ =	shalt  }
0x4e: {  	_ =	shalt  }
0x4f: {  	_ =	shalt  }
0x50: {  	_ =	shalt  }
0x51: {  	_ =	shalt  }
0x52: {  	_ =	shalt  }
0x53: {  	_ =	shalt  }
0x54: {  	_ =	shalt  }
0x55: {  	_ =	shalt  }
0x56: {  	_ =	shalt  }
0x57: {  	_ =	shalt  }
0x58: {  	_ =	shalt  }
0x59: {  	_ =	shalt  }
0x5a: {  	_ =	shalt  }
0x5b: {  	_ =	shalt  }
0x5c: {  	_ =	shalt  }
0x5d: {  	_ =	shalt  }
0x5e: {  	_ =	shalt  }
0x5f: {  	_ =	shalt  }
0x60: {  	_ =	shalt  }
0x61: {  	_ =	shalt  }
0x62: {  	_ =	shalt  }
0x63: {  	_ =	shalt  }
0x64: {  	_ =	shalt  }
0x65: {  	_ =	shalt  }
0x66: {  	_ =	shalt  }
0x67: {  	_ =	shalt  }
0x68: {  	_ =	shalt  }
0x69: {  	_ =	shalt  }
0x6a: {  	_ =	shalt  }
0x6b: {  	_ =	shalt  }
0x6c: {  	_ =	shalt  }
0x6d: {  	_ =	shalt  }
0x6e: {  	_ =	shalt  }
0x6f: {  	_ =	shalt  }
0x70: {  	_ =	shalt  }
0x71: {  	_ =	shalt  }
0x72: {  	_ =	shalt  }
0x73: {  	_ =	shalt  }
0x74: {  	_ =	shalt  }
0x75: {  	_ =	shalt  }
0x76: {  	_ =	shalt  }
0x77: {  	_ =	shalt  }
0x78: {  	_ =	shalt  }
0x79: {  	_ =	shalt  }
0x7a: {  	_ =	shalt  }
0x7b: {  	_ =	shalt  }
0x7c: {  	_ =	shalt  }
0x7d: {  	_ =	shalt  }
0x7e: {  	_ =	shalt  }
0x7f: {  	_ =	shalt  }
0x80: {  	_ =	shalt  }
0x81: {  	_ =	shalt  }
0x82: {  	_ =	shalt  }
0x83: {  	_ =	shalt  }
0x84: {  	_ =	shalt  }
0x85: {  	_ =	shalt  }
0x86: {  	_ =	shalt  }
0x87: {  	_ =	shalt  }
.Lfunc_end0:
.L_simem_size_0:
called_computation_lowered:
.L_overlay_start_0:
0x88: {  	s2 =	sld [smem:$0x3FD9]  }
0x89: {  	s3 =	sld [smem:$0x3FFE];
	_ =	sdelay $0x1  }
0x8a: {  	s1 =	srdreg.scid  }
0x8b: {  	s0 =	sand.u32 $0x1, s1  }
0x8c: {  	s16 =	sshll.u32 s0, $0xA;
	s2 =	sadd.s32 s3, s2  }
0x8d: {  	s2 =	sadd.s32 s2, s16  }
0x8e: {  	[smem:$0x3FBF] =	sst s2  }
0x8f: {  	_ = 	snop  }
0x90: {  	(tm) =	ssettm $0x1  }
0x91: {  	s17 =	sld [smem:$0x3FFB];
	_ =	sdelay $0x3  }
0x92: {  	_ =	strace s17  }
0x93: {  	s2 =	sld [smem:$0x3FFC];
	_ =	sdelay $0x3  }
0x94: {  	_ =	strace s2  }
0x95: {  	s2 =	sld [smem:$0x3FFD];
	_ =	sdelay $0x3  }
0x96: {  	_ =	strace s2  }
0x97: {  	_ =	strace $0x8FFFFFFF  }
0x98: {  	s18 =	sld [smem:$0x3FDB];
	_ =	sdelay $0x1  }
0x99: {  	s19 =	simm.s32 $_scs_section_size  }
0x9a: {  	s4 =	simm.s32 $_size__tile_overlayer_lowered;
	s5 =	simm.s32 $_tile_overlayer_lowered  }
0x9b: {  	s22 =	simm.s32 $0x1BFF;
	s21 =	sshll.u32 s5, $0x1;
	s2 =	sadd.s32 s19, s18  }
0x9c: {  	s6 =	simm.s32 $0x0;
	s20 =	sshll.u32 s4, $0x1;
	s4 =	sadd.s32 s21, s2  }
0x9d: {  	[timem:s6], [sflag:s22] =	dma.local [hbm:s4], s20  }
0x9e: {  	_ =	swait.ge [sflag:s22], s20  }
0x9f: {  	s3 =	ssub.s32 $0x0, s20;
	[sflag:s22] =	ssyncset.done $0x0  }
0xa0: {  	[sflag:s22] =	ssyncadd.s32 s3;
	_ =	sdelay $0x1  }
0xa1: {  	s23 =	simm.s32 $0x1B8B  }
0xa2: {  	_ =	swait.ge [sflag:s23], $0x1  }
0xa3: {  	[sflag:s23] =	ssyncset.done $0x0  }
0xa4: {  	s25 =	simm.s32 $0x1B8E;
	s24 =	sld [smem:$0x3FFE];
	[sflag:s23] =	ssyncadd.s32 $0xFFFFFFFF  }
0xa5: {  	s26 =	simm.s32 $execute0_lowered;
	[smem:$0x3FD2] =	sst s25  }
0xa6: {  	s4 =	sshll.u32 s26, $0x1;
	_ =	strace $0x80000046;
	[dreg:$0x1] =	wrdreg $0xFFFFFFFF  }
0xa7: {  	s28 =	simm.s32 $_size_execute0_lowered;
	s2 =	sadd.s32 s2, s4;
	[dreg:$0x0] =	wrdreg $0x0  }
0xa8: {  	s4 =	sshll.u32 s28, $0x1;
	[dreg:$0x2] =	wrdreg s2  }
0xa9: {  	[dreg:$0x3] =	wrdreg s4  }
0xaa: {  	[dreg:$0x4] =	wrdreg $0xC0  }
0xab: {  	_ =	task [dreg:s6], $0x5FFFF  }
0xac: {  	[dreg:$0x1] =	wrdreg $0xFFFFFFFF  }
0xad: {  	[dreg:$0x0] =	wrdreg $0x60  }
0xae: {  	[dreg:$0x2] =	wrdreg s24  }
0xaf: {  	[dreg:$0x3] =	wrdreg $0x0  }
0xb0: {  	[dreg:$0x4] =	wrdreg $0x9  }
0xb1: {  	_ =	task.clear_ibuf [dreg:s6], $0x5FFFF;
	_ =	strace $0x90000046  }
0xb2: {  	s29 =	simm.s32 $0x9;
	_ =	strace $0x80000048  }
0xb3: {  	_ =	swait.ge [sflag:s29], $0x1  }
0xb4: {  	[sflag:s29] =	ssyncadd.s32 $0xFFFFFFFF  }
0xb5: {  	_ =	strace $0x90000048  }
0xb6: {  	_ =	sfence  }
0xb7: {  	s30 =	sld [smem:$0x0];
	_ =	sdelay $0x2  }
0xb8: {  	s31 =	sshll.u32 s1, $0xD;
	s1 =	sshrl.u32 s1, $0x2  }
0xb9: {  	s3 =	sand.u32 $0x4000, s31;
	s1 =	sadd.s32 s1, s30  }
0xba: {  	s0 =	sor.u32 s3, s0;
	s1 =	sshll.u32 s1, $0x11  }
0xbb: {  	s0 =	sor.u32 s1, s0  }
0xbc: {  	s0 =	sadd.s32 $0x8F2B, s0  }
0xbd: {  	[sflag:s0] =	ssyncadd.remote.s32 $0x1  }
0xbe: {  	_ =	sfence.sel $0xFFFF  }
0xbf: {  	[dreg:$0x0] =	wrdreg $0xFFFFFFFF;
	(pc) =	sbr.abs _section_cstart, $3  }
0xc0: {  	[dreg:$0x1] =	wrdreg $0xFFFFFFFF  }
0xc1: {  	_ =	task.clear_ibuf [dreg:s6], $0x2FFFF;
	_ =	strace $0x9FFFFFFF  }
0xc2: {  	(tm) =	ssettm $0x7FFFFFFF  }
0xc3: {  	_ =	shalt  }
tec
execute0_lowered:
.L_overlay_start_1:
0x0: {  	(tag) =	ssettag $0x1  }
0x1: {  	s5 =	rddreg [dreg:$0x0]  }
0x2: {  	s0 =	srdreg.scid;
	s2 =	rddreg [dreg:$0x1]  }
0x3: {  	s10 =	simm.s32 $0x80;
	s11 =	simm.s32 $0x400;
	s12 =	simm.s32 $0x2710  }
0x4: {  	s13 =	simm.s32 $0x28;
	s14 =	simm.s32 $0x4E90;
	s4 =	sand.u32 $0x1, s0  }
0x5: {  	s15 =	simm.s32 $0x2738;
	s0 =	stileid.u32;
	s8 =	smul.u32 $0x138800, s4  }
0x6: {  	s16 =	simm.s32 $0x2760;
	s1 =	sshll.u32 s4, $0x4;
	s26 =	smul.u32 $0x1F400, s0  }
0x7: {  	s3 =	sshll.u32 s0, $0x7;
	s4 =	ssub.s32 $0x2, s4;
	s28 =	smul.u32 $0x7D000, s0  }
0x8: {  	s9 =	smul.u32 $0x4E200, s0;
	p0 =	sgt.u32 s0, $0x9;
	s1 =	sor.u32 s0, s1  }
0x9: {  	s7 =	sand.u32 $0x380, s3;
	s3 =	simm.s32 $0x0;
	s29 =	sshrl.u32 s4, $0x1  }
0xa: {  	s17 =	sshll.u32 @!p0 s0, $0x6;
	s1 =	sshrl.u32 s1, $0x3;
	[smem:$0x7FF] =	sst s3  }
0xb: {  	s30 =	sshrl.u32 s28, $0x2;
	s31 =	sshrl.u32 s9, $0x2;
	s6 =	smul.u32 $0x13C00, s1  }
0xc: {  	s9 =	simm.s32 $0x4;
	s17 =	sor.u32 @!p0 $0x1C04, s17;
	s1 =	rddreg [dreg:$0x2]  }
0xd: {  	_ =	strace $0x80000047;
	s18 =	sadd.s32 s30, s2;
	s6 =	sor.u32 s7, s6  }
0xe: {  	s18 =	sshrl.u32 @!p0 s18, $0x3;
	s7 =	sadd.s32 s26, s8;
	s6 =	sshrl.u32 s6, $0x3  }
0xf: {  	s8 =	simm.s32 $0x6290;
	s7 =	sshrl.u32 s7, $0x3;
	s6 =	sadd.s32 s6, s5  }
0x10: {  	s5 =	sadd.s32 s7, s5;
	s7 =	ssub.s32 s4, s29;
	s4 =	sadd.s32 $0x2E00, s6  }
0x11: {  	v0 =	vimm.f32 $0.0e+00;
	v1 =	vimm.f32 $1.000000000e+00;
	s5 =	sadd.s32 $0xCC00, s5;
	s6 =	smax.u32 s7, $0x1;
	s7 =	sadd.s32 s31, s2  }
.LBB2_1:
0x12: {  	[tilespmem:$0x6290] =	vst v0  }
0x13: {  	[tilespmem:$0x6310] =	vst v0  }
0x14: {  	[tilespmem:$0x6390] =	vst v0  }
0x15: {  	[tilespmem:$0x6410] =	vst v0  }
0x16: {  	[tilespmem:$0x6490] =	vst v0  }
0x17: {  	[tilespmem:$0x6510] =	vst v0  }
0x18: {  	[tilespmem:$0x6590] =	vst v0  }
0x19: {  	[tilespmem:$0x6610] =	vst v0  }
0x1a: {  	[tilespmem:$0x6690] =	vst v0  }
0x1b: {  	[tilespmem:$0x6710] =	vst v0  }
0x1c: {  	[tilespmem:$0x6790] =	vst v0  }
0x1d: {  	[tilespmem:$0x6810] =	vst v0  }
0x1e: {  	[tilespmem:$0x6890] =	vst v0  }
0x1f: {  	[tilespmem:$0x6910] =	vst v0  }
0x20: {  	[tilespmem:$0x6990] =	vst v0  }
0x21: {  	[tilespmem:$0x6A10] =	vst v0  }
0x22: {  	[tilespmem:$0x6A90] =	vst v0  }
0x23: {  	[tilespmem:$0x6B10] =	vst v0  }
0x24: {  	[tilespmem:$0x6B90] =	vst v0  }
0x25: {  	[tilespmem:$0x6C10] =	vst v0  }
0x26: {  	[tilespmem:$0x6C90] =	vst v0  }
0x27: {  	[tilespmem:$0x6D10] =	vst v0  }
0x28: {  	[tilespmem:$0x6D90] =	vst v0  }
0x29: {  	[tilespmem:$0x6E10] =	vst v0  }
0x2a: {  	[tilespmem:$0x6E90] =	vst v0;
	s19 =	sadd.s32 $0x0, s7  }
0x2b: {  	[spmem:s19] =	stream.linear.scatter [tilespmem:s8], [sflag:$0x4], $0xC80, $0x38;
	[tilespmem:$0x7290] =	vst v63  }
0x2c: {  	s19 =	simm.s32 $0x3200;
	_ =	swait.ge [sflag:s9], $0xC80  }
.LBB2_2:
0x2d: {  	s20 =	sshra.s32 s19, $0x2;
	[sflag:s9] =	ssyncset.done $0x0;
	p1 =	sne.s32 s19, $0x4B000  }
.Ltmp0:
0x2e: {  	s20 =	sadd.s32 s20, s7;
	[sflag:s9] =	ssyncadd.s32 $0xFFFFF380;
	(pc) =	sbr.rel @p1 .LBB2_2-.Ltmp0, $3  }
0x2f: {  	[spmem:s20] =	stream.linear.scatter [tilespmem:s8], [sflag:$0x4], $0xC80, $0x38;
	[tilespmem:$0x7290] =	vst v63  }
0x30: {  	s19 =	sadd.s32 $0x3200, s19;
	_ =	sdelay $0x1  }
0x31: {  	_ =	swait.ge [sflag:s9], $0xC80  }
0x32: {  	[sflag:s9] =	ssyncset.done $0x0  }
0x33: {  	[sflag:s9] =	ssyncadd.s32 $0xFFFFF380  }
0x34: {  	[tilespmem:$0x4E90] =	vst v1  }
0x35: {  	[tilespmem:$0x4F10] =	vst v1  }
0x36: {  	[tilespmem:$0x4F90] =	vst v1  }
0x37: {  	[tilespmem:$0x5010] =	vst v1  }
0x38: {  	[tilespmem:$0x5090] =	vst v1  }
0x39: {  	[tilespmem:$0x5110] =	vst v1  }
0x3a: {  	[tilespmem:$0x5190] =	vst v1  }
0x3b: {  	[tilespmem:$0x5210] =	vst v1  }
0x3c: {  	[tilespmem:$0x5290] =	vst v1  }
0x3d: {  	[tilespmem:$0x5310] =	vst v1  }
0x3e: {  	[tilespmem:$0x5390] =	vst v1  }
0x3f: {  	[tilespmem:$0x5410] =	vst v1  }
0x40: {  	[tilespmem:$0x5490] =	vst v1  }
0x41: {  	[tilespmem:$0x5510] =	vst v1  }
0x42: {  	[tilespmem:$0x5590] =	vst v1  }
0x43: {  	[tilespmem:$0x5610] =	vst v1  }
0x44: {  	[tilespmem:$0x5690] =	vst v1  }
0x45: {  	[tilespmem:$0x5710] =	vst v1  }
0x46: {  	[tilespmem:$0x5790] =	vst v1  }
0x47: {  	[tilespmem:$0x5810] =	vst v1  }
0x48: {  	[tilespmem:$0x5890] =	vst v1  }
0x49: {  	[tilespmem:$0x5910] =	vst v1  }
0x4a: {  	[tilespmem:$0x5990] =	vst v1  }
0x4b: {  	[tilespmem:$0x5A10] =	vst v1  }
0x4c: {  	[tilespmem:$0x5A90] =	vst v1  }
0x4d: {  	[tilespmem:$0x5B10] =	vst v1  }
0x4e: {  	[tilespmem:$0x5B90] =	vst v1  }
0x4f: {  	[tilespmem:$0x5C10] =	vst v1  }
0x50: {  	[tilespmem:$0x5C90] =	vst v1  }
0x51: {  	[tilespmem:$0x5D10] =	vst v1  }
0x52: {  	[tilespmem:$0x5D90] =	vst v1  }
0x53: {  	[tilespmem:$0x5E10] =	vst v1  }
0x54: {  	[tilespmem:$0x5E90] =	vst v1  }
0x55: {  	[tilespmem:$0x5F10] =	vst v1  }
0x56: {  	[tilespmem:$0x5F90] =	vst v1  }
0x57: {  	[tilespmem:$0x6010] =	vst v1  }
0x58: {  	[tilespmem:$0x6090] =	vst v1  }
0x59: {  	[tilespmem:$0x6110] =	vst v1  }
0x5a: {  	s19 =	simm.s32 $0x0;
	[tilespmem:$0x6190] =	vst v1  }
0x5b: {  	s19 =	smul.u32 $0xAB, s19;
	[tilespmem:$0x6210] =	vst v1  }
0x5c: {  	[tilespmem:s12], [sflag:$0x4] =	stream.strided.gather [hbm4b:s4+s10], $0x2780, s11, s10, $0x38;
	[tilespmem:$0x7290] =	vst v63  }
0x5d: {  	s20 =	simm.s32 $0x3;
	p1 =	por $0x0, $0x0;
	s19 =	sshrl.u32 s19, $0x9  }
0x5e: {  	s20 =	smul.u32 @!p1 $0xAB, s20;
	_ =	swait.ge [sflag:s9], $0x2780;
	s19 =	sand.u32 $0x7F, s19  }
0x5f: {  	s21 =	simm.s32 $0x2788;
	[sflag:s9] =	ssyncset.done $0x0;
	s22 =	smul.u32 $0x3, s19  }
0x60: {  	s24 =	simm.s32 @!p1 $0x4E90;
	s20 =	sshrl.u32 @!p1 s20, $0x9;
	[sflag:s9] =	ssyncadd.s32 $0xFFFFD880  }
0x61: {  	s20 =	sand.u32 @!p1 $0x7F, s20;
	[bflag:$0x0] =	sbarrier.arrive $0xFFFF;
	s23 =	ssub.s32 $0x0, s22  }
0x62: {  	[spmem:s2] =	stream.indirect.scatter.add.f32 [tilespmem:s14], [sflag:$0x1], $0x10, s12, s13, $0xb8;
	[tilespmem:$0x7290] =	vst v63  }
0x63: {  	s19 =	simm.s32 $0x4;
	s25 =	smul.u32 @!p1 $0x3, s20;
	s23 =	sand.u32 $0xFF, s23  }
0x64: {  	[spmem:s2] =	stream.indirect.scatter.add.f32 [tilespmem:s14], [sflag:$0x2], $0x10, s15, s13, $0xb8;
	[tilespmem:$0x7290] =	vst v63  }
0x65: {  	s20 =	simm.s32 $0x27B0;
	s22 =	simm.s32 $0x5;
	s28 =	sadd.s32 $0x1, s23  }
0x66: {  	[spmem:s2] =	stream.indirect.scatter.add.f32 [tilespmem:s14], [sflag:$0x3], $0x10, s16, s13, $0xb8;
	[tilespmem:$0x7290] =	vst v63  }
0x67: {  	s26 =	ssub.s32 @!p1 $0x3, s25;
	s25 =	simm.s32 @!p1 $0x28;
	_ =	swait.ge [sflag:s28], $0x280  }
0x68: {  	s29 =	sand.u32 @!p1 $0xFF, s26;
	s23 =	simm.s32 $0x1;
	[sflag:s28] =	ssyncset.done $0x0  }
0x69: {  	s26 =	smul.u32 $0xAB, s23;
	[sflag:s28] =	ssyncadd.s32 $0xFFFFFD80;
	s28 =	sadd.s32 @!p1 $0x1, s29  }
.LBB2_4:
0x6a: {  	[spmem:s2] =	stream.indirect.scatter.add.f32 @!p1 [tilespmem:s24], [sflag:s28], $0x10, s21, s25, $0xb8;
	[tilespmem:$0x7290] =	vst v63  }
0x6b: {  	s25 =	smov.u32 s19;
	s19 =	smov.u32 s22  }
0x6c: {  	s21 =	smov.u32 s20;
	p1 =	sgt.u32 s23, $0xF6;
	s24 =	sshrl.u32 s26, $0x9  }
0x6d: {  	s22 =	sadd.s32 $0x1, s22;
	s26 =	smul.u32 @!p1 $0xAB, s25;
	s24 =	sand.u32 $0x7F, s24  }
0x6e: {  	p2 =	sne.s32 s22, $0xFD;
	s24 =	smul.u32 $0x3, s24  }
0x6f: {  	s26 =	sshrl.u32 @!p1 s26, $0x9  }
0x70: {  	s23 =	ssub.s32 s23, s24;
	s24 =	sand.u32 @!p1 $0x7F, s26  }
0x71: {  	s26 =	smul.u32 @!p1 $0x3, s24  }
.Ltmp1:
0x72: {  	s23 =	sand.u32 $0xFF, s23;
	(pc) =	sbr.rel @p2 .LBB2_4-.Ltmp1, $4  }
0x73: {  	s20 =	sadd.s32 $0x28, s20;
	s24 =	simm.s32 @!p1 $0x4E90;
	s28 =	sadd.s32 $0x1, s23  }
0x74: {  	_ =	swait.ge [sflag:s28], $0x280;
	s26 =	ssub.s32 @!p1 s25, s26;
	s25 =	simm.s32 @!p1 $0x28  }
0x75: {  	s23 =	sadd.s32 $0xFFFFFFFD, s19;
	[sflag:s28] =	ssyncset.done $0x0;
	s29 =	sand.u32 @!p1 $0xFF, s26  }
0x76: {  	s26 =	smul.u32 $0xAB, s23;
	[sflag:s28] =	ssyncadd.s32 $0xFFFFFD80;
	s28 =	sadd.s32 @!p1 $0x1, s29  }
0x77: {  	[spmem:s2] =	stream.indirect.scatter.add.f32 @!p1 [tilespmem:s24], [sflag:s28], $0x10, s21, s25, $0xb8;
	[tilespmem:$0x7290] =	vst v63  }
0x78: {  	p1 =	sgt.u32 s23, $0xF6;
	s31 =	sshrl.u32 s26, $0x9  }
0x79: {  	s22 =	smul.u32 @!p1 $0xAB, s19;
	s21 =	sand.u32 $0x7F, s31  }
0x7a: {  	s21 =	smul.u32 $0x3, s21  }
0x7b: {  	s22 =	sshrl.u32 @!p1 s22, $0x9  }
0x7c: {  	s22 =	sand.u32 @!p1 $0x7F, s22;
	s21 =	ssub.s32 s23, s21  }
0x7d: {  	s22 =	smul.u32 @!p1 $0x3, s22;
	s21 =	sand.u32 $0xFF, s21  }
0x7e: {  	s21 =	sadd.s32 $0x1, s21  }
0x7f: {  	s3 =	sadd.s32 $0x1, s3;
	s19 =	ssub.s32 @!p1 s19, s22;
	_ =	swait.ge [sflag:s21], $0x280  }
0x80: {  	s23 =	simm.s32 @!p1 $0x28;
	s19 =	sand.u32 @!p1 $0xFF, s19;
	[sflag:s21] =	ssyncset.done $0x0  }
0x81: {  	s22 =	simm.s32 @!p1 $0x4E90;
	s19 =	sadd.s32 @!p1 $0x1, s19;
	[sflag:s21] =	ssyncadd.s32 $0xFFFFFD80  }
0x82: {  	[spmem:s2] =	stream.indirect.scatter.add.f32 @!p1 [tilespmem:s22], [sflag:s19], $0x10, s20, s23, $0xb8;
	[tilespmem:$0x7290] =	vst v63  }
0x83: {  	p1 =	sne.s32 s3, s6  }
.Ltmp2:
0x84: {  	s19 =	simm.s32 @!p0 $0x4;
	[bflag:$0x0] =	sbarrier.arrive $0xFFFF;
	(pc) =	sbr.rel @p1 .LBB2_1-.Ltmp2, $4  }
0x85: {  	[hbm:s5], [sflag:s17] =	dma.local @!p0 [spmem:s18], $0x3E80  }
0x86: {  	_ =	swait.ge @!p0 [sflag:s19], $0x3E80  }
0x87: {  	[sflag:s19] =	ssyncset.done @!p0 $0x0  }
0x88: {  	[sflag:s19] =	ssyncadd.s32 @!p0 $0xFFFFC180  }
0x89: {  	_ =	sfence.sel $0x180000  }
0x8a: {  	[bflag:$0x0] =	sbarrier.arrive $0xFFFF  }
0x8b: {  	p0 =	sne.s32 s0, $0x0;
	_ =	strace $0x90000047  }
0x8c: {  	s0 =	sadd.s32 @!p0 $0x100000, s1;
	[bflag:$0x2] =	sbarrier.arrive $0xFFFF  }
0x8d: {  	[sflag:s0] =	ssyncadd.tile.s32 @!p0 $0x1;
	_ =	shalt  }
.Lfunc_end2:
_tile_overlayer_lowered:
.L_overlay_start_2:
0x8e: {  	(tag) =	ssettag $0x2  }
0x8f: {  	s0 =	rddreg [dreg:$0x0];
	s2 =	stileid.u32  }
0x90: {  	s1 =	rddreg [dreg:$0x1];
	p0 =	sne.s32 s2, $0x0  }
0x91: {  	s3 =	rddreg [dreg:$0x2];
	[bflag:$0x3] =	sbarrier.arrive $0xFFFF;
	s2 =	simm.s32 @!p0 $0x1C04  }
0x92: {  	[timem:s3], [sflag:s2] =	dma.local @!p0 [hbm:s0], s1  }
0x93: {  	s0 =	simm.s32 @!p0 $0x4  }
0x94: {  	_ =	swait.ge @!p0 [sflag:s0], s1  }
0x95: {  	s1 =	ssub.s32 @!p0 $0x0, s1;
	[sflag:s0] =	ssyncset.done @!p0 $0x0  }
0x96: {  	[sflag:s0] =	ssyncadd.s32 @!p0 s1  }
0x97: {  	[bflag:$0x3] =	sbarrier.arrive $0xFFFF  }
0x98: {  	_ =	shalt  }

// kernel: kernel.15.cloned.1.call-start
scs
__scs_entry_jumppad:
0x0: {  	(pc) =	sbr.rel $0x88, $3  }
0x1: {  	(tag) =	ssettag $0x0;
	lr =	simm.s32 $0x1  }
0x2: {  	[smem:$0x3F98] =	sst lr;
	_ =	strace $0xD0000000  }
0x3: {  	_ = 	snop  }
0x4: {  	_ = 	snop  }
0x5: {  	_ = 	snop  }
0x6: {  	_ = 	snop  }
0x7: {  	_ = 	snop  }
__scs_overlays_trampoline_lowered:
0x8: {  	[smem:$0x3FA7] =	sst s0  }
0x9: {  	[smem:$0x3FA8] =	sst s1  }
0xa: {  	[smem:$0x3FA9] =	sst s2  }
0xb: {  	[smem:$0x3FAA] =	sst s3  }
0xc: {  	[smem:$0x3FAB] =	sst s4  }
0xd: {  	[smem:$0x3FAC] =	sst s5  }
0xe: {  	[smem:$0x3FAD] =	sst s6  }
0xf: {  	[smem:$0x3FAE] =	sst s7  }
0x10: {  	[smem:$0x3FAF] =	sst s8  }
0x11: {  	[smem:$0x3FB0] =	sst s9;
	s0 =	simm.s32 @!p0 $0x0  }
0x12: {  	s1 =	sld [smem:$0x3F96];
	s0 =	simm.s32 @p0 $0x1  }
0x13: {  	[smem:$0x3FB1] =	sst s0;
	s0 =	simm.s32 @!p1 $0x0  }
0x14: {  	s2 =	sld [smem:$0x3F95];
	s0 =	simm.s32 @p1 $0x1  }
0x15: {  	[smem:$0x3FB2] =	sst s0;
	s0 =	simm.s32 @!p2 $0x0  }
0x16: {  	s3 =	sld [smem:$0x3FDB];
	s0 =	simm.s32 @p2 $0x1  }
0x17: {  	s4 =	simm.s32 $0x1BF5;
	[smem:$0x3FB4] =	sst s0  }
0x18: {  	s0 =	sld [smem:$0x3F97];
	_ =	swait.ge [sflag:s4], $0x0  }
0x19: {  	s7 =	sld [smem:$0x3F98]  }
0x1a: {  	s8 =	sadd.s32 $0xFFFFE003, lr  }
0x1b: {  	s9 =	sadd.s32 $0xFFFFFEF7, lr;
	s5 =	simm.s32 $0xFFFFFFFF;
	p2 =	slt.u32 s8, $0xFFFFF086  }
0x1c: {  	p1 =	slt.u32 s9, $0xF7A;
	s5 =	simm.s32 @!p2 $0x0  }
0x1d: {  	s5 =	simm.s32 @p1 $0x1;
	p0 =	seq.s32 s7, s2  }
0x1e: {  	s7 =	smul.u32 @!p0 $0xF7A, s2;
	p2 =	seq.s32 @!p0 s5, $0x0  }
0x1f: {  	s9 =	smul.u32 $0xF7A, s1;
	s8 =	simm.s32 @!p0 $0x1BF5;
	p2 =	por !p2, p0  }
0x20: {  	[sflag:s8] =	ssyncset.s32 @!p0 $0xFFFFF086;
	s6 =	sadd.s32 @!p0 s3, s7;
	s7 =	simm.s32 @!p0 $0x108  }
0x21: {  	s3 =	sadd.s32 s3, s9;
	s6 =	sadd.s32 @!p0 $0x88, s6;
	s7 =	simm.s32 @p2 $0x1082  }
0x22: {  	[simem:s7], [sflag:s8] =	dma.local @!p0 [hbm:s6], $0xF7A  }
0x23: {  	s9 =	sor.u32 $0xD0000000, s2;
	s6 =	simm.s32 $0x108;
	_ =	swait.ge @!p0 [sflag:s8], $0x0  }
0x24: {  	s3 =	sadd.s32 $0x88, s3;
	s6 =	simm.s32 @!p1 $0x1082;
	[sflag:s4] =	ssyncset.s32 $0xFFFFF086  }
0x25: {  	[simem:s6], [sflag:s4] =	dma.local [hbm:s3], $0xF7A  }
0x26: {  	[smem:$0x3F98] =	sst s1;
	(tag) =	ssettag s2;
	_ =	strace s9  }
0x27: {  	s1 =	sld [smem:$0x3FA8]  }
0x28: {  	s2 =	sld [smem:$0x3FA9]  }
0x29: {  	s4 =	sld [smem:$0x3FAB]  }
0x2a: {  	p0 =	seq.s32 s5, $0x0;
	s5 =	sld [smem:$0x3FAC]  }
0x2b: {  	s6 =	sld [smem:$0x3FAD]  }
0x2c: {  	s7 =	sld [smem:$0x3FAE]  }
0x2d: {  	s3 =	simm.s32 $0x108;
	s8 =	sld [smem:$0x3FAF]  }
0x2e: {  	s3 =	simm.s32 @!p0 $0x1082;
	s9 =	sld [smem:$0x3FB0]  }
0x2f: {  	lr =	sadd.s32 s0, s3;
	s0 =	sld [smem:$0x3FA7]  }
0x30: {  	s3 =	sld [smem:$0x3FAA]  }
0x31: {  	[smem:$0x3FB3] =	sst s10  }
0x32: {  	s10 =	sld [smem:$0x3FB1];
	_ =	sdelay $0x3  }
0x33: {  	p0 =	seq.s32 s10, $0x1;
	s10 =	sld [smem:$0x3FB3];
	_ =	sdelay $0x3  }
0x34: {  	[smem:$0x3FB3] =	sst s10  }
0x35: {  	s10 =	sld [smem:$0x3FB2];
	_ =	sdelay $0x3  }
0x36: {  	p1 =	seq.s32 s10, $0x1;
	s10 =	sld [smem:$0x3FB3];
	_ =	sdelay $0x3  }
0x37: {  	[smem:$0x3FB3] =	sst s10  }
0x38: {  	s10 =	sld [smem:$0x3FB4]  }
0x39: {  	_ = 	snop;
	(pc) =	sbr.ind lr, $3  }
0x3a: {  	_ = 	snop  }
0x3b: {  	_ = 	snop  }
0x3c: {  	p2 =	seq.s32 s10, $0x1;
	s10 =	sld [smem:$0x3FB3]  }
0x3d: {  	_ =	shalt  }
0x3e: {  	_ =	shalt  }
0x3f: {  	_ =	shalt  }
0x40: {  	_ =	shalt  }
0x41: {  	_ =	shalt  }
0x42: {  	_ =	shalt  }
0x43: {  	_ =	shalt  }
0x44: {  	_ =	shalt  }
0x45: {  	_ =	shalt  }
0x46: {  	_ =	shalt  }
0x47: {  	_ =	shalt  }
0x48: {  	_ =	shalt  }
0x49: {  	_ =	shalt  }
0x4a: {  	_ =	shalt  }
0x4b: {  	_ =	shalt  }
0x4c: {  	_ =	shalt  }
0x4d: {  	_ =	shalt  }
0x4e: {  	_ =	shalt  }
0x4f: {  	_ =	shalt  }
0x50: {  	_ =	shalt  }
0x51: {  	_ =	shalt  }
0x52: {  	_ =	shalt  }
0x53: {  	_ =	shalt  }
0x54: {  	_ =	shalt  }
0x55: {  	_ =	shalt  }
0x56: {  	_ =	shalt  }
0x57: {  	_ =	shalt  }
0x58: {  	_ =	shalt  }
0x59: {  	_ =	shalt  }
0x5a: {  	_ =	shalt  }
0x5b: {  	_ =	shalt  }
0x5c: {  	_ =	shalt  }
0x5d: {  	_ =	shalt  }
0x5e: {  	_ =	shalt  }
0x5f: {  	_ =	shalt  }
0x60: {  	_ =	shalt  }
0x61: {  	_ =	shalt  }
0x62: {  	_ =	shalt  }
0x63: {  	_ =	shalt  }
0x64: {  	_ =	shalt  }
0x65: {  	_ =	shalt  }
0x66: {  	_ =	shalt  }
0x67: {  	_ =	shalt  }
0x68: {  	_ =	shalt  }
0x69: {  	_ =	shalt  }
0x6a: {  	_ =	shalt  }
0x6b: {  	_ =	shalt  }
0x6c: {  	_ =	shalt  }
0x6d: {  	_ =	shalt  }
0x6e: {  	_ =	shalt  }
0x6f: {  	_ =	shalt  }
0x70: {  	_ =	shalt  }
0x71: {  	_ =	shalt  }
0x72: {  	_ =	shalt  }
0x73: {  	_ =	shalt  }
0x74: {  	_ =	shalt  }
0x75: {  	_ =	shalt  }
0x76: {  	_ =	shalt  }
0x77: {  	_ =	shalt  }
0x78: {  	_ =	shalt  }
0x79: {  	_ =	shalt  }
0x7a: {  	_ =	shalt  }
0x7b: {  	_ =	shalt  }
0x7c: {  	_ =	shalt  }
0x7d: {  	_ =	shalt  }
0x7e: {  	_ =	shalt  }
0x7f: {  	_ =	shalt  }
0x80: {  	_ =	shalt  }
0x81: {  	_ =	shalt  }
0x82: {  	_ =	shalt  }
0x83: {  	_ =	shalt  }
0x84: {  	_ =	shalt  }
0x85: {  	_ =	shalt  }
0x86: {  	_ =	shalt  }
0x87: {  	_ =	shalt  }
.Lfunc_end0:
.L_simem_size_0:
called_computation.1_lowered:
.L_overlay_start_0:
0x88: {  	s2 =	sld [smem:$0x3FD9]  }
0x89: {  	s3 =	sld [smem:$0x3FFE];
	_ =	sdelay $0x1  }
0x8a: {  	s1 =	srdreg.scid  }
0x8b: {  	s0 =	sand.u32 $0x1, s1  }
0x8c: {  	s16 =	sshll.u32 s0, $0xA;
	s2 =	sadd.s32 s3, s2  }
0x8d: {  	s2 =	sadd.s32 s2, s16  }
0x8e: {  	[smem:$0x3FBF] =	sst s2  }
0x8f: {  	_ = 	snop  }
0x90: {  	(tm) =	ssettm $0x1  }
0x91: {  	s17 =	sld [smem:$0x3FFB];
	_ =	sdelay $0x3  }
0x92: {  	_ =	strace s17  }
0x93: {  	s2 =	sld [smem:$0x3FFC];
	_ =	sdelay $0x3  }
0x94: {  	_ =	strace s2  }
0x95: {  	s2 =	sld [smem:$0x3FFD];
	_ =	sdelay $0x3  }
0x96: {  	_ =	strace s2  }
0x97: {  	_ =	strace $0x8FFFFFFF  }
0x98: {  	s18 =	sld [smem:$0x3FDB];
	_ =	sdelay $0x1  }
0x99: {  	s19 =	simm.s32 $_scs_section_size  }
0x9a: {  	s4 =	simm.s32 $_size__tile_overlayer_lowered;
	s5 =	simm.s32 $_tile_overlayer_lowered  }
0x9b: {  	s22 =	simm.s32 $0x1BFF;
	s21 =	sshll.u32 s5, $0x1;
	s2 =	sadd.s32 s19, s18  }
0x9c: {  	s6 =	simm.s32 $0x0;
	s20 =	sshll.u32 s4, $0x1;
	s4 =	sadd.s32 s21, s2  }
0x9d: {  	[timem:s6], [sflag:s22] =	dma.local [hbm:s4], s20  }
0x9e: {  	_ =	swait.ge [sflag:s22], s20  }
0x9f: {  	s3 =	ssub.s32 $0x0, s20;
	[sflag:s22] =	ssyncset.done $0x0  }
0xa0: {  	[sflag:s22] =	ssyncadd.s32 s3;
	_ =	sdelay $0x1  }
0xa1: {  	s23 =	simm.s32 $0x1B8B  }
0xa2: {  	_ =	swait.ge [sflag:s23], $0x1  }
0xa3: {  	[sflag:s23] =	ssyncset.done $0x0  }
0xa4: {  	s25 =	simm.s32 $0x1B8E;
	s24 =	sld [smem:$0x3FFE];
	[sflag:s23] =	ssyncadd.s32 $0xFFFFFFFF  }
0xa5: {  	s26 =	simm.s32 $execute0_lowered;
	[smem:$0x3FD2] =	sst s25  }
0xa6: {  	s4 =	sshll.u32 s26, $0x1;
	_ =	strace $0x80000049;
	[dreg:$0x1] =	wrdreg $0xFFFFFFFF  }
0xa7: {  	s28 =	simm.s32 $_size_execute0_lowered;
	s2 =	sadd.s32 s2, s4;
	[dreg:$0x0] =	wrdreg $0x0  }
0xa8: {  	s4 =	sshll.u32 s28, $0x1;
	[dreg:$0x2] =	wrdreg s2  }
0xa9: {  	[dreg:$0x3] =	wrdreg s4  }
0xaa: {  	[dreg:$0x4] =	wrdreg $0xC0  }
0xab: {  	_ =	task [dreg:s6], $0x5FFFF  }
0xac: {  	[dreg:$0x1] =	wrdreg $0xFFFFFFFF  }
0xad: {  	[dreg:$0x0] =	wrdreg $0x60  }
0xae: {  	[dreg:$0x2] =	wrdreg s24  }
0xaf: {  	[dreg:$0x3] =	wrdreg $0x0  }
0xb0: {  	[dreg:$0x4] =	wrdreg $0x9  }
0xb1: {  	_ =	task.clear_ibuf [dreg:s6], $0x5FFFF;
	_ =	strace $0x90000049  }
0xb2: {  	s29 =	simm.s32 $0x9;
	_ =	strace $0x8000004B  }
0xb3: {  	_ =	swait.ge [sflag:s29], $0x1  }
0xb4: {  	[sflag:s29] =	ssyncadd.s32 $0xFFFFFFFF  }
0xb5: {  	_ =	strace $0x9000004B  }
0xb6: {  	_ =	sfence  }
0xb7: {  	s30 =	sld [smem:$0x0];
	_ =	sdelay $0x2  }
0xb8: {  	s31 =	sshll.u32 s1, $0xD;
	s1 =	sshrl.u32 s1, $0x2  }
0xb9: {  	s3 =	sand.u32 $0x4000, s31;
	s1 =	sadd.s32 s1, s30  }
0xba: {  	s0 =	sor.u32 s3, s0;
	s1 =	sshll.u32 s1, $0x11  }
0xbb: {  	s0 =	sor.u32 s1, s0  }
0xbc: {  	s0 =	sadd.s32 $0x8F2B, s0  }
0xbd: {  	[sflag:s0] =	ssyncadd.remote.s32 $0x1  }
0xbe: {  	_ =	sfence.sel $0xFFFF  }
0xbf: {  	[dreg:$0x0] =	wrdreg $0xFFFFFFFF;
	(pc) =	sbr.abs _section_cstart, $3  }
0xc0: {  	[dreg:$0x1] =	wrdreg $0xFFFFFFFF  }
0xc1: {  	_ =	task.clear_ibuf [dreg:s6], $0x2FFFF;
	_ =	strace $0x9FFFFFFF  }
0xc2: {  	(tm) =	ssettm $0x7FFFFFFF  }
0xc3: {  	_ =	shalt  }
tec
execute0_lowered:
.L_overlay_start_1:
0x0: {  	(tag) =	ssettag $0x1  }
0x1: {  	s0 =	srdreg.scid;
	s6 =	rddreg [dreg:$0x0]  }
0x2: {  	s2 =	rddreg [dreg:$0x1];
	s12 =	simm.s32 $0x80;
	s13 =	simm.s32 $0x400  }
0x3: {  	s14 =	simm.s32 $0x1B000;
	s15 =	simm.s32 $0x28;
	s16 =	simm.s32 $0x16000  }
0x4: {  	s17 =	simm.s32 $0x1B028;
	s18 =	simm.s32 $0x17400;
	s5 =	sand.u32 $0x1, s0  }
0x5: {  	s19 =	simm.s32 $0x1B050;
	s0 =	stileid.u32;
	s8 =	smul.u32 $0x138800, s5  }
0x6: {  	s20 =	simm.s32 $0x18800;
	s1 =	sshll.u32 s5, $0x4;
	s9 =	smul.u32 $0x1F400, s0  }
0x7: {  	s7 =	sshll.u32 s0, $0x7;
	s5 =	ssub.s32 $0x2, s5;
	s10 =	smul.u32 $0x7D000, s0  }
0x8: {  	s11 =	smul.u32 $0x4E200, s0;
	p0 =	sgt.u32 s0, $0x9;
	s1 =	sor.u32 s0, s1  }
0x9: {  	s7 =	sand.u32 $0x380, s7;
	s30 =	sshrl.u32 s5, $0x1;
	s3 =	sshrl.u32 s1, $0x3  }
0xa: {  	s1 =	rddreg [dreg:$0x2];
	s8 =	sadd.s32 s9, s8;
	s9 =	ssub.s32 s5, s30  }
0xb: {  	s10 =	sshrl.u32 s10, $0x2;
	s31 =	sshrl.u32 s11, $0x2;
	s4 =	smul.u32 $0x13C00, s3  }
0xc: {  	s11 =	simm.s32 $0x5;
	s3 =	simm.s32 $0x0;
	s8 =	sshrl.u32 s8, $0x3  }
0xd: {  	s21 =	sadd.s32 s10, s2;
	s10 =	simm.s32 $0x1D780;
	s7 =	sor.u32 s7, s4  }
0xe: {  	[smem:$0x7FF] =	sst s3;
	s8 =	sadd.s32 s8, s6;
	s7 =	sshrl.u32 s7, $0x3  }
0xf: {  	s21 =	sshrl.u32 @!p0 s21, $0x3;
	_ =	strace $0x8000004A;
	s7 =	sadd.s32 s7, s6  }
0x10: {  	s4 =	sadd.s32 $0xCC00, s6;
	s5 =	sadd.s32 $0x5AE00, s7;
	s6 =	sadd.s32 $0x2E00, s7  }
0x11: {  	v0 =	vimm.f32 $0.0e+00;
	s7 =	sadd.s32 $0x64C00, s8;
	s8 =	smax.u32 s9, $0x1;
	s9 =	sadd.s32 s31, s2  }
.LBB2_1:
0x12: {  	s22 =	simm.s32 $0x0;
	s23 =	simm.s32 $0x200  }
.LBB2_2:
0x13: {  	p1 =	sne.s32 s23, $0x3000;
	[tilespmem:s22+$0x1D7F0] =	vst v0  }
0x14: {  	[tilespmem:s22+$0x1D780] =	vst v0  }
0x15: {  	[tilespmem:s22+$0x1D790] =	vst v0  }
.Ltmp0:
0x16: {  	[tilespmem:s22+$0x1D7A0] =	vst v0;
	(pc) =	sbr.rel @p1 .LBB2_2-.Ltmp0, $4  }
0x17: {  	[tilespmem:s22+$0x1D7B0] =	vst v0  }
0x18: {  	[tilespmem:s22+$0x1D7C0] =	vst v0  }
0x19: {  	[tilespmem:s22+$0x1D7D0] =	vst v0  }
0x1a: {  	[tilespmem:s22+$0x1D7E0] =	vst v0;
	s22 =	sshra.s32 s23, $0x2;
	s23 =	sadd.s32 $0x200, s23  }
0x1b: {  	[tilespmem:s22+$0x1D7F0] =	vst v0  }
0x1c: {  	[tilespmem:s22+$0x1D780] =	vst v0  }
0x1d: {  	[tilespmem:s22+$0x1D790] =	vst v0  }
0x1e: {  	[tilespmem:s22+$0x1D7A0] =	vst v0  }
0x1f: {  	[tilespmem:s22+$0x1D7B0] =	vst v0  }
0x20: {  	[tilespmem:s22+$0x1D7C0] =	vst v0  }
0x21: {  	[tilespmem:s22+$0x1D7D0] =	vst v0  }
0x22: {  	[tilespmem:s22+$0x1D7E0] =	vst v0;
	s31 =	sadd.s32 $0x0, s9  }
0x23: {  	[spmem:s31] =	stream.linear.scatter [tilespmem:s10], [sflag:$0x5], $0xC80, $0x38;
	[tilespmem:$0x1E780] =	vst v63  }
0x24: {  	s22 =	simm.s32 $0x3200;
	_ =	swait.ge [sflag:s11], $0xC80  }
.LBB2_4:
0x25: {  	s23 =	sshra.s32 s22, $0x2;
	[sflag:s11] =	ssyncset.done $0x0;
	p1 =	sne.s32 s22, $0x4B000  }
.Ltmp1:
0x26: {  	s23 =	sadd.s32 s23, s9;
	[sflag:s11] =	ssyncadd.s32 $0xFFFFF380;
	(pc) =	sbr.rel @p1 .LBB2_4-.Ltmp1, $3  }
0x27: {  	[spmem:s23] =	stream.linear.scatter [tilespmem:s10], [sflag:$0x5], $0xC80, $0x38;
	[tilespmem:$0x1E780] =	vst v63  }
0x28: {  	s22 =	sadd.s32 $0x3200, s22;
	_ =	sdelay $0x1  }
0x29: {  	_ =	swait.ge [sflag:s11], $0xC80  }
0x2a: {  	[sflag:s11] =	ssyncset.done $0x0  }
0x2b: {  	[sflag:s11] =	ssyncadd.s32 $0xFFFFF380  }
0x2c: {  	[tilespmem:s14], [sflag:$0x5] =	stream.strided.gather [hbm4b:s5+s12], $0x2780, s13, s12, $0x38;
	[tilespmem:$0x1E780] =	vst v63  }
0x2d: {  	_ =	swait.ge [sflag:s11], $0x2780  }
0x2e: {  	[sflag:s11] =	ssyncset.done $0x0  }
0x2f: {  	s22 =	simm.s32 $0x13880;
	[sflag:s11] =	ssyncadd.s32 $0xFFFFD880  }
0x30: {  	[tilespmem:s22], [sflag:$0x5] =	stream.strided.gather [hbm4b:s6+s12], $0x2780, s13, s12, $0x38;
	[tilespmem:$0x1E780] =	vst v63  }
0x31: {  	_ =	swait.ge [sflag:s11], $0x2780  }
0x32: {  	[sflag:s11] =	ssyncset.done $0x0  }
0x33: {  	s23 =	simm.s32 $0x3;
	[sflag:s11] =	ssyncadd.s32 $0xFFFFD880  }
0x34: {  	s24 =	simm.s32 $0x0;
	p1 =	por $0x0, $0x0;
	[bflag:$0x0] =	sbarrier.arrive $0xFFFF  }
0x35: {  	[tilespmem:s16], [sflag:$0x1] =	stream.indirect.gather [hbm4b:s4+s15], $0x80, s14, s15, $0xb8;
	[tilespmem:$0x1E780] =	vst v63  }
0x36: {  	s24 =	sand.u32 $0x3, s24;
	s23 =	sand.u32 @!p1 $0x3, s23  }
0x37: {  	[tilespmem:s18], [sflag:$0x2] =	stream.indirect.gather [hbm4b:s4+s15], $0x80, s17, s15, $0xb8;
	[tilespmem:$0x1E780] =	vst v63  }
0x38: {  	s25 =	simm.s32 $0x1B078;
	s26 =	sadd.s32 $0x1, s24;
	s28 =	smul.u32 @!p1 $0x5000, s23  }
0x39: {  	[tilespmem:s20], [sflag:$0x3] =	stream.indirect.gather [hbm4b:s4+s15], $0x80, s19, s15, $0xb8;
	[tilespmem:$0x1E780] =	vst v63  }
0x3a: {  	s29 =	simm.s32 @!p1 $0x28;
	s24 =	smul.u32 $0x5000, s24;
	_ =	swait.ge [sflag:s26], $0x1400  }
0x3b: {  	s23 =	sadd.s32 @!p1 $0x1, s23;
	s28 =	sshrl.u32 @!p1 s28, $0x2;
	[sflag:s26] =	ssyncset.done $0x0  }
0x3c: {  	s24 =	sshrl.u32 s24, $0x2;
	[sflag:s26] =	ssyncadd.s32 $0xFFFFEC00;
	s26 =	sadd.s32 @!p1 $0x16000, s28  }
0x3d: {  	[tilespmem:s26], [sflag:s23] =	stream.indirect.gather @!p1 [hbm4b:s4+s29], $0x80, s25, s29, $0xb8;
	[tilespmem:$0x1E780] =	vst v63  }
0x3e: {  	s31 =	sadd.s32 $0x16000, s24;
	s24 =	simm.s32 $0x5  }
0x3f: {  	[spmem:s2] =	stream.indirect.scatter.add.f32 [tilespmem:s31], [sflag:$0x5], $0x80, s22, s15, $0xb8;
	[tilespmem:$0x1E780] =	vst v63  }
0x40: {  	s25 =	simm.s32 $0x4;
	s26 =	simm.s32 $0x1;
	_ =	swait.ge [sflag:s11], $0x1400  }
0x41: {  	s23 =	simm.s32 $0x1B0A0;
	s22 =	simm.s32 $0x138A8;
	[sflag:s11] =	ssyncset.done $0x0  }
.LBB2_6:
0x42: {  	p2 =	sgt.u32 s26, $0xF6  }
0x43: {  	[sflag:s11] =	ssyncadd.s32 $0xFFFFEC00;
	s28 =	smov.u32 s24;
	s24 =	sadd.s32 $0x1, s24  }
0x44: {  	s26 =	sand.u32 $0x3, s26;
	p1 =	sne.s32 s24, $0xFD;
	s25 =	sand.u32 @!p2 $0x3, s25  }
0x45: {  	s29 =	sadd.s32 $0x1, s26;
	s30 =	smul.u32 @!p2 $0x5000, s25;
	s31 =	sadd.s32 @!p2 $0x1, s25  }
0x46: {  	s26 =	smul.u32 $0x5000, s26;
	s25 =	smov.u32 s28;
	_ =	swait.ge [sflag:s29], $0x1400  }
0x47: {  	[sflag:s29] =	ssyncset.done $0x0;
	s28 =	sshrl.u32 @!p2 s30, $0x2;
	s30 =	simm.s32 @!p2 $0x28  }
0x48: {  	s26 =	sshrl.u32 s26, $0x2;
	[sflag:s29] =	ssyncadd.s32 $0xFFFFEC00;
	s28 =	sadd.s32 @!p2 $0x16000, s28  }
0x49: {  	[tilespmem:s28], [sflag:s31] =	stream.indirect.gather @!p2 [hbm4b:s4+s30], $0x80, s23, s30, $0xb8;
	[tilespmem:$0x1E780] =	vst v63  }
.Ltmp2:
0x4a: {  	_ = 	snop;
	(pc) =	sbr.rel @p1 .LBB2_6-.Ltmp2, $4  }
0x4b: {  	s26 =	sadd.s32 $0x16000, s26  }
0x4c: {  	[spmem:s2] =	stream.indirect.scatter.add.f32 [tilespmem:s26], [sflag:$0x5], $0x80, s22, s15, $0xb8;
	[tilespmem:$0x1E780] =	vst v63  }
0x4d: {  	s22 =	sadd.s32 $0x28, s22;
	_ =	swait.ge [sflag:s11], $0x1400  }
0x4e: {  	s23 =	sadd.s32 $0x28, s23;
	s26 =	sadd.s32 $0xFFFFFFFD, s25;
	[sflag:s11] =	ssyncset.done $0x0  }
0x4f: {  	p1 =	sgt.u32 s26, $0xF6  }
0x50: {  	s24 =	sand.u32 $0x3, s26;
	s25 =	sand.u32 @!p1 $0x3, s25  }
0x51: {  	[sflag:s11] =	ssyncadd.s32 $0xFFFFEC00;
	s26 =	sadd.s32 $0x1, s24;
	s28 =	smul.u32 @!p1 $0x5000, s25  }
0x52: {  	s24 =	smul.u32 $0x5000, s24;
	s29 =	simm.s32 @!p1 $0x28;
	_ =	swait.ge [sflag:s26], $0x1400  }
0x53: {  	s25 =	sadd.s32 @!p1 $0x1, s25;
	[sflag:s26] =	ssyncset.done $0x0;
	s28 =	sshrl.u32 @!p1 s28, $0x2  }
0x54: {  	s24 =	sshrl.u32 s24, $0x2;
	[sflag:s26] =	ssyncadd.s32 $0xFFFFEC00;
	s26 =	sadd.s32 @!p1 $0x16000, s28  }
0x55: {  	[tilespmem:s26], [sflag:s25] =	stream.indirect.gather @!p1 [hbm4b:s4+s29], $0x80, s23, s29, $0xb8;
	[tilespmem:$0x1E780] =	vst v63  }
0x56: {  	s31 =	sadd.s32 $0x16000, s24  }
0x57: {  	[spmem:s2] =	stream.indirect.scatter.add.f32 [tilespmem:s31], [sflag:$0x5], $0x80, s22, s15, $0xb8;
	[tilespmem:$0x1E780] =	vst v63  }
0x58: {  	_ =	swait.ge [sflag:s11], $0x1400  }
0x59: {  	[sflag:s11] =	ssyncset.done $0x0  }
0x5a: {  	s3 =	sadd.s32 $0x1, s3;
	s22 =	sshll.u32 @!p0 s0, $0x6;
	[sflag:s11] =	ssyncadd.s32 $0xFFFFEC00  }
0x5b: {  	p1 =	sne.s32 s3, s8;
	s22 =	sor.u32 @!p0 $0x1C05, s22;
	[bflag:$0x0] =	sbarrier.arrive $0xFFFF  }
0x5c: {  	[hbm:s7], [sflag:s22] =	dma.local @!p0 [spmem:s21], $0x3E80  }
.Ltmp3:
0x5d: {  	_ = 	snop;
	(pc) =	sbr.rel @p1 .LBB2_1-.Ltmp3, $4  }
0x5e: {  	s22 =	simm.s32 @!p0 $0x5  }
0x5f: {  	_ =	swait.ge @!p0 [sflag:s22], $0x3E80  }
0x60: {  	[sflag:s22] =	ssyncset.done @!p0 $0x0  }
0x61: {  	[sflag:s22] =	ssyncadd.s32 @!p0 $0xFFFFC180  }
0x62: {  	_ =	sfence.sel $0x180000  }
0x63: {  	[bflag:$0x0] =	sbarrier.arrive $0xFFFF  }
0x64: {  	p0 =	sne.s32 s0, $0x0;
	_ =	strace $0x9000004A  }
0x65: {  	s0 =	sadd.s32 @!p0 $0x100000, s1;
	[bflag:$0x2] =	sbarrier.arrive $0xFFFF  }
0x66: {  	[sflag:s0] =	ssyncadd.tile.s32 @!p0 $0x1;
	_ =	shalt  }
.Lfunc_end2:
_tile_overlayer_lowered:
.L_overlay_start_2:
0x67: {  	(tag) =	ssettag $0x2  }
0x68: {  	s0 =	rddreg [dreg:$0x0];
	s2 =	stileid.u32  }
0x69: {  	s1 =	rddreg [dreg:$0x1];
	p0 =	sne.s32 s2, $0x0  }
0x6a: {  	s3 =	rddreg [dreg:$0x2];
	[bflag:$0x3] =	sbarrier.arrive $0xFFFF;
	s2 =	simm.s32 @!p0 $0x1C05  }
0x6b: {  	[timem:s3], [sflag:s2] =	dma.local @!p0 [hbm:s0], s1  }
0x6c: {  	s0 =	simm.s32 @!p0 $0x5  }
0x6d: {  	_ =	swait.ge @!p0 [sflag:s0], s1  }
0x6e: {  	s1 =	ssub.s32 @!p0 $0x0, s1;
	[sflag:s0] =	ssyncset.done @!p0 $0x0  }
0x6f: {  	[sflag:s0] =	ssyncadd.s32 @!p0 s1  }
0x70: {  	[bflag:$0x3] =	sbarrier.arrive $0xFFFF  }
0x71: {  	_ =	shalt  }

// kernel: kernel.18.cloned.1.call-start
scs
__scs_entry_jumppad:
0x0: {  	(pc) =	sbr.rel $0x88, $3  }
0x1: {  	(tag) =	ssettag $0x0;
	lr =	simm.s32 $0x1  }
0x2: {  	[smem:$0x3F98] =	sst lr;
	_ =	strace $0xD0000000  }
0x3: {  	_ = 	snop  }
0x4: {  	_ = 	snop  }
0x5: {  	_ = 	snop  }
0x6: {  	_ = 	snop  }
0x7: {  	_ = 	snop  }
__scs_overlays_trampoline_lowered:
0x8: {  	[smem:$0x3FA7] =	sst s0  }
0x9: {  	[smem:$0x3FA8] =	sst s1  }
0xa: {  	[smem:$0x3FA9] =	sst s2  }
0xb: {  	[smem:$0x3FAA] =	sst s3  }
0xc: {  	[smem:$0x3FAB] =	sst s4  }
0xd: {  	[smem:$0x3FAC] =	sst s5  }
0xe: {  	[smem:$0x3FAD] =	sst s6  }
0xf: {  	[smem:$0x3FAE] =	sst s7  }
0x10: {  	[smem:$0x3FAF] =	sst s8  }
0x11: {  	[smem:$0x3FB0] =	sst s9;
	s0 =	simm.s32 @!p0 $0x0  }
0x12: {  	s1 =	sld [smem:$0x3F96];
	s0 =	simm.s32 @p0 $0x1  }
0x13: {  	[smem:$0x3FB1] =	sst s0;
	s0 =	simm.s32 @!p1 $0x0  }
0x14: {  	s2 =	sld [smem:$0x3F95];
	s0 =	simm.s32 @p1 $0x1  }
0x15: {  	[smem:$0x3FB2] =	sst s0;
	s0 =	simm.s32 @!p2 $0x0  }
0x16: {  	s3 =	sld [smem:$0x3FDB];
	s0 =	simm.s32 @p2 $0x1  }
0x17: {  	s4 =	simm.s32 $0x1BF5;
	[smem:$0x3FB4] =	sst s0  }
0x18: {  	s0 =	sld [smem:$0x3F97];
	_ =	swait.ge [sflag:s4], $0x0  }
0x19: {  	s7 =	sld [smem:$0x3F98]  }
0x1a: {  	s8 =	sadd.s32 $0xFFFFE003, lr  }
0x1b: {  	s9 =	sadd.s32 $0xFFFFFEF7, lr;
	s5 =	simm.s32 $0xFFFFFFFF;
	p2 =	slt.u32 s8, $0xFFFFF086  }
0x1c: {  	p1 =	slt.u32 s9, $0xF7A;
	s5 =	simm.s32 @!p2 $0x0  }
0x1d: {  	s5 =	simm.s32 @p1 $0x1;
	p0 =	seq.s32 s7, s2  }
0x1e: {  	s7 =	smul.u32 @!p0 $0xF7A, s2;
	p2 =	seq.s32 @!p0 s5, $0x0  }
0x1f: {  	s9 =	smul.u32 $0xF7A, s1;
	s8 =	simm.s32 @!p0 $0x1BF5;
	p2 =	por !p2, p0  }
0x20: {  	[sflag:s8] =	ssyncset.s32 @!p0 $0xFFFFF086;
	s6 =	sadd.s32 @!p0 s3, s7;
	s7 =	simm.s32 @!p0 $0x108  }
0x21: {  	s3 =	sadd.s32 s3, s9;
	s6 =	sadd.s32 @!p0 $0x88, s6;
	s7 =	simm.s32 @p2 $0x1082  }
0x22: {  	[simem:s7], [sflag:s8] =	dma.local @!p0 [hbm:s6], $0xF7A  }
0x23: {  	s9 =	sor.u32 $0xD0000000, s2;
	s6 =	simm.s32 $0x108;
	_ =	swait.ge @!p0 [sflag:s8], $0x0  }
0x24: {  	s3 =	sadd.s32 $0x88, s3;
	s6 =	simm.s32 @!p1 $0x1082;
	[sflag:s4] =	ssyncset.s32 $0xFFFFF086  }
0x25: {  	[simem:s6], [sflag:s4] =	dma.local [hbm:s3], $0xF7A  }
0x26: {  	[smem:$0x3F98] =	sst s1;
	(tag) =	ssettag s2;
	_ =	strace s9  }
0x27: {  	s1 =	sld [smem:$0x3FA8]  }
0x28: {  	s2 =	sld [smem:$0x3FA9]  }
0x29: {  	s4 =	sld [smem:$0x3FAB]  }
0x2a: {  	p0 =	seq.s32 s5, $0x0;
	s5 =	sld [smem:$0x3FAC]  }
0x2b: {  	s6 =	sld [smem:$0x3FAD]  }
0x2c: {  	s7 =	sld [smem:$0x3FAE]  }
0x2d: {  	s3 =	simm.s32 $0x108;
	s8 =	sld [smem:$0x3FAF]  }
0x2e: {  	s3 =	simm.s32 @!p0 $0x1082;
	s9 =	sld [smem:$0x3FB0]  }
0x2f: {  	lr =	sadd.s32 s0, s3;
	s0 =	sld [smem:$0x3FA7]  }
0x30: {  	s3 =	sld [smem:$0x3FAA]  }
0x31: {  	[smem:$0x3FB3] =	sst s10  }
0x32: {  	s10 =	sld [smem:$0x3FB1];
	_ =	sdelay $0x3  }
0x33: {  	p0 =	seq.s32 s10, $0x1;
	s10 =	sld [smem:$0x3FB3];
	_ =	sdelay $0x3  }
0x34: {  	[smem:$0x3FB3] =	sst s10  }
0x35: {  	s10 =	sld [smem:$0x3FB2];
	_ =	sdelay $0x3  }
0x36: {  	p1 =	seq.s32 s10, $0x1;
	s10 =	sld [smem:$0x3FB3];
	_ =	sdelay $0x3  }
0x37: {  	[smem:$0x3FB3] =	sst s10  }
0x38: {  	s10 =	sld [smem:$0x3FB4]  }
0x39: {  	_ = 	snop;
	(pc) =	sbr.ind lr, $3  }
0x3a: {  	_ = 	snop  }
0x3b: {  	_ = 	snop  }
0x3c: {  	p2 =	seq.s32 s10, $0x1;
	s10 =	sld [smem:$0x3FB3]  }
0x3d: {  	_ =	shalt  }
0x3e: {  	_ =	shalt  }
0x3f: {  	_ =	shalt  }
0x40: {  	_ =	shalt  }
0x41: {  	_ =	shalt  }
0x42: {  	_ =	shalt  }
0x43: {  	_ =	shalt  }
0x44: {  	_ =	shalt  }
0x45: {  	_ =	shalt  }
0x46: {  	_ =	shalt  }
0x47: {  	_ =	shalt  }
0x48: {  	_ =	shalt  }
0x49: {  	_ =	shalt  }
0x4a: {  	_ =	shalt  }
0x4b: {  	_ =	shalt  }
0x4c: {  	_ =	shalt  }
0x4d: {  	_ =	shalt  }
0x4e: {  	_ =	shalt  }
0x4f: {  	_ =	shalt  }
0x50: {  	_ =	shalt  }
0x51: {  	_ =	shalt  }
0x52: {  	_ =	shalt  }
0x53: {  	_ =	shalt  }
0x54: {  	_ =	shalt  }
0x55: {  	_ =	shalt  }
0x56: {  	_ =	shalt  }
0x57: {  	_ =	shalt  }
0x58: {  	_ =	shalt  }
0x59: {  	_ =	shalt  }
0x5a: {  	_ =	shalt  }
0x5b: {  	_ =	shalt  }
0x5c: {  	_ =	shalt  }
0x5d: {  	_ =	shalt  }
0x5e: {  	_ =	shalt  }
0x5f: {  	_ =	shalt  }
0x60: {  	_ =	shalt  }
0x61: {  	_ =	shalt  }
0x62: {  	_ =	shalt  }
0x63: {  	_ =	shalt  }
0x64: {  	_ =	shalt  }
0x65: {  	_ =	shalt  }
0x66: {  	_ =	shalt  }
0x67: {  	_ =	shalt  }
0x68: {  	_ =	shalt  }
0x69: {  	_ =	shalt  }
0x6a: {  	_ =	shalt  }
0x6b: {  	_ =	shalt  }
0x6c: {  	_ =	shalt  }
0x6d: {  	_ =	shalt  }
0x6e: {  	_ =	shalt  }
0x6f: {  	_ =	shalt  }
0x70: {  	_ =	shalt  }
0x71: {  	_ =	shalt  }
0x72: {  	_ =	shalt  }
0x73: {  	_ =	shalt  }
0x74: {  	_ =	shalt  }
0x75: {  	_ =	shalt  }
0x76: {  	_ =	shalt  }
0x77: {  	_ =	shalt  }
0x78: {  	_ =	shalt  }
0x79: {  	_ =	shalt  }
0x7a: {  	_ =	shalt  }
0x7b: {  	_ =	shalt  }
0x7c: {  	_ =	shalt  }
0x7d: {  	_ =	shalt  }
0x7e: {  	_ =	shalt  }
0x7f: {  	_ =	shalt  }
0x80: {  	_ =	shalt  }
0x81: {  	_ =	shalt  }
0x82: {  	_ =	shalt  }
0x83: {  	_ =	shalt  }
0x84: {  	_ =	shalt  }
0x85: {  	_ =	shalt  }
0x86: {  	_ =	shalt  }
0x87: {  	_ =	shalt  }
.Lfunc_end0:
.L_simem_size_0:
called_computation.2_lowered:
.L_overlay_start_0:
0x88: {  	s2 =	sld [smem:$0x3FD9]  }
0x89: {  	s3 =	sld [smem:$0x3FFE];
	_ =	sdelay $0x1  }
0x8a: {  	s1 =	srdreg.scid  }
0x8b: {  	s0 =	sand.u32 $0x1, s1  }
0x8c: {  	s16 =	sshll.u32 s0, $0xA;
	s2 =	sadd.s32 s3, s2  }
0x8d: {  	s2 =	sadd.s32 s2, s16  }
0x8e: {  	[smem:$0x3FBF] =	sst s2  }
0x8f: {  	_ = 	snop  }
0x90: {  	(tm) =	ssettm $0x1  }
0x91: {  	s17 =	sld [smem:$0x3FFB];
	_ =	sdelay $0x3  }
0x92: {  	_ =	strace s17  }
0x93: {  	s2 =	sld [smem:$0x3FFC];
	_ =	sdelay $0x3  }
0x94: {  	_ =	strace s2  }
0x95: {  	s2 =	sld [smem:$0x3FFD];
	_ =	sdelay $0x3  }
0x96: {  	_ =	strace s2  }
0x97: {  	_ =	strace $0x8FFFFFFF  }
0x98: {  	s18 =	sld [smem:$0x3FDB];
	_ =	sdelay $0x1  }
0x99: {  	s19 =	simm.s32 $_scs_section_size  }
0x9a: {  	s4 =	simm.s32 $_size__tile_overlayer_lowered;
	s5 =	simm.s32 $_tile_overlayer_lowered  }
0x9b: {  	s22 =	simm.s32 $0x1BFF;
	s21 =	sshll.u32 s5, $0x1;
	s2 =	sadd.s32 s19, s18  }
0x9c: {  	s6 =	simm.s32 $0x0;
	s20 =	sshll.u32 s4, $0x1;
	s4 =	sadd.s32 s21, s2  }
0x9d: {  	[timem:s6], [sflag:s22] =	dma.local [hbm:s4], s20  }
0x9e: {  	_ =	swait.ge [sflag:s22], s20  }
0x9f: {  	s3 =	ssub.s32 $0x0, s20;
	[sflag:s22] =	ssyncset.done $0x0  }
0xa0: {  	[sflag:s22] =	ssyncadd.s32 s3;
	_ =	sdelay $0x1  }
0xa1: {  	s23 =	simm.s32 $0x1B8B  }
0xa2: {  	_ =	swait.ge [sflag:s23], $0x1  }
0xa3: {  	[sflag:s23] =	ssyncset.done $0x0  }
0xa4: {  	s25 =	simm.s32 $0x1B8E;
	s24 =	sld [smem:$0x3FFE];
	[sflag:s23] =	ssyncadd.s32 $0xFFFFFFFF  }
0xa5: {  	s26 =	simm.s32 $execute0_lowered;
	[smem:$0x3FD2] =	sst s25  }
0xa6: {  	s4 =	sshll.u32 s26, $0x1;
	_ =	strace $0x8000004C;
	[dreg:$0x1] =	wrdreg $0xFFFFFFFF  }
0xa7: {  	s28 =	simm.s32 $_size_execute0_lowered;
	s2 =	sadd.s32 s2, s4;
	[dreg:$0x0] =	wrdreg $0x0  }
0xa8: {  	s4 =	sshll.u32 s28, $0x1;
	[dreg:$0x2] =	wrdreg s2  }
0xa9: {  	[dreg:$0x3] =	wrdreg s4  }
0xaa: {  	[dreg:$0x4] =	wrdreg $0xC0  }
0xab: {  	_ =	task [dreg:s6], $0x5FFFF  }
0xac: {  	[dreg:$0x1] =	wrdreg $0xFFFFFFFF  }
0xad: {  	[dreg:$0x0] =	wrdreg $0x60  }
0xae: {  	[dreg:$0x2] =	wrdreg s24  }
0xaf: {  	[dreg:$0x3] =	wrdreg $0x0  }
0xb0: {  	[dreg:$0x4] =	wrdreg $0x9  }
0xb1: {  	_ =	task.clear_ibuf [dreg:s6], $0x5FFFF;
	_ =	strace $0x9000004C  }
0xb2: {  	s29 =	simm.s32 $0x9;
	_ =	strace $0x8000004E  }
0xb3: {  	_ =	swait.ge [sflag:s29], $0x1  }
0xb4: {  	[sflag:s29] =	ssyncadd.s32 $0xFFFFFFFF  }
0xb5: {  	_ =	strace $0x9000004E  }
0xb6: {  	_ =	sfence  }
0xb7: {  	s30 =	sld [smem:$0x0];
	_ =	sdelay $0x2  }
0xb8: {  	s31 =	sshll.u32 s1, $0xD;
	s1 =	sshrl.u32 s1, $0x2  }
0xb9: {  	s3 =	sand.u32 $0x4000, s31;
	s1 =	sadd.s32 s1, s30  }
0xba: {  	s0 =	sor.u32 s3, s0;
	s1 =	sshll.u32 s1, $0x11  }
0xbb: {  	s0 =	sor.u32 s1, s0  }
0xbc: {  	s0 =	sadd.s32 $0x8F2B, s0  }
0xbd: {  	[sflag:s0] =	ssyncadd.remote.s32 $0x1  }
0xbe: {  	_ =	sfence.sel $0xFFFF  }
0xbf: {  	[dreg:$0x0] =	wrdreg $0xFFFFFFFF;
	(pc) =	sbr.abs _section_cstart, $3  }
0xc0: {  	[dreg:$0x1] =	wrdreg $0xFFFFFFFF  }
0xc1: {  	_ =	task.clear_ibuf [dreg:s6], $0x2FFFF;
	_ =	strace $0x9FFFFFFF  }
0xc2: {  	(tm) =	ssettm $0x7FFFFFFF  }
0xc3: {  	_ =	shalt  }
tec
execute0_lowered:
.L_overlay_start_1:
0x0: {  	(tag) =	ssettag $0x1  }
0x1: {  	s0 =	srdreg.scid;
	s6 =	rddreg [dreg:$0x0]  }
0x2: {  	s2 =	rddreg [dreg:$0x1];
	s12 =	simm.s32 $0x80;
	s13 =	simm.s32 $0x400  }
0x3: {  	s14 =	simm.s32 $0x1B000;
	s15 =	simm.s32 $0x28;
	s16 =	simm.s32 $0x16000  }
0x4: {  	s17 =	simm.s32 $0x1B028;
	s18 =	simm.s32 $0x17400;
	s5 =	sand.u32 $0x1, s0  }
0x5: {  	s19 =	simm.s32 $0x1B050;
	s0 =	stileid.u32;
	s8 =	smul.u32 $0x138800, s5  }
0x6: {  	s20 =	simm.s32 $0x18800;
	s1 =	sshll.u32 s5, $0x4;
	s9 =	smul.u32 $0x1F400, s0  }
0x7: {  	s7 =	sshll.u32 s0, $0x7;
	s5 =	ssub.s32 $0x2, s5;
	s10 =	smul.u32 $0x7D000, s0  }
0x8: {  	s11 =	smul.u32 $0x4E200, s0;
	p0 =	sgt.u32 s0, $0x9;
	s1 =	sor.u32 s0, s1  }
0x9: {  	s7 =	sand.u32 $0x380, s7;
	s30 =	sshrl.u32 s5, $0x1;
	s3 =	sshrl.u32 s1, $0x3  }
0xa: {  	s1 =	rddreg [dreg:$0x2];
	s8 =	sadd.s32 s9, s8;
	s9 =	ssub.s32 s5, s30  }
0xb: {  	s10 =	sshrl.u32 s10, $0x2;
	s31 =	sshrl.u32 s11, $0x2;
	s4 =	smul.u32 $0x13C00, s3  }
0xc: {  	s11 =	simm.s32 $0x5;
	s3 =	simm.s32 $0x0;
	s8 =	sshrl.u32 s8, $0x3  }
0xd: {  	s21 =	sadd.s32 s10, s2;
	s10 =	simm.s32 $0x1D780;
	s7 =	sor.u32 s7, s4  }
0xe: {  	[smem:$0x7FF] =	sst s3;
	s8 =	sadd.s32 s8, s6;
	s7 =	sshrl.u32 s7, $0x3  }
0xf: {  	s21 =	sshrl.u32 @!p0 s21, $0x3;
	_ =	strace $0x8000004D;
	s7 =	sadd.s32 s7, s6  }
0x10: {  	s4 =	sadd.s32 $0xCC00, s6;
	s5 =	sadd.s32 $0x5AE00, s7;
	s6 =	sadd.s32 $0x2E00, s7  }
0x11: {  	v0 =	vimm.f32 $0.0e+00;
	s7 =	sadd.s32 $0x64C00, s8;
	s8 =	smax.u32 s9, $0x1;
	s9 =	sadd.s32 s31, s2  }
.LBB2_1:
0x12: {  	s22 =	simm.s32 $0x0;
	s23 =	simm.s32 $0x200  }
.LBB2_2:
0x13: {  	p1 =	sne.s32 s23, $0x3000;
	[tilespmem:s22+$0x1D7F0] =	vst v0  }
0x14: {  	[tilespmem:s22+$0x1D780] =	vst v0  }
0x15: {  	[tilespmem:s22+$0x1D790] =	vst v0  }
.Ltmp0:
0x16: {  	[tilespmem:s22+$0x1D7A0] =	vst v0;
	(pc) =	sbr.rel @p1 .LBB2_2-.Ltmp0, $4  }
0x17: {  	[tilespmem:s22+$0x1D7B0] =	vst v0  }
0x18: {  	[tilespmem:s22+$0x1D7C0] =	vst v0  }
0x19: {  	[tilespmem:s22+$0x1D7D0] =	vst v0  }
0x1a: {  	[tilespmem:s22+$0x1D7E0] =	vst v0;
	s22 =	sshra.s32 s23, $0x2;
	s23 =	sadd.s32 $0x200, s23  }
0x1b: {  	[tilespmem:s22+$0x1D7F0] =	vst v0  }
0x1c: {  	[tilespmem:s22+$0x1D780] =	vst v0  }
0x1d: {  	[tilespmem:s22+$0x1D790] =	vst v0  }
0x1e: {  	[tilespmem:s22+$0x1D7A0] =	vst v0  }
0x1f: {  	[tilespmem:s22+$0x1D7B0] =	vst v0  }
0x20: {  	[tilespmem:s22+$0x1D7C0] =	vst v0  }
0x21: {  	[tilespmem:s22+$0x1D7D0] =	vst v0  }
0x22: {  	[tilespmem:s22+$0x1D7E0] =	vst v0;
	s31 =	sadd.s32 $0x0, s9  }
0x23: {  	[spmem:s31] =	stream.linear.scatter [tilespmem:s10], [sflag:$0x5], $0xC80, $0x38;
	[tilespmem:$0x1E780] =	vst v63  }
0x24: {  	s22 =	simm.s32 $0x3200;
	_ =	swait.ge [sflag:s11], $0xC80  }
.LBB2_4:
0x25: {  	s23 =	sshra.s32 s22, $0x2;
	[sflag:s11] =	ssyncset.done $0x0;
	p1 =	sne.s32 s22, $0x4B000  }
.Ltmp1:
0x26: {  	s23 =	sadd.s32 s23, s9;
	[sflag:s11] =	ssyncadd.s32 $0xFFFFF380;
	(pc) =	sbr.rel @p1 .LBB2_4-.Ltmp1, $3  }
0x27: {  	[spmem:s23] =	stream.linear.scatter [tilespmem:s10], [sflag:$0x5], $0xC80, $0x38;
	[tilespmem:$0x1E780] =	vst v63  }
0x28: {  	s22 =	sadd.s32 $0x3200, s22;
	_ =	sdelay $0x1  }
0x29: {  	_ =	swait.ge [sflag:s11], $0xC80  }
0x2a: {  	[sflag:s11] =	ssyncset.done $0x0  }
0x2b: {  	[sflag:s11] =	ssyncadd.s32 $0xFFFFF380  }
0x2c: {  	[tilespmem:s14], [sflag:$0x5] =	stream.strided.gather [hbm4b:s5+s12], $0x2780, s13, s12, $0x38;
	[tilespmem:$0x1E780] =	vst v63  }
0x2d: {  	_ =	swait.ge [sflag:s11], $0x2780  }
0x2e: {  	[sflag:s11] =	ssyncset.done $0x0  }
0x2f: {  	s22 =	simm.s32 $0x13880;
	[sflag:s11] =	ssyncadd.s32 $0xFFFFD880  }
0x30: {  	[tilespmem:s22], [sflag:$0x5] =	stream.strided.gather [hbm4b:s6+s12], $0x2780, s13, s12, $0x38;
	[tilespmem:$0x1E780] =	vst v63  }
0x31: {  	_ =	swait.ge [sflag:s11], $0x2780  }
0x32: {  	[sflag:s11] =	ssyncset.done $0x0  }
0x33: {  	s23 =	simm.s32 $0x3;
	[sflag:s11] =	ssyncadd.s32 $0xFFFFD880  }
0x34: {  	s24 =	simm.s32 $0x0;
	p1 =	por $0x0, $0x0;
	[bflag:$0x0] =	sbarrier.arrive $0xFFFF  }
0x35: {  	[tilespmem:s16], [sflag:$0x1] =	stream.indirect.gather [hbm4b:s4+s15], $0x80, s14, s15, $0xb8;
	[tilespmem:$0x1E780] =	vst v63  }
0x36: {  	s24 =	sand.u32 $0x3, s24;
	s23 =	sand.u32 @!p1 $0x3, s23  }
0x37: {  	[tilespmem:s18], [sflag:$0x2] =	stream.indirect.gather [hbm4b:s4+s15], $0x80, s17, s15, $0xb8;
	[tilespmem:$0x1E780] =	vst v63  }
0x38: {  	s25 =	simm.s32 $0x1B078;
	s26 =	sadd.s32 $0x1, s24;
	s28 =	smul.u32 @!p1 $0x5000, s23  }
0x39: {  	[tilespmem:s20], [sflag:$0x3] =	stream.indirect.gather [hbm4b:s4+s15], $0x80, s19, s15, $0xb8;
	[tilespmem:$0x1E780] =	vst v63  }
0x3a: {  	s29 =	simm.s32 @!p1 $0x28;
	s24 =	smul.u32 $0x5000, s24;
	_ =	swait.ge [sflag:s26], $0x1400  }
0x3b: {  	s23 =	sadd.s32 @!p1 $0x1, s23;
	s28 =	sshrl.u32 @!p1 s28, $0x2;
	[sflag:s26] =	ssyncset.done $0x0  }
0x3c: {  	s24 =	sshrl.u32 s24, $0x2;
	[sflag:s26] =	ssyncadd.s32 $0xFFFFEC00;
	s26 =	sadd.s32 @!p1 $0x16000, s28  }
0x3d: {  	[tilespmem:s26], [sflag:s23] =	stream.indirect.gather @!p1 [hbm4b:s4+s29], $0x80, s25, s29, $0xb8;
	[tilespmem:$0x1E780] =	vst v63  }
0x3e: {  	s31 =	sadd.s32 $0x16000, s24;
	s24 =	simm.s32 $0x5  }
0x3f: {  	[spmem:s2] =	stream.indirect.scatter.add.f32 [tilespmem:s31], [sflag:$0x5], $0x80, s22, s15, $0xb8;
	[tilespmem:$0x1E780] =	vst v63  }
0x40: {  	s25 =	simm.s32 $0x4;
	s26 =	simm.s32 $0x1;
	_ =	swait.ge [sflag:s11], $0x1400  }
0x41: {  	s23 =	simm.s32 $0x1B0A0;
	s22 =	simm.s32 $0x138A8;
	[sflag:s11] =	ssyncset.done $0x0  }
.LBB2_6:
0x42: {  	p2 =	sgt.u32 s26, $0xF6  }
0x43: {  	[sflag:s11] =	ssyncadd.s32 $0xFFFFEC00;
	s28 =	smov.u32 s24;
	s24 =	sadd.s32 $0x1, s24  }
0x44: {  	s26 =	sand.u32 $0x3, s26;
	p1 =	sne.s32 s24, $0xFD;
	s25 =	sand.u32 @!p2 $0x3, s25  }
0x45: {  	s29 =	sadd.s32 $0x1, s26;
	s30 =	smul.u32 @!p2 $0x5000, s25;
	s31 =	sadd.s32 @!p2 $0x1, s25  }
0x46: {  	s26 =	smul.u32 $0x5000, s26;
	s25 =	smov.u32 s28;
	_ =	swait.ge [sflag:s29], $0x1400  }
0x47: {  	[sflag:s29] =	ssyncset.done $0x0;
	s28 =	sshrl.u32 @!p2 s30, $0x2;
	s30 =	simm.s32 @!p2 $0x28  }
0x48: {  	s26 =	sshrl.u32 s26, $0x2;
	[sflag:s29] =	ssyncadd.s32 $0xFFFFEC00;
	s28 =	sadd.s32 @!p2 $0x16000, s28  }
0x49: {  	[tilespmem:s28], [sflag:s31] =	stream.indirect.gather @!p2 [hbm4b:s4+s30], $0x80, s23, s30, $0xb8;
	[tilespmem:$0x1E780] =	vst v63  }
.Ltmp2:
0x4a: {  	_ = 	snop;
	(pc) =	sbr.rel @p1 .LBB2_6-.Ltmp2, $4  }
0x4b: {  	s26 =	sadd.s32 $0x16000, s26  }
0x4c: {  	[spmem:s2] =	stream.indirect.scatter.add.f32 [tilespmem:s26], [sflag:$0x5], $0x80, s22, s15, $0xb8;
	[tilespmem:$0x1E780] =	vst v63  }
0x4d: {  	s22 =	sadd.s32 $0x28, s22;
	_ =	swait.ge [sflag:s11], $0x1400  }
0x4e: {  	s23 =	sadd.s32 $0x28, s23;
	s26 =	sadd.s32 $0xFFFFFFFD, s25;
	[sflag:s11] =	ssyncset.done $0x0  }
0x4f: {  	p1 =	sgt.u32 s26, $0xF6  }
0x50: {  	s24 =	sand.u32 $0x3, s26;
	s25 =	sand.u32 @!p1 $0x3, s25  }
0x51: {  	[sflag:s11] =	ssyncadd.s32 $0xFFFFEC00;
	s26 =	sadd.s32 $0x1, s24;
	s28 =	smul.u32 @!p1 $0x5000, s25  }
0x52: {  	s24 =	smul.u32 $0x5000, s24;
	s29 =	simm.s32 @!p1 $0x28;
	_ =	swait.ge [sflag:s26], $0x1400  }
0x53: {  	s25 =	sadd.s32 @!p1 $0x1, s25;
	[sflag:s26] =	ssyncset.done $0x0;
	s28 =	sshrl.u32 @!p1 s28, $0x2  }
0x54: {  	s24 =	sshrl.u32 s24, $0x2;
	[sflag:s26] =	ssyncadd.s32 $0xFFFFEC00;
	s26 =	sadd.s32 @!p1 $0x16000, s28  }
0x55: {  	[tilespmem:s26], [sflag:s25] =	stream.indirect.gather @!p1 [hbm4b:s4+s29], $0x80, s23, s29, $0xb8;
	[tilespmem:$0x1E780] =	vst v63  }
0x56: {  	s31 =	sadd.s32 $0x16000, s24  }
0x57: {  	[spmem:s2] =	stream.indirect.scatter.add.f32 [tilespmem:s31], [sflag:$0x5], $0x80, s22, s15, $0xb8;
	[tilespmem:$0x1E780] =	vst v63  }
0x58: {  	_ =	swait.ge [sflag:s11], $0x1400  }
0x59: {  	[sflag:s11] =	ssyncset.done $0x0  }
0x5a: {  	s3 =	sadd.s32 $0x1, s3;
	s22 =	sshll.u32 @!p0 s0, $0x6;
	[sflag:s11] =	ssyncadd.s32 $0xFFFFEC00  }
0x5b: {  	p1 =	sne.s32 s3, s8;
	s22 =	sor.u32 @!p0 $0x1C05, s22;
	[bflag:$0x0] =	sbarrier.arrive $0xFFFF  }
0x5c: {  	[hbm:s7], [sflag:s22] =	dma.local @!p0 [spmem:s21], $0x3E80  }
.Ltmp3:
0x5d: {  	_ = 	snop;
	(pc) =	sbr.rel @p1 .LBB2_1-.Ltmp3, $4  }
0x5e: {  	s22 =	simm.s32 @!p0 $0x5  }
0x5f: {  	_ =	swait.ge @!p0 [sflag:s22], $0x3E80  }
0x60: {  	[sflag:s22] =	ssyncset.done @!p0 $0x0  }
0x61: {  	[sflag:s22] =	ssyncadd.s32 @!p0 $0xFFFFC180  }
0x62: {  	_ =	sfence.sel $0x180000  }
0x63: {  	[bflag:$0x0] =	sbarrier.arrive $0xFFFF  }
0x64: {  	p0 =	sne.s32 s0, $0x0;
	_ =	strace $0x9000004D  }
0x65: {  	s0 =	sadd.s32 @!p0 $0x100000, s1;
	[bflag:$0x2] =	sbarrier.arrive $0xFFFF  }
0x66: {  	[sflag:s0] =	ssyncadd.tile.s32 @!p0 $0x1;
	_ =	shalt  }
.Lfunc_end2:
_tile_overlayer_lowered:
.L_overlay_start_2:
0x67: {  	(tag) =	ssettag $0x2  }
0x68: {  	s0 =	rddreg [dreg:$0x0];
	s2 =	stileid.u32  }
0x69: {  	s1 =	rddreg [dreg:$0x1];
	p0 =	sne.s32 s2, $0x0  }
0x6a: {  	s3 =	rddreg [dreg:$0x2];
	[bflag:$0x3] =	sbarrier.arrive $0xFFFF;
	s2 =	simm.s32 @!p0 $0x1C05  }
0x6b: {  	[timem:s3], [sflag:s2] =	dma.local @!p0 [hbm:s0], s1  }
0x6c: {  	s0 =	simm.s32 @!p0 $0x5  }
0x6d: {  	_ =	swait.ge @!p0 [sflag:s0], s1  }
0x6e: {  	s1 =	ssub.s32 @!p0 $0x0, s1;
	[sflag:s0] =	ssyncset.done @!p0 $0x0  }
0x6f: {  	[sflag:s0] =	ssyncadd.s32 @!p0 s1  }
0x70: {  	[bflag:$0x3] =	sbarrier.arrive $0xFFFF  }
0x71: {  	_ =	shalt  }

// kernel: kernel.21.cloned.1.call-start
scs
__scs_entry_jumppad:
0x0: {  	(pc) =	sbr.rel $0x88, $3  }
0x1: {  	(tag) =	ssettag $0x0;
	lr =	simm.s32 $0x1  }
0x2: {  	[smem:$0x3F98] =	sst lr;
	_ =	strace $0xD0000000  }
0x3: {  	_ = 	snop  }
0x4: {  	_ = 	snop  }
0x5: {  	_ = 	snop  }
0x6: {  	_ = 	snop  }
0x7: {  	_ = 	snop  }
__scs_overlays_trampoline_lowered:
0x8: {  	[smem:$0x3FA7] =	sst s0  }
0x9: {  	[smem:$0x3FA8] =	sst s1  }
0xa: {  	[smem:$0x3FA9] =	sst s2  }
0xb: {  	[smem:$0x3FAA] =	sst s3  }
0xc: {  	[smem:$0x3FAB] =	sst s4  }
0xd: {  	[smem:$0x3FAC] =	sst s5  }
0xe: {  	[smem:$0x3FAD] =	sst s6  }
0xf: {  	[smem:$0x3FAE] =	sst s7  }
0x10: {  	[smem:$0x3FAF] =	sst s8  }
0x11: {  	[smem:$0x3FB0] =	sst s9;
	s0 =	simm.s32 @!p0 $0x0  }
0x12: {  	s1 =	sld [smem:$0x3F96];
	s0 =	simm.s32 @p0 $0x1  }
0x13: {  	[smem:$0x3FB1] =	sst s0;
	s0 =	simm.s32 @!p1 $0x0  }
0x14: {  	s2 =	sld [smem:$0x3F95];
	s0 =	simm.s32 @p1 $0x1  }
0x15: {  	[smem:$0x3FB2] =	sst s0;
	s0 =	simm.s32 @!p2 $0x0  }
0x16: {  	s3 =	sld [smem:$0x3FDB];
	s0 =	simm.s32 @p2 $0x1  }
0x17: {  	s4 =	simm.s32 $0x1BF5;
	[smem:$0x3FB4] =	sst s0  }
0x18: {  	s0 =	sld [smem:$0x3F97];
	_ =	swait.ge [sflag:s4], $0x0  }
0x19: {  	s7 =	sld [smem:$0x3F98]  }
0x1a: {  	s8 =	sadd.s32 $0xFFFFE003, lr  }
0x1b: {  	s9 =	sadd.s32 $0xFFFFFEF7, lr;
	s5 =	simm.s32 $0xFFFFFFFF;
	p2 =	slt.u32 s8, $0xFFFFF086  }
0x1c: {  	p1 =	slt.u32 s9, $0xF7A;
	s5 =	simm.s32 @!p2 $0x0  }
0x1d: {  	s5 =	simm.s32 @p1 $0x1;
	p0 =	seq.s32 s7, s2  }
0x1e: {  	s7 =	smul.u32 @!p0 $0xF7A, s2;
	p2 =	seq.s32 @!p0 s5, $0x0  }
0x1f: {  	s9 =	smul.u32 $0xF7A, s1;
	s8 =	simm.s32 @!p0 $0x1BF5;
	p2 =	por !p2, p0  }
0x20: {  	[sflag:s8] =	ssyncset.s32 @!p0 $0xFFFFF086;
	s6 =	sadd.s32 @!p0 s3, s7;
	s7 =	simm.s32 @!p0 $0x108  }
0x21: {  	s3 =	sadd.s32 s3, s9;
	s6 =	sadd.s32 @!p0 $0x88, s6;
	s7 =	simm.s32 @p2 $0x1082  }
0x22: {  	[simem:s7], [sflag:s8] =	dma.local @!p0 [hbm:s6], $0xF7A  }
0x23: {  	s9 =	sor.u32 $0xD0000000, s2;
	s6 =	simm.s32 $0x108;
	_ =	swait.ge @!p0 [sflag:s8], $0x0  }
0x24: {  	s3 =	sadd.s32 $0x88, s3;
	s6 =	simm.s32 @!p1 $0x1082;
	[sflag:s4] =	ssyncset.s32 $0xFFFFF086  }
0x25: {  	[simem:s6], [sflag:s4] =	dma.local [hbm:s3], $0xF7A  }
0x26: {  	[smem:$0x3F98] =	sst s1;
	(tag) =	ssettag s2;
	_ =	strace s9  }
0x27: {  	s1 =	sld [smem:$0x3FA8]  }
0x28: {  	s2 =	sld [smem:$0x3FA9]  }
0x29: {  	s4 =	sld [smem:$0x3FAB]  }
0x2a: {  	p0 =	seq.s32 s5, $0x0;
	s5 =	sld [smem:$0x3FAC]  }
0x2b: {  	s6 =	sld [smem:$0x3FAD]  }
0x2c: {  	s7 =	sld [smem:$0x3FAE]  }
0x2d: {  	s3 =	simm.s32 $0x108;
	s8 =	sld [smem:$0x3FAF]  }
0x2e: {  	s3 =	simm.s32 @!p0 $0x1082;
	s9 =	sld [smem:$0x3FB0]  }
0x2f: {  	lr =	sadd.s32 s0, s3;
	s0 =	sld [smem:$0x3FA7]  }
0x30: {  	s3 =	sld [smem:$0x3FAA]  }
0x31: {  	[smem:$0x3FB3] =	sst s10  }
0x32: {  	s10 =	sld [smem:$0x3FB1];
	_ =	sdelay $0x3  }
0x33: {  	p0 =	seq.s32 s10, $0x1;
	s10 =	sld [smem:$0x3FB3];
	_ =	sdelay $0x3  }
0x34: {  	[smem:$0x3FB3] =	sst s10  }
0x35: {  	s10 =	sld [smem:$0x3FB2];
	_ =	sdelay $0x3  }
0x36: {  	p1 =	seq.s32 s10, $0x1;
	s10 =	sld [smem:$0x3FB3];
	_ =	sdelay $0x3  }
0x37: {  	[smem:$0x3FB3] =	sst s10  }
0x38: {  	s10 =	sld [smem:$0x3FB4]  }
0x39: {  	_ = 	snop;
	(pc) =	sbr.ind lr, $3  }
0x3a: {  	_ = 	snop  }
0x3b: {  	_ = 	snop  }
0x3c: {  	p2 =	seq.s32 s10, $0x1;
	s10 =	sld [smem:$0x3FB3]  }
0x3d: {  	_ =	shalt  }
0x3e: {  	_ =	shalt  }
0x3f: {  	_ =	shalt  }
0x40: {  	_ =	shalt  }
0x41: {  	_ =	shalt  }
0x42: {  	_ =	shalt  }
0x43: {  	_ =	shalt  }
0x44: {  	_ =	shalt  }
0x45: {  	_ =	shalt  }
0x46: {  	_ =	shalt  }
0x47: {  	_ =	shalt  }
0x48: {  	_ =	shalt  }
0x49: {  	_ =	shalt  }
0x4a: {  	_ =	shalt  }
0x4b: {  	_ =	shalt  }
0x4c: {  	_ =	shalt  }
0x4d: {  	_ =	shalt  }
0x4e: {  	_ =	shalt  }
0x4f: {  	_ =	shalt  }
0x50: {  	_ =	shalt  }
0x51: {  	_ =	shalt  }
0x52: {  	_ =	shalt  }
0x53: {  	_ =	shalt  }
0x54: {  	_ =	shalt  }
0x55: {  	_ =	shalt  }
0x56: {  	_ =	shalt  }
0x57: {  	_ =	shalt  }
0x58: {  	_ =	shalt  }
0x59: {  	_ =	shalt  }
0x5a: {  	_ =	shalt  }
0x5b: {  	_ =	shalt  }
0x5c: {  	_ =	shalt  }
0x5d: {  	_ =	shalt  }
0x5e: {  	_ =	shalt  }
0x5f: {  	_ =	shalt  }
0x60: {  	_ =	shalt  }
0x61: {  	_ =	shalt  }
0x62: {  	_ =	shalt  }
0x63: {  	_ =	shalt  }
0x64: {  	_ =	shalt  }
0x65: {  	_ =	shalt  }
0x66: {  	_ =	shalt  }
0x67: {  	_ =	shalt  }
0x68: {  	_ =	shalt  }
0x69: {  	_ =	shalt  }
0x6a: {  	_ =	shalt  }
0x6b: {  	_ =	shalt  }
0x6c: {  	_ =	shalt  }
0x6d: {  	_ =	shalt  }
0x6e: {  	_ =	shalt  }
0x6f: {  	_ =	shalt  }
0x70: {  	_ =	shalt  }
0x71: {  	_ =	shalt  }
0x72: {  	_ =	shalt  }
0x73: {  	_ =	shalt  }
0x74: {  	_ =	shalt  }
0x75: {  	_ =	shalt  }
0x76: {  	_ =	shalt  }
0x77: {  	_ =	shalt  }
0x78: {  	_ =	shalt  }
0x79: {  	_ =	shalt  }
0x7a: {  	_ =	shalt  }
0x7b: {  	_ =	shalt  }
0x7c: {  	_ =	shalt  }
0x7d: {  	_ =	shalt  }
0x7e: {  	_ =	shalt  }
0x7f: {  	_ =	shalt  }
0x80: {  	_ =	shalt  }
0x81: {  	_ =	shalt  }
0x82: {  	_ =	shalt  }
0x83: {  	_ =	shalt  }
0x84: {  	_ =	shalt  }
0x85: {  	_ =	shalt  }
0x86: {  	_ =	shalt  }
0x87: {  	_ =	shalt  }
.Lfunc_end0:
.L_simem_size_0:
called_computation.3_lowered:
.L_overlay_start_0:
0x88: {  	s2 =	sld [smem:$0x3FD9]  }
0x89: {  	s3 =	sld [smem:$0x3FFE];
	_ =	sdelay $0x1  }
0x8a: {  	s1 =	srdreg.scid  }
0x8b: {  	s0 =	sand.u32 $0x1, s1  }
0x8c: {  	s16 =	sshll.u32 s0, $0xA;
	s2 =	sadd.s32 s3, s2  }
0x8d: {  	s2 =	sadd.s32 s2, s16  }
0x8e: {  	[smem:$0x3FBF] =	sst s2  }
0x8f: {  	_ = 	snop  }
0x90: {  	(tm) =	ssettm $0x1  }
0x91: {  	s17 =	sld [smem:$0x3FFB];
	_ =	sdelay $0x3  }
0x92: {  	_ =	strace s17  }
0x93: {  	s2 =	sld [smem:$0x3FFC];
	_ =	sdelay $0x3  }
0x94: {  	_ =	strace s2  }
0x95: {  	s2 =	sld [smem:$0x3FFD];
	_ =	sdelay $0x3  }
0x96: {  	_ =	strace s2  }
0x97: {  	_ =	strace $0x8FFFFFFF  }
0x98: {  	s18 =	sld [smem:$0x3FDB];
	_ =	sdelay $0x1  }
0x99: {  	s19 =	simm.s32 $_scs_section_size  }
0x9a: {  	s4 =	simm.s32 $_size__tile_overlayer_lowered;
	s5 =	simm.s32 $_tile_overlayer_lowered  }
0x9b: {  	s22 =	simm.s32 $0x1BFF;
	s21 =	sshll.u32 s5, $0x1;
	s2 =	sadd.s32 s19, s18  }
0x9c: {  	s6 =	simm.s32 $0x0;
	s20 =	sshll.u32 s4, $0x1;
	s4 =	sadd.s32 s21, s2  }
0x9d: {  	[timem:s6], [sflag:s22] =	dma.local [hbm:s4], s20  }
0x9e: {  	_ =	swait.ge [sflag:s22], s20  }
0x9f: {  	s3 =	ssub.s32 $0x0, s20;
	[sflag:s22] =	ssyncset.done $0x0  }
0xa0: {  	[sflag:s22] =	ssyncadd.s32 s3;
	_ =	sdelay $0x1  }
0xa1: {  	s23 =	simm.s32 $0x1B8B  }
0xa2: {  	_ =	swait.ge [sflag:s23], $0x1  }
0xa3: {  	[sflag:s23] =	ssyncset.done $0x0  }
0xa4: {  	s25 =	simm.s32 $0x1B8E;
	s24 =	sld [smem:$0x3FFE];
	[sflag:s23] =	ssyncadd.s32 $0xFFFFFFFF  }
0xa5: {  	s26 =	simm.s32 $execute0_lowered;
	[smem:$0x3FD2] =	sst s25  }
0xa6: {  	s4 =	sshll.u32 s26, $0x1;
	_ =	strace $0x8000004F;
	[dreg:$0x1] =	wrdreg $0xFFFFFFFF  }
0xa7: {  	s28 =	simm.s32 $_size_execute0_lowered;
	s2 =	sadd.s32 s2, s4;
	[dreg:$0x0] =	wrdreg $0x0  }
0xa8: {  	s4 =	sshll.u32 s28, $0x1;
	[dreg:$0x2] =	wrdreg s2  }
0xa9: {  	[dreg:$0x3] =	wrdreg s4  }
0xaa: {  	[dreg:$0x4] =	wrdreg $0xC0  }
0xab: {  	_ =	task [dreg:s6], $0x5FFFF  }
0xac: {  	[dreg:$0x1] =	wrdreg $0xFFFFFFFF  }
0xad: {  	[dreg:$0x0] =	wrdreg $0x60  }
0xae: {  	[dreg:$0x2] =	wrdreg s24  }
0xaf: {  	[dreg:$0x3] =	wrdreg $0x0  }
0xb0: {  	[dreg:$0x4] =	wrdreg $0x9  }
0xb1: {  	_ =	task.clear_ibuf [dreg:s6], $0x5FFFF;
	_ =	strace $0x9000004F  }
0xb2: {  	s29 =	simm.s32 $0x9;
	_ =	strace $0x80000051  }
0xb3: {  	_ =	swait.ge [sflag:s29], $0x1  }
0xb4: {  	[sflag:s29] =	ssyncadd.s32 $0xFFFFFFFF  }
0xb5: {  	_ =	strace $0x90000051  }
0xb6: {  	_ =	sfence  }
0xb7: {  	s30 =	sld [smem:$0x0];
	_ =	sdelay $0x2  }
0xb8: {  	s31 =	sshll.u32 s1, $0xD;
	s1 =	sshrl.u32 s1, $0x2  }
0xb9: {  	s3 =	sand.u32 $0x4000, s31;
	s1 =	sadd.s32 s1, s30  }
0xba: {  	s0 =	sor.u32 s3, s0;
	s1 =	sshll.u32 s1, $0x11  }
0xbb: {  	s0 =	sor.u32 s1, s0  }
0xbc: {  	s0 =	sadd.s32 $0x8F2B, s0  }
0xbd: {  	[sflag:s0] =	ssyncadd.remote.s32 $0x1  }
0xbe: {  	_ =	sfence.sel $0xFFFF  }
0xbf: {  	[dreg:$0x0] =	wrdreg $0xFFFFFFFF;
	(pc) =	sbr.abs _section_cstart, $3  }
0xc0: {  	[dreg:$0x1] =	wrdreg $0xFFFFFFFF  }
0xc1: {  	_ =	task.clear_ibuf [dreg:s6], $0x2FFFF;
	_ =	strace $0x9FFFFFFF  }
0xc2: {  	(tm) =	ssettm $0x7FFFFFFF  }
0xc3: {  	_ =	shalt  }
tec
execute0_lowered:
.L_overlay_start_1:
0x0: {  	(tag) =	ssettag $0x1  }
0x1: {  	s0 =	srdreg.scid;
	s6 =	rddreg [dreg:$0x0]  }
0x2: {  	s2 =	rddreg [dreg:$0x1];
	s12 =	simm.s32 $0x80;
	s13 =	simm.s32 $0x400  }
0x3: {  	s14 =	simm.s32 $0x1B000;
	s15 =	simm.s32 $0x28;
	s16 =	simm.s32 $0x16000  }
0x4: {  	s17 =	simm.s32 $0x1B028;
	s18 =	simm.s32 $0x17400;
	s5 =	sand.u32 $0x1, s0  }
0x5: {  	s19 =	simm.s32 $0x1B050;
	s0 =	stileid.u32;
	s8 =	smul.u32 $0x138800, s5  }
0x6: {  	s20 =	simm.s32 $0x18800;
	s1 =	sshll.u32 s5, $0x4;
	s9 =	smul.u32 $0x1F400, s0  }
0x7: {  	s7 =	sshll.u32 s0, $0x7;
	s5 =	ssub.s32 $0x2, s5;
	s10 =	smul.u32 $0x7D000, s0  }
0x8: {  	s11 =	smul.u32 $0x4E200, s0;
	p0 =	sgt.u32 s0, $0x9;
	s1 =	sor.u32 s0, s1  }
0x9: {  	s7 =	sand.u32 $0x380, s7;
	s30 =	sshrl.u32 s5, $0x1;
	s3 =	sshrl.u32 s1, $0x3  }
0xa: {  	s1 =	rddreg [dreg:$0x2];
	s8 =	sadd.s32 s9, s8;
	s9 =	ssub.s32 s5, s30  }
0xb: {  	s10 =	sshrl.u32 s10, $0x2;
	s31 =	sshrl.u32 s11, $0x2;
	s4 =	smul.u32 $0x13C00, s3  }
0xc: {  	s11 =	simm.s32 $0x5;
	s3 =	simm.s32 $0x0;
	s8 =	sshrl.u32 s8, $0x3  }
0xd: {  	s21 =	sadd.s32 s10, s2;
	s10 =	simm.s32 $0x1D780;
	s7 =	sor.u32 s7, s4  }
0xe: {  	[smem:$0x7FF] =	sst s3;
	s8 =	sadd.s32 s8, s6;
	s7 =	sshrl.u32 s7, $0x3  }
0xf: {  	s21 =	sshrl.u32 @!p0 s21, $0x3;
	_ =	strace $0x80000050;
	s7 =	sadd.s32 s7, s6  }
0x10: {  	s4 =	sadd.s32 $0xCC00, s6;
	s5 =	sadd.s32 $0x5AE00, s7;
	s6 =	sadd.s32 $0x2E00, s7  }
0x11: {  	v0 =	vimm.f32 $0.0e+00;
	s7 =	sadd.s32 $0x64C00, s8;
	s8 =	smax.u32 s9, $0x1;
	s9 =	sadd.s32 s31, s2  }
.LBB2_1:
0x12: {  	s22 =	simm.s32 $0x0;
	s23 =	simm.s32 $0x200  }
.LBB2_2:
0x13: {  	p1 =	sne.s32 s23, $0x3000;
	[tilespmem:s22+$0x1D7F0] =	vst v0  }
0x14: {  	[tilespmem:s22+$0x1D780] =	vst v0  }
0x15: {  	[tilespmem:s22+$0x1D790] =	vst v0  }
.Ltmp0:
0x16: {  	[tilespmem:s22+$0x1D7A0] =	vst v0;
	(pc) =	sbr.rel @p1 .LBB2_2-.Ltmp0, $4  }
0x17: {  	[tilespmem:s22+$0x1D7B0] =	vst v0  }
0x18: {  	[tilespmem:s22+$0x1D7C0] =	vst v0  }
0x19: {  	[tilespmem:s22+$0x1D7D0] =	vst v0  }
0x1a: {  	[tilespmem:s22+$0x1D7E0] =	vst v0;
	s22 =	sshra.s32 s23, $0x2;
	s23 =	sadd.s32 $0x200, s23  }
0x1b: {  	[tilespmem:s22+$0x1D7F0] =	vst v0  }
0x1c: {  	[tilespmem:s22+$0x1D780] =	vst v0  }
0x1d: {  	[tilespmem:s22+$0x1D790] =	vst v0  }
0x1e: {  	[tilespmem:s22+$0x1D7A0] =	vst v0  }
0x1f: {  	[tilespmem:s22+$0x1D7B0] =	vst v0  }
0x20: {  	[tilespmem:s22+$0x1D7C0] =	vst v0  }
0x21: {  	[tilespmem:s22+$0x1D7D0] =	vst v0  }
0x22: {  	[tilespmem:s22+$0x1D7E0] =	vst v0;
	s31 =	sadd.s32 $0x0, s9  }
0x23: {  	[spmem:s31] =	stream.linear.scatter [tilespmem:s10], [sflag:$0x5], $0xC80, $0x38;
	[tilespmem:$0x1E780] =	vst v63  }
0x24: {  	s22 =	simm.s32 $0x3200;
	_ =	swait.ge [sflag:s11], $0xC80  }
.LBB2_4:
0x25: {  	s23 =	sshra.s32 s22, $0x2;
	[sflag:s11] =	ssyncset.done $0x0;
	p1 =	sne.s32 s22, $0x4B000  }
.Ltmp1:
0x26: {  	s23 =	sadd.s32 s23, s9;
	[sflag:s11] =	ssyncadd.s32 $0xFFFFF380;
	(pc) =	sbr.rel @p1 .LBB2_4-.Ltmp1, $3  }
0x27: {  	[spmem:s23] =	stream.linear.scatter [tilespmem:s10], [sflag:$0x5], $0xC80, $0x38;
	[tilespmem:$0x1E780] =	vst v63  }
0x28: {  	s22 =	sadd.s32 $0x3200, s22;
	_ =	sdelay $0x1  }
0x29: {  	_ =	swait.ge [sflag:s11], $0xC80  }
0x2a: {  	[sflag:s11] =	ssyncset.done $0x0  }
0x2b: {  	[sflag:s11] =	ssyncadd.s32 $0xFFFFF380  }
0x2c: {  	[tilespmem:s14], [sflag:$0x5] =	stream.strided.gather [hbm4b:s5+s12], $0x2780, s13, s12, $0x38;
	[tilespmem:$0x1E780] =	vst v63  }
0x2d: {  	_ =	swait.ge [sflag:s11], $0x2780  }
0x2e: {  	[sflag:s11] =	ssyncset.done $0x0  }
0x2f: {  	s22 =	simm.s32 $0x13880;
	[sflag:s11] =	ssyncadd.s32 $0xFFFFD880  }
0x30: {  	[tilespmem:s22], [sflag:$0x5] =	stream.strided.gather [hbm4b:s6+s12], $0x2780, s13, s12, $0x38;
	[tilespmem:$0x1E780] =	vst v63  }
0x31: {  	_ =	swait.ge [sflag:s11], $0x2780  }
0x32: {  	[sflag:s11] =	ssyncset.done $0x0  }
0x33: {  	s23 =	simm.s32 $0x3;
	[sflag:s11] =	ssyncadd.s32 $0xFFFFD880  }
0x34: {  	s24 =	simm.s32 $0x0;
	p1 =	por $0x0, $0x0;
	[bflag:$0x0] =	sbarrier.arrive $0xFFFF  }
0x35: {  	[tilespmem:s16], [sflag:$0x1] =	stream.indirect.gather [hbm4b:s4+s15], $0x80, s14, s15, $0xb8;
	[tilespmem:$0x1E780] =	vst v63  }
0x36: {  	s24 =	sand.u32 $0x3, s24;
	s23 =	sand.u32 @!p1 $0x3, s23  }
0x37: {  	[tilespmem:s18], [sflag:$0x2] =	stream.indirect.gather [hbm4b:s4+s15], $0x80, s17, s15, $0xb8;
	[tilespmem:$0x1E780] =	vst v63  }
0x38: {  	s25 =	simm.s32 $0x1B078;
	s26 =	sadd.s32 $0x1, s24;
	s28 =	smul.u32 @!p1 $0x5000, s23  }
0x39: {  	[tilespmem:s20], [sflag:$0x3] =	stream.indirect.gather [hbm4b:s4+s15], $0x80, s19, s15, $0xb8;
	[tilespmem:$0x1E780] =	vst v63  }
0x3a: {  	s29 =	simm.s32 @!p1 $0x28;
	s24 =	smul.u32 $0x5000, s24;
	_ =	swait.ge [sflag:s26], $0x1400  }
0x3b: {  	s23 =	sadd.s32 @!p1 $0x1, s23;
	s28 =	sshrl.u32 @!p1 s28, $0x2;
	[sflag:s26] =	ssyncset.done $0x0  }
0x3c: {  	s24 =	sshrl.u32 s24, $0x2;
	[sflag:s26] =	ssyncadd.s32 $0xFFFFEC00;
	s26 =	sadd.s32 @!p1 $0x16000, s28  }
0x3d: {  	[tilespmem:s26], [sflag:s23] =	stream.indirect.gather @!p1 [hbm4b:s4+s29], $0x80, s25, s29, $0xb8;
	[tilespmem:$0x1E780] =	vst v63  }
0x3e: {  	s31 =	sadd.s32 $0x16000, s24;
	s24 =	simm.s32 $0x5  }
0x3f: {  	[spmem:s2] =	stream.indirect.scatter.add.f32 [tilespmem:s31], [sflag:$0x5], $0x80, s22, s15, $0xb8;
	[tilespmem:$0x1E780] =	vst v63  }
0x40: {  	s25 =	simm.s32 $0x4;
	s26 =	simm.s32 $0x1;
	_ =	swait.ge [sflag:s11], $0x1400  }
0x41: {  	s23 =	simm.s32 $0x1B0A0;
	s22 =	simm.s32 $0x138A8;
	[sflag:s11] =	ssyncset.done $0x0  }
.LBB2_6:
0x42: {  	p2 =	sgt.u32 s26, $0xF6  }
0x43: {  	[sflag:s11] =	ssyncadd.s32 $0xFFFFEC00;
	s28 =	smov.u32 s24;
	s24 =	sadd.s32 $0x1, s24  }
0x44: {  	s26 =	sand.u32 $0x3, s26;
	p1 =	sne.s32 s24, $0xFD;
	s25 =	sand.u32 @!p2 $0x3, s25  }
0x45: {  	s29 =	sadd.s32 $0x1, s26;
	s30 =	smul.u32 @!p2 $0x5000, s25;
	s31 =	sadd.s32 @!p2 $0x1, s25  }
0x46: {  	s26 =	smul.u32 $0x5000, s26;
	s25 =	smov.u32 s28;
	_ =	swait.ge [sflag:s29], $0x1400  }
0x47: {  	[sflag:s29] =	ssyncset.done $0x0;
	s28 =	sshrl.u32 @!p2 s30, $0x2;
	s30 =	simm.s32 @!p2 $0x28  }
0x48: {  	s26 =	sshrl.u32 s26, $0x2;
	[sflag:s29] =	ssyncadd.s32 $0xFFFFEC00;
	s28 =	sadd.s32 @!p2 $0x16000, s28  }
0x49: {  	[tilespmem:s28], [sflag:s31] =	stream.indirect.gather @!p2 [hbm4b:s4+s30], $0x80, s23, s30, $0xb8;
	[tilespmem:$0x1E780] =	vst v63  }
.Ltmp2:
0x4a: {  	_ = 	snop;
	(pc) =	sbr.rel @p1 .LBB2_6-.Ltmp2, $4  }
0x4b: {  	s26 =	sadd.s32 $0x16000, s26  }
0x4c: {  	[spmem:s2] =	stream.indirect.scatter.add.f32 [tilespmem:s26], [sflag:$0x5], $0x80, s22, s15, $0xb8;
	[tilespmem:$0x1E780] =	vst v63  }
0x4d: {  	s22 =	sadd.s32 $0x28, s22;
	_ =	swait.ge [sflag:s11], $0x1400  }
0x4e: {  	s23 =	sadd.s32 $0x28, s23;
	s26 =	sadd.s32 $0xFFFFFFFD, s25;
	[sflag:s11] =	ssyncset.done $0x0  }
0x4f: {  	p1 =	sgt.u32 s26, $0xF6  }
0x50: {  	s24 =	sand.u32 $0x3, s26;
	s25 =	sand.u32 @!p1 $0x3, s25  }
0x51: {  	[sflag:s11] =	ssyncadd.s32 $0xFFFFEC00;
	s26 =	sadd.s32 $0x1, s24;
	s28 =	smul.u32 @!p1 $0x5000, s25  }
0x52: {  	s24 =	smul.u32 $0x5000, s24;
	s29 =	simm.s32 @!p1 $0x28;
	_ =	swait.ge [sflag:s26], $0x1400  }
0x53: {  	s25 =	sadd.s32 @!p1 $0x1, s25;
	[sflag:s26] =	ssyncset.done $0x0;
	s28 =	sshrl.u32 @!p1 s28, $0x2  }
0x54: {  	s24 =	sshrl.u32 s24, $0x2;
	[sflag:s26] =	ssyncadd.s32 $0xFFFFEC00;
	s26 =	sadd.s32 @!p1 $0x16000, s28  }
0x55: {  	[tilespmem:s26], [sflag:s25] =	stream.indirect.gather @!p1 [hbm4b:s4+s29], $0x80, s23, s29, $0xb8;
	[tilespmem:$0x1E780] =	vst v63  }
0x56: {  	s31 =	sadd.s32 $0x16000, s24  }
0x57: {  	[spmem:s2] =	stream.indirect.scatter.add.f32 [tilespmem:s31], [sflag:$0x5], $0x80, s22, s15, $0xb8;
	[tilespmem:$0x1E780] =	vst v63  }
0x58: {  	_ =	swait.ge [sflag:s11], $0x1400  }
0x59: {  	[sflag:s11] =	ssyncset.done $0x0  }
0x5a: {  	s3 =	sadd.s32 $0x1, s3;
	s22 =	sshll.u32 @!p0 s0, $0x6;
	[sflag:s11] =	ssyncadd.s32 $0xFFFFEC00  }
0x5b: {  	p1 =	sne.s32 s3, s8;
	s22 =	sor.u32 @!p0 $0x1C05, s22;
	[bflag:$0x0] =	sbarrier.arrive $0xFFFF  }
0x5c: {  	[hbm:s7], [sflag:s22] =	dma.local @!p0 [spmem:s21], $0x3E80  }
.Ltmp3:
0x5d: {  	_ = 	snop;
	(pc) =	sbr.rel @p1 .LBB2_1-.Ltmp3, $4  }
0x5e: {  	s22 =	simm.s32 @!p0 $0x5  }
0x5f: {  	_ =	swait.ge @!p0 [sflag:s22], $0x3E80  }
0x60: {  	[sflag:s22] =	ssyncset.done @!p0 $0x0  }
0x61: {  	[sflag:s22] =	ssyncadd.s32 @!p0 $0xFFFFC180  }
0x62: {  	_ =	sfence.sel $0x180000  }
0x63: {  	[bflag:$0x0] =	sbarrier.arrive $0xFFFF  }
0x64: {  	p0 =	sne.s32 s0, $0x0;
	_ =	strace $0x90000050  }
0x65: {  	s0 =	sadd.s32 @!p0 $0x100000, s1;
	[bflag:$0x2] =	sbarrier.arrive $0xFFFF  }
0x66: {  	[sflag:s0] =	ssyncadd.tile.s32 @!p0 $0x1;
	_ =	shalt  }
.Lfunc_end2:
_tile_overlayer_lowered:
.L_overlay_start_2:
0x67: {  	(tag) =	ssettag $0x2  }
0x68: {  	s0 =	rddreg [dreg:$0x0];
	s2 =	stileid.u32  }
0x69: {  	s1 =	rddreg [dreg:$0x1];
	p0 =	sne.s32 s2, $0x0  }
0x6a: {  	s3 =	rddreg [dreg:$0x2];
	[bflag:$0x3] =	sbarrier.arrive $0xFFFF;
	s2 =	simm.s32 @!p0 $0x1C05  }
0x6b: {  	[timem:s3], [sflag:s2] =	dma.local @!p0 [hbm:s0], s1  }
0x6c: {  	s0 =	simm.s32 @!p0 $0x5  }
0x6d: {  	_ =	swait.ge @!p0 [sflag:s0], s1  }
0x6e: {  	s1 =	ssub.s32 @!p0 $0x0, s1;
	[sflag:s0] =	ssyncset.done @!p0 $0x0  }
0x6f: {  	[sflag:s0] =	ssyncadd.s32 @!p0 s1  }
0x70: {  	[bflag:$0x3] =	sbarrier.arrive $0xFFFF  }
0x71: {  	_ =	shalt  }

// kernel: kernel.24.cloned.1.call-start
scs
__scs_entry_jumppad:
0x0: {  	(pc) =	sbr.rel $0x88, $3  }
0x1: {  	(tag) =	ssettag $0x0;
	lr =	simm.s32 $0x1  }
0x2: {  	[smem:$0x3F98] =	sst lr;
	_ =	strace $0xD0000000  }
0x3: {  	_ = 	snop  }
0x4: {  	_ = 	snop  }
0x5: {  	_ = 	snop  }
0x6: {  	_ = 	snop  }
0x7: {  	_ = 	snop  }
__scs_overlays_trampoline_lowered:
0x8: {  	[smem:$0x3FA7] =	sst s0  }
0x9: {  	[smem:$0x3FA8] =	sst s1  }
0xa: {  	[smem:$0x3FA9] =	sst s2  }
0xb: {  	[smem:$0x3FAA] =	sst s3  }
0xc: {  	[smem:$0x3FAB] =	sst s4  }
0xd: {  	[smem:$0x3FAC] =	sst s5  }
0xe: {  	[smem:$0x3FAD] =	sst s6  }
0xf: {  	[smem:$0x3FAE] =	sst s7  }
0x10: {  	[smem:$0x3FAF] =	sst s8  }
0x11: {  	[smem:$0x3FB0] =	sst s9;
	s0 =	simm.s32 @!p0 $0x0  }
0x12: {  	s1 =	sld [smem:$0x3F96];
	s0 =	simm.s32 @p0 $0x1  }
0x13: {  	[smem:$0x3FB1] =	sst s0;
	s0 =	simm.s32 @!p1 $0x0  }
0x14: {  	s2 =	sld [smem:$0x3F95];
	s0 =	simm.s32 @p1 $0x1  }
0x15: {  	[smem:$0x3FB2] =	sst s0;
	s0 =	simm.s32 @!p2 $0x0  }
0x16: {  	s3 =	sld [smem:$0x3FDB];
	s0 =	simm.s32 @p2 $0x1  }
0x17: {  	s4 =	simm.s32 $0x1BF5;
	[smem:$0x3FB4] =	sst s0  }
0x18: {  	s0 =	sld [smem:$0x3F97];
	_ =	swait.ge [sflag:s4], $0x0  }
0x19: {  	s7 =	sld [smem:$0x3F98]  }
0x1a: {  	s8 =	sadd.s32 $0xFFFFE003, lr  }
0x1b: {  	s9 =	sadd.s32 $0xFFFFFEF7, lr;
	s5 =	simm.s32 $0xFFFFFFFF;
	p2 =	slt.u32 s8, $0xFFFFF086  }
0x1c: {  	p1 =	slt.u32 s9, $0xF7A;
	s5 =	simm.s32 @!p2 $0x0  }
0x1d: {  	s5 =	simm.s32 @p1 $0x1;
	p0 =	seq.s32 s7, s2  }
0x1e: {  	s7 =	smul.u32 @!p0 $0xF7A, s2;
	p2 =	seq.s32 @!p0 s5, $0x0  }
0x1f: {  	s9 =	smul.u32 $0xF7A, s1;
	s8 =	simm.s32 @!p0 $0x1BF5;
	p2 =	por !p2, p0  }
0x20: {  	[sflag:s8] =	ssyncset.s32 @!p0 $0xFFFFF086;
	s6 =	sadd.s32 @!p0 s3, s7;
	s7 =	simm.s32 @!p0 $0x108  }
0x21: {  	s3 =	sadd.s32 s3, s9;
	s6 =	sadd.s32 @!p0 $0x88, s6;
	s7 =	simm.s32 @p2 $0x1082  }
0x22: {  	[simem:s7], [sflag:s8] =	dma.local @!p0 [hbm:s6], $0xF7A  }
0x23: {  	s9 =	sor.u32 $0xD0000000, s2;
	s6 =	simm.s32 $0x108;
	_ =	swait.ge @!p0 [sflag:s8], $0x0  }
0x24: {  	s3 =	sadd.s32 $0x88, s3;
	s6 =	simm.s32 @!p1 $0x1082;
	[sflag:s4] =	ssyncset.s32 $0xFFFFF086  }
0x25: {  	[simem:s6], [sflag:s4] =	dma.local [hbm:s3], $0xF7A  }
0x26: {  	[smem:$0x3F98] =	sst s1;
	(tag) =	ssettag s2;
	_ =	strace s9  }
0x27: {  	s1 =	sld [smem:$0x3FA8]  }
0x28: {  	s2 =	sld [smem:$0x3FA9]  }
0x29: {  	s4 =	sld [smem:$0x3FAB]  }
0x2a: {  	p0 =	seq.s32 s5, $0x0;
	s5 =	sld [smem:$0x3FAC]  }
0x2b: {  	s6 =	sld [smem:$0x3FAD]  }
0x2c: {  	s7 =	sld [smem:$0x3FAE]  }
0x2d: {  	s3 =	simm.s32 $0x108;
	s8 =	sld [smem:$0x3FAF]  }
0x2e: {  	s3 =	simm.s32 @!p0 $0x1082;
	s9 =	sld [smem:$0x3FB0]  }
0x2f: {  	lr =	sadd.s32 s0, s3;
	s0 =	sld [smem:$0x3FA7]  }
0x30: {  	s3 =	sld [smem:$0x3FAA]  }
0x31: {  	[smem:$0x3FB3] =	sst s10  }
0x32: {  	s10 =	sld [smem:$0x3FB1];
	_ =	sdelay $0x3  }
0x33: {  	p0 =	seq.s32 s10, $0x1;
	s10 =	sld [smem:$0x3FB3];
	_ =	sdelay $0x3  }
0x34: {  	[smem:$0x3FB3] =	sst s10  }
0x35: {  	s10 =	sld [smem:$0x3FB2];
	_ =	sdelay $0x3  }
0x36: {  	p1 =	seq.s32 s10, $0x1;
	s10 =	sld [smem:$0x3FB3];
	_ =	sdelay $0x3  }
0x37: {  	[smem:$0x3FB3] =	sst s10  }
0x38: {  	s10 =	sld [smem:$0x3FB4]  }
0x39: {  	_ = 	snop;
	(pc) =	sbr.ind lr, $3  }
0x3a: {  	_ = 	snop  }
0x3b: {  	_ = 	snop  }
0x3c: {  	p2 =	seq.s32 s10, $0x1;
	s10 =	sld [smem:$0x3FB3]  }
0x3d: {  	_ =	shalt  }
0x3e: {  	_ =	shalt  }
0x3f: {  	_ =	shalt  }
0x40: {  	_ =	shalt  }
0x41: {  	_ =	shalt  }
0x42: {  	_ =	shalt  }
0x43: {  	_ =	shalt  }
0x44: {  	_ =	shalt  }
0x45: {  	_ =	shalt  }
0x46: {  	_ =	shalt  }
0x47: {  	_ =	shalt  }
0x48: {  	_ =	shalt  }
0x49: {  	_ =	shalt  }
0x4a: {  	_ =	shalt  }
0x4b: {  	_ =	shalt  }
0x4c: {  	_ =	shalt  }
0x4d: {  	_ =	shalt  }
0x4e: {  	_ =	shalt  }
0x4f: {  	_ =	shalt  }
0x50: {  	_ =	shalt  }
0x51: {  	_ =	shalt  }
0x52: {  	_ =	shalt  }
0x53: {  	_ =	shalt  }
0x54: {  	_ =	shalt  }
0x55: {  	_ =	shalt  }
0x56: {  	_ =	shalt  }
0x57: {  	_ =	shalt  }
0x58: {  	_ =	shalt  }
0x59: {  	_ =	shalt  }
0x5a: {  	_ =	shalt  }
0x5b: {  	_ =	shalt  }
0x5c: {  	_ =	shalt  }
0x5d: {  	_ =	shalt  }
0x5e: {  	_ =	shalt  }
0x5f: {  	_ =	shalt  }
0x60: {  	_ =	shalt  }
0x61: {  	_ =	shalt  }
0x62: {  	_ =	shalt  }
0x63: {  	_ =	shalt  }
0x64: {  	_ =	shalt  }
0x65: {  	_ =	shalt  }
0x66: {  	_ =	shalt  }
0x67: {  	_ =	shalt  }
0x68: {  	_ =	shalt  }
0x69: {  	_ =	shalt  }
0x6a: {  	_ =	shalt  }
0x6b: {  	_ =	shalt  }
0x6c: {  	_ =	shalt  }
0x6d: {  	_ =	shalt  }
0x6e: {  	_ =	shalt  }
0x6f: {  	_ =	shalt  }
0x70: {  	_ =	shalt  }
0x71: {  	_ =	shalt  }
0x72: {  	_ =	shalt  }
0x73: {  	_ =	shalt  }
0x74: {  	_ =	shalt  }
0x75: {  	_ =	shalt  }
0x76: {  	_ =	shalt  }
0x77: {  	_ =	shalt  }
0x78: {  	_ =	shalt  }
0x79: {  	_ =	shalt  }
0x7a: {  	_ =	shalt  }
0x7b: {  	_ =	shalt  }
0x7c: {  	_ =	shalt  }
0x7d: {  	_ =	shalt  }
0x7e: {  	_ =	shalt  }
0x7f: {  	_ =	shalt  }
0x80: {  	_ =	shalt  }
0x81: {  	_ =	shalt  }
0x82: {  	_ =	shalt  }
0x83: {  	_ =	shalt  }
0x84: {  	_ =	shalt  }
0x85: {  	_ =	shalt  }
0x86: {  	_ =	shalt  }
0x87: {  	_ =	shalt  }
.Lfunc_end0:
.L_simem_size_0:
called_computation.4_lowered:
.L_overlay_start_0:
0x88: {  	s2 =	sld [smem:$0x3FD9]  }
0x89: {  	s3 =	sld [smem:$0x3FFE];
	_ =	sdelay $0x1  }
0x8a: {  	s1 =	srdreg.scid  }
0x8b: {  	s0 =	sand.u32 $0x1, s1  }
0x8c: {  	s16 =	sshll.u32 s0, $0xA;
	s2 =	sadd.s32 s3, s2  }
0x8d: {  	s2 =	sadd.s32 s2, s16  }
0x8e: {  	[smem:$0x3FBF] =	sst s2  }
0x8f: {  	_ = 	snop  }
0x90: {  	(tm) =	ssettm $0x1  }
0x91: {  	s17 =	sld [smem:$0x3FFB];
	_ =	sdelay $0x3  }
0x92: {  	_ =	strace s17  }
0x93: {  	s2 =	sld [smem:$0x3FFC];
	_ =	sdelay $0x3  }
0x94: {  	_ =	strace s2  }
0x95: {  	s2 =	sld [smem:$0x3FFD];
	_ =	sdelay $0x3  }
0x96: {  	_ =	strace s2  }
0x97: {  	_ =	strace $0x8FFFFFFF  }
0x98: {  	s18 =	sld [smem:$0x3FDB];
	_ =	sdelay $0x1  }
0x99: {  	s19 =	simm.s32 $_scs_section_size  }
0x9a: {  	s4 =	simm.s32 $_size__tile_overlayer_lowered;
	s5 =	simm.s32 $_tile_overlayer_lowered  }
0x9b: {  	s22 =	simm.s32 $0x1BFF;
	s21 =	sshll.u32 s5, $0x1;
	s2 =	sadd.s32 s19, s18  }
0x9c: {  	s6 =	simm.s32 $0x0;
	s20 =	sshll.u32 s4, $0x1;
	s4 =	sadd.s32 s21, s2  }
0x9d: {  	[timem:s6], [sflag:s22] =	dma.local [hbm:s4], s20  }
0x9e: {  	_ =	swait.ge [sflag:s22], s20  }
0x9f: {  	s3 =	ssub.s32 $0x0, s20;
	[sflag:s22] =	ssyncset.done $0x0  }
0xa0: {  	[sflag:s22] =	ssyncadd.s32 s3;
	_ =	sdelay $0x1  }
0xa1: {  	s23 =	simm.s32 $0x1B8B  }
0xa2: {  	_ =	swait.ge [sflag:s23], $0x1  }
0xa3: {  	[sflag:s23] =	ssyncset.done $0x0  }
0xa4: {  	s25 =	simm.s32 $0x1B8E;
	s24 =	sld [smem:$0x3FFE];
	[sflag:s23] =	ssyncadd.s32 $0xFFFFFFFF  }
0xa5: {  	s26 =	simm.s32 $execute0_lowered;
	[smem:$0x3FD2] =	sst s25  }
0xa6: {  	s4 =	sshll.u32 s26, $0x1;
	_ =	strace $0x80000052;
	[dreg:$0x1] =	wrdreg $0xFFFFFFFF  }
0xa7: {  	s28 =	simm.s32 $_size_execute0_lowered;
	s2 =	sadd.s32 s2, s4;
	[dreg:$0x0] =	wrdreg $0x0  }
0xa8: {  	s4 =	sshll.u32 s28, $0x1;
	[dreg:$0x2] =	wrdreg s2  }
0xa9: {  	[dreg:$0x3] =	wrdreg s4  }
0xaa: {  	[dreg:$0x4] =	wrdreg $0xC0  }
0xab: {  	_ =	task [dreg:s6], $0x5FFFF  }
0xac: {  	[dreg:$0x1] =	wrdreg $0xFFFFFFFF  }
0xad: {  	[dreg:$0x0] =	wrdreg $0x60  }
0xae: {  	[dreg:$0x2] =	wrdreg s24  }
0xaf: {  	[dreg:$0x3] =	wrdreg $0x9  }
0xb0: {  	_ =	task.clear_ibuf [dreg:s6], $0x4FFFF;
	_ =	strace $0x90000052  }
0xb1: {  	s29 =	simm.s32 $0x9;
	_ =	strace $0x80000054  }
0xb2: {  	_ =	swait.ge [sflag:s29], $0x1  }
0xb3: {  	[sflag:s29] =	ssyncadd.s32 $0xFFFFFFFF  }
0xb4: {  	_ =	strace $0x90000054  }
0xb5: {  	_ =	sfence  }
0xb6: {  	s30 =	sld [smem:$0x0];
	_ =	sdelay $0x2  }
0xb7: {  	s31 =	sshll.u32 s1, $0xD;
	s1 =	sshrl.u32 s1, $0x2  }
0xb8: {  	s3 =	sand.u32 $0x4000, s31;
	s1 =	sadd.s32 s1, s30  }
0xb9: {  	s0 =	sor.u32 s3, s0;
	s1 =	sshll.u32 s1, $0x11  }
0xba: {  	s0 =	sor.u32 s1, s0  }
0xbb: {  	s0 =	sadd.s32 $0x8F2B, s0  }
0xbc: {  	[sflag:s0] =	ssyncadd.remote.s32 $0x1  }
0xbd: {  	_ =	sfence.sel $0xFFFF  }
0xbe: {  	[dreg:$0x0] =	wrdreg $0xFFFFFFFF;
	(pc) =	sbr.abs _section_cstart, $3  }
0xbf: {  	[dreg:$0x1] =	wrdreg $0xFFFFFFFF  }
0xc0: {  	_ =	task.clear_ibuf [dreg:s6], $0x2FFFF;
	_ =	strace $0x9FFFFFFF  }
0xc1: {  	(tm) =	ssettm $0x7FFFFFFF  }
tec
execute0_lowered:
.L_overlay_start_1:
0x0: {  	(tag) =	ssettag $0x1  }
0x1: {  	s0 =	srdreg.scid  }
0x2: {  	s5 =	stileid.u32;
	s4 =	rddreg [dreg:$0x0];
	s2 =	simm.s32 $0x0  }
0x3: {  	s9 =	simm.s32 $0x80;
	s10 =	simm.s32 $0x400;
	s0 =	sand.u32 $0x1, s0  }
0x4: {  	s11 =	simm.s32 $0xA000;
	s12 =	simm.s32 $0x9;
	s1 =	sshll.u32 s0, $0x4  }
0x5: {  	s13 =	simm.s32 $0xC780;
	s14 =	simm.s32 $0x50;
	s1 =	sor.u32 s5, s1  }
0x6: {  	s24 =	simm.s32 $0x18F00;
	s25 =	simm.s32 $0x0;
	s3 =	sshrl.u32 s1, $0x3  }
0x7: {  	s0 =	ssub.s32 $0x2, s0;
	s5 =	sshll.u32 s5, $0x7;
	s3 =	smul.u32 $0x13C00, s3  }
0x8: {  	s23 =	simm.s32 $0x1;
	s6 =	sshrl.u32 s0, $0x1;
	s5 =	sand.u32 $0x380, s5  }
0x9: {  	[smem:$0x7FF] =	sst s2;
	s0 =	ssub.s32 s0, s6;
	s5 =	sor.u32 s5, s3  }
0xa: {  	_ =	strace $0x80000053;
	s8 =	smax.u32 s0, $0x1;
	s5 =	sshrl.u32 s5, $0x3  }
0xb: {  	s3 =	sadd.s32 $0x2E00, s4;
	s7 =	sadd.s32 s5, s4;
	s4 =	sadd.s32 $0x47A00, s4  }
0xc: {  	v0 =	vlaneseq.u32;
	s5 =	sadd.s32 $0x33E00, s7;
	s6 =	sadd.s32 $0x3DC00, s7;
	s7 =	smul.u32 $0x7D, s1  }
.LBB2_1:
0xd: {  	[tilespmem:s11], [sflag:$0x9] =	stream.strided.gather [hbm4b:s5+s9], $0x2780, s10, s9, $0x38;
	[tilespmem:$0x18F80] =	vst v63  }
0xe: {  	_ =	swait.ge [sflag:s12], $0x2780  }
0xf: {  	[sflag:s12] =	ssyncset.done $0x0  }
0x10: {  	[sflag:s12] =	ssyncadd.s32 $0xFFFFD880  }
0x11: {  	[tilespmem:s13], [sflag:$0x9] =	stream.strided.gather [hbm4b:s6+s9], $0x2780, s10, s9, $0x38;
	[tilespmem:$0x18F80] =	vst v63  }
0x12: {  	_ =	swait.ge [sflag:s12], $0x2780  }
0x13: {  	[sflag:s12] =	ssyncset.done $0x0  }
0x14: {  	s0 =	simm.s32 $0xEF00;
	[sflag:s12] =	ssyncadd.s32 $0xFFFFD880  }
0x15: {  	[tilespmem:s0], [sflag:$0x1] =	stream.indirect.gather [hbm4b:s3+s14], $0x80, s11, s14, $0xb8;
	[tilespmem:$0x18F80] =	vst v63  }
0x16: {  	_ = 	snop  }
0x17: {  	[tilespmem:s2], [sflag:$0x5] =	stream.indirect.gather [hbm4b:s3+s14], $0x80, s13, s14, $0xb8;
	[tilespmem:$0x18F80] =	vst v63  }
0x18: {  	s20 =	simm.s32 $0xA050;
	s1 =	simm.s32 $0x11700  }
0x19: {  	[tilespmem:s1], [sflag:$0x2] =	stream.indirect.gather [hbm4b:s3+s14], $0x80, s20, s14, $0xb8;
	[tilespmem:$0x18F80] =	vst v63  }
0x1a: {  	s21 =	simm.s32 $0xC7D0;
	s22 =	simm.s32 $0x2800  }
0x1b: {  	[tilespmem:s22], [sflag:$0x6] =	stream.indirect.gather [hbm4b:s3+s14], $0x80, s21, s14, $0xb8;
	[tilespmem:$0x18F80] =	vst v63  }
0x1c: {  	s26 =	simm.s32 $0xA0A0;
	s29 =	simm.s32 $0x13F00;
	s30 =	simm.s32 $0xC820  }
0x1d: {  	[tilespmem:s29], [sflag:$0x3] =	stream.indirect.gather [hbm4b:s3+s14], $0x80, s26, s14, $0xb8;
	[tilespmem:$0x18F80] =	vst v63  }
0x1e: {  	s31 =	simm.s32 $0x5000;
	s28 =	simm.s32 $0x0;
	s26 =	simm.s32 $0x0  }
0x1f: {  	[tilespmem:s31], [sflag:$0x7] =	stream.indirect.gather [hbm4b:s3+s14], $0x80, s30, s14, $0xb8;
	[tilespmem:$0x18F80] =	vst v63  }
.LBB2_2:
0x20: {  	s0 =	sand.u32 $0x3, s28  }
0x21: {  	s15 =	sand.u32 $0x3, s26;
	s1 =	sadd.s32 $0x1, s0  }
0x22: {  	p0 =	sgt.u32 s28, $0x79;
	s15 =	smul.u32 $0xA000, s15;
	_ =	swait.ge [sflag:s1], $0x2800  }
0x23: {  	s16 =	sadd.s32 @!p0 $0x3, s28;
	s0 =	sadd.s32 $0x5, s0;
	[sflag:s1] =	ssyncset.done $0x0  }
0x24: {  	[sflag:s1] =	ssyncadd.s32 $0xFFFFD800;
	s1 =	sand.u32 @!p0 $0x3, s16;
	s16 =	smul.u32 @!p0 $0x50, s16  }
0x25: {  	s20 =	simm.s32 @!p0 $0x50;
	_ =	swait.ge [sflag:s0], $0x2800;
	s18 =	smul.u32 @!p0 $0x2800, s1  }
0x26: {  	s17 =	sshrl.u32 s15, $0x2;
	s19 =	sadd.s32 @!p0 $0x1, s1;
	[sflag:s0] =	ssyncset.done $0x0  }
0x27: {  	s15 =	sadd.s32 @!p0 $0xA000, s16;
	[sflag:s0] =	ssyncadd.s32 $0xFFFFD800;
	s0 =	sadd.s32 @!p0 $0xEF00, s18  }
0x28: {  	[tilespmem:s0], [sflag:s19] =	stream.indirect.gather @!p0 [hbm4b:s3+s20], $0x80, s15, s20, $0xb8;
	[tilespmem:$0x18F80] =	vst v63  }
0x29: {  	s21 =	sadd.s32 $0xEF80, s17;
	s1 =	sadd.s32 @!p0 $0x5, s1;
	s15 =	sadd.s32 @!p0 $0xC780, s16  }
0x2a: {  	[tilespmem:s18], [sflag:s1] =	stream.indirect.gather @!p0 [hbm4b:s3+s20], $0x80, s15, s20, $0xb8;
	[tilespmem:$0x18F80] =	vst v63  }
0x2b: {  	s22 =	sor.u32 $0x80, s17;
	v4 =	vld [tilespmem:s21+$0x70]  }
0x2c: {  	v5 =	vld [tilespmem:s22+$0x70]  }
0x2d: {  	v1 =	vld [tilespmem:s21+$0x60]  }
0x2e: {  	v3 =	vld [tilespmem:s22+$0x60]  }
0x2f: {  	v2 =	vld [tilespmem:s21+$0x50]  }
0x30: {  	v6 =	vld [tilespmem:s22+$0x50]  }
0x31: {  	v7 =	vld [tilespmem:s21+$0x40]  }
0x32: {  	v8 =	vld [tilespmem:s22+$0x40]  }
0x33: {  	v9 =	vld [tilespmem:s21+$0x30]  }
0x34: {  	v10 =	vld [tilespmem:s22+$0x30]  }
0x35: {  	v11 =	vld [tilespmem:s21+$0x20]  }
0x36: {  	v12 =	vld [tilespmem:s22+$0x20]  }
0x37: {  	v13 =	vld [tilespmem:s21+$0x0]  }
0x38: {  	v14 =	vld [tilespmem:s22+$0x0]  }
0x39: {  	v15 =	vld [tilespmem:s21+$0x10]  }
0x3a: {  	v16 =	vld [tilespmem:s22+$0x10]  }
0x3b: {  	v17 =	vld [tilespmem:s21+$0xFFFFFF80]  }
0x3c: {  	v18 =	vld [tilespmem:s22+$0xFFFFFF80]  }
0x3d: {  	v19 =	vld [tilespmem:s21+$0xFFFFFF90]  }
0x3e: {  	v20 =	vld [tilespmem:s22+$0xFFFFFF90]  }
0x3f: {  	v21 =	vld [tilespmem:s21+$0xFFFFFFA0]  }
0x40: {  	v22 =	vld [tilespmem:s22+$0xFFFFFFA0]  }
0x41: {  	v23 =	vld [tilespmem:s21+$0xFFFFFFB0]  }
0x42: {  	v13 =	vmul.f32 v14, v13;
	v14 =	vmul.f32 v16, v15;
	v15 =	vld [tilespmem:s22+$0xFFFFFFB0]  }
0x43: {  	v16 =	vmul.f32 v18, v17;
	v17 =	vmul.f32 v20, v19;
	v18 =	vld [tilespmem:s21+$0xFFFFFFC0]  }
0x44: {  	v11 =	vmul.f32 v12, v11;
	v12 =	vld [tilespmem:s22+$0xFFFFFFC0];
	v13 =	vadd.f32 v14, v13  }
0x45: {  	v9 =	vmul.f32 v10, v9;
	v10 =	vld [tilespmem:s22+$0xFFFFFFD0];
	v14 =	vadd.f32 v17, v16;
	v16 =	vmul.f32 v22, v21  }
0x46: {  	v17 =	vld [tilespmem:s21+$0xFFFFFFD0];
	v11 =	vadd.f32 v11, v13  }
0x47: {  	v7 =	vmul.f32 v8, v7;
	v8 =	vld [tilespmem:s22+$0xFFFFFFE0];
	v13 =	vadd.f32 v16, v14;
	v14 =	vmul.f32 v15, v23  }
0x48: {  	v15 =	vld [tilespmem:s21+$0xFFFFFFE0];
	v9 =	vadd.f32 v9, v11  }
0x49: {  	v12 =	vmul.f32 v12, v18;
	v11 =	vadd.f32 v14, v13;
	v13 =	vld [tilespmem:s21+$0xFFFFFFF0]  }
0x4a: {  	s18 =	sadd.s32 $0x100, s21;
	v6 =	vmul.f32 v6, v2;
	v7 =	vadd.f32 v7, v9;
	v9 =	vld [tilespmem:s22+$0xFFFFFFF0]  }
0x4b: {  	s19 =	sadd.s32 $0x100, s22;
	v24 =	vld [tilespmem:s18+$0xFFFFFF90];
	v10 =	vmul.f32 v10, v17;
	v11 =	vadd.f32 v12, v11  }
0x4c: {  	v25 =	vld [tilespmem:s19+$0xFFFFFF90];
	v6 =	vadd.f32 v6, v7;
	v7 =	vmul.f32 v3, v1  }
0x4d: {  	v2 =	vld [tilespmem:s18+$0x70];
	v8 =	vmul.f32 v8, v15;
	v10 =	vadd.f32 v10, v11  }
0x4e: {  	v5 =	vmul.f32 v5, v4;
	v4 =	vld [tilespmem:s19+$0x60];
	v7 =	vadd.f32 v7, v6  }
0x4f: {  	v19 =	vld [tilespmem:s18+$0x10];
	v10 =	vadd.f32 v8, v10;
	v9 =	vmul.f32 v9, v13  }
0x50: {  	v22 =	vld [tilespmem:s19+$0x10];
	v5 =	vadd.f32 v5, v7  }
0x51: {  	v16 =	vld [tilespmem:s18+$0x0];
	v11 =	vadd.f32 v9, v10  }
0x52: {  	v18 =	vld [tilespmem:s19+$0x0];
	(xrf2) =	vadd.scan.msk.f32 $0xffff, v5  }
0x53: {  	v23 =	vld [tilespmem:s19+$0xFFFFFF80];
	(xrf2) =	vadd.scan.msk.f32 $0xffff, v11  }
0x54: {  	v14 =	vld [tilespmem:s19+$0x20]  }
0x55: {  	v17 =	vld [tilespmem:s18+$0xFFFFFF80]  }
0x56: {  	v12 =	vld [tilespmem:s18+$0x20]  }
0x57: {  	v1 =	vld [tilespmem:s19+$0x70]  }
0x58: {  	v3 =	vld [tilespmem:s18+$0x60]  }
0x59: {  	v6 =	vld [tilespmem:s18+$0x50]  }
0x5a: {  	v8 =	vld [tilespmem:s18+$0x40]  }
0x5b: {  	s30 =	sadd.s32 $0x10FF0, s17;
	s29 =	sadd.s32 $0x20F0, s17;
	v7 =	vld [tilespmem:s19+$0x50]  }
0x5c: {  	s31 =	sadd.s32 $0x18F0, s17;
	s0 =	sadd.s32 $0x10F0, s17;
	s16 =	sadd.s32 $0xF7F0, s17;
	v9 =	vld [tilespmem:s19+$0x40];
	v13, _, _ =	vpop (xrf2)  }
0x5d: {  	s1 =	sor.u32 $0x107F0, s17;
	s15 =	sadd.s32 $0xFFF0, s17;
	v21 =	vmov s23;
	s22 =	simm.s32 $0x0;
	v10 =	vld [tilespmem:s18+$0x30];
	v15, _, _ =	vpop (xrf2)  }
0x5e: {  	s17 =	sadd.s32 $0x8F0, s17;
	s20 =	simm.s32 $0x2;
	s21 =	simm.s32 $0x4;
	v20 =	vmov s22;
	v5 =	vimm.f32 $0.0e+00;
	v11 =	vld [tilespmem:s19+$0x30];
	v15 =	vbroadcast v15, $0xF  }
.LBB2_3:
0x5f: {  	p0 =	sne.s32 s21, $0xE;
	v26 =	vld [tilespmem:s18+$0xFFFFFFA0];
	vm0 =	veq.s32 v20, v0;
	vm1 =	veq.s32 v21, v0;
	v13 =	vbroadcast v13, $0xF  }
0x60: {  	v16 =	vmul.f32 v18, v16;
	v18 =	vmul.f32 v22, v19;
	v20 =	vld [tilespmem:s19+$0xFFFFFFA0];
	v5 =	vsel vm0, v15, v5  }
0x61: {  	v15 =	vld [tilespmem:s18+$0xFFFFFFB0];
	v5 =	vsel vm1, v13, v5  }
0x62: {  	v12 =	vmul.f32 v14, v12;
	v16 =	vadd.f32 v18, v16;
	v13 =	vld [tilespmem:s19+$0xFFFFFFB0]  }
0x63: {  	v14 =	vmul.f32 v23, v17;
	v17 =	vmul.f32 v25, v24;
	v18 =	vld [tilespmem:s18+$0xFFFFFFC0]  }
0x64: {  	v10 =	vmul.f32 v11, v10;
	v12 =	vadd.f32 v12, v16;
	v19 =	vld [tilespmem:s19+$0xFFFFFFC0]  }
0x65: {  	v11 =	vadd.f32 v17, v14;
	v14 =	vmul.f32 v20, v26;
	v16 =	vld [tilespmem:s18+$0xFFFFFFD0]  }
0x66: {  	v8 =	vmul.f32 v9, v8;
	v10 =	vadd.f32 v10, v12;
	v17 =	vld [tilespmem:s19+$0xFFFFFFD0]  }
0x67: {  	v9 =	vadd.f32 v14, v11;
	v11 =	vmul.f32 v13, v15;
	v12 =	vld [tilespmem:s18+$0xFFFFFFE0]  }
0x68: {  	v6 =	vmul.f32 v7, v6;
	v8 =	vadd.f32 v8, v10;
	v13 =	vld [tilespmem:s19+$0xFFFFFFE0]  }
0x69: {  	v7 =	vadd.f32 v11, v9;
	v9 =	vmul.f32 v19, v18;
	v10 =	vld [tilespmem:s18+$0xFFFFFFF0]  }
0x6a: {  	v3 =	vmul.f32 v4, v3;
	v6 =	vadd.f32 v6, v8;
	s18 =	sadd.s32 $0x100, s18;
	v11 =	vld [tilespmem:s19+$0xFFFFFFF0]  }
0x6b: {  	s19 =	sadd.s32 $0x100, s19;
	v8 =	vld [tilespmem:s18+$0x70];
	v4 =	vadd.f32 v9, v7;
	v7 =	vmul.f32 v17, v16  }
0x6c: {  	v2 =	vmul.f32 v1, v2;
	v6 =	vadd.f32 v3, v6;
	v1 =	vld [tilespmem:s19+$0x70]  }
0x6d: {  	v3 =	vld [tilespmem:s18+$0x60];
	v7 =	vadd.f32 v7, v4;
	v9 =	vmul.f32 v13, v12  }
0x6e: {  	v12 =	vadd.f32 v2, v6;
	v4 =	vld [tilespmem:s19+$0x60]  }
0x6f: {  	v6 =	vld [tilespmem:s18+$0x50];
	v9 =	vadd.f32 v9, v7;
	v10 =	vmul.f32 v11, v10  }
0x70: {  	v7 =	vld [tilespmem:s19+$0x50];
	(xrf2) =	vadd.scan.msk.f32 $0xffff, v12;
	v2 =	vmov v8  }
0x71: {  	v8 =	vld [tilespmem:s18+$0x40];
	v11 =	vadd.f32 v10, v9  }
0x72: {  	v9 =	vld [tilespmem:s19+$0x40]  }
0x73: {  	v10 =	vld [tilespmem:s18+$0x30];
	(xrf2) =	vadd.scan.msk.f32 $0xffff, v11  }
0x74: {  	v11 =	vld [tilespmem:s19+$0x30]  }
0x75: {  	v12 =	vld [tilespmem:s18+$0x20]  }
0x76: {  	v14 =	vld [tilespmem:s19+$0x20]  }
0x77: {  	v16 =	vld [tilespmem:s18+$0x0]  }
0x78: {  	v18 =	vld [tilespmem:s19+$0x0]  }
0x79: {  	v19 =	vld [tilespmem:s18+$0x10]  }
.Ltmp0:
0x7a: {  	v22 =	vld [tilespmem:s19+$0x10];
	v13, _, _ =	vpop (xrf2);
	(pc) =	sbr.rel @p0 .LBB2_3-.Ltmp0, $4  }
0x7b: {  	v17 =	vld [tilespmem:s18+$0xFFFFFF80]  }
0x7c: {  	v23 =	vld [tilespmem:s19+$0xFFFFFF80]  }
0x7d: {  	s22 =	sadd.s32 $0x1, s20;
	v24 =	vld [tilespmem:s18+$0xFFFFFF90];
	v15, _, _ =	vpop (xrf2)  }
0x7e: {  	v21 =	vmov s22;
	v20 =	vmov s20;
	s20 =	smov.u32 s21;
	s21 =	sadd.s32 $0x2, s21;
	v25 =	vld [tilespmem:s19+$0xFFFFFF90];
	v15 =	vbroadcast v15, $0xF  }
0x7f: {  	v26 =	vld [tilespmem:s18+$0xFFFFFFA0]  }
0x80: {  	v27 =	vld [tilespmem:s19+$0xFFFFFFA0]  }
0x81: {  	v28 =	vld [tilespmem:s18+$0xFFFFFFB0];
	v16 =	vmul.f32 v18, v16  }
0x82: {  	v18 =	vmul.f32 v22, v19;
	v19 =	vld [tilespmem:s19+$0xFFFFFFB0];
	v12 =	vmul.f32 v14, v12  }
0x83: {  	v14 =	vld [tilespmem:s19+$0xFFFFFFC0];
	v17 =	vmul.f32 v23, v17;
	v22 =	vmul.f32 v25, v24  }
0x84: {  	v23 =	vld [tilespmem:s18+$0xFFFFFFC0];
	v16 =	vadd.f32 v18, v16  }
0x85: {  	v10 =	vmul.f32 v11, v10;
	v11 =	vld [tilespmem:s19+$0xFFFFFFD0];
	v18 =	vmul.f32 v27, v26;
	v17 =	vadd.f32 v22, v17  }
0x86: {  	v12 =	vadd.f32 v12, v16;
	v22 =	vld [tilespmem:s18+$0xFFFFFFD0]  }
0x87: {  	v8 =	vmul.f32 v9, v8;
	v9 =	vld [tilespmem:s19+$0xFFFFFFE0];
	v16 =	vadd.f32 v18, v17;
	v17 =	vmul.f32 v19, v28  }
0x88: {  	v10 =	vadd.f32 v10, v12;
	v18 =	vld [tilespmem:s18+$0xFFFFFFE0]  }
0x89: {  	v6 =	vmul.f32 v7, v6;
	v7 =	vld [tilespmem:s19+$0xFFFFFFF0];
	v14 =	vmul.f32 v14, v23;
	v12 =	vadd.f32 v17, v16  }
0x8a: {  	v8 =	vadd.f32 v8, v10;
	v16 =	vld [tilespmem:s18+$0xFFFFFFF0]  }
0x8b: {  	v11 =	vmul.f32 v11, v22;
	v10 =	vadd.f32 v14, v12  }
0x8c: {  	v3 =	vmul.f32 v4, v3;
	v6 =	vadd.f32 v6, v8  }
0x8d: {  	v8 =	vmul.f32 v9, v18;
	v4 =	vadd.f32 v11, v10  }
0x8e: {  	v1 =	vmul.f32 v1, v2;
	v3 =	vadd.f32 v3, v6  }
0x8f: {  	v2 =	vadd.f32 v8, v4;
	v4 =	vmul.f32 v7, v16  }
0x90: {  	v1 =	vadd.f32 v1, v3  }
0x91: {  	v2 =	vadd.f32 v4, v2  }
0x92: {  	(xrf2) =	vadd.scan.msk.f32 $0xffff, v1  }
0x93: {  	(xrf2) =	vadd.scan.msk.f32 $0xffff, v2;
	_ =	sdelay $0x8  }
0x94: {  	vm0 =	veq.s32 v20, v0;
	v1 =	vbroadcast v13, $0xF;
	v2, _, _ =	vpop (xrf2)  }
0x95: {  	vm1 =	veq.s32 v21, v0;
	v3 =	vsel vm0, v15, v5;
	v4, _, _ =	vpop (xrf2)  }
0x96: {  	s21 =	sadd.s32 $0x1, s20;
	v1 =	vsel vm1, v1, v3;
	v3 =	vmov s20;
	v4 =	vbroadcast v4, $0xF  }
0x97: {  	v5 =	vmov s21;
	vm14 =	veq.s32 v3, v0;
	v2 =	vbroadcast v2, $0xF  }
0x98: {  	vm15 =	veq.s32 v5, v0;
	v1 =	vsel vm14, v4, v1  }
0x99: {  	v1 =	vsel vm15, v2, v1  }
0x9a: {  	[tilespmem:$0x18F00] =	vst v1  }
0x9b: {  	v4 =	vld [tilespmem:s16+$0x0]  }
0x9c: {  	v5 =	vld [tilespmem:s17+$0x0]  }
0x9d: {  	v1 =	vld [tilespmem:s16+$0xFFFFFFF0]  }
0x9e: {  	v3 =	vld [tilespmem:s17+$0xFFFFFFF0]  }
0x9f: {  	v2 =	vld [tilespmem:s16+$0xFFFFFFE0]  }
0xa0: {  	v6 =	vld [tilespmem:s17+$0xFFFFFFE0]  }
0xa1: {  	v7 =	vld [tilespmem:s16+$0xFFFFFFD0]  }
0xa2: {  	v8 =	vld [tilespmem:s17+$0xFFFFFFD0]  }
0xa3: {  	v9 =	vld [tilespmem:s16+$0xFFFFFFC0]  }
0xa4: {  	v10 =	vld [tilespmem:s17+$0xFFFFFFC0]  }
0xa5: {  	v11 =	vld [tilespmem:s16+$0xFFFFFFB0]  }
0xa6: {  	v12 =	vld [tilespmem:s17+$0xFFFFFFB0]  }
0xa7: {  	v13 =	vld [tilespmem:s16+$0xFFFFFF90]  }
0xa8: {  	v14 =	vld [tilespmem:s17+$0xFFFFFF90]  }
0xa9: {  	v15 =	vld [tilespmem:s16+$0xFFFFFFA0]  }
0xaa: {  	v16 =	vld [tilespmem:s17+$0xFFFFFFA0]  }
0xab: {  	v17 =	vld [tilespmem:s16+$0xFFFFFF10]  }
0xac: {  	v18 =	vld [tilespmem:s17+$0xFFFFFF10]  }
0xad: {  	v19 =	vld [tilespmem:s16+$0xFFFFFF20]  }
0xae: {  	v20 =	vld [tilespmem:s17+$0xFFFFFF20]  }
0xaf: {  	v21 =	vld [tilespmem:s16+$0xFFFFFF30]  }
0xb0: {  	v22 =	vld [tilespmem:s17+$0xFFFFFF30]  }
0xb1: {  	v23 =	vld [tilespmem:s16+$0xFFFFFF40]  }
0xb2: {  	v13 =	vmul.f32 v14, v13;
	v14 =	vmul.f32 v16, v15;
	v15 =	vld [tilespmem:s17+$0xFFFFFF40]  }
0xb3: {  	v16 =	vmul.f32 v18, v17;
	v17 =	vmul.f32 v20, v19;
	v18 =	vld [tilespmem:s16+$0xFFFFFF50]  }
0xb4: {  	v11 =	vmul.f32 v12, v11;
	v12 =	vld [tilespmem:s17+$0xFFFFFF50];
	v13 =	vadd.f32 v14, v13  }
0xb5: {  	v9 =	vmul.f32 v10, v9;
	v10 =	vld [tilespmem:s17+$0xFFFFFF60];
	v14 =	vadd.f32 v17, v16;
	v16 =	vmul.f32 v22, v21  }
0xb6: {  	v17 =	vld [tilespmem:s16+$0xFFFFFF60];
	v11 =	vadd.f32 v11, v13  }
0xb7: {  	v7 =	vmul.f32 v8, v7;
	v8 =	vld [tilespmem:s17+$0xFFFFFF70];
	v13 =	vadd.f32 v16, v14;
	v14 =	vmul.f32 v15, v23  }
0xb8: {  	v15 =	vld [tilespmem:s16+$0xFFFFFF70];
	v9 =	vadd.f32 v9, v11  }
0xb9: {  	v12 =	vmul.f32 v12, v18;
	v11 =	vadd.f32 v14, v13;
	v13 =	vld [tilespmem:s16+$0xFFFFFF80]  }
0xba: {  	v6 =	vmul.f32 v6, v2;
	s16 =	sadd.s32 $0x100, s16;
	v7 =	vadd.f32 v7, v9;
	v9 =	vld [tilespmem:s17+$0xFFFFFF80]  }
0xbb: {  	v10 =	vmul.f32 v10, v17;
	v2 =	vld [tilespmem:s16+$0x0];
	v11 =	vadd.f32 v12, v11  }
0xbc: {  	v19 =	vld [tilespmem:s16+$0xFFFFFF90];
	v6 =	vadd.f32 v6, v7;
	v7 =	vmul.f32 v3, v1  }
0xbd: {  	v22 =	vld [tilespmem:s16+$0xFFFFFFA0];
	v8 =	vmul.f32 v8, v15;
	v10 =	vadd.f32 v10, v11  }
0xbe: {  	v4 =	vmul.f32 v5, v4;
	v18 =	vld [tilespmem:s16+$0xFFFFFF10];
	v7 =	vadd.f32 v7, v6  }
0xbf: {  	s17 =	sadd.s32 $0x100, s17;
	v23 =	vld [tilespmem:s16+$0xFFFFFF20];
	v10 =	vadd.f32 v8, v10;
	v9 =	vmul.f32 v9, v13  }
0xc0: {  	v5 =	vld [tilespmem:s17+$0xFFFFFFF0];
	v4 =	vadd.f32 v4, v7  }
0xc1: {  	v14 =	vld [tilespmem:s17+$0xFFFFFFB0];
	v11 =	vadd.f32 v9, v10  }
0xc2: {  	v20 =	vld [tilespmem:s17+$0xFFFFFF90];
	(xrf2) =	vadd.scan.msk.f32 $0xffff, v4  }
0xc3: {  	v24 =	vld [tilespmem:s17+$0xFFFFFFA0];
	(xrf2) =	vadd.scan.msk.f32 $0xffff, v11  }
0xc4: {  	v21 =	vld [tilespmem:s17+$0xFFFFFF10]  }
0xc5: {  	v25 =	vld [tilespmem:s17+$0xFFFFFF20]  }
0xc6: {  	v1 =	vld [tilespmem:s17+$0x0]  }
0xc7: {  	v3 =	vld [tilespmem:s16+$0xFFFFFFF0]  }
0xc8: {  	v6 =	vld [tilespmem:s16+$0xFFFFFFE0]  }
0xc9: {  	v8 =	vld [tilespmem:s16+$0xFFFFFFD0]  }
0xca: {  	v13 =	vld [tilespmem:s16+$0xFFFFFFB0]  }
0xcb: {  	v7 =	vld [tilespmem:s17+$0xFFFFFFE0]  }
0xcc: {  	s22 =	simm.s32 $0x0;
	v9 =	vld [tilespmem:s17+$0xFFFFFFD0];
	v12, _, _ =	vpop (xrf2)  }
0xcd: {  	s21 =	simm.s32 $0x1;
	v16 =	vmov s22;
	v10 =	vld [tilespmem:s16+$0xFFFFFFC0];
	v15, _, _ =	vpop (xrf2)  }
0xce: {  	s19 =	simm.s32 $0x4;
	s18 =	simm.s32 $0x2;
	v17 =	vmov s21;
	v4 =	vimm.f32 $0.0e+00;
	v11 =	vld [tilespmem:s17+$0xFFFFFFC0];
	v15 =	vbroadcast v15, $0xF  }
.LBB2_5:
0xcf: {  	p0 =	sne.s32 s19, $0xE;
	v26 =	vld [tilespmem:s16+$0xFFFFFF30];
	vm0 =	veq.s32 v16, v0;
	vm1 =	veq.s32 v17, v0;
	v12 =	vbroadcast v12, $0xF  }
0xd0: {  	v17 =	vmul.f32 v20, v19;
	v19 =	vmul.f32 v24, v22;
	v16 =	vld [tilespmem:s17+$0xFFFFFF30];
	v4 =	vsel vm0, v15, v4  }
0xd1: {  	v15 =	vld [tilespmem:s16+$0xFFFFFF40];
	v4 =	vsel vm1, v12, v4  }
0xd2: {  	v13 =	vmul.f32 v14, v13;
	v17 =	vadd.f32 v19, v17;
	v12 =	vld [tilespmem:s17+$0xFFFFFF40]  }
0xd3: {  	v14 =	vmul.f32 v21, v18;
	v18 =	vmul.f32 v25, v23;
	v19 =	vld [tilespmem:s16+$0xFFFFFF50]  }
0xd4: {  	v10 =	vmul.f32 v11, v10;
	v13 =	vadd.f32 v13, v17;
	v20 =	vld [tilespmem:s17+$0xFFFFFF50]  }
0xd5: {  	v11 =	vadd.f32 v18, v14;
	v14 =	vmul.f32 v16, v26;
	v16 =	vld [tilespmem:s16+$0xFFFFFF60]  }
0xd6: {  	v8 =	vmul.f32 v9, v8;
	v10 =	vadd.f32 v10, v13;
	v17 =	vld [tilespmem:s17+$0xFFFFFF60]  }
0xd7: {  	v9 =	vadd.f32 v14, v11;
	v11 =	vmul.f32 v12, v15;
	v12 =	vld [tilespmem:s16+$0xFFFFFF70]  }
0xd8: {  	v6 =	vmul.f32 v7, v6;
	v8 =	vadd.f32 v8, v10;
	v13 =	vld [tilespmem:s17+$0xFFFFFF70]  }
0xd9: {  	v7 =	vadd.f32 v11, v9;
	v9 =	vmul.f32 v20, v19;
	v10 =	vld [tilespmem:s16+$0xFFFFFF80]  }
0xda: {  	v3 =	vmul.f32 v5, v3;
	v6 =	vadd.f32 v6, v8;
	s16 =	sadd.s32 $0x100, s16;
	v11 =	vld [tilespmem:s17+$0xFFFFFF80]  }
0xdb: {  	s17 =	sadd.s32 $0x100, s17;
	v8 =	vld [tilespmem:s16+$0x0];
	v5 =	vadd.f32 v9, v7;
	v7 =	vmul.f32 v17, v16  }
0xdc: {  	v2 =	vmul.f32 v1, v2;
	v6 =	vadd.f32 v3, v6;
	v1 =	vld [tilespmem:s17+$0x0]  }
0xdd: {  	v3 =	vld [tilespmem:s16+$0xFFFFFFF0];
	v7 =	vadd.f32 v7, v5;
	v9 =	vmul.f32 v13, v12  }
0xde: {  	v12 =	vadd.f32 v2, v6;
	v5 =	vld [tilespmem:s17+$0xFFFFFFF0]  }
0xdf: {  	v6 =	vld [tilespmem:s16+$0xFFFFFFE0];
	v9 =	vadd.f32 v9, v7;
	v10 =	vmul.f32 v11, v10  }
0xe0: {  	v7 =	vld [tilespmem:s17+$0xFFFFFFE0];
	(xrf2) =	vadd.scan.msk.f32 $0xffff, v12;
	v2 =	vmov v8  }
0xe1: {  	v8 =	vld [tilespmem:s16+$0xFFFFFFD0];
	v11 =	vadd.f32 v10, v9  }
0xe2: {  	v9 =	vld [tilespmem:s17+$0xFFFFFFD0]  }
0xe3: {  	v10 =	vld [tilespmem:s16+$0xFFFFFFC0];
	(xrf2) =	vadd.scan.msk.f32 $0xffff, v11  }
0xe4: {  	v11 =	vld [tilespmem:s17+$0xFFFFFFC0]  }
0xe5: {  	v13 =	vld [tilespmem:s16+$0xFFFFFFB0]  }
0xe6: {  	v14 =	vld [tilespmem:s17+$0xFFFFFFB0]  }
0xe7: {  	v19 =	vld [tilespmem:s16+$0xFFFFFF90]  }
0xe8: {  	v20 =	vld [tilespmem:s17+$0xFFFFFF90]  }
0xe9: {  	v22 =	vld [tilespmem:s16+$0xFFFFFFA0]  }
.Ltmp1:
0xea: {  	v24 =	vld [tilespmem:s17+$0xFFFFFFA0];
	v12, _, _ =	vpop (xrf2);
	(pc) =	sbr.rel @p0 .LBB2_5-.Ltmp1, $4  }
0xeb: {  	v18 =	vld [tilespmem:s16+$0xFFFFFF10]  }
0xec: {  	v21 =	vld [tilespmem:s17+$0xFFFFFF10]  }
0xed: {  	s20 =	sadd.s32 $0x1, s18;
	v23 =	vld [tilespmem:s16+$0xFFFFFF20];
	v15, _, _ =	vpop (xrf2)  }
0xee: {  	v16 =	vmov s18;
	v17 =	vmov s20;
	s18 =	smov.u32 s19;
	s19 =	sadd.s32 $0x2, s19;
	v25 =	vld [tilespmem:s17+$0xFFFFFF20];
	v15 =	vbroadcast v15, $0xF  }
0xef: {  	v26 =	vld [tilespmem:s16+$0xFFFFFF30]  }
0xf0: {  	v27 =	vld [tilespmem:s17+$0xFFFFFF30]  }
0xf1: {  	v28 =	vld [tilespmem:s16+$0xFFFFFF40];
	v19 =	vmul.f32 v20, v19  }
0xf2: {  	v20 =	vmul.f32 v24, v22;
	v22 =	vld [tilespmem:s17+$0xFFFFFF40];
	v13 =	vmul.f32 v14, v13  }
0xf3: {  	v14 =	vld [tilespmem:s17+$0xFFFFFF50];
	v18 =	vmul.f32 v21, v18;
	v21 =	vmul.f32 v25, v23  }
0xf4: {  	v19 =	vadd.f32 v20, v19;
	v23 =	vld [tilespmem:s16+$0xFFFFFF50]  }
0xf5: {  	v10 =	vmul.f32 v11, v10;
	v11 =	vld [tilespmem:s17+$0xFFFFFF60];
	v20 =	vmul.f32 v27, v26;
	v18 =	vadd.f32 v21, v18  }
0xf6: {  	v13 =	vadd.f32 v13, v19;
	v21 =	vld [tilespmem:s16+$0xFFFFFF60]  }
0xf7: {  	v8 =	vmul.f32 v9, v8;
	v9 =	vld [tilespmem:s17+$0xFFFFFF70];
	v19 =	vmul.f32 v22, v28;
	v18 =	vadd.f32 v20, v18  }
0xf8: {  	v10 =	vadd.f32 v10, v13;
	v20 =	vld [tilespmem:s16+$0xFFFFFF70]  }
0xf9: {  	v6 =	vmul.f32 v7, v6;
	v7 =	vld [tilespmem:s17+$0xFFFFFF80];
	v14 =	vmul.f32 v14, v23;
	v13 =	vadd.f32 v19, v18  }
0xfa: {  	v8 =	vadd.f32 v8, v10;
	v18 =	vld [tilespmem:s16+$0xFFFFFF80]  }
0xfb: {  	v11 =	vmul.f32 v11, v21;
	v10 =	vadd.f32 v14, v13  }
0xfc: {  	v3 =	vmul.f32 v5, v3;
	v6 =	vadd.f32 v6, v8  }
0xfd: {  	v8 =	vmul.f32 v9, v20;
	v5 =	vadd.f32 v11, v10  }
0xfe: {  	v1 =	vmul.f32 v1, v2;
	v3 =	vadd.f32 v3, v6  }
0xff: {  	v2 =	vadd.f32 v8, v5;
	v5 =	vmul.f32 v7, v18  }
0x100: {  	v1 =	vadd.f32 v1, v3  }
0x101: {  	v2 =	vadd.f32 v5, v2  }
0x102: {  	(xrf2) =	vadd.scan.msk.f32 $0xffff, v1  }
0x103: {  	(xrf2) =	vadd.scan.msk.f32 $0xffff, v2;
	_ =	sdelay $0x8  }
0x104: {  	vm0 =	veq.s32 v16, v0;
	v1 =	vbroadcast v12, $0xF;
	v2, _, _ =	vpop (xrf2)  }
0x105: {  	vm1 =	veq.s32 v17, v0;
	v3 =	vsel vm0, v15, v4;
	v4, _, _ =	vpop (xrf2)  }
0x106: {  	s21 =	sadd.s32 $0x1, s18;
	v1 =	vsel vm1, v1, v3;
	v3 =	vmov s18;
	v4 =	vbroadcast v4, $0xF  }
0x107: {  	v5 =	vmov s21;
	vm14 =	veq.s32 v3, v0;
	v2 =	vbroadcast v2, $0xF  }
0x108: {  	vm15 =	veq.s32 v5, v0;
	v1 =	vsel vm14, v4, v1  }
0x109: {  	v1 =	vsel vm15, v2, v1  }
0x10a: {  	[tilespmem:$0x18F10] =	vst v1  }
0x10b: {  	v4 =	vld [tilespmem:s15+$0x0]  }
0x10c: {  	v5 =	vld [tilespmem:s0+$0x0]  }
0x10d: {  	v1 =	vld [tilespmem:s15+$0xFFFFFFF0]  }
0x10e: {  	v3 =	vld [tilespmem:s0+$0xFFFFFFF0]  }
0x10f: {  	v2 =	vld [tilespmem:s15+$0xFFFFFFE0]  }
0x110: {  	v6 =	vld [tilespmem:s0+$0xFFFFFFE0]  }
0x111: {  	v7 =	vld [tilespmem:s15+$0xFFFFFFD0]  }
0x112: {  	v8 =	vld [tilespmem:s0+$0xFFFFFFD0]  }
0x113: {  	v9 =	vld [tilespmem:s15+$0xFFFFFFC0]  }
0x114: {  	v10 =	vld [tilespmem:s0+$0xFFFFFFC0]  }
0x115: {  	v11 =	vld [tilespmem:s15+$0xFFFFFFB0]  }
0x116: {  	v12 =	vld [tilespmem:s0+$0xFFFFFFB0]  }
0x117: {  	v13 =	vld [tilespmem:s15+$0xFFFFFF90]  }
0x118: {  	v14 =	vld [tilespmem:s0+$0xFFFFFF90]  }
0x119: {  	v15 =	vld [tilespmem:s15+$0xFFFFFFA0]  }
0x11a: {  	v16 =	vld [tilespmem:s0+$0xFFFFFFA0]  }
0x11b: {  	v17 =	vld [tilespmem:s15+$0xFFFFFF10]  }
0x11c: {  	v18 =	vld [tilespmem:s0+$0xFFFFFF10]  }
0x11d: {  	v19 =	vld [tilespmem:s15+$0xFFFFFF20]  }
0x11e: {  	v20 =	vld [tilespmem:s0+$0xFFFFFF20]  }
0x11f: {  	v21 =	vld [tilespmem:s15+$0xFFFFFF30]  }
0x120: {  	v22 =	vld [tilespmem:s0+$0xFFFFFF30]  }
0x121: {  	v23 =	vld [tilespmem:s15+$0xFFFFFF40]  }
0x122: {  	v13 =	vmul.f32 v14, v13;
	v14 =	vmul.f32 v16, v15;
	v15 =	vld [tilespmem:s0+$0xFFFFFF40]  }
0x123: {  	v16 =	vmul.f32 v18, v17;
	v17 =	vmul.f32 v20, v19;
	v18 =	vld [tilespmem:s15+$0xFFFFFF50]  }
0x124: {  	v11 =	vmul.f32 v12, v11;
	v12 =	vld [tilespmem:s0+$0xFFFFFF50];
	v13 =	vadd.f32 v14, v13  }
0x125: {  	v9 =	vmul.f32 v10, v9;
	v10 =	vld [tilespmem:s0+$0xFFFFFF60];
	v14 =	vadd.f32 v17, v16;
	v16 =	vmul.f32 v22, v21  }
0x126: {  	v17 =	vld [tilespmem:s15+$0xFFFFFF60];
	v11 =	vadd.f32 v11, v13  }
0x127: {  	v7 =	vmul.f32 v8, v7;
	v8 =	vld [tilespmem:s0+$0xFFFFFF70];
	v13 =	vadd.f32 v16, v14;
	v14 =	vmul.f32 v15, v23  }
0x128: {  	v15 =	vld [tilespmem:s15+$0xFFFFFF70];
	v9 =	vadd.f32 v9, v11  }
0x129: {  	v12 =	vmul.f32 v12, v18;
	v11 =	vadd.f32 v14, v13;
	v13 =	vld [tilespmem:s15+$0xFFFFFF80]  }
0x12a: {  	v6 =	vmul.f32 v6, v2;
	s15 =	sadd.s32 $0x100, s15;
	v7 =	vadd.f32 v7, v9;
	v9 =	vld [tilespmem:s0+$0xFFFFFF80]  }
0x12b: {  	v10 =	vmul.f32 v10, v17;
	v2 =	vld [tilespmem:s15+$0x0];
	v11 =	vadd.f32 v12, v11  }
0x12c: {  	v19 =	vld [tilespmem:s15+$0xFFFFFF90];
	v6 =	vadd.f32 v6, v7;
	v7 =	vmul.f32 v3, v1  }
0x12d: {  	v22 =	vld [tilespmem:s15+$0xFFFFFFA0];
	v8 =	vmul.f32 v8, v15;
	v10 =	vadd.f32 v10, v11  }
0x12e: {  	v4 =	vmul.f32 v5, v4;
	v18 =	vld [tilespmem:s15+$0xFFFFFF10];
	v7 =	vadd.f32 v7, v6  }
0x12f: {  	s0 =	sadd.s32 $0x100, s0;
	v23 =	vld [tilespmem:s15+$0xFFFFFF20];
	v10 =	vadd.f32 v8, v10;
	v9 =	vmul.f32 v9, v13  }
0x130: {  	v5 =	vld [tilespmem:s0+$0xFFFFFFF0];
	v4 =	vadd.f32 v4, v7  }
0x131: {  	v14 =	vld [tilespmem:s0+$0xFFFFFFB0];
	v11 =	vadd.f32 v9, v10  }
0x132: {  	v20 =	vld [tilespmem:s0+$0xFFFFFF90];
	(xrf2) =	vadd.scan.msk.f32 $0xffff, v4  }
0x133: {  	v24 =	vld [tilespmem:s0+$0xFFFFFFA0];
	(xrf2) =	vadd.scan.msk.f32 $0xffff, v11  }
0x134: {  	v21 =	vld [tilespmem:s0+$0xFFFFFF10]  }
0x135: {  	v25 =	vld [tilespmem:s0+$0xFFFFFF20]  }
0x136: {  	v1 =	vld [tilespmem:s0+$0x0]  }
0x137: {  	v3 =	vld [tilespmem:s15+$0xFFFFFFF0]  }
0x138: {  	v6 =	vld [tilespmem:s15+$0xFFFFFFE0]  }
0x139: {  	v8 =	vld [tilespmem:s15+$0xFFFFFFD0]  }
0x13a: {  	v13 =	vld [tilespmem:s15+$0xFFFFFFB0]  }
0x13b: {  	v7 =	vld [tilespmem:s0+$0xFFFFFFE0]  }
0x13c: {  	s22 =	simm.s32 $0x0;
	v9 =	vld [tilespmem:s0+$0xFFFFFFD0];
	v12, _, _ =	vpop (xrf2)  }
0x13d: {  	s19 =	simm.s32 $0x1;
	v16 =	vmov s22;
	v10 =	vld [tilespmem:s15+$0xFFFFFFC0];
	v15, _, _ =	vpop (xrf2)  }
0x13e: {  	s17 =	simm.s32 $0x4;
	s16 =	simm.s32 $0x2;
	v17 =	vmov s19;
	v4 =	vimm.f32 $0.0e+00;
	v11 =	vld [tilespmem:s0+$0xFFFFFFC0];
	v15 =	vbroadcast v15, $0xF  }
.LBB2_7:
0x13f: {  	p0 =	sne.s32 s17, $0xE;
	v26 =	vld [tilespmem:s15+$0xFFFFFF30];
	vm0 =	veq.s32 v16, v0;
	vm1 =	veq.s32 v17, v0;
	v12 =	vbroadcast v12, $0xF  }
0x140: {  	v17 =	vmul.f32 v20, v19;
	v19 =	vmul.f32 v24, v22;
	v16 =	vld [tilespmem:s0+$0xFFFFFF30];
	v4 =	vsel vm0, v15, v4  }
0x141: {  	v15 =	vld [tilespmem:s15+$0xFFFFFF40];
	v4 =	vsel vm1, v12, v4  }
0x142: {  	v13 =	vmul.f32 v14, v13;
	v17 =	vadd.f32 v19, v17;
	v12 =	vld [tilespmem:s0+$0xFFFFFF40]  }
0x143: {  	v14 =	vmul.f32 v21, v18;
	v18 =	vmul.f32 v25, v23;
	v19 =	vld [tilespmem:s15+$0xFFFFFF50]  }
0x144: {  	v10 =	vmul.f32 v11, v10;
	v13 =	vadd.f32 v13, v17;
	v20 =	vld [tilespmem:s0+$0xFFFFFF50]  }
0x145: {  	v11 =	vadd.f32 v18, v14;
	v14 =	vmul.f32 v16, v26;
	v16 =	vld [tilespmem:s15+$0xFFFFFF60]  }
0x146: {  	v8 =	vmul.f32 v9, v8;
	v10 =	vadd.f32 v10, v13;
	v17 =	vld [tilespmem:s0+$0xFFFFFF60]  }
0x147: {  	v9 =	vadd.f32 v14, v11;
	v11 =	vmul.f32 v12, v15;
	v12 =	vld [tilespmem:s15+$0xFFFFFF70]  }
0x148: {  	v6 =	vmul.f32 v7, v6;
	v8 =	vadd.f32 v8, v10;
	v13 =	vld [tilespmem:s0+$0xFFFFFF70]  }
0x149: {  	v7 =	vadd.f32 v11, v9;
	v9 =	vmul.f32 v20, v19;
	v10 =	vld [tilespmem:s15+$0xFFFFFF80]  }
0x14a: {  	v3 =	vmul.f32 v5, v3;
	v6 =	vadd.f32 v6, v8;
	s15 =	sadd.s32 $0x100, s15;
	v11 =	vld [tilespmem:s0+$0xFFFFFF80]  }
0x14b: {  	s0 =	sadd.s32 $0x100, s0;
	v8 =	vld [tilespmem:s15+$0x0];
	v5 =	vadd.f32 v9, v7;
	v7 =	vmul.f32 v17, v16  }
0x14c: {  	v2 =	vmul.f32 v1, v2;
	v6 =	vadd.f32 v3, v6;
	v1 =	vld [tilespmem:s0+$0x0]  }
0x14d: {  	v3 =	vld [tilespmem:s15+$0xFFFFFFF0];
	v7 =	vadd.f32 v7, v5;
	v9 =	vmul.f32 v13, v12  }
0x14e: {  	v12 =	vadd.f32 v2, v6;
	v5 =	vld [tilespmem:s0+$0xFFFFFFF0]  }
0x14f: {  	v6 =	vld [tilespmem:s15+$0xFFFFFFE0];
	v9 =	vadd.f32 v9, v7;
	v10 =	vmul.f32 v11, v10  }
0x150: {  	v7 =	vld [tilespmem:s0+$0xFFFFFFE0];
	(xrf2) =	vadd.scan.msk.f32 $0xffff, v12;
	v2 =	vmov v8  }
0x151: {  	v8 =	vld [tilespmem:s15+$0xFFFFFFD0];
	v11 =	vadd.f32 v10, v9  }
0x152: {  	v9 =	vld [tilespmem:s0+$0xFFFFFFD0]  }
0x153: {  	v10 =	vld [tilespmem:s15+$0xFFFFFFC0];
	(xrf2) =	vadd.scan.msk.f32 $0xffff, v11  }
0x154: {  	v11 =	vld [tilespmem:s0+$0xFFFFFFC0]  }
0x155: {  	v13 =	vld [tilespmem:s15+$0xFFFFFFB0]  }
0x156: {  	v14 =	vld [tilespmem:s0+$0xFFFFFFB0]  }
0x157: {  	v19 =	vld [tilespmem:s15+$0xFFFFFF90]  }
0x158: {  	v20 =	vld [tilespmem:s0+$0xFFFFFF90]  }
0x159: {  	v22 =	vld [tilespmem:s15+$0xFFFFFFA0]  }
.Ltmp2:
0x15a: {  	v24 =	vld [tilespmem:s0+$0xFFFFFFA0];
	v12, _, _ =	vpop (xrf2);
	(pc) =	sbr.rel @p0 .LBB2_7-.Ltmp2, $4  }
0x15b: {  	v18 =	vld [tilespmem:s15+$0xFFFFFF10]  }
0x15c: {  	v21 =	vld [tilespmem:s0+$0xFFFFFF10]  }
0x15d: {  	s18 =	sadd.s32 $0x1, s16;
	v23 =	vld [tilespmem:s15+$0xFFFFFF20];
	v15, _, _ =	vpop (xrf2)  }
0x15e: {  	v16 =	vmov s16;
	v17 =	vmov s18;
	s16 =	smov.u32 s17;
	s17 =	sadd.s32 $0x2, s17;
	v25 =	vld [tilespmem:s0+$0xFFFFFF20];
	v15 =	vbroadcast v15, $0xF  }
0x15f: {  	v26 =	vld [tilespmem:s15+$0xFFFFFF30]  }
0x160: {  	v27 =	vld [tilespmem:s0+$0xFFFFFF30]  }
0x161: {  	v28 =	vld [tilespmem:s15+$0xFFFFFF40];
	v19 =	vmul.f32 v20, v19  }
0x162: {  	v20 =	vmul.f32 v24, v22;
	v22 =	vld [tilespmem:s0+$0xFFFFFF40];
	v13 =	vmul.f32 v14, v13  }
0x163: {  	v14 =	vld [tilespmem:s0+$0xFFFFFF50];
	v18 =	vmul.f32 v21, v18;
	v21 =	vmul.f32 v25, v23  }
0x164: {  	v19 =	vadd.f32 v20, v19;
	v23 =	vld [tilespmem:s15+$0xFFFFFF50]  }
0x165: {  	v10 =	vmul.f32 v11, v10;
	v11 =	vld [tilespmem:s0+$0xFFFFFF60];
	v20 =	vmul.f32 v27, v26;
	v18 =	vadd.f32 v21, v18  }
0x166: {  	v13 =	vadd.f32 v13, v19;
	v21 =	vld [tilespmem:s15+$0xFFFFFF60]  }
0x167: {  	v8 =	vmul.f32 v9, v8;
	v9 =	vld [tilespmem:s0+$0xFFFFFF70];
	v19 =	vmul.f32 v22, v28;
	v18 =	vadd.f32 v20, v18  }
0x168: {  	v10 =	vadd.f32 v10, v13;
	v20 =	vld [tilespmem:s15+$0xFFFFFF70]  }
0x169: {  	v6 =	vmul.f32 v7, v6;
	v7 =	vld [tilespmem:s0+$0xFFFFFF80];
	v14 =	vmul.f32 v14, v23;
	v13 =	vadd.f32 v19, v18  }
0x16a: {  	v8 =	vadd.f32 v8, v10;
	v18 =	vld [tilespmem:s15+$0xFFFFFF80]  }
0x16b: {  	v11 =	vmul.f32 v11, v21;
	v10 =	vadd.f32 v14, v13  }
0x16c: {  	v3 =	vmul.f32 v5, v3;
	v6 =	vadd.f32 v6, v8  }
0x16d: {  	v8 =	vmul.f32 v9, v20;
	v5 =	vadd.f32 v11, v10  }
0x16e: {  	v1 =	vmul.f32 v1, v2;
	v3 =	vadd.f32 v3, v6  }
0x16f: {  	v2 =	vadd.f32 v8, v5;
	v5 =	vmul.f32 v7, v18  }
0x170: {  	v1 =	vadd.f32 v1, v3  }
0x171: {  	v2 =	vadd.f32 v5, v2  }
0x172: {  	(xrf2) =	vadd.scan.msk.f32 $0xffff, v1  }
0x173: {  	(xrf2) =	vadd.scan.msk.f32 $0xffff, v2;
	_ =	sdelay $0x8  }
0x174: {  	vm0 =	veq.s32 v16, v0;
	v1 =	vbroadcast v12, $0xF;
	v2, _, _ =	vpop (xrf2)  }
0x175: {  	vm1 =	veq.s32 v17, v0;
	v3 =	vsel vm0, v15, v4;
	v4, _, _ =	vpop (xrf2)  }
0x176: {  	s22 =	sadd.s32 $0x1, s16;
	v1 =	vsel vm1, v1, v3;
	v3 =	vmov s16;
	v4 =	vbroadcast v4, $0xF  }
0x177: {  	v5 =	vmov s22;
	vm14 =	veq.s32 v3, v0;
	v2 =	vbroadcast v2, $0xF  }
0x178: {  	vm15 =	veq.s32 v5, v0;
	v1 =	vsel vm14, v4, v1  }
0x179: {  	v1 =	vsel vm15, v2, v1  }
0x17a: {  	[tilespmem:$0x18F20] =	vst v1  }
0x17b: {  	v4 =	vld [tilespmem:s1+$0x0]  }
0x17c: {  	v5 =	vld [tilespmem:s31+$0x0]  }
0x17d: {  	v1 =	vld [tilespmem:s1+$0xFFFFFFF0]  }
0x17e: {  	v3 =	vld [tilespmem:s31+$0xFFFFFFF0]  }
0x17f: {  	v2 =	vld [tilespmem:s1+$0xFFFFFFE0]  }
0x180: {  	v6 =	vld [tilespmem:s31+$0xFFFFFFE0]  }
0x181: {  	v7 =	vld [tilespmem:s1+$0xFFFFFFD0]  }
0x182: {  	v8 =	vld [tilespmem:s31+$0xFFFFFFD0]  }
0x183: {  	v9 =	vld [tilespmem:s1+$0xFFFFFFC0]  }
0x184: {  	v10 =	vld [tilespmem:s31+$0xFFFFFFC0]  }
0x185: {  	v11 =	vld [tilespmem:s1+$0xFFFFFFB0]  }
0x186: {  	v12 =	vld [tilespmem:s31+$0xFFFFFFB0]  }
0x187: {  	v13 =	vld [tilespmem:s1+$0xFFFFFF90]  }
0x188: {  	v14 =	vld [tilespmem:s31+$0xFFFFFF90]  }
0x189: {  	v15 =	vld [tilespmem:s1+$0xFFFFFFA0]  }
0x18a: {  	v16 =	vld [tilespmem:s31+$0xFFFFFFA0]  }
0x18b: {  	v17 =	vld [tilespmem:s1+$0xFFFFFF10]  }
0x18c: {  	v18 =	vld [tilespmem:s31+$0xFFFFFF10]  }
0x18d: {  	v19 =	vld [tilespmem:s1+$0xFFFFFF20]  }
0x18e: {  	v20 =	vld [tilespmem:s31+$0xFFFFFF20]  }
0x18f: {  	v21 =	vld [tilespmem:s1+$0xFFFFFF30]  }
0x190: {  	v22 =	vld [tilespmem:s31+$0xFFFFFF30]  }
0x191: {  	v23 =	vld [tilespmem:s1+$0xFFFFFF40]  }
0x192: {  	v13 =	vmul.f32 v14, v13;
	v14 =	vmul.f32 v16, v15;
	v15 =	vld [tilespmem:s31+$0xFFFFFF40]  }
0x193: {  	v16 =	vmul.f32 v18, v17;
	v17 =	vmul.f32 v20, v19;
	v18 =	vld [tilespmem:s1+$0xFFFFFF50]  }
0x194: {  	v11 =	vmul.f32 v12, v11;
	v12 =	vld [tilespmem:s31+$0xFFFFFF50];
	v13 =	vadd.f32 v14, v13  }
0x195: {  	v9 =	vmul.f32 v10, v9;
	v10 =	vld [tilespmem:s31+$0xFFFFFF60];
	v14 =	vadd.f32 v17, v16;
	v16 =	vmul.f32 v22, v21  }
0x196: {  	v17 =	vld [tilespmem:s1+$0xFFFFFF60];
	v11 =	vadd.f32 v11, v13  }
0x197: {  	v7 =	vmul.f32 v8, v7;
	v8 =	vld [tilespmem:s31+$0xFFFFFF70];
	v13 =	vadd.f32 v16, v14;
	v14 =	vmul.f32 v15, v23  }
0x198: {  	v15 =	vld [tilespmem:s1+$0xFFFFFF70];
	v9 =	vadd.f32 v9, v11  }
0x199: {  	v12 =	vmul.f32 v12, v18;
	v11 =	vadd.f32 v14, v13;
	v13 =	vld [tilespmem:s1+$0xFFFFFF80]  }
0x19a: {  	s0 =	sadd.s32 $0x100, s1;
	v6 =	vmul.f32 v6, v2;
	v7 =	vadd.f32 v7, v9;
	v9 =	vld [tilespmem:s31+$0xFFFFFF80]  }
0x19b: {  	v2 =	vld [tilespmem:s0+$0x0];
	v10 =	vmul.f32 v10, v17;
	v11 =	vadd.f32 v12, v11  }
0x19c: {  	v19 =	vld [tilespmem:s0+$0xFFFFFF90];
	v6 =	vadd.f32 v6, v7;
	v7 =	vmul.f32 v3, v1  }
0x19d: {  	v22 =	vld [tilespmem:s0+$0xFFFFFFA0];
	v8 =	vmul.f32 v8, v15;
	v10 =	vadd.f32 v10, v11  }
0x19e: {  	v4 =	vmul.f32 v5, v4;
	v18 =	vld [tilespmem:s0+$0xFFFFFF10];
	v7 =	vadd.f32 v7, v6  }
0x19f: {  	v23 =	vld [tilespmem:s0+$0xFFFFFF20];
	s1 =	sadd.s32 $0x100, s31;
	v10 =	vadd.f32 v8, v10;
	v9 =	vmul.f32 v9, v13  }
0x1a0: {  	v5 =	vld [tilespmem:s1+$0xFFFFFFF0];
	v4 =	vadd.f32 v4, v7  }
0x1a1: {  	v14 =	vld [tilespmem:s1+$0xFFFFFFB0];
	v11 =	vadd.f32 v9, v10  }
0x1a2: {  	v20 =	vld [tilespmem:s1+$0xFFFFFF90];
	(xrf2) =	vadd.scan.msk.f32 $0xffff, v4  }
0x1a3: {  	v24 =	vld [tilespmem:s1+$0xFFFFFFA0];
	(xrf2) =	vadd.scan.msk.f32 $0xffff, v11  }
0x1a4: {  	v21 =	vld [tilespmem:s1+$0xFFFFFF10]  }
0x1a5: {  	v25 =	vld [tilespmem:s1+$0xFFFFFF20]  }
0x1a6: {  	v1 =	vld [tilespmem:s1+$0x0]  }
0x1a7: {  	v3 =	vld [tilespmem:s0+$0xFFFFFFF0]  }
0x1a8: {  	v6 =	vld [tilespmem:s0+$0xFFFFFFE0]  }
0x1a9: {  	v8 =	vld [tilespmem:s0+$0xFFFFFFD0]  }
0x1aa: {  	v13 =	vld [tilespmem:s0+$0xFFFFFFB0]  }
0x1ab: {  	v7 =	vld [tilespmem:s1+$0xFFFFFFE0]  }
0x1ac: {  	s17 =	simm.s32 $0x0;
	v9 =	vld [tilespmem:s1+$0xFFFFFFD0];
	v12, _, _ =	vpop (xrf2)  }
0x1ad: {  	s18 =	simm.s32 $0x1;
	v16 =	vmov s17;
	v10 =	vld [tilespmem:s0+$0xFFFFFFC0];
	v15, _, _ =	vpop (xrf2)  }
0x1ae: {  	s15 =	simm.s32 $0x2;
	s16 =	simm.s32 $0x4;
	v17 =	vmov s18;
	v4 =	vimm.f32 $0.0e+00;
	v11 =	vld [tilespmem:s1+$0xFFFFFFC0];
	v15 =	vbroadcast v15, $0xF  }
.LBB2_9:
0x1af: {  	p0 =	sne.s32 s16, $0xE;
	v26 =	vld [tilespmem:s0+$0xFFFFFF30];
	vm0 =	veq.s32 v16, v0;
	vm1 =	veq.s32 v17, v0;
	v12 =	vbroadcast v12, $0xF  }
0x1b0: {  	v17 =	vmul.f32 v20, v19;
	v19 =	vmul.f32 v24, v22;
	v16 =	vld [tilespmem:s1+$0xFFFFFF30];
	v4 =	vsel vm0, v15, v4  }
0x1b1: {  	v15 =	vld [tilespmem:s0+$0xFFFFFF40];
	v4 =	vsel vm1, v12, v4  }
0x1b2: {  	v13 =	vmul.f32 v14, v13;
	v17 =	vadd.f32 v19, v17;
	v12 =	vld [tilespmem:s1+$0xFFFFFF40]  }
0x1b3: {  	v14 =	vmul.f32 v21, v18;
	v18 =	vmul.f32 v25, v23;
	v19 =	vld [tilespmem:s0+$0xFFFFFF50]  }
0x1b4: {  	v10 =	vmul.f32 v11, v10;
	v13 =	vadd.f32 v13, v17;
	v20 =	vld [tilespmem:s1+$0xFFFFFF50]  }
0x1b5: {  	v11 =	vadd.f32 v18, v14;
	v14 =	vmul.f32 v16, v26;
	v16 =	vld [tilespmem:s0+$0xFFFFFF60]  }
0x1b6: {  	v8 =	vmul.f32 v9, v8;
	v10 =	vadd.f32 v10, v13;
	v17 =	vld [tilespmem:s1+$0xFFFFFF60]  }
0x1b7: {  	v9 =	vadd.f32 v14, v11;
	v11 =	vmul.f32 v12, v15;
	v12 =	vld [tilespmem:s0+$0xFFFFFF70]  }
0x1b8: {  	v6 =	vmul.f32 v7, v6;
	v8 =	vadd.f32 v8, v10;
	v13 =	vld [tilespmem:s1+$0xFFFFFF70]  }
0x1b9: {  	v7 =	vadd.f32 v11, v9;
	v9 =	vmul.f32 v20, v19;
	v10 =	vld [tilespmem:s0+$0xFFFFFF80]  }
0x1ba: {  	v3 =	vmul.f32 v5, v3;
	v6 =	vadd.f32 v6, v8;
	s0 =	sadd.s32 $0x100, s0;
	v11 =	vld [tilespmem:s1+$0xFFFFFF80]  }
0x1bb: {  	s1 =	sadd.s32 $0x100, s1;
	v8 =	vld [tilespmem:s0+$0x0];
	v5 =	vadd.f32 v9, v7;
	v7 =	vmul.f32 v17, v16  }
0x1bc: {  	v2 =	vmul.f32 v1, v2;
	v6 =	vadd.f32 v3, v6;
	v1 =	vld [tilespmem:s1+$0x0]  }
0x1bd: {  	v3 =	vld [tilespmem:s0+$0xFFFFFFF0];
	v7 =	vadd.f32 v7, v5;
	v9 =	vmul.f32 v13, v12  }
0x1be: {  	v12 =	vadd.f32 v2, v6;
	v5 =	vld [tilespmem:s1+$0xFFFFFFF0]  }
0x1bf: {  	v6 =	vld [tilespmem:s0+$0xFFFFFFE0];
	v9 =	vadd.f32 v9, v7;
	v10 =	vmul.f32 v11, v10  }
0x1c0: {  	v7 =	vld [tilespmem:s1+$0xFFFFFFE0];
	(xrf2) =	vadd.scan.msk.f32 $0xffff, v12;
	v2 =	vmov v8  }
0x1c1: {  	v8 =	vld [tilespmem:s0+$0xFFFFFFD0];
	v11 =	vadd.f32 v10, v9  }
0x1c2: {  	v9 =	vld [tilespmem:s1+$0xFFFFFFD0]  }
0x1c3: {  	v10 =	vld [tilespmem:s0+$0xFFFFFFC0];
	(xrf2) =	vadd.scan.msk.f32 $0xffff, v11  }
0x1c4: {  	v11 =	vld [tilespmem:s1+$0xFFFFFFC0]  }
0x1c5: {  	v13 =	vld [tilespmem:s0+$0xFFFFFFB0]  }
0x1c6: {  	v14 =	vld [tilespmem:s1+$0xFFFFFFB0]  }
0x1c7: {  	v19 =	vld [tilespmem:s0+$0xFFFFFF90]  }
0x1c8: {  	v20 =	vld [tilespmem:s1+$0xFFFFFF90]  }
0x1c9: {  	v22 =	vld [tilespmem:s0+$0xFFFFFFA0]  }
.Ltmp3:
0x1ca: {  	v24 =	vld [tilespmem:s1+$0xFFFFFFA0];
	v12, _, _ =	vpop (xrf2);
	(pc) =	sbr.rel @p0 .LBB2_9-.Ltmp3, $4  }
0x1cb: {  	v18 =	vld [tilespmem:s0+$0xFFFFFF10]  }
0x1cc: {  	v21 =	vld [tilespmem:s1+$0xFFFFFF10]  }
0x1cd: {  	s17 =	sadd.s32 $0x1, s15;
	v23 =	vld [tilespmem:s0+$0xFFFFFF20];
	v15, _, _ =	vpop (xrf2)  }
0x1ce: {  	v16 =	vmov s15;
	v17 =	vmov s17;
	s15 =	smov.u32 s16;
	s16 =	sadd.s32 $0x2, s16;
	v25 =	vld [tilespmem:s1+$0xFFFFFF20];
	v15 =	vbroadcast v15, $0xF  }
0x1cf: {  	v26 =	vld [tilespmem:s0+$0xFFFFFF30]  }
0x1d0: {  	v27 =	vld [tilespmem:s1+$0xFFFFFF30]  }
0x1d1: {  	v28 =	vld [tilespmem:s0+$0xFFFFFF40];
	v19 =	vmul.f32 v20, v19  }
0x1d2: {  	v20 =	vmul.f32 v24, v22;
	v22 =	vld [tilespmem:s1+$0xFFFFFF40];
	v13 =	vmul.f32 v14, v13  }
0x1d3: {  	v14 =	vld [tilespmem:s1+$0xFFFFFF50];
	v18 =	vmul.f32 v21, v18;
	v21 =	vmul.f32 v25, v23  }
0x1d4: {  	v19 =	vadd.f32 v20, v19;
	v23 =	vld [tilespmem:s0+$0xFFFFFF50]  }
0x1d5: {  	v10 =	vmul.f32 v11, v10;
	v11 =	vld [tilespmem:s1+$0xFFFFFF60];
	v20 =	vmul.f32 v27, v26;
	v18 =	vadd.f32 v21, v18  }
0x1d6: {  	v13 =	vadd.f32 v13, v19;
	v21 =	vld [tilespmem:s0+$0xFFFFFF60]  }
0x1d7: {  	v8 =	vmul.f32 v9, v8;
	v9 =	vld [tilespmem:s1+$0xFFFFFF70];
	v19 =	vmul.f32 v22, v28;
	v18 =	vadd.f32 v20, v18  }
0x1d8: {  	v10 =	vadd.f32 v10, v13;
	v20 =	vld [tilespmem:s0+$0xFFFFFF70]  }
0x1d9: {  	v6 =	vmul.f32 v7, v6;
	v7 =	vld [tilespmem:s1+$0xFFFFFF80];
	v14 =	vmul.f32 v14, v23;
	v13 =	vadd.f32 v19, v18  }
0x1da: {  	v8 =	vadd.f32 v8, v10;
	v18 =	vld [tilespmem:s0+$0xFFFFFF80]  }
0x1db: {  	v11 =	vmul.f32 v11, v21;
	v10 =	vadd.f32 v14, v13  }
0x1dc: {  	v3 =	vmul.f32 v5, v3;
	v6 =	vadd.f32 v6, v8  }
0x1dd: {  	v8 =	vmul.f32 v9, v20;
	v5 =	vadd.f32 v11, v10  }
0x1de: {  	v1 =	vmul.f32 v1, v2;
	v3 =	vadd.f32 v3, v6  }
0x1df: {  	v2 =	vadd.f32 v8, v5;
	v5 =	vmul.f32 v7, v18  }
0x1e0: {  	v1 =	vadd.f32 v1, v3  }
0x1e1: {  	v2 =	vadd.f32 v5, v2  }
0x1e2: {  	(xrf2) =	vadd.scan.msk.f32 $0xffff, v1  }
0x1e3: {  	(xrf2) =	vadd.scan.msk.f32 $0xffff, v2;
	_ =	sdelay $0x8  }
0x1e4: {  	vm0 =	veq.s32 v16, v0;
	v1 =	vbroadcast v12, $0xF;
	v2, _, _ =	vpop (xrf2)  }
0x1e5: {  	vm1 =	veq.s32 v17, v0;
	v3 =	vsel vm0, v15, v4;
	v4, _, _ =	vpop (xrf2)  }
0x1e6: {  	s31 =	sadd.s32 $0x1, s15;
	v1 =	vsel vm1, v1, v3;
	v3 =	vmov s15;
	v4 =	vbroadcast v4, $0xF  }
0x1e7: {  	v5 =	vmov s31;
	vm14 =	veq.s32 v3, v0;
	v2 =	vbroadcast v2, $0xF  }
0x1e8: {  	vm15 =	veq.s32 v5, v0;
	v1 =	vsel vm14, v4, v1  }
0x1e9: {  	v1 =	vsel vm15, v2, v1  }
0x1ea: {  	[tilespmem:$0x18F30] =	vst v1  }
0x1eb: {  	v4 =	vld [tilespmem:s30+$0x0]  }
0x1ec: {  	v5 =	vld [tilespmem:s29+$0x0]  }
0x1ed: {  	v1 =	vld [tilespmem:s30+$0xFFFFFFF0]  }
0x1ee: {  	v3 =	vld [tilespmem:s29+$0xFFFFFFF0]  }
0x1ef: {  	v2 =	vld [tilespmem:s30+$0xFFFFFFE0]  }
0x1f0: {  	v6 =	vld [tilespmem:s29+$0xFFFFFFE0]  }
0x1f1: {  	v7 =	vld [tilespmem:s30+$0xFFFFFFD0]  }
0x1f2: {  	v8 =	vld [tilespmem:s29+$0xFFFFFFD0]  }
0x1f3: {  	v9 =	vld [tilespmem:s30+$0xFFFFFFC0]  }
0x1f4: {  	v10 =	vld [tilespmem:s29+$0xFFFFFFC0]  }
0x1f5: {  	v11 =	vld [tilespmem:s30+$0xFFFFFFB0]  }
0x1f6: {  	v12 =	vld [tilespmem:s29+$0xFFFFFFB0]  }
0x1f7: {  	v13 =	vld [tilespmem:s30+$0xFFFFFF90]  }
0x1f8: {  	v14 =	vld [tilespmem:s29+$0xFFFFFF90]  }
0x1f9: {  	v15 =	vld [tilespmem:s30+$0xFFFFFFA0]  }
0x1fa: {  	v16 =	vld [tilespmem:s29+$0xFFFFFFA0]  }
0x1fb: {  	v17 =	vld [tilespmem:s30+$0xFFFFFF10]  }
0x1fc: {  	v18 =	vld [tilespmem:s29+$0xFFFFFF10]  }
0x1fd: {  	v19 =	vld [tilespmem:s30+$0xFFFFFF20]  }
0x1fe: {  	v20 =	vld [tilespmem:s29+$0xFFFFFF20]  }
0x1ff: {  	v21 =	vld [tilespmem:s30+$0xFFFFFF30]  }
0x200: {  	v22 =	vld [tilespmem:s29+$0xFFFFFF30]  }
0x201: {  	v23 =	vld [tilespmem:s30+$0xFFFFFF40]  }
0x202: {  	v13 =	vmul.f32 v14, v13;
	v14 =	vmul.f32 v16, v15;
	v15 =	vld [tilespmem:s29+$0xFFFFFF40]  }
0x203: {  	v16 =	vmul.f32 v18, v17;
	v17 =	vmul.f32 v20, v19;
	v18 =	vld [tilespmem:s30+$0xFFFFFF50]  }
0x204: {  	v11 =	vmul.f32 v12, v11;
	v12 =	vld [tilespmem:s29+$0xFFFFFF50];
	v13 =	vadd.f32 v14, v13  }
0x205: {  	v9 =	vmul.f32 v10, v9;
	v10 =	vld [tilespmem:s29+$0xFFFFFF60];
	v14 =	vadd.f32 v17, v16;
	v16 =	vmul.f32 v22, v21  }
0x206: {  	v17 =	vld [tilespmem:s30+$0xFFFFFF60];
	v11 =	vadd.f32 v11, v13  }
0x207: {  	v7 =	vmul.f32 v8, v7;
	v8 =	vld [tilespmem:s29+$0xFFFFFF70];
	v13 =	vadd.f32 v16, v14;
	v14 =	vmul.f32 v15, v23  }
0x208: {  	v15 =	vld [tilespmem:s30+$0xFFFFFF70];
	v9 =	vadd.f32 v9, v11  }
0x209: {  	v12 =	vmul.f32 v12, v18;
	v11 =	vadd.f32 v14, v13;
	v13 =	vld [tilespmem:s30+$0xFFFFFF80]  }
0x20a: {  	s1 =	sadd.s32 $0x100, s29;
	v6 =	vmul.f32 v6, v2;
	v7 =	vadd.f32 v7, v9;
	v9 =	vld [tilespmem:s29+$0xFFFFFF80]  }
0x20b: {  	v24 =	vld [tilespmem:s1+$0xFFFFFFA0];
	v10 =	vmul.f32 v10, v17;
	v11 =	vadd.f32 v12, v11  }
0x20c: {  	s0 =	sadd.s32 $0x100, s30;
	v25 =	vld [tilespmem:s1+$0xFFFFFF20];
	v6 =	vadd.f32 v6, v7;
	v7 =	vmul.f32 v3, v1  }
0x20d: {  	v2 =	vld [tilespmem:s0+$0x0];
	v8 =	vmul.f32 v8, v15;
	v10 =	vadd.f32 v10, v11  }
0x20e: {  	v4 =	vmul.f32 v5, v4;
	v5 =	vld [tilespmem:s1+$0xFFFFFFF0];
	v7 =	vadd.f32 v7, v6  }
0x20f: {  	v19 =	vld [tilespmem:s0+$0xFFFFFF90];
	v10 =	vadd.f32 v8, v10;
	v9 =	vmul.f32 v9, v13  }
0x210: {  	v20 =	vld [tilespmem:s1+$0xFFFFFF90];
	v4 =	vadd.f32 v4, v7  }
0x211: {  	v22 =	vld [tilespmem:s0+$0xFFFFFFA0];
	v11 =	vadd.f32 v9, v10  }
0x212: {  	v21 =	vld [tilespmem:s1+$0xFFFFFF10];
	(xrf2) =	vadd.scan.msk.f32 $0xffff, v4  }
0x213: {  	v18 =	vld [tilespmem:s0+$0xFFFFFF10];
	(xrf2) =	vadd.scan.msk.f32 $0xffff, v11  }
0x214: {  	v23 =	vld [tilespmem:s0+$0xFFFFFF20]  }
0x215: {  	v14 =	vld [tilespmem:s1+$0xFFFFFFB0]  }
0x216: {  	v1 =	vld [tilespmem:s1+$0x0]  }
0x217: {  	v3 =	vld [tilespmem:s0+$0xFFFFFFF0]  }
0x218: {  	v6 =	vld [tilespmem:s0+$0xFFFFFFE0]  }
0x219: {  	v8 =	vld [tilespmem:s0+$0xFFFFFFD0]  }
0x21a: {  	v13 =	vld [tilespmem:s0+$0xFFFFFFB0]  }
0x21b: {  	v7 =	vld [tilespmem:s1+$0xFFFFFFE0]  }
0x21c: {  	s17 =	simm.s32 $0x0;
	v9 =	vld [tilespmem:s1+$0xFFFFFFD0];
	v12, _, _ =	vpop (xrf2)  }
0x21d: {  	s18 =	simm.s32 $0x1;
	v16 =	vmov s17;
	v10 =	vld [tilespmem:s0+$0xFFFFFFC0];
	v15, _, _ =	vpop (xrf2)  }
0x21e: {  	s16 =	simm.s32 $0x4;
	s15 =	simm.s32 $0x2;
	v17 =	vmov s18;
	v4 =	vimm.f32 $0.0e+00;
	v11 =	vld [tilespmem:s1+$0xFFFFFFC0];
	v15 =	vbroadcast v15, $0xF  }
.LBB2_11:
0x21f: {  	p0 =	sne.s32 s16, $0xE;
	v26 =	vld [tilespmem:s0+$0xFFFFFF30];
	vm0 =	veq.s32 v16, v0;
	vm1 =	veq.s32 v17, v0;
	v12 =	vbroadcast v12, $0xF  }
0x220: {  	v17 =	vmul.f32 v20, v19;
	v19 =	vmul.f32 v24, v22;
	v16 =	vld [tilespmem:s1+$0xFFFFFF30];
	v4 =	vsel vm0, v15, v4  }
0x221: {  	v15 =	vld [tilespmem:s0+$0xFFFFFF40];
	v4 =	vsel vm1, v12, v4  }
0x222: {  	v13 =	vmul.f32 v14, v13;
	v17 =	vadd.f32 v19, v17;
	v12 =	vld [tilespmem:s1+$0xFFFFFF40]  }
0x223: {  	v14 =	vmul.f32 v21, v18;
	v18 =	vmul.f32 v25, v23;
	v19 =	vld [tilespmem:s0+$0xFFFFFF50]  }
0x224: {  	v10 =	vmul.f32 v11, v10;
	v13 =	vadd.f32 v13, v17;
	v20 =	vld [tilespmem:s1+$0xFFFFFF50]  }
0x225: {  	v11 =	vadd.f32 v18, v14;
	v14 =	vmul.f32 v16, v26;
	v16 =	vld [tilespmem:s0+$0xFFFFFF60]  }
0x226: {  	v8 =	vmul.f32 v9, v8;
	v10 =	vadd.f32 v10, v13;
	v17 =	vld [tilespmem:s1+$0xFFFFFF60]  }
0x227: {  	v9 =	vadd.f32 v14, v11;
	v11 =	vmul.f32 v12, v15;
	v12 =	vld [tilespmem:s0+$0xFFFFFF70]  }
0x228: {  	v6 =	vmul.f32 v7, v6;
	v8 =	vadd.f32 v8, v10;
	v13 =	vld [tilespmem:s1+$0xFFFFFF70]  }
0x229: {  	v7 =	vadd.f32 v11, v9;
	v9 =	vmul.f32 v20, v19;
	v10 =	vld [tilespmem:s0+$0xFFFFFF80]  }
0x22a: {  	v3 =	vmul.f32 v5, v3;
	v6 =	vadd.f32 v6, v8;
	s0 =	sadd.s32 $0x100, s0;
	v11 =	vld [tilespmem:s1+$0xFFFFFF80]  }
0x22b: {  	s1 =	sadd.s32 $0x100, s1;
	v8 =	vld [tilespmem:s0+$0x0];
	v5 =	vadd.f32 v9, v7;
	v7 =	vmul.f32 v17, v16  }
0x22c: {  	v2 =	vmul.f32 v1, v2;
	v6 =	vadd.f32 v3, v6;
	v1 =	vld [tilespmem:s1+$0x0]  }
0x22d: {  	v3 =	vld [tilespmem:s0+$0xFFFFFFF0];
	v7 =	vadd.f32 v7, v5;
	v9 =	vmul.f32 v13, v12  }
0x22e: {  	v12 =	vadd.f32 v2, v6;
	v5 =	vld [tilespmem:s1+$0xFFFFFFF0]  }
0x22f: {  	v6 =	vld [tilespmem:s0+$0xFFFFFFE0];
	v9 =	vadd.f32 v9, v7;
	v10 =	vmul.f32 v11, v10  }
0x230: {  	v7 =	vld [tilespmem:s1+$0xFFFFFFE0];
	(xrf2) =	vadd.scan.msk.f32 $0xffff, v12;
	v2 =	vmov v8  }
0x231: {  	v8 =	vld [tilespmem:s0+$0xFFFFFFD0];
	v11 =	vadd.f32 v10, v9  }
0x232: {  	v9 =	vld [tilespmem:s1+$0xFFFFFFD0]  }
0x233: {  	v10 =	vld [tilespmem:s0+$0xFFFFFFC0];
	(xrf2) =	vadd.scan.msk.f32 $0xffff, v11  }
0x234: {  	v11 =	vld [tilespmem:s1+$0xFFFFFFC0]  }
0x235: {  	v13 =	vld [tilespmem:s0+$0xFFFFFFB0]  }
0x236: {  	v14 =	vld [tilespmem:s1+$0xFFFFFFB0]  }
0x237: {  	v19 =	vld [tilespmem:s0+$0xFFFFFF90]  }
0x238: {  	v20 =	vld [tilespmem:s1+$0xFFFFFF90]  }
0x239: {  	v22 =	vld [tilespmem:s0+$0xFFFFFFA0]  }
.Ltmp4:
0x23a: {  	v24 =	vld [tilespmem:s1+$0xFFFFFFA0];
	v12, _, _ =	vpop (xrf2);
	(pc) =	sbr.rel @p0 .LBB2_11-.Ltmp4, $4  }
0x23b: {  	v18 =	vld [tilespmem:s0+$0xFFFFFF10]  }
0x23c: {  	v21 =	vld [tilespmem:s1+$0xFFFFFF10]  }
0x23d: {  	s17 =	sadd.s32 $0x1, s15;
	v23 =	vld [tilespmem:s0+$0xFFFFFF20];
	v15, _, _ =	vpop (xrf2)  }
0x23e: {  	v16 =	vmov s15;
	v17 =	vmov s17;
	s15 =	smov.u32 s16;
	s16 =	sadd.s32 $0x2, s16;
	v25 =	vld [tilespmem:s1+$0xFFFFFF20];
	v15 =	vbroadcast v15, $0xF  }
0x23f: {  	v26 =	vld [tilespmem:s0+$0xFFFFFF30]  }
0x240: {  	v27 =	vld [tilespmem:s1+$0xFFFFFF30]  }
0x241: {  	v28 =	vld [tilespmem:s0+$0xFFFFFF40]  }
0x242: {  	v19 =	vmul.f32 v20, v19;
	v44 =	vmul.f32 v24, v22;
	v45 =	vld [tilespmem:s1+$0xFFFFFF40]  }
0x243: {  	v47 =	vld [tilespmem:s0+$0xFFFFFF50];
	v18 =	vmul.f32 v21, v18;
	v46 =	vmul.f32 v25, v23  }
0x244: {  	v13 =	vmul.f32 v14, v13;
	v48 =	vld [tilespmem:s1+$0xFFFFFF50];
	v19 =	vadd.f32 v44, v19  }
0x245: {  	v50 =	vld [tilespmem:s0+$0xFFFFFF60];
	v49 =	vmul.f32 v27, v26;
	v18 =	vadd.f32 v46, v18  }
0x246: {  	v10 =	vmul.f32 v11, v10;
	v51 =	vld [tilespmem:s1+$0xFFFFFF60];
	v13 =	vadd.f32 v13, v19  }
0x247: {  	v53 =	vld [tilespmem:s0+$0xFFFFFF70];
	v52 =	vmul.f32 v45, v28;
	v18 =	vadd.f32 v49, v18  }
0x248: {  	v8 =	vmul.f32 v9, v8;
	v54 =	vld [tilespmem:s1+$0xFFFFFF70];
	v10 =	vadd.f32 v10, v13  }
0x249: {  	v56 =	vld [tilespmem:s0+$0xFFFFFF80];
	v14 =	vmul.f32 v48, v47;
	v55 =	vadd.f32 v52, v18  }
0x24a: {  	v6 =	vmul.f32 v7, v6;
	v57 =	vld [tilespmem:s1+$0xFFFFFF80];
	v8 =	vadd.f32 v8, v10  }
0x24b: {  	v11 =	vmul.f32 v51, v50;
	v58 =	vadd.f32 v14, v55  }
0x24c: {  	v3 =	vmul.f32 v5, v3;
	v6 =	vadd.f32 v6, v8  }
0x24d: {  	v60 =	vmul.f32 v54, v53;
	v59 =	vadd.f32 v11, v58  }
0x24e: {  	v1 =	vmul.f32 v1, v2;
	v3 =	vadd.f32 v3, v6  }
0x24f: {  	v61 =	vmul.f32 v57, v56;
	v2 =	vadd.f32 v60, v59  }
0x250: {  	v1 =	vadd.f32 v1, v3  }
0x251: {  	v2 =	vadd.f32 v61, v2  }
0x252: {  	(xrf2) =	vadd.scan.msk.f32 $0xffff, v1  }
0x253: {  	(xrf2) =	vadd.scan.msk.f32 $0xffff, v2;
	_ =	sdelay $0x8  }
0x254: {  	vm0 =	veq.s32 v16, v0;
	v1 =	vbroadcast v12, $0xF;
	v2, _, _ =	vpop (xrf2)  }
0x255: {  	vm1 =	veq.s32 v17, v0;
	v3 =	vsel vm0, v15, v4;
	v62, _, _ =	vpop (xrf2)  }
0x256: {  	s30 =	sadd.s32 $0x1, s15;
	v1 =	vsel vm1, v1, v3;
	v3 =	vmov s15;
	v4 =	vbroadcast v62, $0xF  }
0x257: {  	v63 =	vmov s30;
	vm14 =	veq.s32 v3, v0;
	v2 =	vbroadcast v2, $0xF  }
0x258: {  	s31 =	sadd.s32 s7, s28;
	s28 =	sadd.s32 $0x1, s28;
	vm15 =	veq.s32 v63, v0;
	v1 =	vsel vm14, v4, v1  }
0x259: {  	s0 =	sshll.u32 s31, $0x4;
	p0 =	sne.s32 s28, $0x7D;
	v1 =	vsel vm15, v2, v1  }
.Ltmp5:
0x25a: {  	s0 =	sadd.s32 s4, s0;
	[tilespmem:$0x18F40] =	vst v1;
	(pc) =	sbr.rel @p0 .LBB2_2-.Ltmp5, $4  }
0x25b: {  	[hbm4b:s0+s2] =	stream.linear.scatter [tilespmem:s24], [sflag:$0x9], $0x80, $0x38;
	[tilespmem:$0x18F80] =	vst v63  }
0x25c: {  	_ =	swait.ge [sflag:s12], $0x80  }
0x25d: {  	[sflag:s12] =	ssyncset.done $0x0  }
0x25e: {  	s26 =	sadd.s32 $0x1, s26;
	[sflag:s12] =	ssyncadd.s32 $0xFFFFFF80  }
0x25f: {  	s25 =	sadd.s32 $0x1, s25  }
0x260: {  	p0 =	sne.s32 s25, s8  }
.Ltmp6:
0x261: {  	_ = 	snop;
	(pc) =	sbr.rel @p0 .LBB2_1-.Ltmp6, $1  }
0x262: {  	_ =	sdelay $0x3  }
0x263: {  	_ =	sfence.sel $0x180000  }
0x264: {  	[bflag:$0x0] =	sbarrier.arrive $0xFFFF  }
0x265: {  	_ =	strace $0x90000053  }
0x266: {  	s0 =	stileid.u32;
	[bflag:$0x2] =	sbarrier.arrive $0xFFFF  }
0x267: {  	p0 =	sne.s32 s0, $0x0;
	s0 =	rddreg [dreg:$0x1]  }
0x268: {  	s0 =	sadd.s32 @!p0 $0x100000, s0  }
0x269: {  	[sflag:s0] =	ssyncadd.tile.s32 @!p0 $0x1;
	_ =	shalt  }
.Lfunc_end2:
_tile_overlayer_lowered:
.L_overlay_start_2:
0x26a: {  	(tag) =	ssettag $0x2  }
0x26b: {  	s0 =	rddreg [dreg:$0x0];
	s2 =	stileid.u32  }
0x26c: {  	s1 =	rddreg [dreg:$0x1];
	p0 =	sne.s32 s2, $0x0  }
0x26d: {  	s3 =	rddreg [dreg:$0x2];
	[bflag:$0x3] =	sbarrier.arrive $0xFFFF;
	s2 =	simm.s32 @!p0 $0x1C09  }
0x26e: {  	[timem:s3], [sflag:s2] =	dma.local @!p0 [hbm:s0], s1  }
0x26f: {  	s0 =	simm.s32 @!p0 $0x9  }
0x270: {  	_ =	swait.ge @!p0 [sflag:s0], s1  }
0x271: {  	s1 =	ssub.s32 @!p0 $0x0, s1;
	[sflag:s0] =	ssyncset.done @!p0 $0x0  }
0x272: {  	[sflag:s0] =	ssyncadd.s32 @!p0 s1  }
0x273: {  	[bflag:$0x3] =	sbarrier.arrive $0xFFFF  }
0x274: {  	_ =	shalt  }

</sc_bundles>
